<compile_context>
chip_gen: v7x
topology: tpu7x:2x2x1
jax: 0.10.2.dev20260603
libtpu: 0.0.44.dev20260713+nightly
codegen_flags: <defaults>
</compile_context>

<pallas_src>
import functools

import jax
import jax.numpy as jnp
from jax import lax
from jax.experimental import pallas as pl
from jax.experimental.pallas import tpu as pltpu
from jax.experimental.pallas import tpu_sc as plsc

N = 10000
E = 320000
H = 256
HH = 128
G = 64
EPS = 1e-5

NC = 2
NS = 16
LANES = 16
N_PAD = 10240
ROWS_PER_TILE = N_PAD // NS
EPW = E // NS
KBLK = 80
RBLK = 2000



def _k1_body(x_ref, wne_ref, bne_ref, wms_ref, wmd_ref, h_ref, t_ref):
    h = jnp.maximum(
        jnp.dot(x_ref[...], wne_ref[...], preferred_element_type=jnp.float32)
        + bne_ref[...], 0.0)
    h_ref[...] = h
    ha = jnp.dot(h, wms_ref[...], preferred_element_type=jnp.float32)
    hb = jnp.dot(h, wmd_ref[...], preferred_element_type=jnp.float32)
    t_ref[0] = ha[:, :HH]
    t_ref[1] = ha[:, HH:]
    t_ref[2] = hb[:, :HH]
    t_ref[3] = hb[:, HH:]


def _node_encode(x, wne, bne, wms, wmd):
    grid = N // RBLK
    full = lambda shape: pl.BlockSpec(shape, lambda i: (0,) * len(shape))
    return pl.pallas_call(
        _k1_body,
        grid=(grid,),
        in_specs=[
            pl.BlockSpec((RBLK, 128), lambda i: (i, 0)),
            full((128, H)), full((1, H)), full((H, H)), full((H, H)),
        ],
        out_specs=[
            pl.BlockSpec((RBLK, H), lambda i: (i, 0)),
            pl.BlockSpec((4, RBLK, HH), lambda i: (0, i, 0)),
        ],
        out_shape=[
            jax.ShapeDtypeStruct((N, H), jnp.float32),
            jax.ShapeDtypeStruct((4, N, HH), jnp.float32),
        ],
    )(x, wne, bne, wms, wmd)


def _k2_body(ea_ref, w0_ref, b0_ref, w1_ref, b1_ref, w2_ref, b2_ref,
             w3_ref, b3_ref, wme_ref, bm_ref, c_ref):
    f32 = jnp.float32
    a = jnp.maximum(jnp.dot(ea_ref[...], w0_ref[...], preferred_element_type=f32)
                    + b0_ref[...], 0.0)
    a = jnp.maximum(jnp.dot(a, w1_ref[...],
                            preferred_element_type=f32) + b1_ref[...], 0.0)
    a = jnp.maximum(jnp.dot(a, w2_ref[...],
                            preferred_element_type=f32) + b2_ref[...], 0.0)
    e = (jnp.dot(a, w3_ref[...], preferred_element_type=f32)
         + b3_ref[...])
    for l in range(3):
        cl = (jnp.dot(e, wme_ref[l], preferred_element_type=f32)
              + bm_ref[pl.ds(l, 1)])
        c_ref[l, 0] = cl[:, :HH]
        c_ref[l, 1] = cl[:, HH:]


def _edge_encode(ea, w0, b0, w1, b1, w2, b2, w3, b3, wme, bm):
    grid = E // RBLK
    full = lambda shape: pl.BlockSpec(shape, lambda i: (0,) * len(shape))
    return pl.pallas_call(
        _k2_body,
        grid=(grid,),
        in_specs=[
            pl.BlockSpec((RBLK, 16), lambda i: (i, 0)),
            full((16, 512)), full((1, 512)),
            full((512, 512)), full((1, 512)),
            full((512, 512)), full((1, 512)),
            full((512, H)), full((1, H)),
            full((3, H, H)), full((3, H)),
        ],
        out_specs=pl.BlockSpec((3, 2, RBLK, HH), lambda i: (0, 0, i, 0)),
        out_shape=jax.ShapeDtypeStruct((3, 2, E, HH), jnp.float32),
    )(ea, w0, b0, w1, b1, w2, b2, w3, b3, wme, bm)


def _ku_body(h_ref, a0_ref, a1_ref, wuh_ref, wua_ref, wub_ref, bu_ref,
             wms_ref, wmd_ref, hn_ref, t_ref):
    f32 = jnp.float32
    hn = jnp.dot(h_ref[...], wuh_ref[...], preferred_element_type=f32)
    hn += jnp.dot(a0_ref[...], wua_ref[...], preferred_element_type=f32)
    hn += jnp.dot(a1_ref[...], wub_ref[...], preferred_element_type=f32)
    hn = jnp.maximum(hn + bu_ref[...], 0.0)
    hn_ref[...] = hn
    if t_ref is not None:
        ha = jnp.dot(hn, wms_ref[...], preferred_element_type=f32)
        hb = jnp.dot(hn, wmd_ref[...], preferred_element_type=f32)
        t_ref[0] = ha[:, :HH]
        t_ref[1] = ha[:, HH:]
        t_ref[2] = hb[:, :HH]
        t_ref[3] = hb[:, HH:]


def _update(h, a0, a1, wuh, wua, wub, bu, wms=None, wmd=None):
    grid = N // RBLK
    full = lambda shape: pl.BlockSpec(shape, lambda i: (0,) * len(shape))
    with_tab = wms is not None
    in_specs = [
        pl.BlockSpec((RBLK, H), lambda i: (i, 0)),
        pl.BlockSpec((RBLK, HH), lambda i: (i, 0)),
        pl.BlockSpec((RBLK, HH), lambda i: (i, 0)),
        full((H, H)), full((HH, H)), full((HH, H)), full((1, H)),
    ]
    out_specs = [pl.BlockSpec((RBLK, H), lambda i: (i, 0))]
    out_shape = [jax.ShapeDtypeStruct((N, H), jnp.float32)]
    args = [h, a0, a1, wuh, wua, wub, bu]
    if with_tab:
        in_specs += [full((H, H)), full((H, H))]
        out_specs.append(pl.BlockSpec((4, RBLK, HH), lambda i: (0, i, 0)))
        out_shape.append(jax.ShapeDtypeStruct((4, N, HH), jnp.float32))
        args += [wms, wmd]
        body = _ku_body
    else:
        body = lambda *rs: _ku_body(*rs[:7], None, None, rs[7], None)
    return pl.pallas_call(
        body,
        grid=(grid,),
        in_specs=in_specs,
        out_specs=out_specs,
        out_shape=out_shape,
    )(*args)


def _k3_body(h_ref, b_ref, wd0_ref, bd0_ref, wd1_ref, bd1_ref, out_ref,
             sum_ref, cnt_ref):
    i = pl.program_id(0)
    nblk = pl.num_programs(0)

    @pl.when(i == 0)
    def _init():
        sum_ref[...] = jnp.zeros_like(sum_ref)
        cnt_ref[...] = jnp.zeros_like(cnt_ref)

    bb = b_ref[0]
    gid = lax.broadcasted_iota(jnp.int32, (G, RBLK), 0)
    p = jnp.where(gid == bb, 1.0, 0.0)
    sum_ref[...] += jnp.dot(p, h_ref[...], preferred_element_type=jnp.float32)
    cnt_ref[...] += jnp.sum(p, axis=1, keepdims=True)

    @pl.when(i == nblk - 1)
    def _fin():
        pooled = sum_ref[...] / jnp.maximum(cnt_ref[...], 1.0)
        z = jnp.maximum(
            jnp.dot(pooled, wd0_ref[...], preferred_element_type=jnp.float32)
            + bd0_ref[...], 0.0)
        out_ref[...] = (jnp.dot(z, wd1_ref[...],
                                preferred_element_type=jnp.float32)
                        + bd1_ref[...])


def _pool_decode(h, batchf, wd0, bd0, wd1, bd1):
    grid = N // RBLK
    full = lambda shape: pl.BlockSpec(shape, lambda i: (0,) * len(shape))
    return pl.pallas_call(
        _k3_body,
        grid=(grid,),
        in_specs=[
            pl.BlockSpec((RBLK, H), lambda i: (i, 0)),
            pl.BlockSpec((1, 1, RBLK), lambda i: (i, 0, 0)),
            full((H, 512)), full((1, 512)), full((512, 1)), full((1, 1)),
        ],
        out_specs=pl.BlockSpec((G, 1), lambda i: (0, 0)),
        out_shape=jax.ShapeDtypeStruct((G, 1), jnp.float32),
        scratch_shapes=[
            pltpu.VMEM((G, H), jnp.float32),
            pltpu.VMEM((G, 1), jnp.float32),
        ],
    )(h, batchf, wd0, bd0, wd1, bd1)



def _sc_edge_body(layer, idx_h, tab_h, c_h, out_h,
                  idxb, srcv, dgv, buf_a, buf_b, buf_c, spmem,
                  sem_i, sem_a, sem_b, sem_c):
    cid = lax.axis_index("c")
    sid = lax.axis_index("s")

    def _zrow(i, carry):
        for j in range(HH // LANES):
            buf_c[i, pl.ds(j * LANES, LANES)] = jnp.zeros((LANES,),
                                                          jnp.float32)
        return carry
    lax.fori_loop(0, KBLK, _zrow, 0)
    for q in range(ROWS_PER_TILE // KBLK):
        pltpu.sync_copy(
            buf_c, spmem.at[pl.ds(sid * ROWS_PER_TILE + q * KBLK, KBLK)])
    plsc.subcore_barrier()

    src_off = cid * N
    dst_off = (2 + cid) * N
    nblk = EPW // KBLK

    def _block(b, carry):
        base = sid * EPW + b * KBLK
        pltpu.sync_copy(idx_h.at[sid * nblk + b], idxb)
        for j in range(KBLK // LANES):
            sl = pl.ds(j * LANES, LANES)
            srcv[sl] = idxb[0, sl] + src_off
            dgv[sl] = idxb[1, sl] + dst_off
        cp_a = pltpu.async_copy(tab_h.at[srcv], buf_a, sem_a)
        cp_b = pltpu.async_copy(tab_h.at[dgv], buf_b, sem_b)
        cp_c = pltpu.async_copy(
            c_h.at[layer, cid, pl.ds(base, KBLK)], buf_c, sem_c)
        cp_a.wait()
        cp_b.wait()
        cp_c.wait()

        def _row(i, rc):
            for j in range(HH // LANES):
                sl = pl.ds(j * LANES, LANES)
                v = buf_a[i, sl] + buf_b[i, sl] + buf_c[i, sl]
                buf_c[i, sl] = jnp.maximum(v, 0.0)
            return rc
        lax.fori_loop(0, KBLK, _row, 0)

        pltpu.sync_copy(buf_c, spmem.at[idxb.at[1]], add=True)
        return carry

    lax.fori_loop(0, nblk, _block, 0)

    plsc.subcore_barrier()
    pltpu.sync_copy(
        spmem.at[pl.ds(sid * ROWS_PER_TILE, ROWS_PER_TILE)],
        out_h.at[pl.ds(cid * N_PAD + sid * ROWS_PER_TILE, ROWS_PER_TILE)])


def _sc_edge_stage(idx2, tab2, c_all, layer):
    mesh = plsc.VectorSubcoreMesh(core_axis_name="c", subcore_axis_name="s")
    return pl.kernel(
        functools.partial(_sc_edge_body, layer),
        out_type=jax.ShapeDtypeStruct((NC * N_PAD, HH), jnp.float32),
        mesh=mesh,
        scratch_types=[
            pltpu.VMEM((2, KBLK), jnp.int32),
            pltpu.VMEM((KBLK,), jnp.int32),
            pltpu.VMEM((KBLK,), jnp.int32),
            pltpu.VMEM((KBLK, HH), jnp.float32),
            pltpu.VMEM((KBLK, HH), jnp.float32),
            pltpu.VMEM((KBLK, HH), jnp.float32),
            pltpu.VMEM_SHARED((N_PAD, HH), jnp.float32),
            pltpu.SemaphoreType.DMA,
            pltpu.SemaphoreType.DMA,
            pltpu.SemaphoreType.DMA,
            pltpu.SemaphoreType.DMA,
        ],
    )(idx2, tab2, c_all)



def kernel(x, edge_index, edge_attr, batch, params):
    p = params
    f32 = jnp.float32

    inv = 1.0 / jnp.sqrt(jnp.float32(1.0 + EPS))
    s0, t0 = p['bng0'] * inv, p['bnb0']
    s1, t1 = p['bng1'] * inv, p['bnb1']
    s2, t2 = p['bng2'] * inv, p['bnb2']
    w0, b0 = p['We0'], p['be0']
    w1 = s0[:, None] * p['We1']
    b1 = p['be1'] + t0 @ p['We1']
    w2 = s1[:, None] * p['We2']
    b2 = p['be2'] + t1 @ p['We2']
    w3 = s2[:, None] * p['We3']
    b3 = p['be3'] + t2 @ p['We3']

    wms = [p[f'Wm{l}'][:H] for l in range(3)]
    wmd = [p[f'Wm{l}'][H:2 * H] for l in range(3)]
    wme = jnp.stack([p[f'Wm{l}'][2 * H:] for l in range(3)])
    bm = jnp.stack([p[f'bm{l}'] for l in range(3)])
    wuh = [p[f'Wu{l}'][:H] for l in range(3)]
    wua = [p[f'Wu{l}'][H:H + HH] for l in range(3)]
    wub = [p[f'Wu{l}'][H + HH:] for l in range(3)]

    idx2 = jnp.transpose(
        edge_index.astype(jnp.int32).reshape(2, E // KBLK, KBLK), (1, 0, 2))

    h, tab = _node_encode(x, p['W_ne'], p['b_ne'].reshape(1, H).astype(f32),
                          wms[0], wmd[0])

    c_all = _edge_encode(
        edge_attr, w0, b0.reshape(1, 512), w1, b1.reshape(1, 512),
        w2, b2.reshape(1, 512), w3, b3.reshape(1, H), wme, bm)

    for l in range(3):
        tab2 = tab.reshape(4 * N, HH)
        aggr2 = _sc_edge_stage(idx2, tab2, c_all, l)
        a0 = aggr2[:N]
        a1 = aggr2[N_PAD:N_PAD + N]
        if l < 2:
            h, tab = _update(h, a0, a1, wuh[l], wua[l], wub[l],
                             p[f'bu{l}'].reshape(1, H),
                             wms[l + 1], wmd[l + 1])
        else:
            (h,) = _update(h, a0, a1, wuh[l], wua[l], wub[l],
                           p[f'bu{l}'].reshape(1, H))

    batchf = batch.astype(jnp.int32).reshape(N // RBLK, 1, RBLK)
    out = _pool_decode(h, batchf, p['Wd0'], p['bd0'].reshape(1, 512),
                       p['Wd1'], p['bd1'].reshape(1, 1))
    return out

# --- scband reference (transcript-rebuilt; emitter-appended) ---
"""Pipeline reference for scband-flexible-gnn-60103772340702 (READ-ONLY COPY).

The authoritative reference and input builder live on the scoring server;
editing this copy changes nothing except your own understanding.
"""

import jax, jax.numpy as jnp
import numpy as np

N = 10000
E = 320000
RAW_NODE = 128
RAW_EDGE = 16
H = 256
EH = 512  # edge encoder hidden = 2*hidden_dim
L = 3     # num_gnn_proc_layers
DEC_H = 512
OUT = 1
G = 64    # num graphs in batch vector
EPS = 1e-5


def _lin(k, i, o):
    return jax.random.normal(k, (i, o), dtype=jnp.float32) / np.sqrt(i)


def setup_inputs(seed: int = 0) -> dict:
    key = jax.random.key(seed)
    ks = jax.random.split(key, 48)
    x = jax.random.normal(ks[0], (N, RAW_NODE), dtype=jnp.float32)
    edge_index = jax.random.randint(ks[1], (2, E), 0, N, dtype=jnp.int64)
    edge_attr = jax.random.normal(ks[2], (E, RAW_EDGE), dtype=jnp.float32)
    batch = jnp.sort(jax.random.randint(ks[3], (N,), 0, G, dtype=jnp.int64))
    params = {}
    # NodeEncoder: Linear(raw_node, H) + ReLU
    params['W_ne'] = _lin(ks[4], RAW_NODE, H); params['b_ne'] = jnp.zeros((H,), jnp.float32)
    # SimpleEdgeEncoder: Linear(raw_edge, EH)+ReLU+BN+Drop, 2x [Linear(EH,EH)+ReLU+BN+Drop], Linear(EH, H)
    dims = [(RAW_EDGE, EH), (EH, EH), (EH, EH)]
    for i, (di, do) in enumerate(dims):
        params[f'We{i}'] = _lin(ks[5 + 2 * i], di, do)
        params[f'be{i}'] = jnp.zeros((do,), jnp.float32)
        params[f'bng{i}'] = jnp.ones((do,), jnp.float32)
        params[f'bnb{i}'] = jnp.zeros((do,), jnp.float32)
    params['We3'] = _lin(ks[12], EH, H); params['be3'] = jnp.zeros((H,), jnp.float32)
    # RichEdgeConv layers: msg MLP over [x_src, x_dst, e] -> H, update over [x, aggr] -> H
    for l in range(L):
        params[f'Wm{l}'] = _lin(ks[14 + 3 * l], 3 * H, H)
        params[f'bm{l}'] = jnp.zeros((H,), jnp.float32)
        params[f'Wu{l}'] = _lin(ks[15 + 3 * l], 2 * H, H)
        params[f'bu{l}'] = jnp.zeros((H,), jnp.float32)
    # GraphDecoder: mean-pool per graph, 2-layer MLP
    params['Wd0'] = _lin(ks[30], H, DEC_H); params['bd0'] = jnp.zeros((DEC_H,), jnp.float32)
    params['Wd1'] = _lin(ks[31], DEC_H, OUT); params['bd1'] = jnp.zeros((OUT,), jnp.float32)
    return {'x': x, 'edge_index': edge_index, 'edge_attr': edge_attr, 'batch': batch, 'params': params}


def _bn_eval(v, g, b):
    # eval-mode BatchNorm1d with running_mean=0, running_var=1
    return v * (g / jnp.sqrt(1.0 + EPS)) + b


def reference(x, edge_index, edge_attr, batch, params):
    # Node encoder
    h = jax.nn.relu(jnp.dot(x, params['W_ne']) + params['b_ne'])
    # Simple MLP edge encoder (dropout is identity in eval)
    e = edge_attr
    for i in range(3):
        e = jax.nn.relu(jnp.dot(e, params[f'We{i}']) + params[f'be{i}'])
        e = _bn_eval(e, params[f'bng{i}'], params[f'bnb{i}'])
    e = jnp.dot(e, params['We3']) + params['be3']
    # GNN processor: L layers of RichEdgeConv
    src = edge_index[0]
    dst = edge_index[1]
    for l in range(L):
        m_in = jnp.concatenate([h[src], h[dst], e], axis=-1)
        m = jax.nn.relu(jnp.dot(m_in, params[f'Wm{l}']) + params[f'bm{l}'])
        aggr = jax.ops.segment_sum(m, dst, num_segments=N)
        u_in = jnp.concatenate([h, aggr], axis=-1)
        h = jax.nn.relu(jnp.dot(u_in, params[f'Wu{l}']) + params[f'bu{l}'])
    # Graph decoder: global mean pool per graph + MLP
    sums = jax.ops.segment_sum(h, batch, num_segments=G)
    counts = jax.ops.segment_sum(jnp.ones((N, 1), jnp.float32), batch, num_segments=G)
    pooled = sums / jnp.maximum(counts, 1.0)
    z = jax.nn.relu(jnp.dot(pooled, params['Wd0']) + params['bd0'])
    out = jnp.dot(z, params['Wd1']) + params['bd1']
    return out

if __name__ == "__main__":
    import jax
    _d = setup_inputs()
    print(jax.jit(kernel)(*tuple(_d.values())))

</pallas_src>

<mosaic_0001>
#map = affine_map<(d0, d1) -> (0, 0, 0)>
#map1 = affine_map<(d0, d1) -> (0, 0)>
#map2 = affine_map<(d0, d1) -> (0, 0, 0, 0)>
module attributes {stable_mosaic.version = 14 : i64} {
  func.func @_sc_edge_body(%arg0: i32, %arg1: i32, %arg2: memref<4000x2x80xi32, #tpu.memory_space<hbm>>, %arg3: memref<40000x128xf32, #tpu.memory_space<hbm>>, %arg4: memref<3x2x320000x128xf32, #tpu.memory_space<hbm>>, %arg5: memref<20480x128xf32, #tpu.memory_space<hbm>>, %arg6: memref<2x80xi32, #tpu.memory_space<vmem>>, %arg7: memref<80xi32, #tpu.memory_space<vmem>>, %arg8: memref<80xi32, #tpu.memory_space<vmem>>, %arg9: memref<80x128xf32, #tpu.memory_space<vmem>>, %arg10: memref<80x128xf32, #tpu.memory_space<vmem>>, %arg11: memref<80x128xf32, #tpu.memory_space<vmem>>, %arg12: memref<10240x128xf32, #tpu.memory_space<vmem_shared>>, %arg13: memref<!tpu.dma_semaphore, #tpu.memory_space<semaphore_mem>>, %arg14: memref<!tpu.dma_semaphore, #tpu.memory_space<semaphore_mem>>, %arg15: memref<!tpu.dma_semaphore, #tpu.memory_space<semaphore_mem>>, %arg16: memref<!tpu.dma_semaphore, #tpu.memory_space<semaphore_mem>>) attributes {dimension_semantics = [#tpu.dimension_semantics<core_parallel>, #tpu.dimension_semantics<subcore_parallel>], iteration_bounds = array<i64: 2, 16>, scalar_prefetch = 0 : i64, scratch_operands = 11 : i64, tpu.core_type = #tpu.core_type<sc_vector_subcore>, window_params = [{transform_indices = #map}, {transform_indices = #map1}, {transform_indices = #map2}, {transform_indices = #map1}]} {
    %scan3A = arith.constant 0 : i32
    %scan3A_0 = arith.constant 0 : i32
    %scan3A_1 = arith.constant 80 : i32
    %scan3A_2 = arith.addi %scan3A_0, %scan3A_1 : i32
    %scan3A_3 = arith.constant 1 : i32
    scf.for %scan3A_55 = %scan3A_0 to %scan3A_2 step %scan3A_3  : i32 {
      %broadcast_in_dim3A = arith.constant 0.000000e+00 : f32
      %broadcast_in_dim3A_56 = vector.broadcast %broadcast_in_dim3A : f32 to vector<16xf32>
      %swap3A = arith.index_cast %scan3A_55 : i32 to index
      %swap3A_57 = arith.constant 0 : index
      %swap3A_58 = tpu.vector_load %arg11[%swap3A, %swap3A_57] {strides = array<i32>} : memref<80x128xf32, #tpu.memory_space<vmem>>, vector<1x16xf32>,
      %swap3A_59 = vector.shape_cast %swap3A_58 : vector<1x16xf32> to vector<16xf32>
      %swap3A_60 = vector.shape_cast %broadcast_in_dim3A_56 : vector<16xf32> to vector<1x16xf32>
      tpu.vector_store %arg11[%swap3A, %swap3A_57], %swap3A_60 {strides = array<i32>} : memref<80x128xf32, #tpu.memory_space<vmem>>, vector<1x16xf32>,
      %broadcast_in_dim3A_61 = arith.constant 0.000000e+00 : f32
      %broadcast_in_dim3A_62 = vector.broadcast %broadcast_in_dim3A_61 : f32 to vector<16xf32>
      %swap3A_63 = arith.index_cast %scan3A_55 : i32 to index
      %swap3A_64 = arith.constant 16 : index
      %swap3A_65 = tpu.vector_load %arg11[%swap3A_63, %swap3A_64] {strides = array<i32>} : memref<80x128xf32, #tpu.memory_space<vmem>>, vector<1x16xf32>,
      %swap3A_66 = vector.shape_cast %swap3A_65 : vector<1x16xf32> to vector<16xf32>
      %swap3A_67 = vector.shape_cast %broadcast_in_dim3A_62 : vector<16xf32> to vector<1x16xf32>
      tpu.vector_store %arg11[%swap3A_63, %swap3A_64], %swap3A_67 {strides = array<i32>} : memref<80x128xf32, #tpu.memory_space<vmem>>, vector<1x16xf32>,
      %broadcast_in_dim3A_68 = arith.constant 0.000000e+00 : f32
      %broadcast_in_dim3A_69 = vector.broadcast %broadcast_in_dim3A_68 : f32 to vector<16xf32>
      %swap3A_70 = arith.index_cast %scan3A_55 : i32 to index
      %swap3A_71 = arith.constant 32 : index
      %swap3A_72 = tpu.vector_load %arg11[%swap3A_70, %swap3A_71] {strides = array<i32>} : memref<80x128xf32, #tpu.memory_space<vmem>>, vector<1x16xf32>,
      %swap3A_73 = vector.shape_cast %swap3A_72 : vector<1x16xf32> to vector<16xf32>
      %swap3A_74 = vector.shape_cast %broadcast_in_dim3A_69 : vector<16xf32> to vector<1x16xf32>
      tpu.vector_store %arg11[%swap3A_70, %swap3A_71], %swap3A_74 {strides = array<i32>} : memref<80x128xf32, #tpu.memory_space<vmem>>, vector<1x16xf32>,
      %broadcast_in_dim3A_75 = arith.constant 0.000000e+00 : f32
      %broadcast_in_dim3A_76 = vector.broadcast %broadcast_in_dim3A_75 : f32 to vector<16xf32>
      %swap3A_77 = arith.index_cast %scan3A_55 : i32 to index
      %swap3A_78 = arith.constant 48 : index
      %swap3A_79 = tpu.vector_load %arg11[%swap3A_77, %swap3A_78] {strides = array<i32>} : memref<80x128xf32, #tpu.memory_space<vmem>>, vector<1x16xf32>,
      %swap3A_80 = vector.shape_cast %swap3A_79 : vector<1x16xf32> to vector<16xf32>
      %swap3A_81 = vector.shape_cast %broadcast_in_dim3A_76 : vector<16xf32> to vector<1x16xf32>
      tpu.vector_store %arg11[%swap3A_77, %swap3A_78], %swap3A_81 {strides = array<i32>} : memref<80x128xf32, #tpu.memory_space<vmem>>, vector<1x16xf32>,
      %broadcast_in_dim3A_82 = arith.constant 0.000000e+00 : f32
      %broadcast_in_dim3A_83 = vector.broadcast %broadcast_in_dim3A_82 : f32 to vector<16xf32>
      %swap3A_84 = arith.index_cast %scan3A_55 : i32 to index
      %swap3A_85 = arith.constant 64 : index
      %swap3A_86 = tpu.vector_load %arg11[%swap3A_84, %swap3A_85] {strides = array<i32>} : memref<80x128xf32, #tpu.memory_space<vmem>>, vector<1x16xf32>,
      %swap3A_87 = vector.shape_cast %swap3A_86 : vector<1x16xf32> to vector<16xf32>
      %swap3A_88 = vector.shape_cast %broadcast_in_dim3A_83 : vector<16xf32> to vector<1x16xf32>
      tpu.vector_store %arg11[%swap3A_84, %swap3A_85], %swap3A_88 {strides = array<i32>} : memref<80x128xf32, #tpu.memory_space<vmem>>, vector<1x16xf32>,
      %broadcast_in_dim3A_89 = arith.constant 0.000000e+00 : f32
      %broadcast_in_dim3A_90 = vector.broadcast %broadcast_in_dim3A_89 : f32 to vector<16xf32>
      %swap3A_91 = arith.index_cast %scan3A_55 : i32 to index
      %swap3A_92 = arith.constant 80 : index
      %swap3A_93 = tpu.vector_load %arg11[%swap3A_91, %swap3A_92] {strides = array<i32>} : memref<80x128xf32, #tpu.memory_space<vmem>>, vector<1x16xf32>,
      %swap3A_94 = vector.shape_cast %swap3A_93 : vector<1x16xf32> to vector<16xf32>
      %swap3A_95 = vector.shape_cast %broadcast_in_dim3A_90 : vector<16xf32> to vector<1x16xf32>
      tpu.vector_store %arg11[%swap3A_91, %swap3A_92], %swap3A_95 {strides = array<i32>} : memref<80x128xf32, #tpu.memory_space<vmem>>, vector<1x16xf32>,
      %broadcast_in_dim3A_96 = arith.constant 0.000000e+00 : f32
      %broadcast_in_dim3A_97 = vector.broadcast %broadcast_in_dim3A_96 : f32 to vector<16xf32>
      %swap3A_98 = arith.index_cast %scan3A_55 : i32 to index
      %swap3A_99 = arith.constant 96 : index
      %swap3A_100 = tpu.vector_load %arg11[%swap3A_98, %swap3A_99] {strides = array<i32>} : memref<80x128xf32, #tpu.memory_space<vmem>>, vector<1x16xf32>,
      %swap3A_101 = vector.shape_cast %swap3A_100 : vector<1x16xf32> to vector<16xf32>
      %swap3A_102 = vector.shape_cast %broadcast_in_dim3A_97 : vector<16xf32> to vector<1x16xf32>
      tpu.vector_store %arg11[%swap3A_98, %swap3A_99], %swap3A_102 {strides = array<i32>} : memref<80x128xf32, #tpu.memory_space<vmem>>, vector<1x16xf32>,
      %broadcast_in_dim3A_103 = arith.constant 0.000000e+00 : f32
      %broadcast_in_dim3A_104 = vector.broadcast %broadcast_in_dim3A_103 : f32 to vector<16xf32>
      %swap3A_105 = arith.index_cast %scan3A_55 : i32 to index
      %swap3A_106 = arith.constant 112 : index
      %swap3A_107 = tpu.vector_load %arg11[%swap3A_105, %swap3A_106] {strides = array<i32>} : memref<80x128xf32, #tpu.memory_space<vmem>>, vector<1x16xf32>,
      %swap3A_108 = vector.shape_cast %swap3A_107 : vector<1x16xf32> to vector<16xf32>
      %swap3A_109 = vector.shape_cast %broadcast_in_dim3A_104 : vector<16xf32> to vector<1x16xf32>
      tpu.vector_store %arg11[%swap3A_105, %swap3A_106], %swap3A_109 {strides = array<i32>} : memref<80x128xf32, #tpu.memory_space<vmem>>, vector<1x16xf32>,
    }
    %scan3A_4 = arith.constant 80 : i32
    %mul3A = arith.constant 640 : i32
    %mul3A_5 = arith.muli %arg1, %mul3A : i32
    %add3A = arith.constant 0 : i32
    %add3A_6 = arith.addi %mul3A_5, %add3A : i32
    "tpu.region"() ({
      %run_scoped3A = tpu.sem_alloc : memref<!tpu.dma_semaphore, #tpu.memory_space<semaphore_mem>>
      %dma_start3A = arith.constant 0 : i32
      %dma_start3A_55 = tpu.memref_slice %arg12[%add3A_6, %dma_start3A] : memref<10240x128xf32, #tpu.memory_space<vmem_shared>> -> memref<80x128xf32, #tpu.memory_space<vmem_shared>>
      %dma_start3A_56 = arith.constant 0 : i32
      %dma_start3A_57 = tpu.memref_slice %arg12[%add3A_6, %dma_start3A_56] : memref<10240x128xf32, #tpu.memory_space<vmem_shared>> -> memref<80x128xf32, #tpu.memory_space<vmem_shared>>
      tpu.enqueue_dma source(%arg11 : memref<80x128xf32, #tpu.memory_space<vmem>>) target(%dma_start3A_57 : memref<80x128xf32, #tpu.memory_space<vmem_shared>>) target_semaphore(%run_scoped3A : memref<!tpu.dma_semaphore, #tpu.memory_space<semaphore_mem>>)
      %dma_wait3A = arith.constant 0 : i32
      %dma_wait3A_58 = tpu.memref_slice %arg12[%add3A_6, %dma_wait3A] : memref<10240x128xf32, #tpu.memory_space<vmem_shared>> -> memref<80x128xf32, #tpu.memory_space<vmem_shared>>
      %dma_wait3A_59 = arith.constant 0 : i32
      %dma_wait3A_60 = tpu.memref_slice %arg12[%add3A_6, %dma_wait3A_59] : memref<10240x128xf32, #tpu.memory_space<vmem_shared>> -> memref<80x128xf32, #tpu.memory_space<vmem_shared>>
      tpu.wait_dma2 semaphore(%run_scoped3A : memref<!tpu.dma_semaphore, #tpu.memory_space<semaphore_mem>>) src(%arg11 : memref<80x128xf32, #tpu.memory_space<vmem>>) dst(%dma_wait3A_60 : memref<80x128xf32, #tpu.memory_space<vmem_shared>>)
      tpu.yield
    }) : () -> ()
    %mul3A_7 = arith.constant 640 : i32
    %mul3A_8 = arith.muli %arg1, %mul3A_7 : i32
    %add3A_9 = arith.constant 80 : i32
    %add3A_10 = arith.addi %mul3A_8, %add3A_9 : i32
    "tpu.region"() ({
      %run_scoped3A = tpu.sem_alloc : memref<!tpu.dma_semaphore, #tpu.memory_space<semaphore_mem>>
      %dma_start3A = arith.constant 0 : i32
      %dma_start3A_55 = tpu.memref_slice %arg12[%add3A_10, %dma_start3A] : memref<10240x128xf32, #tpu.memory_space<vmem_shared>> -> memref<80x128xf32, #tpu.memory_space<vmem_shared>>
      %dma_start3A_56 = arith.constant 0 : i32
      %dma_start3A_57 = tpu.memref_slice %arg12[%add3A_10, %dma_start3A_56] : memref<10240x128xf32, #tpu.memory_space<vmem_shared>> -> memref<80x128xf32, #tpu.memory_space<vmem_shared>>
      tpu.enqueue_dma source(%arg11 : memref<80x128xf32, #tpu.memory_space<vmem>>) target(%dma_start3A_57 : memref<80x128xf32, #tpu.memory_space<vmem_shared>>) target_semaphore(%run_scoped3A : memref<!tpu.dma_semaphore, #tpu.memory_space<semaphore_mem>>)
      %dma_wait3A = arith.constant 0 : i32
      %dma_wait3A_58 = tpu.memref_slice %arg12[%add3A_10, %dma_wait3A] : memref<10240x128xf32, #tpu.memory_space<vmem_shared>> -> memref<80x128xf32, #tpu.memory_space<vmem_shared>>
      %dma_wait3A_59 = arith.constant 0 : i32
      %dma_wait3A_60 = tpu.memref_slice %arg12[%add3A_10, %dma_wait3A_59] : memref<10240x128xf32, #tpu.memory_space<vmem_shared>> -> memref<80x128xf32, #tpu.memory_space<vmem_shared>>
      tpu.wait_dma2 semaphore(%run_scoped3A : memref<!tpu.dma_semaphore, #tpu.memory_space<semaphore_mem>>) src(%arg11 : memref<80x128xf32, #tpu.memory_space<vmem>>) dst(%dma_wait3A_60 : memref<80x128xf32, #tpu.memory_space<vmem_shared>>)
      tpu.yield
    }) : () -> ()
    %mul3A_11 = arith.constant 640 : i32
    %mul3A_12 = arith.muli %arg1, %mul3A_11 : i32
    %add3A_13 = arith.constant 160 : i32
    %add3A_14 = arith.addi %mul3A_12, %add3A_13 : i32
    "tpu.region"() ({
      %run_scoped3A = tpu.sem_alloc : memref<!tpu.dma_semaphore, #tpu.memory_space<semaphore_mem>>
      %dma_start3A = arith.constant 0 : i32
      %dma_start3A_55 = tpu.memref_slice %arg12[%add3A_14, %dma_start3A] : memref<10240x128xf32, #tpu.memory_space<vmem_shared>> -> memref<80x128xf32, #tpu.memory_space<vmem_shared>>
      %dma_start3A_56 = arith.constant 0 : i32
      %dma_start3A_57 = tpu.memref_slice %arg12[%add3A_14, %dma_start3A_56] : memref<10240x128xf32, #tpu.memory_space<vmem_shared>> -> memref<80x128xf32, #tpu.memory_space<vmem_shared>>
      tpu.enqueue_dma source(%arg11 : memref<80x128xf32, #tpu.memory_space<vmem>>) target(%dma_start3A_57 : memref<80x128xf32, #tpu.memory_space<vmem_shared>>) target_semaphore(%run_scoped3A : memref<!tpu.dma_semaphore, #tpu.memory_space<semaphore_mem>>)
      %dma_wait3A = arith.constant 0 : i32
      %dma_wait3A_58 = tpu.memref_slice %arg12[%add3A_14, %dma_wait3A] : memref<10240x128xf32, #tpu.memory_space<vmem_shared>> -> memref<80x128xf32, #tpu.memory_space<vmem_shared>>
      %dma_wait3A_59 = arith.constant 0 : i32
      %dma_wait3A_60 = tpu.memref_slice %arg12[%add3A_14, %dma_wait3A_59] : memref<10240x128xf32, #tpu.memory_space<vmem_shared>> -> memref<80x128xf32, #tpu.memory_space<vmem_shared>>
      tpu.wait_dma2 semaphore(%run_scoped3A : memref<!tpu.dma_semaphore, #tpu.memory_space<semaphore_mem>>) src(%arg11 : memref<80x128xf32, #tpu.memory_space<vmem>>) dst(%dma_wait3A_60 : memref<80x128xf32, #tpu.memory_space<vmem_shared>>)
      tpu.yield
    }) : () -> ()
    %mul3A_15 = arith.constant 640 : i32
    %mul3A_16 = arith.muli %arg1, %mul3A_15 : i32
    %add3A_17 = arith.constant 240 : i32
    %add3A_18 = arith.addi %mul3A_16, %add3A_17 : i32
    "tpu.region"() ({
      %run_scoped3A = tpu.sem_alloc : memref<!tpu.dma_semaphore, #tpu.memory_space<semaphore_mem>>
      %dma_start3A = arith.constant 0 : i32
      %dma_start3A_55 = tpu.memref_slice %arg12[%add3A_18, %dma_start3A] : memref<10240x128xf32, #tpu.memory_space<vmem_shared>> -> memref<80x128xf32, #tpu.memory_space<vmem_shared>>
      %dma_start3A_56 = arith.constant 0 : i32
      %dma_start3A_57 = tpu.memref_slice %arg12[%add3A_18, %dma_start3A_56] : memref<10240x128xf32, #tpu.memory_space<vmem_shared>> -> memref<80x128xf32, #tpu.memory_space<vmem_shared>>
      tpu.enqueue_dma source(%arg11 : memref<80x128xf32, #tpu.memory_space<vmem>>) target(%dma_start3A_57 : memref<80x128xf32, #tpu.memory_space<vmem_shared>>) target_semaphore(%run_scoped3A : memref<!tpu.dma_semaphore, #tpu.memory_space<semaphore_mem>>)
      %dma_wait3A = arith.constant 0 : i32
      %dma_wait3A_58 = tpu.memref_slice %arg12[%add3A_18, %dma_wait3A] : memref<10240x128xf32, #tpu.memory_space<vmem_shared>> -> memref<80x128xf32, #tpu.memory_space<vmem_shared>>
      %dma_wait3A_59 = arith.constant 0 : i32
      %dma_wait3A_60 = tpu.memref_slice %arg12[%add3A_18, %dma_wait3A_59] : memref<10240x128xf32, #tpu.memory_space<vmem_shared>> -> memref<80x128xf32, #tpu.memory_space<vmem_shared>>
      tpu.wait_dma2 semaphore(%run_scoped3A : memref<!tpu.dma_semaphore, #tpu.memory_space<semaphore_mem>>) src(%arg11 : memref<80x128xf32, #tpu.memory_space<vmem>>) dst(%dma_wait3A_60 : memref<80x128xf32, #tpu.memory_space<vmem_shared>>)
      tpu.yield
    }) : () -> ()
    %mul3A_19 = arith.constant 640 : i32
    %mul3A_20 = arith.muli %arg1, %mul3A_19 : i32
    %add3A_21 = arith.constant 320 : i32
    %add3A_22 = arith.addi %mul3A_20, %add3A_21 : i32
    "tpu.region"() ({
      %run_scoped3A = tpu.sem_alloc : memref<!tpu.dma_semaphore, #tpu.memory_space<semaphore_mem>>
      %dma_start3A = arith.constant 0 : i32
      %dma_start3A_55 = tpu.memref_slice %arg12[%add3A_22, %dma_start3A] : memref<10240x128xf32, #tpu.memory_space<vmem_shared>> -> memref<80x128xf32, #tpu.memory_space<vmem_shared>>
      %dma_start3A_56 = arith.constant 0 : i32
      %dma_start3A_57 = tpu.memref_slice %arg12[%add3A_22, %dma_start3A_56] : memref<10240x128xf32, #tpu.memory_space<vmem_shared>> -> memref<80x128xf32, #tpu.memory_space<vmem_shared>>
      tpu.enqueue_dma source(%arg11 : memref<80x128xf32, #tpu.memory_space<vmem>>) target(%dma_start3A_57 : memref<80x128xf32, #tpu.memory_space<vmem_shared>>) target_semaphore(%run_scoped3A : memref<!tpu.dma_semaphore, #tpu.memory_space<semaphore_mem>>)
      %dma_wait3A = arith.constant 0 : i32
      %dma_wait3A_58 = tpu.memref_slice %arg12[%add3A_22, %dma_wait3A] : memref<10240x128xf32, #tpu.memory_space<vmem_shared>> -> memref<80x128xf32, #tpu.memory_space<vmem_shared>>
      %dma_wait3A_59 = arith.constant 0 : i32
      %dma_wait3A_60 = tpu.memref_slice %arg12[%add3A_22, %dma_wait3A_59] : memref<10240x128xf32, #tpu.memory_space<vmem_shared>> -> memref<80x128xf32, #tpu.memory_space<vmem_shared>>
      tpu.wait_dma2 semaphore(%run_scoped3A : memref<!tpu.dma_semaphore, #tpu.memory_space<semaphore_mem>>) src(%arg11 : memref<80x128xf32, #tpu.memory_space<vmem>>) dst(%dma_wait3A_60 : memref<80x128xf32, #tpu.memory_space<vmem_shared>>)
      tpu.yield
    }) : () -> ()
    %mul3A_23 = arith.constant 640 : i32
    %mul3A_24 = arith.muli %arg1, %mul3A_23 : i32
    %add3A_25 = arith.constant 400 : i32
    %add3A_26 = arith.addi %mul3A_24, %add3A_25 : i32
    "tpu.region"() ({
      %run_scoped3A = tpu.sem_alloc : memref<!tpu.dma_semaphore, #tpu.memory_space<semaphore_mem>>
      %dma_start3A = arith.constant 0 : i32
      %dma_start3A_55 = tpu.memref_slice %arg12[%add3A_26, %dma_start3A] : memref<10240x128xf32, #tpu.memory_space<vmem_shared>> -> memref<80x128xf32, #tpu.memory_space<vmem_shared>>
      %dma_start3A_56 = arith.constant 0 : i32
      %dma_start3A_57 = tpu.memref_slice %arg12[%add3A_26, %dma_start3A_56] : memref<10240x128xf32, #tpu.memory_space<vmem_shared>> -> memref<80x128xf32, #tpu.memory_space<vmem_shared>>
      tpu.enqueue_dma source(%arg11 : memref<80x128xf32, #tpu.memory_space<vmem>>) target(%dma_start3A_57 : memref<80x128xf32, #tpu.memory_space<vmem_shared>>) target_semaphore(%run_scoped3A : memref<!tpu.dma_semaphore, #tpu.memory_space<semaphore_mem>>)
      %dma_wait3A = arith.constant 0 : i32
      %dma_wait3A_58 = tpu.memref_slice %arg12[%add3A_26, %dma_wait3A] : memref<10240x128xf32, #tpu.memory_space<vmem_shared>> -> memref<80x128xf32, #tpu.memory_space<vmem_shared>>
      %dma_wait3A_59 = arith.constant 0 : i32
      %dma_wait3A_60 = tpu.memref_slice %arg12[%add3A_26, %dma_wait3A_59] : memref<10240x128xf32, #tpu.memory_space<vmem_shared>> -> memref<80x128xf32, #tpu.memory_space<vmem_shared>>
      tpu.wait_dma2 semaphore(%run_scoped3A : memref<!tpu.dma_semaphore, #tpu.memory_space<semaphore_mem>>) src(%arg11 : memref<80x128xf32, #tpu.memory_space<vmem>>) dst(%dma_wait3A_60 : memref<80x128xf32, #tpu.memory_space<vmem_shared>>)
      tpu.yield
    }) : () -> ()
    %mul3A_27 = arith.constant 640 : i32
    %mul3A_28 = arith.muli %arg1, %mul3A_27 : i32
    %add3A_29 = arith.constant 480 : i32
    %add3A_30 = arith.addi %mul3A_28, %add3A_29 : i32
    "tpu.region"() ({
      %run_scoped3A = tpu.sem_alloc : memref<!tpu.dma_semaphore, #tpu.memory_space<semaphore_mem>>
      %dma_start3A = arith.constant 0 : i32
      %dma_start3A_55 = tpu.memref_slice %arg12[%add3A_30, %dma_start3A] : memref<10240x128xf32, #tpu.memory_space<vmem_shared>> -> memref<80x128xf32, #tpu.memory_space<vmem_shared>>
      %dma_start3A_56 = arith.constant 0 : i32
      %dma_start3A_57 = tpu.memref_slice %arg12[%add3A_30, %dma_start3A_56] : memref<10240x128xf32, #tpu.memory_space<vmem_shared>> -> memref<80x128xf32, #tpu.memory_space<vmem_shared>>
      tpu.enqueue_dma source(%arg11 : memref<80x128xf32, #tpu.memory_space<vmem>>) target(%dma_start3A_57 : memref<80x128xf32, #tpu.memory_space<vmem_shared>>) target_semaphore(%run_scoped3A : memref<!tpu.dma_semaphore, #tpu.memory_space<semaphore_mem>>)
      %dma_wait3A = arith.constant 0 : i32
      %dma_wait3A_58 = tpu.memref_slice %arg12[%add3A_30, %dma_wait3A] : memref<10240x128xf32, #tpu.memory_space<vmem_shared>> -> memref<80x128xf32, #tpu.memory_space<vmem_shared>>
      %dma_wait3A_59 = arith.constant 0 : i32
      %dma_wait3A_60 = tpu.memref_slice %arg12[%add3A_30, %dma_wait3A_59] : memref<10240x128xf32, #tpu.memory_space<vmem_shared>> -> memref<80x128xf32, #tpu.memory_space<vmem_shared>>
      tpu.wait_dma2 semaphore(%run_scoped3A : memref<!tpu.dma_semaphore, #tpu.memory_space<semaphore_mem>>) src(%arg11 : memref<80x128xf32, #tpu.memory_space<vmem>>) dst(%dma_wait3A_60 : memref<80x128xf32, #tpu.memory_space<vmem_shared>>)
      tpu.yield
    }) : () -> ()
    %mul3A_31 = arith.constant 640 : i32
    %mul3A_32 = arith.muli %arg1, %mul3A_31 : i32
    %add3A_33 = arith.constant 560 : i32
    %add3A_34 = arith.addi %mul3A_32, %add3A_33 : i32
    "tpu.region"() ({
      %run_scoped3A = tpu.sem_alloc : memref<!tpu.dma_semaphore, #tpu.memory_space<semaphore_mem>>
      %dma_start3A = arith.constant 0 : i32
      %dma_start3A_55 = tpu.memref_slice %arg12[%add3A_34, %dma_start3A] : memref<10240x128xf32, #tpu.memory_space<vmem_shared>> -> memref<80x128xf32, #tpu.memory_space<vmem_shared>>
      %dma_start3A_56 = arith.constant 0 : i32
      %dma_start3A_57 = tpu.memref_slice %arg12[%add3A_34, %dma_start3A_56] : memref<10240x128xf32, #tpu.memory_space<vmem_shared>> -> memref<80x128xf32, #tpu.memory_space<vmem_shared>>
      tpu.enqueue_dma source(%arg11 : memref<80x128xf32, #tpu.memory_space<vmem>>) target(%dma_start3A_57 : memref<80x128xf32, #tpu.memory_space<vmem_shared>>) target_semaphore(%run_scoped3A : memref<!tpu.dma_semaphore, #tpu.memory_space<semaphore_mem>>)
      %dma_wait3A = arith.constant 0 : i32
      %dma_wait3A_58 = tpu.memref_slice %arg12[%add3A_34, %dma_wait3A] : memref<10240x128xf32, #tpu.memory_space<vmem_shared>> -> memref<80x128xf32, #tpu.memory_space<vmem_shared>>
      %dma_wait3A_59 = arith.constant 0 : i32
      %dma_wait3A_60 = tpu.memref_slice %arg12[%add3A_34, %dma_wait3A_59] : memref<10240x128xf32, #tpu.memory_space<vmem_shared>> -> memref<80x128xf32, #tpu.memory_space<vmem_shared>>
      tpu.wait_dma2 semaphore(%run_scoped3A : memref<!tpu.dma_semaphore, #tpu.memory_space<semaphore_mem>>) src(%arg11 : memref<80x128xf32, #tpu.memory_space<vmem>>) dst(%dma_wait3A_60 : memref<80x128xf32, #tpu.memory_space<vmem_shared>>)
      tpu.yield
    }) : () -> ()
    %barrier3A = arith.constant 0 : index
    tpu.barrier barrier_id(%barrier3A)
    %mul3A_35 = arith.constant 10000 : i32
    %mul3A_36 = arith.muli %arg0, %mul3A_35 : i32
    %add3A_37 = arith.constant 2 : i32
    %add3A_38 = arith.addi %add3A_37, %arg0 : i32
    %mul3A_39 = arith.constant 10000 : i32
    %mul3A_40 = arith.muli %add3A_38, %mul3A_39 : i32
    %scan3A_41 = arith.constant 0 : i32
    %scan3A_42 = arith.constant 0 : i32
    %scan3A_43 = arith.constant 250 : i32
    %scan3A_44 = arith.addi %scan3A_42, %scan3A_43 : i32
    %scan3A_45 = arith.constant 1 : i32
    scf.for %scan3A_55 = %scan3A_42 to %scan3A_44 step %scan3A_45  : i32 {
      %mul3A_56 = arith.constant 20000 : i32
      %mul3A_57 = arith.muli %arg1, %mul3A_56 : i32
      %mul3A_58 = arith.constant 80 : i32
      %mul3A_59 = arith.muli %scan3A_55, %mul3A_58 : i32
      %add3A_60 = arith.addi %mul3A_57, %mul3A_59 : i32
      %mul3A_61 = arith.constant 250 : i32
      %mul3A_62 = arith.muli %arg1, %mul3A_61 : i32
      %add3A_63 = arith.addi %mul3A_62, %scan3A_55 : i32
      "tpu.region"() ({
        %run_scoped3A_202 = tpu.sem_alloc : memref<!tpu.dma_semaphore, #tpu.memory_space<semaphore_mem>>
        %dma_start3A_203 = arith.constant 0 : i32
        %dma_start3A_204 = arith.constant 0 : i32
        %dma_start3A_205 = tpu.memref_slice %arg2[%add3A_63, %dma_start3A_203, %dma_start3A_204] : memref<4000x2x80xi32, #tpu.memory_space<hbm>> -> memref<1x2x80xi32, #tpu.memory_space<hbm>>
        %dma_start3A_206 = tpu.memref_squeeze %dma_start3A_205 : memref<1x2x80xi32, #tpu.memory_space<hbm>> -> memref<2x80xi32, #tpu.memory_space<hbm>>
        %dma_start3A_207 = arith.constant 0 : i32
        %dma_start3A_208 = arith.constant 0 : i32
        %dma_start3A_209 = tpu.memref_slice %arg2[%add3A_63, %dma_start3A_207, %dma_start3A_208] : memref<4000x2x80xi32, #tpu.memory_space<hbm>> -> memref<1x2x80xi32, #tpu.memory_space<hbm>>
        %dma_start3A_210 = tpu.memref_squeeze %dma_start3A_209 : memref<1x2x80xi32, #tpu.memory_space<hbm>> -> memref<2x80xi32, #tpu.memory_space<hbm>>
        tpu.enqueue_dma source(%dma_start3A_210 : memref<2x80xi32, #tpu.memory_space<hbm>>) target(%arg6 : memref<2x80xi32, #tpu.memory_space<vmem>>) target_semaphore(%run_scoped3A_202 : memref<!tpu.dma_semaphore, #tpu.memory_space<semaphore_mem>>)
        %dma_wait3A_211 = arith.constant 0 : i32
        %dma_wait3A_212 = arith.constant 0 : i32
        %dma_wait3A_213 = tpu.memref_slice %arg2[%add3A_63, %dma_wait3A_211, %dma_wait3A_212] : memref<4000x2x80xi32, #tpu.memory_space<hbm>> -> memref<1x2x80xi32, #tpu.memory_space<hbm>>
        %dma_wait3A_214 = tpu.memref_squeeze %dma_wait3A_213 : memref<1x2x80xi32, #tpu.memory_space<hbm>> -> memref<2x80xi32, #tpu.memory_space<hbm>>
        %dma_wait3A_215 = arith.constant 0 : i32
        %dma_wait3A_216 = arith.constant 0 : i32
        %dma_wait3A_217 = tpu.memref_slice %arg2[%add3A_63, %dma_wait3A_215, %dma_wait3A_216] : memref<4000x2x80xi32, #tpu.memory_space<hbm>> -> memref<1x2x80xi32, #tpu.memory_space<hbm>>
        %dma_wait3A_218 = tpu.memref_squeeze %dma_wait3A_217 : memref<1x2x80xi32, #tpu.memory_space<hbm>> -> memref<2x80xi32, #tpu.memory_space<hbm>>
        tpu.wait_dma2 semaphore(%run_scoped3A_202 : memref<!tpu.dma_semaphore, #tpu.memory_space<semaphore_mem>>) src(%dma_wait3A_218 : memref<2x80xi32, #tpu.memory_space<hbm>>) dst(%arg6 : memref<2x80xi32, #tpu.memory_space<vmem>>)
        tpu.yield
      }) : () -> ()
      %get3A = arith.constant 0 : i32
      %get3A_64 = arith.index_cast %get3A : i32 to index
      %get3A_65 = arith.constant 0 : index
      %get3A_66 = tpu.vector_load %arg6[%get3A_64, %get3A_65] {strides = array<i32>} : memref<2x80xi32, #tpu.memory_space<vmem>>, vector<1x16xi32>,
      %get3A_67 = vector.shape_cast %get3A_66 : vector<1x16xi32> to vector<16xi32>
      %add3A_68 = vector.broadcast %mul3A_36 : i32 to vector<16xi32>
      %add3A_69 = arith.addi %get3A_67, %add3A_68 : vector<16xi32>
      %swap3A = arith.constant 0 : index
      %swap3A_70 = tpu.vector_load %arg7[%swap3A] {strides = array<i32>} : memref<80xi32, #tpu.memory_space<vmem>>, vector<16xi32>,
      %swap3A_71 = vector.shape_cast %swap3A_70 : vector<16xi32> to vector<16xi32>
      %swap3A_72 = vector.shape_cast %add3A_69 : vector<16xi32> to vector<16xi32>
      tpu.vector_store %arg7[%swap3A], %swap3A_72 {strides = array<i32>} : memref<80xi32, #tpu.memory_space<vmem>>, vector<16xi32>,
      %get3A_73 = arith.constant 1 : i32
      %get3A_74 = arith.index_cast %get3A_73 : i32 to index
      %get3A_75 = arith.constant 0 : index
      %get3A_76 = tpu.vector_load %arg6[%get3A_74, %get3A_75] {strides = array<i32>} : memref<2x80xi32, #tpu.memory_space<vmem>>, vector<1x16xi32>,
      %get3A_77 = vector.shape_cast %get3A_76 : vector<1x16xi32> to vector<16xi32>
      %add3A_78 = vector.broadcast %mul3A_40 : i32 to vector<16xi32>
      %add3A_79 = arith.addi %get3A_77, %add3A_78 : vector<16xi32>
      %swap3A_80 = arith.constant 0 : index
      %swap3A_81 = tpu.vector_load %arg8[%swap3A_80] {strides = array<i32>} : memref<80xi32, #tpu.memory_space<vmem>>, vector<16xi32>,
      %swap3A_82 = vector.shape_cast %swap3A_81 : vector<16xi32> to vector<16xi32>
      %swap3A_83 = vector.shape_cast %add3A_79 : vector<16xi32> to vector<16xi32>
      tpu.vector_store %arg8[%swap3A_80], %swap3A_83 {strides = array<i32>} : memref<80xi32, #tpu.memory_space<vmem>>, vector<16xi32>,
      %get3A_84 = arith.constant 0 : i32
      %get3A_85 = arith.index_cast %get3A_84 : i32 to index
      %get3A_86 = arith.constant 16 : index
      %get3A_87 = tpu.vector_load %arg6[%get3A_85, %get3A_86] {strides = array<i32>} : memref<2x80xi32, #tpu.memory_space<vmem>>, vector<1x16xi32>,
      %get3A_88 = vector.shape_cast %get3A_87 : vector<1x16xi32> to vector<16xi32>
      %add3A_89 = vector.broadcast %mul3A_36 : i32 to vector<16xi32>
      %add3A_90 = arith.addi %get3A_88, %add3A_89 : vector<16xi32>
      %swap3A_91 = arith.constant 16 : index
      %swap3A_92 = tpu.vector_load %arg7[%swap3A_91] {strides = array<i32>} : memref<80xi32, #tpu.memory_space<vmem>>, vector<16xi32>,
      %swap3A_93 = vector.shape_cast %swap3A_92 : vector<16xi32> to vector<16xi32>
      %swap3A_94 = vector.shape_cast %add3A_90 : vector<16xi32> to vector<16xi32>
      tpu.vector_store %arg7[%swap3A_91], %swap3A_94 {strides = array<i32>} : memref<80xi32, #tpu.memory_space<vmem>>, vector<16xi32>,
      %get3A_95 = arith.constant 1 : i32
      %get3A_96 = arith.index_cast %get3A_95 : i32 to index
      %get3A_97 = arith.constant 16 : index
      %get3A_98 = tpu.vector_load %arg6[%get3A_96, %get3A_97] {strides = array<i32>} : memref<2x80xi32, #tpu.memory_space<vmem>>, vector<1x16xi32>,
      %get3A_99 = vector.shape_cast %get3A_98 : vector<1x16xi32> to vector<16xi32>
      %add3A_100 = vector.broadcast %mul3A_40 : i32 to vector<16xi32>
      %add3A_101 = arith.addi %get3A_99, %add3A_100 : vector<16xi32>
      %swap3A_102 = arith.constant 16 : index
      %swap3A_103 = tpu.vector_load %arg8[%swap3A_102] {strides = array<i32>} : memref<80xi32, #tpu.memory_space<vmem>>, vector<16xi32>,
      %swap3A_104 = vector.shape_cast %swap3A_103 : vector<16xi32> to vector<16xi32>
      %swap3A_105 = vector.shape_cast %add3A_101 : vector<16xi32> to vector<16xi32>
      tpu.vector_store %arg8[%swap3A_102], %swap3A_105 {strides = array<i32>} : memref<80xi32, #tpu.memory_space<vmem>>, vector<16xi32>,
      %get3A_106 = arith.constant 0 : i32
      %get3A_107 = arith.index_cast %get3A_106 : i32 to index
      %get3A_108 = arith.constant 32 : index
      %get3A_109 = tpu.vector_load %arg6[%get3A_107, %get3A_108] {strides = array<i32>} : memref<2x80xi32, #tpu.memory_space<vmem>>, vector<1x16xi32>,
      %get3A_110 = vector.shape_cast %get3A_109 : vector<1x16xi32> to vector<16xi32>
      %add3A_111 = vector.broadcast %mul3A_36 : i32 to vector<16xi32>
      %add3A_112 = arith.addi %get3A_110, %add3A_111 : vector<16xi32>
      %swap3A_113 = arith.constant 32 : index
      %swap3A_114 = tpu.vector_load %arg7[%swap3A_113] {strides = array<i32>} : memref<80xi32, #tpu.memory_space<vmem>>, vector<16xi32>,
      %swap3A_115 = vector.shape_cast %swap3A_114 : vector<16xi32> to vector<16xi32>
      %swap3A_116 = vector.shape_cast %add3A_112 : vector<16xi32> to vector<16xi32>
      tpu.vector_store %arg7[%swap3A_113], %swap3A_116 {strides = array<i32>} : memref<80xi32, #tpu.memory_space<vmem>>, vector<16xi32>,
      %get3A_117 = arith.constant 1 : i32
      %get3A_118 = arith.index_cast %get3A_117 : i32 to index
      %get3A_119 = arith.constant 32 : index
      %get3A_120 = tpu.vector_load %arg6[%get3A_118, %get3A_119] {strides = array<i32>} : memref<2x80xi32, #tpu.memory_space<vmem>>, vector<1x16xi32>,
      %get3A_121 = vector.shape_cast %get3A_120 : vector<1x16xi32> to vector<16xi32>
      %add3A_122 = vector.broadcast %mul3A_40 : i32 to vector<16xi32>
      %add3A_123 = arith.addi %get3A_121, %add3A_122 : vector<16xi32>
      %swap3A_124 = arith.constant 32 : index
      %swap3A_125 = tpu.vector_load %arg8[%swap3A_124] {strides = array<i32>} : memref<80xi32, #tpu.memory_space<vmem>>, vector<16xi32>,
      %swap3A_126 = vector.shape_cast %swap3A_125 : vector<16xi32> to vector<16xi32>
      %swap3A_127 = vector.shape_cast %add3A_123 : vector<16xi32> to vector<16xi32>
      tpu.vector_store %arg8[%swap3A_124], %swap3A_127 {strides = array<i32>} : memref<80xi32, #tpu.memory_space<vmem>>, vector<16xi32>,
      %get3A_128 = arith.constant 0 : i32
      %get3A_129 = arith.index_cast %get3A_128 : i32 to index
      %get3A_130 = arith.constant 48 : index
      %get3A_131 = tpu.vector_load %arg6[%get3A_129, %get3A_130] {strides = array<i32>} : memref<2x80xi32, #tpu.memory_space<vmem>>, vector<1x16xi32>,
      %get3A_132 = vector.shape_cast %get3A_131 : vector<1x16xi32> to vector<16xi32>
      %add3A_133 = vector.broadcast %mul3A_36 : i32 to vector<16xi32>
      %add3A_134 = arith.addi %get3A_132, %add3A_133 : vector<16xi32>
      %swap3A_135 = arith.constant 48 : index
      %swap3A_136 = tpu.vector_load %arg7[%swap3A_135] {strides = array<i32>} : memref<80xi32, #tpu.memory_space<vmem>>, vector<16xi32>,
      %swap3A_137 = vector.shape_cast %swap3A_136 : vector<16xi32> to vector<16xi32>
      %swap3A_138 = vector.shape_cast %add3A_134 : vector<16xi32> to vector<16xi32>
      tpu.vector_store %arg7[%swap3A_135], %swap3A_138 {strides = array<i32>} : memref<80xi32, #tpu.memory_space<vmem>>, vector<16xi32>,
      %get3A_139 = arith.constant 1 : i32
      %get3A_140 = arith.index_cast %get3A_139 : i32 to index
      %get3A_141 = arith.constant 48 : index
      %get3A_142 = tpu.vector_load %arg6[%get3A_140, %get3A_141] {strides = array<i32>} : memref<2x80xi32, #tpu.memory_space<vmem>>, vector<1x16xi32>,
      %get3A_143 = vector.shape_cast %get3A_142 : vector<1x16xi32> to vector<16xi32>
      %add3A_144 = vector.broadcast %mul3A_40 : i32 to vector<16xi32>
      %add3A_145 = arith.addi %get3A_143, %add3A_144 : vector<16xi32>
      %swap3A_146 = arith.constant 48 : index
      %swap3A_147 = tpu.vector_load %arg8[%swap3A_146] {strides = array<i32>} : memref<80xi32, #tpu.memory_space<vmem>>, vector<16xi32>,
      %swap3A_148 = vector.shape_cast %swap3A_147 : vector<16xi32> to vector<16xi32>
      %swap3A_149 = vector.shape_cast %add3A_145 : vector<16xi32> to vector<16xi32>
      tpu.vector_store %arg8[%swap3A_146], %swap3A_149 {strides = array<i32>} : memref<80xi32, #tpu.memory_space<vmem>>, vector<16xi32>,
      %get3A_150 = arith.constant 0 : i32
      %get3A_151 = arith.index_cast %get3A_150 : i32 to index
      %get3A_152 = arith.constant 64 : index
      %get3A_153 = tpu.vector_load %arg6[%get3A_151, %get3A_152] {strides = array<i32>} : memref<2x80xi32, #tpu.memory_space<vmem>>, vector<1x16xi32>,
      %get3A_154 = vector.shape_cast %get3A_153 : vector<1x16xi32> to vector<16xi32>
      %add3A_155 = vector.broadcast %mul3A_36 : i32 to vector<16xi32>
      %add3A_156 = arith.addi %get3A_154, %add3A_155 : vector<16xi32>
      %swap3A_157 = arith.constant 64 : index
      %swap3A_158 = tpu.vector_load %arg7[%swap3A_157] {strides = array<i32>} : memref<80xi32, #tpu.memory_space<vmem>>, vector<16xi32>,
      %swap3A_159 = vector.shape_cast %swap3A_158 : vector<16xi32> to vector<16xi32>
      %swap3A_160 = vector.shape_cast %add3A_156 : vector<16xi32> to vector<16xi32>
      tpu.vector_store %arg7[%swap3A_157], %swap3A_160 {strides = array<i32>} : memref<80xi32, #tpu.memory_space<vmem>>, vector<16xi32>,
      %get3A_161 = arith.constant 1 : i32
      %get3A_162 = arith.index_cast %get3A_161 : i32 to index
      %get3A_163 = arith.constant 64 : index
      %get3A_164 = tpu.vector_load %arg6[%get3A_162, %get3A_163] {strides = array<i32>} : memref<2x80xi32, #tpu.memory_space<vmem>>, vector<1x16xi32>,
      %get3A_165 = vector.shape_cast %get3A_164 : vector<1x16xi32> to vector<16xi32>
      %add3A_166 = vector.broadcast %mul3A_40 : i32 to vector<16xi32>
      %add3A_167 = arith.addi %get3A_165, %add3A_166 : vector<16xi32>
      %swap3A_168 = arith.constant 64 : index
      %swap3A_169 = tpu.vector_load %arg8[%swap3A_168] {strides = array<i32>} : memref<80xi32, #tpu.memory_space<vmem>>, vector<16xi32>,
      %swap3A_170 = vector.shape_cast %swap3A_169 : vector<16xi32> to vector<16xi32>
      %swap3A_171 = vector.shape_cast %add3A_167 : vector<16xi32> to vector<16xi32>
      tpu.vector_store %arg8[%swap3A_168], %swap3A_171 {strides = array<i32>} : memref<80xi32, #tpu.memory_space<vmem>>, vector<16xi32>,
      %dma_start3A = arith.constant 0 : i32
      %dma_start3A_172 = arith.constant 0 : i32
      %dma_start3A_173 = tpu.memref_slice %arg3[%dma_start3A, %dma_start3A_172] : memref<40000x128xf32, #tpu.memory_space<hbm>> -> memref<40000x128xf32, #tpu.memory_space<hbm>>
      tpu.enqueue_indirect_dma source(%dma_start3A_173 : memref<40000x128xf32, #tpu.memory_space<hbm>>) target(%arg9 : memref<80x128xf32, #tpu.memory_space<vmem>>) offsets(%arg7 : memref<80xi32, #tpu.memory_space<vmem>>) semaphore(%arg14 : memref<!tpu.dma_semaphore, #tpu.memory_space<semaphore_mem>>)
      %dma_start3A_174 = arith.constant 0 : i32
      %dma_start3A_175 = arith.constant 0 : i32
      %dma_start3A_176 = tpu.memref_slice %arg3[%dma_start3A_174, %dma_start3A_175] : memref<40000x128xf32, #tpu.memory_space<hbm>> -> memref<40000x128xf32, #tpu.memory_space<hbm>>
      tpu.enqueue_indirect_dma source(%dma_start3A_176 : memref<40000x128xf32, #tpu.memory_space<hbm>>) target(%arg10 : memref<80x128xf32, #tpu.memory_space<vmem>>) offsets(%arg8 : memref<80xi32, #tpu.memory_space<vmem>>) semaphore(%arg15 : memref<!tpu.dma_semaphore, #tpu.memory_space<semaphore_mem>>)
      %dma_start3A_177 = arith.constant 1 : i32
      %dma_start3A_178 = arith.constant 0 : i32
      %dma_start3A_179 = tpu.memref_slice %arg4[%dma_start3A_177, %arg0, %add3A_60, %dma_start3A_178] : memref<3x2x320000x128xf32, #tpu.memory_space<hbm>> -> memref<1x1x80x128xf32, #tpu.memory_space<hbm>>
      %dma_start3A_180 = tpu.memref_squeeze %dma_start3A_179 : memref<1x1x80x128xf32, #tpu.memory_space<hbm>> -> memref<80x128xf32, #tpu.memory_space<hbm>>
      %dma_start3A_181 = arith.constant 0 : i32
      %dma_start3A_182 = tpu.memref_slice %arg4[%dma_start3A_177, %arg0, %add3A_60, %dma_start3A_181] : memref<3x2x320000x128xf32, #tpu.memory_space<hbm>> -> memref<1x1x80x128xf32, #tpu.memory_space<hbm>>
      %dma_start3A_183 = tpu.memref_squeeze %dma_start3A_182 : memref<1x1x80x128xf32, #tpu.memory_space<hbm>> -> memref<80x128xf32, #tpu.memory_space<hbm>>
      tpu.enqueue_dma source(%dma_start3A_183 : memref<80x128xf32, #tpu.memory_space<hbm>>) target(%arg11 : memref<80x128xf32, #tpu.memory_space<vmem>>) target_semaphore(%arg16 : memref<!tpu.dma_semaphore, #tpu.memory_space<semaphore_mem>>)
      %dma_wait3A = arith.constant 0 : i32
      %dma_wait3A_184 = arith.constant 0 : i32
      %dma_wait3A_185 = tpu.memref_slice %arg3[%dma_wait3A, %dma_wait3A_184] : memref<40000x128xf32, #tpu.memory_space<hbm>> -> memref<40000x128xf32, #tpu.memory_space<hbm>>
      tpu.wait_indirect_dma semaphore(%arg14 : memref<!tpu.dma_semaphore, #tpu.memory_space<semaphore_mem>>) src(%dma_wait3A_185 : memref<40000x128xf32, #tpu.memory_space<hbm>>) dst(%arg9 : memref<80x128xf32, #tpu.memory_space<vmem>>)
      %dma_wait3A_186 = arith.constant 0 : i32
      %dma_wait3A_187 = arith.constant 0 : i32
      %dma_wait3A_188 = tpu.memref_slice %arg3[%dma_wait3A_186, %dma_wait3A_187] : memref<40000x128xf32, #tpu.memory_space<hbm>> -> memref<40000x128xf32, #tpu.memory_space<hbm>>
      tpu.wait_indirect_dma semaphore(%arg15 : memref<!tpu.dma_semaphore, #tpu.memory_space<semaphore_mem>>) src(%dma_wait3A_188 : memref<40000x128xf32, #tpu.memory_space<hbm>>) dst(%arg10 : memref<80x128xf32, #tpu.memory_space<vmem>>)
      %dma_wait3A_189 = arith.constant 1 : i32
      %dma_wait3A_190 = arith.constant 0 : i32
      %dma_wait3A_191 = tpu.memref_slice %arg4[%dma_wait3A_189, %arg0, %add3A_60, %dma_wait3A_190] : memref<3x2x320000x128xf32, #tpu.memory_space<hbm>> -> memref<1x1x80x128xf32, #tpu.memory_space<hbm>>
      %dma_wait3A_192 = tpu.memref_squeeze %dma_wait3A_191 : memref<1x1x80x128xf32, #tpu.memory_space<hbm>> -> memref<80x128xf32, #tpu.memory_space<hbm>>
      %dma_wait3A_193 = arith.constant 0 : i32
      %dma_wait3A_194 = tpu.memref_slice %arg4[%dma_wait3A_189, %arg0, %add3A_60, %dma_wait3A_193] : memref<3x2x320000x128xf32, #tpu.memory_space<hbm>> -> memref<1x1x80x128xf32, #tpu.memory_space<hbm>>
      %dma_wait3A_195 = tpu.memref_squeeze %dma_wait3A_194 : memref<1x1x80x128xf32, #tpu.memory_space<hbm>> -> memref<80x128xf32, #tpu.memory_space<hbm>>
      tpu.wait_dma2 semaphore(%arg16 : memref<!tpu.dma_semaphore, #tpu.memory_space<semaphore_mem>>) src(%dma_wait3A_195 : memref<80x128xf32, #tpu.memory_space<hbm>>) dst(%arg11 : memref<80x128xf32, #tpu.memory_space<vmem>>)
      %scan3A_196 = arith.constant 0 : i32
      %scan3A_197 = arith.constant 0 : i32
      %scan3A_198 = arith.constant 80 : i32
      %scan3A_199 = arith.addi %scan3A_197, %scan3A_198 : i32
      %scan3A_200 = arith.constant 1 : i32
      scf.for %scan3A_202 = %scan3A_197 to %scan3A_199 step %scan3A_200  : i32 {
        %get3A_203 = arith.index_cast %scan3A_202 : i32 to index
        %get3A_204 = arith.constant 0 : index
        %get3A_205 = tpu.vector_load %arg9[%get3A_203, %get3A_204] {strides = array<i32>} : memref<80x128xf32, #tpu.memory_space<vmem>>, vector<1x16xf32>,
        %get3A_206 = vector.shape_cast %get3A_205 : vector<1x16xf32> to vector<16xf32>
        %get3A_207 = arith.index_cast %scan3A_202 : i32 to index
        %get3A_208 = arith.constant 0 : index
        %get3A_209 = tpu.vector_load %arg10[%get3A_207, %get3A_208] {strides = array<i32>} : memref<80x128xf32, #tpu.memory_space<vmem>>, vector<1x16xf32>,
        %get3A_210 = vector.shape_cast %get3A_209 : vector<1x16xf32> to vector<16xf32>
        %add3A_211 = arith.addf %get3A_206, %get3A_210 : vector<16xf32>
        %get3A_212 = arith.index_cast %scan3A_202 : i32 to index
        %get3A_213 = arith.constant 0 : index
        %get3A_214 = tpu.vector_load %arg11[%get3A_212, %get3A_213] {strides = array<i32>} : memref<80x128xf32, #tpu.memory_space<vmem>>, vector<1x16xf32>,
        %get3A_215 = vector.shape_cast %get3A_214 : vector<1x16xf32> to vector<16xf32>
        %add3A_216 = arith.addf %add3A_211, %get3A_215 : vector<16xf32>
        %max3A = arith.constant 0.000000e+00 : f32
        %max3A_217 = vector.broadcast %max3A : f32 to vector<16xf32>
        %max3A_218 = arith.maximumf %add3A_216, %max3A_217 : vector<16xf32>
        %swap3A_219 = arith.index_cast %scan3A_202 : i32 to index
        %swap3A_220 = arith.constant 0 : index
        %swap3A_221 = tpu.vector_load %arg11[%swap3A_219, %swap3A_220] {strides = array<i32>} : memref<80x128xf32, #tpu.memory_space<vmem>>, vector<1x16xf32>,
        %swap3A_222 = vector.shape_cast %swap3A_221 : vector<1x16xf32> to vector<16xf32>
        %swap3A_223 = vector.shape_cast %max3A_218 : vector<16xf32> to vector<1x16xf32>
        tpu.vector_store %arg11[%swap3A_219, %swap3A_220], %swap3A_223 {strides = array<i32>} : memref<80x128xf32, #tpu.memory_space<vmem>>, vector<1x16xf32>,
        %get3A_224 = arith.index_cast %scan3A_202 : i32 to index
        %get3A_225 = arith.constant 16 : index
        %get3A_226 = tpu.vector_load %arg9[%get3A_224, %get3A_225] {strides = array<i32>} : memref<80x128xf32, #tpu.memory_space<vmem>>, vector<1x16xf32>,
        %get3A_227 = vector.shape_cast %get3A_226 : vector<1x16xf32> to vector<16xf32>
        %get3A_228 = arith.index_cast %scan3A_202 : i32 to index
        %get3A_229 = arith.constant 16 : index
        %get3A_230 = tpu.vector_load %arg10[%get3A_228, %get3A_229] {strides = array<i32>} : memref<80x128xf32, #tpu.memory_space<vmem>>, vector<1x16xf32>,
        %get3A_231 = vector.shape_cast %get3A_230 : vector<1x16xf32> to vector<16xf32>
        %add3A_232 = arith.addf %get3A_227, %get3A_231 : vector<16xf32>
        %get3A_233 = arith.index_cast %scan3A_202 : i32 to index
        %get3A_234 = arith.constant 16 : index
        %get3A_235 = tpu.vector_load %arg11[%get3A_233, %get3A_234] {strides = array<i32>} : memref<80x128xf32, #tpu.memory_space<vmem>>, vector<1x16xf32>,
        %get3A_236 = vector.shape_cast %get3A_235 : vector<1x16xf32> to vector<16xf32>
        %add3A_237 = arith.addf %add3A_232, %get3A_236 : vector<16xf32>
        %max3A_238 = arith.constant 0.000000e+00 : f32
        %max3A_239 = vector.broadcast %max3A_238 : f32 to vector<16xf32>
        %max3A_240 = arith.maximumf %add3A_237, %max3A_239 : vector<16xf32>
        %swap3A_241 = arith.index_cast %scan3A_202 : i32 to index
        %swap3A_242 = arith.constant 16 : index
        %swap3A_243 = tpu.vector_load %arg11[%swap3A_241, %swap3A_242] {strides = array<i32>} : memref<80x128xf32, #tpu.memory_space<vmem>>, vector<1x16xf32>,
        %swap3A_244 = vector.shape_cast %swap3A_243 : vector<1x16xf32> to vector<16xf32>
        %swap3A_245 = vector.shape_cast %max3A_240 : vector<16xf32> to vector<1x16xf32>
        tpu.vector_store %arg11[%swap3A_241, %swap3A_242], %swap3A_245 {strides = array<i32>} : memref<80x128xf32, #tpu.memory_space<vmem>>, vector<1x16xf32>,
        %get3A_246 = arith.index_cast %scan3A_202 : i32 to index
        %get3A_247 = arith.constant 32 : index
        %get3A_248 = tpu.vector_load %arg9[%get3A_246, %get3A_247] {strides = array<i32>} : memref<80x128xf32, #tpu.memory_space<vmem>>, vector<1x16xf32>,
        %get3A_249 = vector.shape_cast %get3A_248 : vector<1x16xf32> to vector<16xf32>
        %get3A_250 = arith.index_cast %scan3A_202 : i32 to index
        %get3A_251 = arith.constant 32 : index
        %get3A_252 = tpu.vector_load %arg10[%get3A_250, %get3A_251] {strides = array<i32>} : memref<80x128xf32, #tpu.memory_space<vmem>>, vector<1x16xf32>,
        %get3A_253 = vector.shape_cast %get3A_252 : vector<1x16xf32> to vector<16xf32>
        %add3A_254 = arith.addf %get3A_249, %get3A_253 : vector<16xf32>
        %get3A_255 = arith.index_cast %scan3A_202 : i32 to index
        %get3A_256 = arith.constant 32 : index
        %get3A_257 = tpu.vector_load %arg11[%get3A_255, %get3A_256] {strides = array<i32>} : memref<80x128xf32, #tpu.memory_space<vmem>>, vector<1x16xf32>,
        %get3A_258 = vector.shape_cast %get3A_257 : vector<1x16xf32> to vector<16xf32>
        %add3A_259 = arith.addf %add3A_254, %get3A_258 : vector<16xf32>
        %max3A_260 = arith.constant 0.000000e+00 : f32
        %max3A_261 = vector.broadcast %max3A_260 : f32 to vector<16xf32>
        %max3A_262 = arith.maximumf %add3A_259, %max3A_261 : vector<16xf32>
        %swap3A_263 = arith.index_cast %scan3A_202 : i32 to index
        %swap3A_264 = arith.constant 32 : index
        %swap3A_265 = tpu.vector_load %arg11[%swap3A_263, %swap3A_264] {strides = array<i32>} : memref<80x128xf32, #tpu.memory_space<vmem>>, vector<1x16xf32>,
        %swap3A_266 = vector.shape_cast %swap3A_265 : vector<1x16xf32> to vector<16xf32>
        %swap3A_267 = vector.shape_cast %max3A_262 : vector<16xf32> to vector<1x16xf32>
        tpu.vector_store %arg11[%swap3A_263, %swap3A_264], %swap3A_267 {strides = array<i32>} : memref<80x128xf32, #tpu.memory_space<vmem>>, vector<1x16xf32>,
        %get3A_268 = arith.index_cast %scan3A_202 : i32 to index
        %get3A_269 = arith.constant 48 : index
        %get3A_270 = tpu.vector_load %arg9[%get3A_268, %get3A_269] {strides = array<i32>} : memref<80x128xf32, #tpu.memory_space<vmem>>, vector<1x16xf32>,
        %get3A_271 = vector.shape_cast %get3A_270 : vector<1x16xf32> to vector<16xf32>
        %get3A_272 = arith.index_cast %scan3A_202 : i32 to index
        %get3A_273 = arith.constant 48 : index
        %get3A_274 = tpu.vector_load %arg10[%get3A_272, %get3A_273] {strides = array<i32>} : memref<80x128xf32, #tpu.memory_space<vmem>>, vector<1x16xf32>,
        %get3A_275 = vector.shape_cast %get3A_274 : vector<1x16xf32> to vector<16xf32>
        %add3A_276 = arith.addf %get3A_271, %get3A_275 : vector<16xf32>
        %get3A_277 = arith.index_cast %scan3A_202 : i32 to index
        %get3A_278 = arith.constant 48 : index
        %get3A_279 = tpu.vector_load %arg11[%get3A_277, %get3A_278] {strides = array<i32>} : memref<80x128xf32, #tpu.memory_space<vmem>>, vector<1x16xf32>,
        %get3A_280 = vector.shape_cast %get3A_279 : vector<1x16xf32> to vector<16xf32>
        %add3A_281 = arith.addf %add3A_276, %get3A_280 : vector<16xf32>
        %max3A_282 = arith.constant 0.000000e+00 : f32
        %max3A_283 = vector.broadcast %max3A_282 : f32 to vector<16xf32>
        %max3A_284 = arith.maximumf %add3A_281, %max3A_283 : vector<16xf32>
        %swap3A_285 = arith.index_cast %scan3A_202 : i32 to index
        %swap3A_286 = arith.constant 48 : index
        %swap3A_287 = tpu.vector_load %arg11[%swap3A_285, %swap3A_286] {strides = array<i32>} : memref<80x128xf32, #tpu.memory_space<vmem>>, vector<1x16xf32>,
        %swap3A_288 = vector.shape_cast %swap3A_287 : vector<1x16xf32> to vector<16xf32>
        %swap3A_289 = vector.shape_cast %max3A_284 : vector<16xf32> to vector<1x16xf32>
        tpu.vector_store %arg11[%swap3A_285, %swap3A_286], %swap3A_289 {strides = array<i32>} : memref<80x128xf32, #tpu.memory_space<vmem>>, vector<1x16xf32>,
        %get3A_290 = arith.index_cast %scan3A_202 : i32 to index
        %get3A_291 = arith.constant 64 : index
        %get3A_292 = tpu.vector_load %arg9[%get3A_290, %get3A_291] {strides = array<i32>} : memref<80x128xf32, #tpu.memory_space<vmem>>, vector<1x16xf32>,
        %get3A_293 = vector.shape_cast %get3A_292 : vector<1x16xf32> to vector<16xf32>
        %get3A_294 = arith.index_cast %scan3A_202 : i32 to index
        %get3A_295 = arith.constant 64 : index
        %get3A_296 = tpu.vector_load %arg10[%get3A_294, %get3A_295] {strides = array<i32>} : memref<80x128xf32, #tpu.memory_space<vmem>>, vector<1x16xf32>,
        %get3A_297 = vector.shape_cast %get3A_296 : vector<1x16xf32> to vector<16xf32>
        %add3A_298 = arith.addf %get3A_293, %get3A_297 : vector<16xf32>
        %get3A_299 = arith.index_cast %scan3A_202 : i32 to index
        %get3A_300 = arith.constant 64 : index
        %get3A_301 = tpu.vector_load %arg11[%get3A_299, %get3A_300] {strides = array<i32>} : memref<80x128xf32, #tpu.memory_space<vmem>>, vector<1x16xf32>,
        %get3A_302 = vector.shape_cast %get3A_301 : vector<1x16xf32> to vector<16xf32>
        %add3A_303 = arith.addf %add3A_298, %get3A_302 : vector<16xf32>
        %max3A_304 = arith.constant 0.000000e+00 : f32
        %max3A_305 = vector.broadcast %max3A_304 : f32 to vector<16xf32>
        %max3A_306 = arith.maximumf %add3A_303, %max3A_305 : vector<16xf32>
        %swap3A_307 = arith.index_cast %scan3A_202 : i32 to index
        %swap3A_308 = arith.constant 64 : index
        %swap3A_309 = tpu.vector_load %arg11[%swap3A_307, %swap3A_308] {strides = array<i32>} : memref<80x128xf32, #tpu.memory_space<vmem>>, vector<1x16xf32>,
        %swap3A_310 = vector.shape_cast %swap3A_309 : vector<1x16xf32> to vector<16xf32>
        %swap3A_311 = vector.shape_cast %max3A_306 : vector<16xf32> to vector<1x16xf32>
        tpu.vector_store %arg11[%swap3A_307, %swap3A_308], %swap3A_311 {strides = array<i32>} : memref<80x128xf32, #tpu.memory_space<vmem>>, vector<1x16xf32>,
        %get3A_312 = arith.index_cast %scan3A_202 : i32 to index
        %get3A_313 = arith.constant 80 : index
        %get3A_314 = tpu.vector_load %arg9[%get3A_312, %get3A_313] {strides = array<i32>} : memref<80x128xf32, #tpu.memory_space<vmem>>, vector<1x16xf32>,
        %get3A_315 = vector.shape_cast %get3A_314 : vector<1x16xf32> to vector<16xf32>
        %get3A_316 = arith.index_cast %scan3A_202 : i32 to index
        %get3A_317 = arith.constant 80 : index
        %get3A_318 = tpu.vector_load %arg10[%get3A_316, %get3A_317] {strides = array<i32>} : memref<80x128xf32, #tpu.memory_space<vmem>>, vector<1x16xf32>,
        %get3A_319 = vector.shape_cast %get3A_318 : vector<1x16xf32> to vector<16xf32>
        %add3A_320 = arith.addf %get3A_315, %get3A_319 : vector<16xf32>
        %get3A_321 = arith.index_cast %scan3A_202 : i32 to index
        %get3A_322 = arith.constant 80 : index
        %get3A_323 = tpu.vector_load %arg11[%get3A_321, %get3A_322] {strides = array<i32>} : memref<80x128xf32, #tpu.memory_space<vmem>>, vector<1x16xf32>,
        %get3A_324 = vector.shape_cast %get3A_323 : vector<1x16xf32> to vector<16xf32>
        %add3A_325 = arith.addf %add3A_320, %get3A_324 : vector<16xf32>
        %max3A_326 = arith.constant 0.000000e+00 : f32
        %max3A_327 = vector.broadcast %max3A_326 : f32 to vector<16xf32>
        %max3A_328 = arith.maximumf %add3A_325, %max3A_327 : vector<16xf32>
        %swap3A_329 = arith.index_cast %scan3A_202 : i32 to index
        %swap3A_330 = arith.constant 80 : index
        %swap3A_331 = tpu.vector_load %arg11[%swap3A_329, %swap3A_330] {strides = array<i32>} : memref<80x128xf32, #tpu.memory_space<vmem>>, vector<1x16xf32>,
        %swap3A_332 = vector.shape_cast %swap3A_331 : vector<1x16xf32> to vector<16xf32>
        %swap3A_333 = vector.shape_cast %max3A_328 : vector<16xf32> to vector<1x16xf32>
        tpu.vector_store %arg11[%swap3A_329, %swap3A_330], %swap3A_333 {strides = array<i32>} : memref<80x128xf32, #tpu.memory_space<vmem>>, vector<1x16xf32>,
        %get3A_334 = arith.index_cast %scan3A_202 : i32 to index
        %get3A_335 = arith.constant 96 : index
        %get3A_336 = tpu.vector_load %arg9[%get3A_334, %get3A_335] {strides = array<i32>} : memref<80x128xf32, #tpu.memory_space<vmem>>, vector<1x16xf32>,
        %get3A_337 = vector.shape_cast %get3A_336 : vector<1x16xf32> to vector<16xf32>
        %get3A_338 = arith.index_cast %scan3A_202 : i32 to index
        %get3A_339 = arith.constant 96 : index
        %get3A_340 = tpu.vector_load %arg10[%get3A_338, %get3A_339] {strides = array<i32>} : memref<80x128xf32, #tpu.memory_space<vmem>>, vector<1x16xf32>,
        %get3A_341 = vector.shape_cast %get3A_340 : vector<1x16xf32> to vector<16xf32>
        %add3A_342 = arith.addf %get3A_337, %get3A_341 : vector<16xf32>
        %get3A_343 = arith.index_cast %scan3A_202 : i32 to index
        %get3A_344 = arith.constant 96 : index
        %get3A_345 = tpu.vector_load %arg11[%get3A_343, %get3A_344] {strides = array<i32>} : memref<80x128xf32, #tpu.memory_space<vmem>>, vector<1x16xf32>,
        %get3A_346 = vector.shape_cast %get3A_345 : vector<1x16xf32> to vector<16xf32>
        %add3A_347 = arith.addf %add3A_342, %get3A_346 : vector<16xf32>
        %max3A_348 = arith.constant 0.000000e+00 : f32
        %max3A_349 = vector.broadcast %max3A_348 : f32 to vector<16xf32>
        %max3A_350 = arith.maximumf %add3A_347, %max3A_349 : vector<16xf32>
        %swap3A_351 = arith.index_cast %scan3A_202 : i32 to index
        %swap3A_352 = arith.constant 96 : index
        %swap3A_353 = tpu.vector_load %arg11[%swap3A_351, %swap3A_352] {strides = array<i32>} : memref<80x128xf32, #tpu.memory_space<vmem>>, vector<1x16xf32>,
        %swap3A_354 = vector.shape_cast %swap3A_353 : vector<1x16xf32> to vector<16xf32>
        %swap3A_355 = vector.shape_cast %max3A_350 : vector<16xf32> to vector<1x16xf32>
        tpu.vector_store %arg11[%swap3A_351, %swap3A_352], %swap3A_355 {strides = array<i32>} : memref<80x128xf32, #tpu.memory_space<vmem>>, vector<1x16xf32>,
        %get3A_356 = arith.index_cast %scan3A_202 : i32 to index
        %get3A_357 = arith.constant 112 : index
        %get3A_358 = tpu.vector_load %arg9[%get3A_356, %get3A_357] {strides = array<i32>} : memref<80x128xf32, #tpu.memory_space<vmem>>, vector<1x16xf32>,
        %get3A_359 = vector.shape_cast %get3A_358 : vector<1x16xf32> to vector<16xf32>
        %get3A_360 = arith.index_cast %scan3A_202 : i32 to index
        %get3A_361 = arith.constant 112 : index
        %get3A_362 = tpu.vector_load %arg10[%get3A_360, %get3A_361] {strides = array<i32>} : memref<80x128xf32, #tpu.memory_space<vmem>>, vector<1x16xf32>,
        %get3A_363 = vector.shape_cast %get3A_362 : vector<1x16xf32> to vector<16xf32>
        %add3A_364 = arith.addf %get3A_359, %get3A_363 : vector<16xf32>
        %get3A_365 = arith.index_cast %scan3A_202 : i32 to index
        %get3A_366 = arith.constant 112 : index
        %get3A_367 = tpu.vector_load %arg11[%get3A_365, %get3A_366] {strides = array<i32>} : memref<80x128xf32, #tpu.memory_space<vmem>>, vector<1x16xf32>,
        %get3A_368 = vector.shape_cast %get3A_367 : vector<1x16xf32> to vector<16xf32>
        %add3A_369 = arith.addf %add3A_364, %get3A_368 : vector<16xf32>
        %max3A_370 = arith.constant 0.000000e+00 : f32
        %max3A_371 = vector.broadcast %max3A_370 : f32 to vector<16xf32>
        %max3A_372 = arith.maximumf %add3A_369, %max3A_371 : vector<16xf32>
        %swap3A_373 = arith.index_cast %scan3A_202 : i32 to index
        %swap3A_374 = arith.constant 112 : index
        %swap3A_375 = tpu.vector_load %arg11[%swap3A_373, %swap3A_374] {strides = array<i32>} : memref<80x128xf32, #tpu.memory_space<vmem>>, vector<1x16xf32>,
        %swap3A_376 = vector.shape_cast %swap3A_375 : vector<1x16xf32> to vector<16xf32>
        %swap3A_377 = vector.shape_cast %max3A_372 : vector<16xf32> to vector<1x16xf32>
        tpu.vector_store %arg11[%swap3A_373, %swap3A_374], %swap3A_377 {strides = array<i32>} : memref<80x128xf32, #tpu.memory_space<vmem>>, vector<1x16xf32>,
      }
      %scan3A_201 = arith.constant 80 : i32
      %run_scoped3A = arith.constant 1 : i32
      "tpu.region"() ({
        %run_scoped3A_202 = tpu.sem_alloc : memref<!tpu.dma_semaphore, #tpu.memory_space<semaphore_mem>>
        %dma_start3A_203 = arith.constant 0 : i32
        %dma_start3A_204 = tpu.memref_slice %arg6[%run_scoped3A, %dma_start3A_203] : memref<2x80xi32, #tpu.memory_space<vmem>> -> memref<1x80xi32, #tpu.memory_space<vmem>>
        %dma_start3A_205 = tpu.memref_squeeze %dma_start3A_204 : memref<1x80xi32, #tpu.memory_space<vmem>> -> memref<80xi32, #tpu.memory_space<vmem>>
        %dma_start3A_206 = arith.constant 0 : i32
        %dma_start3A_207 = arith.constant 0 : i32
        %dma_start3A_208 = tpu.memref_slice %arg12[%dma_start3A_206, %dma_start3A_207] : memref<10240x128xf32, #tpu.memory_space<vmem_shared>> -> memref<10240x128xf32, #tpu.memory_space<vmem_shared>>
        tpu.enqueue_indirect_dma source(%arg11 : memref<80x128xf32, #tpu.memory_space<vmem>>) target(%dma_start3A_208 : memref<10240x128xf32, #tpu.memory_space<vmem_shared>>) offsets(%dma_start3A_205 : memref<80xi32, #tpu.memory_space<vmem>>) semaphore(%run_scoped3A_202 : memref<!tpu.dma_semaphore, #tpu.memory_space<semaphore_mem>>) {add = true}
        %dma_wait3A_209 = arith.constant 0 : i32
        %dma_wait3A_210 = tpu.memref_slice %arg6[%run_scoped3A, %dma_wait3A_209] : memref<2x80xi32, #tpu.memory_space<vmem>> -> memref<1x80xi32, #tpu.memory_space<vmem>>
        %dma_wait3A_211 = tpu.memref_squeeze %dma_wait3A_210 : memref<1x80xi32, #tpu.memory_space<vmem>> -> memref<80xi32, #tpu.memory_space<vmem>>
        %dma_wait3A_212 = arith.constant 0 : i32
        %dma_wait3A_213 = arith.constant 0 : i32
        %dma_wait3A_214 = tpu.memref_slice %arg12[%dma_wait3A_212, %dma_wait3A_213] : memref<10240x128xf32, #tpu.memory_space<vmem_shared>> -> memref<10240x128xf32, #tpu.memory_space<vmem_shared>>
        tpu.wait_indirect_dma semaphore(%run_scoped3A_202 : memref<!tpu.dma_semaphore, #tpu.memory_space<semaphore_mem>>) src(%arg11 : memref<80x128xf32, #tpu.memory_space<vmem>>) dst(%dma_wait3A_214 : memref<10240x128xf32, #tpu.memory_space<vmem_shared>>)
        tpu.yield
      }) : () -> ()
    }
    %scan3A_46 = arith.constant 250 : i32
    %barrier3A_47 = arith.constant 0 : index
    tpu.barrier barrier_id(%barrier3A_47)
    %mul3A_48 = arith.constant 640 : i32
    %mul3A_49 = arith.muli %arg1, %mul3A_48 : i32
    %mul3A_50 = arith.constant 10240 : i32
    %mul3A_51 = arith.muli %arg0, %mul3A_50 : i32
    %mul3A_52 = arith.constant 640 : i32
    %mul3A_53 = arith.muli %arg1, %mul3A_52 : i32
    %add3A_54 = arith.addi %mul3A_51, %mul3A_53 : i32
    "tpu.region"() ({
      %run_scoped3A = tpu.sem_alloc : memref<!tpu.dma_semaphore, #tpu.memory_space<semaphore_mem>>
      %dma_start3A = arith.constant 0 : i32
      %dma_start3A_55 = tpu.memref_slice %arg5[%add3A_54, %dma_start3A] : memref<20480x128xf32, #tpu.memory_space<hbm>> -> memref<640x128xf32, #tpu.memory_space<hbm>>
      %dma_start3A_56 = arith.constant 0 : i32
      %dma_start3A_57 = tpu.memref_slice %arg12[%mul3A_49, %dma_start3A_56] : memref<10240x128xf32, #tpu.memory_space<vmem_shared>> -> memref<640x128xf32, #tpu.memory_space<vmem_shared>>
      tpu.enqueue_dma source(%dma_start3A_57 : memref<640x128xf32, #tpu.memory_space<vmem_shared>>) target(%dma_start3A_55 : memref<640x128xf32, #tpu.memory_space<hbm>>) target_semaphore(%run_scoped3A : memref<!tpu.dma_semaphore, #tpu.memory_space<semaphore_mem>>)
      %dma_wait3A = arith.constant 0 : i32
      %dma_wait3A_58 = tpu.memref_slice %arg5[%add3A_54, %dma_wait3A] : memref<20480x128xf32, #tpu.memory_space<hbm>> -> memref<640x128xf32, #tpu.memory_space<hbm>>
      %dma_wait3A_59 = arith.constant 0 : i32
      %dma_wait3A_60 = tpu.memref_slice %arg12[%mul3A_49, %dma_wait3A_59] : memref<10240x128xf32, #tpu.memory_space<vmem_shared>> -> memref<640x128xf32, #tpu.memory_space<vmem_shared>>
      tpu.wait_dma2 semaphore(%run_scoped3A : memref<!tpu.dma_semaphore, #tpu.memory_space<semaphore_mem>>) src(%dma_wait3A_60 : memref<640x128xf32, #tpu.memory_space<vmem_shared>>) dst(%dma_wait3A_58 : memref<640x128xf32, #tpu.memory_space<hbm>>)
      tpu.yield
    }) : () -> ()
    return
  }
}

#map = affine_map<(d0, d1) -> (0, 0, 0)>
#map1 = affine_map<(d0, d1) -> (0, 0)>
#map2 = affine_map<(d0, d1) -> (0, 0, 0, 0)>
module attributes {stable_mosaic.version = 14 : i64} {
  func.func @_sc_edge_body(%arg0: i32, %arg1: i32, %arg2: memref<4000x2x80xi32, #tpu.memory_space<hbm>>, %arg3: memref<40000x128xf32, #tpu.memory_space<hbm>>, %arg4: memref<3x2x320000x128xf32, #tpu.memory_space<hbm>>, %arg5: memref<20480x128xf32, #tpu.memory_space<hbm>>, %arg6: memref<2x80xi32, #tpu.memory_space<vmem>>, %arg7: memref<80xi32, #tpu.memory_space<vmem>>, %arg8: memref<80xi32, #tpu.memory_space<vmem>>, %arg9: memref<80x128xf32, #tpu.memory_space<vmem>>, %arg10: memref<80x128xf32, #tpu.memory_space<vmem>>, %arg11: memref<80x128xf32, #tpu.memory_space<vmem>>, %arg12: memref<10240x128xf32, #tpu.memory_space<vmem_shared>>, %arg13: memref<!tpu.dma_semaphore, #tpu.memory_space<semaphore_mem>>, %arg14: memref<!tpu.dma_semaphore, #tpu.memory_space<semaphore_mem>>, %arg15: memref<!tpu.dma_semaphore, #tpu.memory_space<semaphore_mem>>, %arg16: memref<!tpu.dma_semaphore, #tpu.memory_space<semaphore_mem>>) attributes {dimension_semantics = [#tpu.dimension_semantics<core_parallel>, #tpu.dimension_semantics<subcore_parallel>], iteration_bounds = array<i64: 2, 16>, scalar_prefetch = 0 : i64, scratch_operands = 11 : i64, tpu.core_type = #tpu.core_type<sc_vector_subcore>, window_params = [{transform_indices = #map}, {transform_indices = #map1}, {transform_indices = #map2}, {transform_indices = #map1}]} {
    %scan3A = arith.constant 0 : i32
    %scan3A_0 = arith.constant 0 : i32
    %scan3A_1 = arith.constant 80 : i32
    %scan3A_2 = arith.addi %scan3A_0, %scan3A_1 : i32
    %scan3A_3 = arith.constant 1 : i32
    scf.for %scan3A_55 = %scan3A_0 to %scan3A_2 step %scan3A_3  : i32 {
      %broadcast_in_dim3A = arith.constant 0.000000e+00 : f32
      %broadcast_in_dim3A_56 = vector.broadcast %broadcast_in_dim3A : f32 to vector<16xf32>
      %swap3A = arith.index_cast %scan3A_55 : i32 to index
      %swap3A_57 = arith.constant 0 : index
      %swap3A_58 = tpu.vector_load %arg11[%swap3A, %swap3A_57] {strides = array<i32>} : memref<80x128xf32, #tpu.memory_space<vmem>>, vector<1x16xf32>,
      %swap3A_59 = vector.shape_cast %swap3A_58 : vector<1x16xf32> to vector<16xf32>
      %swap3A_60 = vector.shape_cast %broadcast_in_dim3A_56 : vector<16xf32> to vector<1x16xf32>
      tpu.vector_store %arg11[%swap3A, %swap3A_57], %swap3A_60 {strides = array<i32>} : memref<80x128xf32, #tpu.memory_space<vmem>>, vector<1x16xf32>,
      %broadcast_in_dim3A_61 = arith.constant 0.000000e+00 : f32
      %broadcast_in_dim3A_62 = vector.broadcast %broadcast_in_dim3A_61 : f32 to vector<16xf32>
      %swap3A_63 = arith.index_cast %scan3A_55 : i32 to index
      %swap3A_64 = arith.constant 16 : index
      %swap3A_65 = tpu.vector_load %arg11[%swap3A_63, %swap3A_64] {strides = array<i32>} : memref<80x128xf32, #tpu.memory_space<vmem>>, vector<1x16xf32>,
      %swap3A_66 = vector.shape_cast %swap3A_65 : vector<1x16xf32> to vector<16xf32>
      %swap3A_67 = vector.shape_cast %broadcast_in_dim3A_62 : vector<16xf32> to vector<1x16xf32>
      tpu.vector_store %arg11[%swap3A_63, %swap3A_64], %swap3A_67 {strides = array<i32>} : memref<80x128xf32, #tpu.memory_space<vmem>>, vector<1x16xf32>,
      %broadcast_in_dim3A_68 = arith.constant 0.000000e+00 : f32
      %broadcast_in_dim3A_69 = vector.broadcast %broadcast_in_dim3A_68 : f32 to vector<16xf32>
      %swap3A_70 = arith.index_cast %scan3A_55 : i32 to index
      %swap3A_71 = arith.constant 32 : index
      %swap3A_72 = tpu.vector_load %arg11[%swap3A_70, %swap3A_71] {strides = array<i32>} : memref<80x128xf32, #tpu.memory_space<vmem>>, vector<1x16xf32>,
      %swap3A_73 = vector.shape_cast %swap3A_72 : vector<1x16xf32> to vector<16xf32>
      %swap3A_74 = vector.shape_cast %broadcast_in_dim3A_69 : vector<16xf32> to vector<1x16xf32>
      tpu.vector_store %arg11[%swap3A_70, %swap3A_71], %swap3A_74 {strides = array<i32>} : memref<80x128xf32, #tpu.memory_space<vmem>>, vector<1x16xf32>,
      %broadcast_in_dim3A_75 = arith.constant 0.000000e+00 : f32
      %broadcast_in_dim3A_76 = vector.broadcast %broadcast_in_dim3A_75 : f32 to vector<16xf32>
      %swap3A_77 = arith.index_cast %scan3A_55 : i32 to index
      %swap3A_78 = arith.constant 48 : index
      %swap3A_79 = tpu.vector_load %arg11[%swap3A_77, %swap3A_78] {strides = array<i32>} : memref<80x128xf32, #tpu.memory_space<vmem>>, vector<1x16xf32>,
      %swap3A_80 = vector.shape_cast %swap3A_79 : vector<1x16xf32> to vector<16xf32>
      %swap3A_81 = vector.shape_cast %broadcast_in_dim3A_76 : vector<16xf32> to vector<1x16xf32>
      tpu.vector_store %arg11[%swap3A_77, %swap3A_78], %swap3A_81 {strides = array<i32>} : memref<80x128xf32, #tpu.memory_space<vmem>>, vector<1x16xf32>,
      %broadcast_in_dim3A_82 = arith.constant 0.000000e+00 : f32
      %broadcast_in_dim3A_83 = vector.broadcast %broadcast_in_dim3A_82 : f32 to vector<16xf32>
      %swap3A_84 = arith.index_cast %scan3A_55 : i32 to index
      %swap3A_85 = arith.constant 64 : index
      %swap3A_86 = tpu.vector_load %arg11[%swap3A_84, %swap3A_85] {strides = array<i32>} : memref<80x128xf32, #tpu.memory_space<vmem>>, vector<1x16xf32>,
      %swap3A_87 = vector.shape_cast %swap3A_86 : vector<1x16xf32> to vector<16xf32>
      %swap3A_88 = vector.shape_cast %broadcast_in_dim3A_83 : vector<16xf32> to vector<1x16xf32>
      tpu.vector_store %arg11[%swap3A_84, %swap3A_85], %swap3A_88 {strides = array<i32>} : memref<80x128xf32, #tpu.memory_space<vmem>>, vector<1x16xf32>,
      %broadcast_in_dim3A_89 = arith.constant 0.000000e+00 : f32
      %broadcast_in_dim3A_90 = vector.broadcast %broadcast_in_dim3A_89 : f32 to vector<16xf32>
      %swap3A_91 = arith.index_cast %scan3A_55 : i32 to index
      %swap3A_92 = arith.constant 80 : index
      %swap3A_93 = tpu.vector_load %arg11[%swap3A_91, %swap3A_92] {strides = array<i32>} : memref<80x128xf32, #tpu.memory_space<vmem>>, vector<1x16xf32>,
      %swap3A_94 = vector.shape_cast %swap3A_93 : vector<1x16xf32> to vector<16xf32>
      %swap3A_95 = vector.shape_cast %broadcast_in_dim3A_90 : vector<16xf32> to vector<1x16xf32>
      tpu.vector_store %arg11[%swap3A_91, %swap3A_92], %swap3A_95 {strides = array<i32>} : memref<80x128xf32, #tpu.memory_space<vmem>>, vector<1x16xf32>,
      %broadcast_in_dim3A_96 = arith.constant 0.000000e+00 : f32
      %broadcast_in_dim3A_97 = vector.broadcast %broadcast_in_dim3A_96 : f32 to vector<16xf32>
      %swap3A_98 = arith.index_cast %scan3A_55 : i32 to index
      %swap3A_99 = arith.constant 96 : index
      %swap3A_100 = tpu.vector_load %arg11[%swap3A_98, %swap3A_99] {strides = array<i32>} : memref<80x128xf32, #tpu.memory_space<vmem>>, vector<1x16xf32>,
      %swap3A_101 = vector.shape_cast %swap3A_100 : vector<1x16xf32> to vector<16xf32>
      %swap3A_102 = vector.shape_cast %broadcast_in_dim3A_97 : vector<16xf32> to vector<1x16xf32>
      tpu.vector_store %arg11[%swap3A_98, %swap3A_99], %swap3A_102 {strides = array<i32>} : memref<80x128xf32, #tpu.memory_space<vmem>>, vector<1x16xf32>,
      %broadcast_in_dim3A_103 = arith.constant 0.000000e+00 : f32
      %broadcast_in_dim3A_104 = vector.broadcast %broadcast_in_dim3A_103 : f32 to vector<16xf32>
      %swap3A_105 = arith.index_cast %scan3A_55 : i32 to index
      %swap3A_106 = arith.constant 112 : index
      %swap3A_107 = tpu.vector_load %arg11[%swap3A_105, %swap3A_106] {strides = array<i32>} : memref<80x128xf32, #tpu.memory_space<vmem>>, vector<1x16xf32>,
      %swap3A_108 = vector.shape_cast %swap3A_107 : vector<1x16xf32> to vector<16xf32>
      %swap3A_109 = vector.shape_cast %broadcast_in_dim3A_104 : vector<16xf32> to vector<1x16xf32>
      tpu.vector_store %arg11[%swap3A_105, %swap3A_106], %swap3A_109 {strides = array<i32>} : memref<80x128xf32, #tpu.memory_space<vmem>>, vector<1x16xf32>,
    }
    %scan3A_4 = arith.constant 80 : i32
    %mul3A = arith.constant 640 : i32
    %mul3A_5 = arith.muli %arg1, %mul3A : i32
    %add3A = arith.constant 0 : i32
    %add3A_6 = arith.addi %mul3A_5, %add3A : i32
    "tpu.region"() ({
      %run_scoped3A = tpu.sem_alloc : memref<!tpu.dma_semaphore, #tpu.memory_space<semaphore_mem>>
      %dma_start3A = arith.constant 0 : i32
      %dma_start3A_55 = tpu.memref_slice %arg12[%add3A_6, %dma_start3A] : memref<10240x128xf32, #tpu.memory_space<vmem_shared>> -> memref<80x128xf32, #tpu.memory_space<vmem_shared>>
      %dma_start3A_56 = arith.constant 0 : i32
      %dma_start3A_57 = tpu.memref_slice %arg12[%add3A_6, %dma_start3A_56] : memref<10240x128xf32, #tpu.memory_space<vmem_shared>> -> memref<80x128xf32, #tpu.memory_space<vmem_shared>>
      tpu.enqueue_dma source(%arg11 : memref<80x128xf32, #tpu.memory_space<vmem>>) target(%dma_start3A_57 : memref<80x128xf32, #tpu.memory_space<vmem_shared>>) target_semaphore(%run_scoped3A : memref<!tpu.dma_semaphore, #tpu.memory_space<semaphore_mem>>)
      %dma_wait3A = arith.constant 0 : i32
      %dma_wait3A_58 = tpu.memref_slice %arg12[%add3A_6, %dma_wait3A] : memref<10240x128xf32, #tpu.memory_space<vmem_shared>> -> memref<80x128xf32, #tpu.memory_space<vmem_shared>>
      %dma_wait3A_59 = arith.constant 0 : i32
      %dma_wait3A_60 = tpu.memref_slice %arg12[%add3A_6, %dma_wait3A_59] : memref<10240x128xf32, #tpu.memory_space<vmem_shared>> -> memref<80x128xf32, #tpu.memory_space<vmem_shared>>
      tpu.wait_dma2 semaphore(%run_scoped3A : memref<!tpu.dma_semaphore, #tpu.memory_space<semaphore_mem>>) src(%arg11 : memref<80x128xf32, #tpu.memory_space<vmem>>) dst(%dma_wait3A_60 : memref<80x128xf32, #tpu.memory_space<vmem_shared>>)
      tpu.yield
    }) : () -> ()
    %mul3A_7 = arith.constant 640 : i32
    %mul3A_8 = arith.muli %arg1, %mul3A_7 : i32
    %add3A_9 = arith.constant 80 : i32
    %add3A_10 = arith.addi %mul3A_8, %add3A_9 : i32
    "tpu.region"() ({
      %run_scoped3A = tpu.sem_alloc : memref<!tpu.dma_semaphore, #tpu.memory_space<semaphore_mem>>
      %dma_start3A = arith.constant 0 : i32
      %dma_start3A_55 = tpu.memref_slice %arg12[%add3A_10, %dma_start3A] : memref<10240x128xf32, #tpu.memory_space<vmem_shared>> -> memref<80x128xf32, #tpu.memory_space<vmem_shared>>
      %dma_start3A_56 = arith.constant 0 : i32
      %dma_start3A_57 = tpu.memref_slice %arg12[%add3A_10, %dma_start3A_56] : memref<10240x128xf32, #tpu.memory_space<vmem_shared>> -> memref<80x128xf32, #tpu.memory_space<vmem_shared>>
      tpu.enqueue_dma source(%arg11 : memref<80x128xf32, #tpu.memory_space<vmem>>) target(%dma_start3A_57 : memref<80x128xf32, #tpu.memory_space<vmem_shared>>) target_semaphore(%run_scoped3A : memref<!tpu.dma_semaphore, #tpu.memory_space<semaphore_mem>>)
      %dma_wait3A = arith.constant 0 : i32
      %dma_wait3A_58 = tpu.memref_slice %arg12[%add3A_10, %dma_wait3A] : memref<10240x128xf32, #tpu.memory_space<vmem_shared>> -> memref<80x128xf32, #tpu.memory_space<vmem_shared>>
      %dma_wait3A_59 = arith.constant 0 : i32
      %dma_wait3A_60 = tpu.memref_slice %arg12[%add3A_10, %dma_wait3A_59] : memref<10240x128xf32, #tpu.memory_space<vmem_shared>> -> memref<80x128xf32, #tpu.memory_space<vmem_shared>>
      tpu.wait_dma2 semaphore(%run_scoped3A : memref<!tpu.dma_semaphore, #tpu.memory_space<semaphore_mem>>) src(%arg11 : memref<80x128xf32, #tpu.memory_space<vmem>>) dst(%dma_wait3A_60 : memref<80x128xf32, #tpu.memory_space<vmem_shared>>)
      tpu.yield
    }) : () -> ()
    %mul3A_11 = arith.constant 640 : i32
    %mul3A_12 = arith.muli %arg1, %mul3A_11 : i32
    %add3A_13 = arith.constant 160 : i32
    %add3A_14 = arith.addi %mul3A_12, %add3A_13 : i32
    "tpu.region"() ({
      %run_scoped3A = tpu.sem_alloc : memref<!tpu.dma_semaphore, #tpu.memory_space<semaphore_mem>>
      %dma_start3A = arith.constant 0 : i32
      %dma_start3A_55 = tpu.memref_slice %arg12[%add3A_14, %dma_start3A] : memref<10240x128xf32, #tpu.memory_space<vmem_shared>> -> memref<80x128xf32, #tpu.memory_space<vmem_shared>>
      %dma_start3A_56 = arith.constant 0 : i32
      %dma_start3A_57 = tpu.memref_slice %arg12[%add3A_14, %dma_start3A_56] : memref<10240x128xf32, #tpu.memory_space<vmem_shared>> -> memref<80x128xf32, #tpu.memory_space<vmem_shared>>
      tpu.enqueue_dma source(%arg11 : memref<80x128xf32, #tpu.memory_space<vmem>>) target(%dma_start3A_57 : memref<80x128xf32, #tpu.memory_space<vmem_shared>>) target_semaphore(%run_scoped3A : memref<!tpu.dma_semaphore, #tpu.memory_space<semaphore_mem>>)
      %dma_wait3A = arith.constant 0 : i32
      %dma_wait3A_58 = tpu.memref_slice %arg12[%add3A_14, %dma_wait3A] : memref<10240x128xf32, #tpu.memory_space<vmem_shared>> -> memref<80x128xf32, #tpu.memory_space<vmem_shared>>
      %dma_wait3A_59 = arith.constant 0 : i32
      %dma_wait3A_60 = tpu.memref_slice %arg12[%add3A_14, %dma_wait3A_59] : memref<10240x128xf32, #tpu.memory_space<vmem_shared>> -> memref<80x128xf32, #tpu.memory_space<vmem_shared>>
      tpu.wait_dma2 semaphore(%run_scoped3A : memref<!tpu.dma_semaphore, #tpu.memory_space<semaphore_mem>>) src(%arg11 : memref<80x128xf32, #tpu.memory_space<vmem>>) dst(%dma_wait3A_60 : memref<80x128xf32, #tpu.memory_space<vmem_shared>>)
      tpu.yield
    }) : () -> ()
    %mul3A_15 = arith.constant 640 : i32
    %mul3A_16 = arith.muli %arg1, %mul3A_15 : i32
    %add3A_17 = arith.constant 240 : i32
    %add3A_18 = arith.addi %mul3A_16, %add3A_17 : i32
    "tpu.region"() ({
      %run_scoped3A = tpu.sem_alloc : memref<!tpu.dma_semaphore, #tpu.memory_space<semaphore_mem>>
      %dma_start3A = arith.constant 0 : i32
      %dma_start3A_55 = tpu.memref_slice %arg12[%add3A_18, %dma_start3A] : memref<10240x128xf32, #tpu.memory_space<vmem_shared>> -> memref<80x128xf32, #tpu.memory_space<vmem_shared>>
      %dma_start3A_56 = arith.constant 0 : i32
      %dma_start3A_57 = tpu.memref_slice %arg12[%add3A_18, %dma_start3A_56] : memref<10240x128xf32, #tpu.memory_space<vmem_shared>> -> memref<80x128xf32, #tpu.memory_space<vmem_shared>>
      tpu.enqueue_dma source(%arg11 : memref<80x128xf32, #tpu.memory_space<vmem>>) target(%dma_start3A_57 : memref<80x128xf32, #tpu.memory_space<vmem_shared>>) target_semaphore(%run_scoped3A : memref<!tpu.dma_semaphore, #tpu.memory_space<semaphore_mem>>)
      %dma_wait3A = arith.constant 0 : i32
      %dma_wait3A_58 = tpu.memref_slice %arg12[%add3A_18, %dma_wait3A] : memref<10240x128xf32, #tpu.memory_space<vmem_shared>> -> memref<80x128xf32, #tpu.memory_space<vmem_shared>>
      %dma_wait3A_59 = arith.constant 0 : i32
      %dma_wait3A_60 = tpu.memref_slice %arg12[%add3A_18, %dma_wait3A_59] : memref<10240x128xf32, #tpu.memory_space<vmem_shared>> -> memref<80x128xf32, #tpu.memory_space<vmem_shared>>
      tpu.wait_dma2 semaphore(%run_scoped3A : memref<!tpu.dma_semaphore, #tpu.memory_space<semaphore_mem>>) src(%arg11 : memref<80x128xf32, #tpu.memory_space<vmem>>) dst(%dma_wait3A_60 : memref<80x128xf32, #tpu.memory_space<vmem_shared>>)
      tpu.yield
    }) : () -> ()
    %mul3A_19 = arith.constant 640 : i32
    %mul3A_20 = arith.muli %arg1, %mul3A_19 : i32
    %add3A_21 = arith.constant 320 : i32
    %add3A_22 = arith.addi %mul3A_20, %add3A_21 : i32
    "tpu.region"() ({
      %run_scoped3A = tpu.sem_alloc : memref<!tpu.dma_semaphore, #tpu.memory_space<semaphore_mem>>
      %dma_start3A = arith.constant 0 : i32
      %dma_start3A_55 = tpu.memref_slice %arg12[%add3A_22, %dma_start3A] : memref<10240x128xf32, #tpu.memory_space<vmem_shared>> -> memref<80x128xf32, #tpu.memory_space<vmem_shared>>
      %dma_start3A_56 = arith.constant 0 : i32
      %dma_start3A_57 = tpu.memref_slice %arg12[%add3A_22, %dma_start3A_56] : memref<10240x128xf32, #tpu.memory_space<vmem_shared>> -> memref<80x128xf32, #tpu.memory_space<vmem_shared>>
      tpu.enqueue_dma source(%arg11 : memref<80x128xf32, #tpu.memory_space<vmem>>) target(%dma_start3A_57 : memref<80x128xf32, #tpu.memory_space<vmem_shared>>) target_semaphore(%run_scoped3A : memref<!tpu.dma_semaphore, #tpu.memory_space<semaphore_mem>>)
      %dma_wait3A = arith.constant 0 : i32
      %dma_wait3A_58 = tpu.memref_slice %arg12[%add3A_22, %dma_wait3A] : memref<10240x128xf32, #tpu.memory_space<vmem_shared>> -> memref<80x128xf32, #tpu.memory_space<vmem_shared>>
      %dma_wait3A_59 = arith.constant 0 : i32
      %dma_wait3A_60 = tpu.memref_slice %arg12[%add3A_22, %dma_wait3A_59] : memref<10240x128xf32, #tpu.memory_space<vmem_shared>> -> memref<80x128xf32, #tpu.memory_space<vmem_shared>>
      tpu.wait_dma2 semaphore(%run_scoped3A : memref<!tpu.dma_semaphore, #tpu.memory_space<semaphore_mem>>) src(%arg11 : memref<80x128xf32, #tpu.memory_space<vmem>>) dst(%dma_wait3A_60 : memref<80x128xf32, #tpu.memory_space<vmem_shared>>)
      tpu.yield
    }) : () -> ()
    %mul3A_23 = arith.constant 640 : i32
    %mul3A_24 = arith.muli %arg1, %mul3A_23 : i32
    %add3A_25 = arith.constant 400 : i32
    %add3A_26 = arith.addi %mul3A_24, %add3A_25 : i32
    "tpu.region"() ({
      %run_scoped3A = tpu.sem_alloc : memref<!tpu.dma_semaphore, #tpu.memory_space<semaphore_mem>>
      %dma_start3A = arith.constant 0 : i32
      %dma_start3A_55 = tpu.memref_slice %arg12[%add3A_26, %dma_start3A] : memref<10240x128xf32, #tpu.memory_space<vmem_shared>> -> memref<80x128xf32, #tpu.memory_space<vmem_shared>>
      %dma_start3A_56 = arith.constant 0 : i32
      %dma_start3A_57 = tpu.memref_slice %arg12[%add3A_26, %dma_start3A_56] : memref<10240x128xf32, #tpu.memory_space<vmem_shared>> -> memref<80x128xf32, #tpu.memory_space<vmem_shared>>
      tpu.enqueue_dma source(%arg11 : memref<80x128xf32, #tpu.memory_space<vmem>>) target(%dma_start3A_57 : memref<80x128xf32, #tpu.memory_space<vmem_shared>>) target_semaphore(%run_scoped3A : memref<!tpu.dma_semaphore, #tpu.memory_space<semaphore_mem>>)
      %dma_wait3A = arith.constant 0 : i32
      %dma_wait3A_58 = tpu.memref_slice %arg12[%add3A_26, %dma_wait3A] : memref<10240x128xf32, #tpu.memory_space<vmem_shared>> -> memref<80x128xf32, #tpu.memory_space<vmem_shared>>
      %dma_wait3A_59 = arith.constant 0 : i32
      %dma_wait3A_60 = tpu.memref_slice %arg12[%add3A_26, %dma_wait3A_59] : memref<10240x128xf32, #tpu.memory_space<vmem_shared>> -> memref<80x128xf32, #tpu.memory_space<vmem_shared>>
      tpu.wait_dma2 semaphore(%run_scoped3A : memref<!tpu.dma_semaphore, #tpu.memory_space<semaphore_mem>>) src(%arg11 : memref<80x128xf32, #tpu.memory_space<vmem>>) dst(%dma_wait3A_60 : memref<80x128xf32, #tpu.memory_space<vmem_shared>>)
      tpu.yield
    }) : () -> ()
    %mul3A_27 = arith.constant 640 : i32
    %mul3A_28 = arith.muli %arg1, %mul3A_27 : i32
    %add3A_29 = arith.constant 480 : i32
    %add3A_30 = arith.addi %mul3A_28, %add3A_29 : i32
    "tpu.region"() ({
      %run_scoped3A = tpu.sem_alloc : memref<!tpu.dma_semaphore, #tpu.memory_space<semaphore_mem>>
      %dma_start3A = arith.constant 0 : i32
      %dma_start3A_55 = tpu.memref_slice %arg12[%add3A_30, %dma_start3A] : memref<10240x128xf32, #tpu.memory_space<vmem_shared>> -> memref<80x128xf32, #tpu.memory_space<vmem_shared>>
      %dma_start3A_56 = arith.constant 0 : i32
      %dma_start3A_57 = tpu.memref_slice %arg12[%add3A_30, %dma_start3A_56] : memref<10240x128xf32, #tpu.memory_space<vmem_shared>> -> memref<80x128xf32, #tpu.memory_space<vmem_shared>>
      tpu.enqueue_dma source(%arg11 : memref<80x128xf32, #tpu.memory_space<vmem>>) target(%dma_start3A_57 : memref<80x128xf32, #tpu.memory_space<vmem_shared>>) target_semaphore(%run_scoped3A : memref<!tpu.dma_semaphore, #tpu.memory_space<semaphore_mem>>)
      %dma_wait3A = arith.constant 0 : i32
      %dma_wait3A_58 = tpu.memref_slice %arg12[%add3A_30, %dma_wait3A] : memref<10240x128xf32, #tpu.memory_space<vmem_shared>> -> memref<80x128xf32, #tpu.memory_space<vmem_shared>>
      %dma_wait3A_59 = arith.constant 0 : i32
      %dma_wait3A_60 = tpu.memref_slice %arg12[%add3A_30, %dma_wait3A_59] : memref<10240x128xf32, #tpu.memory_space<vmem_shared>> -> memref<80x128xf32, #tpu.memory_space<vmem_shared>>
      tpu.wait_dma2 semaphore(%run_scoped3A : memref<!tpu.dma_semaphore, #tpu.memory_space<semaphore_mem>>) src(%arg11 : memref<80x128xf32, #tpu.memory_space<vmem>>) dst(%dma_wait3A_60 : memref<80x128xf32, #tpu.memory_space<vmem_shared>>)
      tpu.yield
    }) : () -> ()
    %mul3A_31 = arith.constant 640 : i32
    %mul3A_32 = arith.muli %arg1, %mul3A_31 : i32
    %add3A_33 = arith.constant 560 : i32
    %add3A_34 = arith.addi %mul3A_32, %add3A_33 : i32
    "tpu.region"() ({
      %run_scoped3A = tpu.sem_alloc : memref<!tpu.dma_semaphore, #tpu.memory_space<semaphore_mem>>
      %dma_start3A = arith.constant 0 : i32
      %dma_start3A_55 = tpu.memref_slice %arg12[%add3A_34, %dma_start3A] : memref<10240x128xf32, #tpu.memory_space<vmem_shared>> -> memref<80x128xf32, #tpu.memory_space<vmem_shared>>
      %dma_start3A_56 = arith.constant 0 : i32
      %dma_start3A_57 = tpu.memref_slice %arg12[%add3A_34, %dma_start3A_56] : memref<10240x128xf32, #tpu.memory_space<vmem_shared>> -> memref<80x128xf32, #tpu.memory_space<vmem_shared>>
      tpu.enqueue_dma source(%arg11 : memref<80x128xf32, #tpu.memory_space<vmem>>) target(%dma_start3A_57 : memref<80x128xf32, #tpu.memory_space<vmem_shared>>) target_semaphore(%run_scoped3A : memref<!tpu.dma_semaphore, #tpu.memory_space<semaphore_mem>>)
      %dma_wait3A = arith.constant 0 : i32
      %dma_wait3A_58 = tpu.memref_slice %arg12[%add3A_34, %dma_wait3A] : memref<10240x128xf32, #tpu.memory_space<vmem_shared>> -> memref<80x128xf32, #tpu.memory_space<vmem_shared>>
      %dma_wait3A_59 = arith.constant 0 : i32
      %dma_wait3A_60 = tpu.memref_slice %arg12[%add3A_34, %dma_wait3A_59] : memref<10240x128xf32, #tpu.memory_space<vmem_shared>> -> memref<80x128xf32, #tpu.memory_space<vmem_shared>>
      tpu.wait_dma2 semaphore(%run_scoped3A : memref<!tpu.dma_semaphore, #tpu.memory_space<semaphore_mem>>) src(%arg11 : memref<80x128xf32, #tpu.memory_space<vmem>>) dst(%dma_wait3A_60 : memref<80x128xf32, #tpu.memory_space<vmem_shared>>)
      tpu.yield
    }) : () -> ()
    %barrier3A = arith.constant 0 : index
    tpu.barrier barrier_id(%barrier3A)
    %mul3A_35 = arith.constant 10000 : i32
    %mul3A_36 = arith.muli %arg0, %mul3A_35 : i32
    %add3A_37 = arith.constant 2 : i32
    %add3A_38 = arith.addi %add3A_37, %arg0 : i32
    %mul3A_39 = arith.constant 10000 : i32
    %mul3A_40 = arith.muli %add3A_38, %mul3A_39 : i32
    %scan3A_41 = arith.constant 0 : i32
    %scan3A_42 = arith.constant 0 : i32
    %scan3A_43 = arith.constant 250 : i32
    %scan3A_44 = arith.addi %scan3A_42, %scan3A_43 : i32
    %scan3A_45 = arith.constant 1 : i32
    scf.for %scan3A_55 = %scan3A_42 to %scan3A_44 step %scan3A_45  : i32 {
      %mul3A_56 = arith.constant 20000 : i32
      %mul3A_57 = arith.muli %arg1, %mul3A_56 : i32
      %mul3A_58 = arith.constant 80 : i32
      %mul3A_59 = arith.muli %scan3A_55, %mul3A_58 : i32
      %add3A_60 = arith.addi %mul3A_57, %mul3A_59 : i32
      %mul3A_61 = arith.constant 250 : i32
      %mul3A_62 = arith.muli %arg1, %mul3A_61 : i32
      %add3A_63 = arith.addi %mul3A_62, %scan3A_55 : i32
      "tpu.region"() ({
        %run_scoped3A_202 = tpu.sem_alloc : memref<!tpu.dma_semaphore, #tpu.memory_space<semaphore_mem>>
        %dma_start3A_203 = arith.constant 0 : i32
        %dma_start3A_204 = arith.constant 0 : i32
        %dma_start3A_205 = tpu.memref_slice %arg2[%add3A_63, %dma_start3A_203, %dma_start3A_204] : memref<4000x2x80xi32, #tpu.memory_space<hbm>> -> memref<1x2x80xi32, #tpu.memory_space<hbm>>
        %dma_start3A_206 = tpu.memref_squeeze %dma_start3A_205 : memref<1x2x80xi32, #tpu.memory_space<hbm>> -> memref<2x80xi32, #tpu.memory_space<hbm>>
        %dma_start3A_207 = arith.constant 0 : i32
        %dma_start3A_208 = arith.constant 0 : i32
        %dma_start3A_209 = tpu.memref_slice %arg2[%add3A_63, %dma_start3A_207, %dma_start3A_208] : memref<4000x2x80xi32, #tpu.memory_space<hbm>> -> memref<1x2x80xi32, #tpu.memory_space<hbm>>
        %dma_start3A_210 = tpu.memref_squeeze %dma_start3A_209 : memref<1x2x80xi32, #tpu.memory_space<hbm>> -> memref<2x80xi32, #tpu.memory_space<hbm>>
        tpu.enqueue_dma source(%dma_start3A_210 : memref<2x80xi32, #tpu.memory_space<hbm>>) target(%arg6 : memref<2x80xi32, #tpu.memory_space<vmem>>) target_semaphore(%run_scoped3A_202 : memref<!tpu.dma_semaphore, #tpu.memory_space<semaphore_mem>>)
        %dma_wait3A_211 = arith.constant 0 : i32
        %dma_wait3A_212 = arith.constant 0 : i32
        %dma_wait3A_213 = tpu.memref_slice %arg2[%add3A_63, %dma_wait3A_211, %dma_wait3A_212] : memref<4000x2x80xi32, #tpu.memory_space<hbm>> -> memref<1x2x80xi32, #tpu.memory_space<hbm>>
        %dma_wait3A_214 = tpu.memref_squeeze %dma_wait3A_213 : memref<1x2x80xi32, #tpu.memory_space<hbm>> -> memref<2x80xi32, #tpu.memory_space<hbm>>
        %dma_wait3A_215 = arith.constant 0 : i32
        %dma_wait3A_216 = arith.constant 0 : i32
        %dma_wait3A_217 = tpu.memref_slice %arg2[%add3A_63, %dma_wait3A_215, %dma_wait3A_216] : memref<4000x2x80xi32, #tpu.memory_space<hbm>> -> memref<1x2x80xi32, #tpu.memory_space<hbm>>
        %dma_wait3A_218 = tpu.memref_squeeze %dma_wait3A_217 : memref<1x2x80xi32, #tpu.memory_space<hbm>> -> memref<2x80xi32, #tpu.memory_space<hbm>>
        tpu.wait_dma2 semaphore(%run_scoped3A_202 : memref<!tpu.dma_semaphore, #tpu.memory_space<semaphore_mem>>) src(%dma_wait3A_218 : memref<2x80xi32, #tpu.memory_space<hbm>>) dst(%arg6 : memref<2x80xi32, #tpu.memory_space<vmem>>)
        tpu.yield
      }) : () -> ()
      %get3A = arith.constant 0 : i32
      %get3A_64 = arith.index_cast %get3A : i32 to index
      %get3A_65 = arith.constant 0 : index
      %get3A_66 = tpu.vector_load %arg6[%get3A_64, %get3A_65] {strides = array<i32>} : memref<2x80xi32, #tpu.memory_space<vmem>>, vector<1x16xi32>,
      %get3A_67 = vector.shape_cast %get3A_66 : vector<1x16xi32> to vector<16xi32>
      %add3A_68 = vector.broadcast %mul3A_36 : i32 to vector<16xi32>
      %add3A_69 = arith.addi %get3A_67, %add3A_68 : vector<16xi32>
      %swap3A = arith.constant 0 : index
      %swap3A_70 = tpu.vector_load %arg7[%swap3A] {strides = array<i32>} : memref<80xi32, #tpu.memory_space<vmem>>, vector<16xi32>,
      %swap3A_71 = vector.shape_cast %swap3A_70 : vector<16xi32> to vector<16xi32>
      %swap3A_72 = vector.shape_cast %add3A_69 : vector<16xi32> to vector<16xi32>
      tpu.vector_store %arg7[%swap3A], %swap3A_72 {strides = array<i32>} : memref<80xi32, #tpu.memory_space<vmem>>, vector<16xi32>,
      %get3A_73 = arith.constant 1 : i32
      %get3A_74 = arith.index_cast %get3A_73 : i32 to index
      %get3A_75 = arith.constant 0 : index
      %get3A_76 = tpu.vector_load %arg6[%get3A_74, %get3A_75] {strides = array<i32>} : memref<2x80xi32, #tpu.memory_space<vmem>>, vector<1x16xi32>,
      %get3A_77 = vector.shape_cast %get3A_76 : vector<1x16xi32> to vector<16xi32>
      %add3A_78 = vector.broadcast %mul3A_40 : i32 to vector<16xi32>
      %add3A_79 = arith.addi %get3A_77, %add3A_78 : vector<16xi32>
      %swap3A_80 = arith.constant 0 : index
      %swap3A_81 = tpu.vector_load %arg8[%swap3A_80] {strides = array<i32>} : memref<80xi32, #tpu.memory_space<vmem>>, vector<16xi32>,
      %swap3A_82 = vector.shape_cast %swap3A_81 : vector<16xi32> to vector<16xi32>
      %swap3A_83 = vector.shape_cast %add3A_79 : vector<16xi32> to vector<16xi32>
      tpu.vector_store %arg8[%swap3A_80], %swap3A_83 {strides = array<i32>} : memref<80xi32, #tpu.memory_space<vmem>>, vector<16xi32>,
      %get3A_84 = arith.constant 0 : i32
      %get3A_85 = arith.index_cast %get3A_84 : i32 to index
      %get3A_86 = arith.constant 16 : index
      %get3A_87 = tpu.vector_load %arg6[%get3A_85, %get3A_86] {strides = array<i32>} : memref<2x80xi32, #tpu.memory_space<vmem>>, vector<1x16xi32>,
      %get3A_88 = vector.shape_cast %get3A_87 : vector<1x16xi32> to vector<16xi32>
      %add3A_89 = vector.broadcast %mul3A_36 : i32 to vector<16xi32>
      %add3A_90 = arith.addi %get3A_88, %add3A_89 : vector<16xi32>
      %swap3A_91 = arith.constant 16 : index
      %swap3A_92 = tpu.vector_load %arg7[%swap3A_91] {strides = array<i32>} : memref<80xi32, #tpu.memory_space<vmem>>, vector<16xi32>,
      %swap3A_93 = vector.shape_cast %swap3A_92 : vector<16xi32> to vector<16xi32>
      %swap3A_94 = vector.shape_cast %add3A_90 : vector<16xi32> to vector<16xi32>
      tpu.vector_store %arg7[%swap3A_91], %swap3A_94 {strides = array<i32>} : memref<80xi32, #tpu.memory_space<vmem>>, vector<16xi32>,
      %get3A_95 = arith.constant 1 : i32
      %get3A_96 = arith.index_cast %get3A_95 : i32 to index
      %get3A_97 = arith.constant 16 : index
      %get3A_98 = tpu.vector_load %arg6[%get3A_96, %get3A_97] {strides = array<i32>} : memref<2x80xi32, #tpu.memory_space<vmem>>, vector<1x16xi32>,
      %get3A_99 = vector.shape_cast %get3A_98 : vector<1x16xi32> to vector<16xi32>
      %add3A_100 = vector.broadcast %mul3A_40 : i32 to vector<16xi32>
      %add3A_101 = arith.addi %get3A_99, %add3A_100 : vector<16xi32>
      %swap3A_102 = arith.constant 16 : index
      %swap3A_103 = tpu.vector_load %arg8[%swap3A_102] {strides = array<i32>} : memref<80xi32, #tpu.memory_space<vmem>>, vector<16xi32>,
      %swap3A_104 = vector.shape_cast %swap3A_103 : vector<16xi32> to vector<16xi32>
      %swap3A_105 = vector.shape_cast %add3A_101 : vector<16xi32> to vector<16xi32>
      tpu.vector_store %arg8[%swap3A_102], %swap3A_105 {strides = array<i32>} : memref<80xi32, #tpu.memory_space<vmem>>, vector<16xi32>,
      %get3A_106 = arith.constant 0 : i32
      %get3A_107 = arith.index_cast %get3A_106 : i32 to index
      %get3A_108 = arith.constant 32 : index
      %get3A_109 = tpu.vector_load %arg6[%get3A_107, %get3A_108] {strides = array<i32>} : memref<2x80xi32, #tpu.memory_space<vmem>>, vector<1x16xi32>,
      %get3A_110 = vector.shape_cast %get3A_109 : vector<1x16xi32> to vector<16xi32>
      %add3A_111 = vector.broadcast %mul3A_36 : i32 to vector<16xi32>
      %add3A_112 = arith.addi %get3A_110, %add3A_111 : vector<16xi32>
      %swap3A_113 = arith.constant 32 : index
      %swap3A_114 = tpu.vector_load %arg7[%swap3A_113] {strides = array<i32>} : memref<80xi32, #tpu.memory_space<vmem>>, vector<16xi32>,
      %swap3A_115 = vector.shape_cast %swap3A_114 : vector<16xi32> to vector<16xi32>
      %swap3A_116 = vector.shape_cast %add3A_112 : vector<16xi32> to vector<16xi32>
      tpu.vector_store %arg7[%swap3A_113], %swap3A_116 {strides = array<i32>} : memref<80xi32, #tpu.memory_space<vmem>>, vector<16xi32>,
      %get3A_117 = arith.constant 1 : i32
      %get3A_118 = arith.index_cast %get3A_117 : i32 to index
      %get3A_119 = arith.constant 32 : index
      %get3A_120 = tpu.vector_load %arg6[%get3A_118, %get3A_119] {strides = array<i32>} : memref<2x80xi32, #tpu.memory_space<vmem>>, vector<1x16xi32>,
      %get3A_121 = vector.shape_cast %get3A_120 : vector<1x16xi32> to vector<16xi32>
      %add3A_122 = vector.broadcast %mul3A_40 : i32 to vector<16xi32>
      %add3A_123 = arith.addi %get3A_121, %add3A_122 : vector<16xi32>
      %swap3A_124 = arith.constant 32 : index
      %swap3A_125 = tpu.vector_load %arg8[%swap3A_124] {strides = array<i32>} : memref<80xi32, #tpu.memory_space<vmem>>, vector<16xi32>,
      %swap3A_126 = vector.shape_cast %swap3A_125 : vector<16xi32> to vector<16xi32>
      %swap3A_127 = vector.shape_cast %add3A_123 : vector<16xi32> to vector<16xi32>
      tpu.vector_store %arg8[%swap3A_124], %swap3A_127 {strides = array<i32>} : memref<80xi32, #tpu.memory_space<vmem>>, vector<16xi32>,
      %get3A_128 = arith.constant 0 : i32
      %get3A_129 = arith.index_cast %get3A_128 : i32 to index
      %get3A_130 = arith.constant 48 : index
      %get3A_131 = tpu.vector_load %arg6[%get3A_129, %get3A_130] {strides = array<i32>} : memref<2x80xi32, #tpu.memory_space<vmem>>, vector<1x16xi32>,
      %get3A_132 = vector.shape_cast %get3A_131 : vector<1x16xi32> to vector<16xi32>
      %add3A_133 = vector.broadcast %mul3A_36 : i32 to vector<16xi32>
      %add3A_134 = arith.addi %get3A_132, %add3A_133 : vector<16xi32>
      %swap3A_135 = arith.constant 48 : index
      %swap3A_136 = tpu.vector_load %arg7[%swap3A_135] {strides = array<i32>} : memref<80xi32, #tpu.memory_space<vmem>>, vector<16xi32>,
      %swap3A_137 = vector.shape_cast %swap3A_136 : vector<16xi32> to vector<16xi32>
      %swap3A_138 = vector.shape_cast %add3A_134 : vector<16xi32> to vector<16xi32>
      tpu.vector_store %arg7[%swap3A_135], %swap3A_138 {strides = array<i32>} : memref<80xi32, #tpu.memory_space<vmem>>, vector<16xi32>,
      %get3A_139 = arith.constant 1 : i32
      %get3A_140 = arith.index_cast %get3A_139 : i32 to index
      %get3A_141 = arith.constant 48 : index
      %get3A_142 = tpu.vector_load %arg6[%get3A_140, %get3A_141] {strides = array<i32>} : memref<2x80xi32, #tpu.memory_space<vmem>>, vector<1x16xi32>,
      %get3A_143 = vector.shape_cast %get3A_142 : vector<1x16xi32> to vector<16xi32>
      %add3A_144 = vector.broadcast %mul3A_40 : i32 to vector<16xi32>
      %add3A_145 = arith.addi %get3A_143, %add3A_144 : vector<16xi32>
      %swap3A_146 = arith.constant 48 : index
      %swap3A_147 = tpu.vector_load %arg8[%swap3A_146] {strides = array<i32>} : memref<80xi32, #tpu.memory_space<vmem>>, vector<16xi32>,
      %swap3A_148 = vector.shape_cast %swap3A_147 : vector<16xi32> to vector<16xi32>
      %swap3A_149 = vector.shape_cast %add3A_145 : vector<16xi32> to vector<16xi32>
      tpu.vector_store %arg8[%swap3A_146], %swap3A_149 {strides = array<i32>} : memref<80xi32, #tpu.memory_space<vmem>>, vector<16xi32>,
      %get3A_150 = arith.constant 0 : i32
      %get3A_151 = arith.index_cast %get3A_150 : i32 to index
      %get3A_152 = arith.constant 64 : index
      %get3A_153 = tpu.vector_load %arg6[%get3A_151, %get3A_152] {strides = array<i32>} : memref<2x80xi32, #tpu.memory_space<vmem>>, vector<1x16xi32>,
      %get3A_154 = vector.shape_cast %get3A_153 : vector<1x16xi32> to vector<16xi32>
      %add3A_155 = vector.broadcast %mul3A_36 : i32 to vector<16xi32>
      %add3A_156 = arith.addi %get3A_154, %add3A_155 : vector<16xi32>
      %swap3A_157 = arith.constant 64 : index
      %swap3A_158 = tpu.vector_load %arg7[%swap3A_157] {strides = array<i32>} : memref<80xi32, #tpu.memory_space<vmem>>, vector<16xi32>,
      %swap3A_159 = vector.shape_cast %swap3A_158 : vector<16xi32> to vector<16xi32>
      %swap3A_160 = vector.shape_cast %add3A_156 : vector<16xi32> to vector<16xi32>
      tpu.vector_store %arg7[%swap3A_157], %swap3A_160 {strides = array<i32>} : memref<80xi32, #tpu.memory_space<vmem>>, vector<16xi32>,
      %get3A_161 = arith.constant 1 : i32
      %get3A_162 = arith.index_cast %get3A_161 : i32 to index
      %get3A_163 = arith.constant 64 : index
      %get3A_164 = tpu.vector_load %arg6[%get3A_162, %get3A_163] {strides = array<i32>} : memref<2x80xi32, #tpu.memory_space<vmem>>, vector<1x16xi32>,
      %get3A_165 = vector.shape_cast %get3A_164 : vector<1x16xi32> to vector<16xi32>
      %add3A_166 = vector.broadcast %mul3A_40 : i32 to vector<16xi32>
      %add3A_167 = arith.addi %get3A_165, %add3A_166 : vector<16xi32>
      %swap3A_168 = arith.constant 64 : index
      %swap3A_169 = tpu.vector_load %arg8[%swap3A_168] {strides = array<i32>} : memref<80xi32, #tpu.memory_space<vmem>>, vector<16xi32>,
      %swap3A_170 = vector.shape_cast %swap3A_169 : vector<16xi32> to vector<16xi32>
      %swap3A_171 = vector.shape_cast %add3A_167 : vector<16xi32> to vector<16xi32>
      tpu.vector_store %arg8[%swap3A_168], %swap3A_171 {strides = array<i32>} : memref<80xi32, #tpu.memory_space<vmem>>, vector<16xi32>,
      %dma_start3A = arith.constant 0 : i32
      %dma_start3A_172 = arith.constant 0 : i32
      %dma_start3A_173 = tpu.memref_slice %arg3[%dma_start3A, %dma_start3A_172] : memref<40000x128xf32, #tpu.memory_space<hbm>> -> memref<40000x128xf32, #tpu.memory_space<hbm>>
      tpu.enqueue_indirect_dma source(%dma_start3A_173 : memref<40000x128xf32, #tpu.memory_space<hbm>>) target(%arg9 : memref<80x128xf32, #tpu.memory_space<vmem>>) offsets(%arg7 : memref<80xi32, #tpu.memory_space<vmem>>) semaphore(%arg14 : memref<!tpu.dma_semaphore, #tpu.memory_space<semaphore_mem>>)
      %dma_start3A_174 = arith.constant 0 : i32
      %dma_start3A_175 = arith.constant 0 : i32
      %dma_start3A_176 = tpu.memref_slice %arg3[%dma_start3A_174, %dma_start3A_175] : memref<40000x128xf32, #tpu.memory_space<hbm>> -> memref<40000x128xf32, #tpu.memory_space<hbm>>
      tpu.enqueue_indirect_dma source(%dma_start3A_176 : memref<40000x128xf32, #tpu.memory_space<hbm>>) target(%arg10 : memref<80x128xf32, #tpu.memory_space<vmem>>) offsets(%arg8 : memref<80xi32, #tpu.memory_space<vmem>>) semaphore(%arg15 : memref<!tpu.dma_semaphore, #tpu.memory_space<semaphore_mem>>)
      %dma_start3A_177 = arith.constant 0 : i32
      %dma_start3A_178 = arith.constant 0 : i32
      %dma_start3A_179 = tpu.memref_slice %arg4[%dma_start3A_177, %arg0, %add3A_60, %dma_start3A_178] : memref<3x2x320000x128xf32, #tpu.memory_space<hbm>> -> memref<1x1x80x128xf32, #tpu.memory_space<hbm>>
      %dma_start3A_180 = tpu.memref_squeeze %dma_start3A_179 : memref<1x1x80x128xf32, #tpu.memory_space<hbm>> -> memref<80x128xf32, #tpu.memory_space<hbm>>
      %dma_start3A_181 = arith.constant 0 : i32
      %dma_start3A_182 = tpu.memref_slice %arg4[%dma_start3A_177, %arg0, %add3A_60, %dma_start3A_181] : memref<3x2x320000x128xf32, #tpu.memory_space<hbm>> -> memref<1x1x80x128xf32, #tpu.memory_space<hbm>>
      %dma_start3A_183 = tpu.memref_squeeze %dma_start3A_182 : memref<1x1x80x128xf32, #tpu.memory_space<hbm>> -> memref<80x128xf32, #tpu.memory_space<hbm>>
      tpu.enqueue_dma source(%dma_start3A_183 : memref<80x128xf32, #tpu.memory_space<hbm>>) target(%arg11 : memref<80x128xf32, #tpu.memory_space<vmem>>) target_semaphore(%arg16 : memref<!tpu.dma_semaphore, #tpu.memory_space<semaphore_mem>>)
      %dma_wait3A = arith.constant 0 : i32
      %dma_wait3A_184 = arith.constant 0 : i32
      %dma_wait3A_185 = tpu.memref_slice %arg3[%dma_wait3A, %dma_wait3A_184] : memref<40000x128xf32, #tpu.memory_space<hbm>> -> memref<40000x128xf32, #tpu.memory_space<hbm>>
      tpu.wait_indirect_dma semaphore(%arg14 : memref<!tpu.dma_semaphore, #tpu.memory_space<semaphore_mem>>) src(%dma_wait3A_185 : memref<40000x128xf32, #tpu.memory_space<hbm>>) dst(%arg9 : memref<80x128xf32, #tpu.memory_space<vmem>>)
      %dma_wait3A_186 = arith.constant 0 : i32
      %dma_wait3A_187 = arith.constant 0 : i32
      %dma_wait3A_188 = tpu.memref_slice %arg3[%dma_wait3A_186, %dma_wait3A_187] : memref<40000x128xf32, #tpu.memory_space<hbm>> -> memref<40000x128xf32, #tpu.memory_space<hbm>>
      tpu.wait_indirect_dma semaphore(%arg15 : memref<!tpu.dma_semaphore, #tpu.memory_space<semaphore_mem>>) src(%dma_wait3A_188 : memref<40000x128xf32, #tpu.memory_space<hbm>>) dst(%arg10 : memref<80x128xf32, #tpu.memory_space<vmem>>)
      %dma_wait3A_189 = arith.constant 0 : i32
      %dma_wait3A_190 = arith.constant 0 : i32
      %dma_wait3A_191 = tpu.memref_slice %arg4[%dma_wait3A_189, %arg0, %add3A_60, %dma_wait3A_190] : memref<3x2x320000x128xf32, #tpu.memory_space<hbm>> -> memref<1x1x80x128xf32, #tpu.memory_space<hbm>>
      %dma_wait3A_192 = tpu.memref_squeeze %dma_wait3A_191 : memref<1x1x80x128xf32, #tpu.memory_space<hbm>> -> memref<80x128xf32, #tpu.memory_space<hbm>>
      %dma_wait3A_193 = arith.constant 0 : i32
      %dma_wait3A_194 = tpu.memref_slice %arg4[%dma_wait3A_189, %arg0, %add3A_60, %dma_wait3A_193] : memref<3x2x320000x128xf32, #tpu.memory_space<hbm>> -> memref<1x1x80x128xf32, #tpu.memory_space<hbm>>
      %dma_wait3A_195 = tpu.memref_squeeze %dma_wait3A_194 : memref<1x1x80x128xf32, #tpu.memory_space<hbm>> -> memref<80x128xf32, #tpu.memory_space<hbm>>
      tpu.wait_dma2 semaphore(%arg16 : memref<!tpu.dma_semaphore, #tpu.memory_space<semaphore_mem>>) src(%dma_wait3A_195 : memref<80x128xf32, #tpu.memory_space<hbm>>) dst(%arg11 : memref<80x128xf32, #tpu.memory_space<vmem>>)
      %scan3A_196 = arith.constant 0 : i32
      %scan3A_197 = arith.constant 0 : i32
      %scan3A_198 = arith.constant 80 : i32
      %scan3A_199 = arith.addi %scan3A_197, %scan3A_198 : i32
      %scan3A_200 = arith.constant 1 : i32
      scf.for %scan3A_202 = %scan3A_197 to %scan3A_199 step %scan3A_200  : i32 {
        %get3A_203 = arith.index_cast %scan3A_202 : i32 to index
        %get3A_204 = arith.constant 0 : index
        %get3A_205 = tpu.vector_load %arg9[%get3A_203, %get3A_204] {strides = array<i32>} : memref<80x128xf32, #tpu.memory_space<vmem>>, vector<1x16xf32>,
        %get3A_206 = vector.shape_cast %get3A_205 : vector<1x16xf32> to vector<16xf32>
        %get3A_207 = arith.index_cast %scan3A_202 : i32 to index
        %get3A_208 = arith.constant 0 : index
        %get3A_209 = tpu.vector_load %arg10[%get3A_207, %get3A_208] {strides = array<i32>} : memref<80x128xf32, #tpu.memory_space<vmem>>, vector<1x16xf32>,
        %get3A_210 = vector.shape_cast %get3A_209 : vector<1x16xf32> to vector<16xf32>
        %add3A_211 = arith.addf %get3A_206, %get3A_210 : vector<16xf32>
        %get3A_212 = arith.index_cast %scan3A_202 : i32 to index
        %get3A_213 = arith.constant 0 : index
        %get3A_214 = tpu.vector_load %arg11[%get3A_212, %get3A_213] {strides = array<i32>} : memref<80x128xf32, #tpu.memory_space<vmem>>, vector<1x16xf32>,
        %get3A_215 = vector.shape_cast %get3A_214 : vector<1x16xf32> to vector<16xf32>
        %add3A_216 = arith.addf %add3A_211, %get3A_215 : vector<16xf32>
        %max3A = arith.constant 0.000000e+00 : f32
        %max3A_217 = vector.broadcast %max3A : f32 to vector<16xf32>
        %max3A_218 = arith.maximumf %add3A_216, %max3A_217 : vector<16xf32>
        %swap3A_219 = arith.index_cast %scan3A_202 : i32 to index
        %swap3A_220 = arith.constant 0 : index
        %swap3A_221 = tpu.vector_load %arg11[%swap3A_219, %swap3A_220] {strides = array<i32>} : memref<80x128xf32, #tpu.memory_space<vmem>>, vector<1x16xf32>,
        %swap3A_222 = vector.shape_cast %swap3A_221 : vector<1x16xf32> to vector<16xf32>
        %swap3A_223 = vector.shape_cast %max3A_218 : vector<16xf32> to vector<1x16xf32>
        tpu.vector_store %arg11[%swap3A_219, %swap3A_220], %swap3A_223 {strides = array<i32>} : memref<80x128xf32, #tpu.memory_space<vmem>>, vector<1x16xf32>,
        %get3A_224 = arith.index_cast %scan3A_202 : i32 to index
        %get3A_225 = arith.constant 16 : index
        %get3A_226 = tpu.vector_load %arg9[%get3A_224, %get3A_225] {strides = array<i32>} : memref<80x128xf32, #tpu.memory_space<vmem>>, vector<1x16xf32>,
        %get3A_227 = vector.shape_cast %get3A_226 : vector<1x16xf32> to vector<16xf32>
        %get3A_228 = arith.index_cast %scan3A_202 : i32 to index
        %get3A_229 = arith.constant 16 : index
        %get3A_230 = tpu.vector_load %arg10[%get3A_228, %get3A_229] {strides = array<i32>} : memref<80x128xf32, #tpu.memory_space<vmem>>, vector<1x16xf32>,
        %get3A_231 = vector.shape_cast %get3A_230 : vector<1x16xf32> to vector<16xf32>
        %add3A_232 = arith.addf %get3A_227, %get3A_231 : vector<16xf32>
        %get3A_233 = arith.index_cast %scan3A_202 : i32 to index
        %get3A_234 = arith.constant 16 : index
        %get3A_235 = tpu.vector_load %arg11[%get3A_233, %get3A_234] {strides = array<i32>} : memref<80x128xf32, #tpu.memory_space<vmem>>, vector<1x16xf32>,
        %get3A_236 = vector.shape_cast %get3A_235 : vector<1x16xf32> to vector<16xf32>
        %add3A_237 = arith.addf %add3A_232, %get3A_236 : vector<16xf32>
        %max3A_238 = arith.constant 0.000000e+00 : f32
        %max3A_239 = vector.broadcast %max3A_238 : f32 to vector<16xf32>
        %max3A_240 = arith.maximumf %add3A_237, %max3A_239 : vector<16xf32>
        %swap3A_241 = arith.index_cast %scan3A_202 : i32 to index
        %swap3A_242 = arith.constant 16 : index
        %swap3A_243 = tpu.vector_load %arg11[%swap3A_241, %swap3A_242] {strides = array<i32>} : memref<80x128xf32, #tpu.memory_space<vmem>>, vector<1x16xf32>,
        %swap3A_244 = vector.shape_cast %swap3A_243 : vector<1x16xf32> to vector<16xf32>
        %swap3A_245 = vector.shape_cast %max3A_240 : vector<16xf32> to vector<1x16xf32>
        tpu.vector_store %arg11[%swap3A_241, %swap3A_242], %swap3A_245 {strides = array<i32>} : memref<80x128xf32, #tpu.memory_space<vmem>>, vector<1x16xf32>,
        %get3A_246 = arith.index_cast %scan3A_202 : i32 to index
        %get3A_247 = arith.constant 32 : index
        %get3A_248 = tpu.vector_load %arg9[%get3A_246, %get3A_247] {strides = array<i32>} : memref<80x128xf32, #tpu.memory_space<vmem>>, vector<1x16xf32>,
        %get3A_249 = vector.shape_cast %get3A_248 : vector<1x16xf32> to vector<16xf32>
        %get3A_250 = arith.index_cast %scan3A_202 : i32 to index
        %get3A_251 = arith.constant 32 : index
        %get3A_252 = tpu.vector_load %arg10[%get3A_250, %get3A_251] {strides = array<i32>} : memref<80x128xf32, #tpu.memory_space<vmem>>, vector<1x16xf32>,
        %get3A_253 = vector.shape_cast %get3A_252 : vector<1x16xf32> to vector<16xf32>
        %add3A_254 = arith.addf %get3A_249, %get3A_253 : vector<16xf32>
        %get3A_255 = arith.index_cast %scan3A_202 : i32 to index
        %get3A_256 = arith.constant 32 : index
        %get3A_257 = tpu.vector_load %arg11[%get3A_255, %get3A_256] {strides = array<i32>} : memref<80x128xf32, #tpu.memory_space<vmem>>, vector<1x16xf32>,
        %get3A_258 = vector.shape_cast %get3A_257 : vector<1x16xf32> to vector<16xf32>
        %add3A_259 = arith.addf %add3A_254, %get3A_258 : vector<16xf32>
        %max3A_260 = arith.constant 0.000000e+00 : f32
        %max3A_261 = vector.broadcast %max3A_260 : f32 to vector<16xf32>
        %max3A_262 = arith.maximumf %add3A_259, %max3A_261 : vector<16xf32>
        %swap3A_263 = arith.index_cast %scan3A_202 : i32 to index
        %swap3A_264 = arith.constant 32 : index
        %swap3A_265 = tpu.vector_load %arg11[%swap3A_263, %swap3A_264] {strides = array<i32>} : memref<80x128xf32, #tpu.memory_space<vmem>>, vector<1x16xf32>,
        %swap3A_266 = vector.shape_cast %swap3A_265 : vector<1x16xf32> to vector<16xf32>
        %swap3A_267 = vector.shape_cast %max3A_262 : vector<16xf32> to vector<1x16xf32>
        tpu.vector_store %arg11[%swap3A_263, %swap3A_264], %swap3A_267 {strides = array<i32>} : memref<80x128xf32, #tpu.memory_space<vmem>>, vector<1x16xf32>,
        %get3A_268 = arith.index_cast %scan3A_202 : i32 to index
        %get3A_269 = arith.constant 48 : index
        %get3A_270 = tpu.vector_load %arg9[%get3A_268, %get3A_269] {strides = array<i32>} : memref<80x128xf32, #tpu.memory_space<vmem>>, vector<1x16xf32>,
        %get3A_271 = vector.shape_cast %get3A_270 : vector<1x16xf32> to vector<16xf32>
        %get3A_272 = arith.index_cast %scan3A_202 : i32 to index
        %get3A_273 = arith.constant 48 : index
        %get3A_274 = tpu.vector_load %arg10[%get3A_272, %get3A_273] {strides = array<i32>} : memref<80x128xf32, #tpu.memory_space<vmem>>, vector<1x16xf32>,
        %get3A_275 = vector.shape_cast %get3A_274 : vector<1x16xf32> to vector<16xf32>
        %add3A_276 = arith.addf %get3A_271, %get3A_275 : vector<16xf32>
        %get3A_277 = arith.index_cast %scan3A_202 : i32 to index
        %get3A_278 = arith.constant 48 : index
        %get3A_279 = tpu.vector_load %arg11[%get3A_277, %get3A_278] {strides = array<i32>} : memref<80x128xf32, #tpu.memory_space<vmem>>, vector<1x16xf32>,
        %get3A_280 = vector.shape_cast %get3A_279 : vector<1x16xf32> to vector<16xf32>
        %add3A_281 = arith.addf %add3A_276, %get3A_280 : vector<16xf32>
        %max3A_282 = arith.constant 0.000000e+00 : f32
        %max3A_283 = vector.broadcast %max3A_282 : f32 to vector<16xf32>
        %max3A_284 = arith.maximumf %add3A_281, %max3A_283 : vector<16xf32>
        %swap3A_285 = arith.index_cast %scan3A_202 : i32 to index
        %swap3A_286 = arith.constant 48 : index
        %swap3A_287 = tpu.vector_load %arg11[%swap3A_285, %swap3A_286] {strides = array<i32>} : memref<80x128xf32, #tpu.memory_space<vmem>>, vector<1x16xf32>,
        %swap3A_288 = vector.shape_cast %swap3A_287 : vector<1x16xf32> to vector<16xf32>
        %swap3A_289 = vector.shape_cast %max3A_284 : vector<16xf32> to vector<1x16xf32>
        tpu.vector_store %arg11[%swap3A_285, %swap3A_286], %swap3A_289 {strides = array<i32>} : memref<80x128xf32, #tpu.memory_space<vmem>>, vector<1x16xf32>,
        %get3A_290 = arith.index_cast %scan3A_202 : i32 to index
        %get3A_291 = arith.constant 64 : index
        %get3A_292 = tpu.vector_load %arg9[%get3A_290, %get3A_291] {strides = array<i32>} : memref<80x128xf32, #tpu.memory_space<vmem>>, vector<1x16xf32>,
        %get3A_293 = vector.shape_cast %get3A_292 : vector<1x16xf32> to vector<16xf32>
        %get3A_294 = arith.index_cast %scan3A_202 : i32 to index
        %get3A_295 = arith.constant 64 : index
        %get3A_296 = tpu.vector_load %arg10[%get3A_294, %get3A_295] {strides = array<i32>} : memref<80x128xf32, #tpu.memory_space<vmem>>, vector<1x16xf32>,
        %get3A_297 = vector.shape_cast %get3A_296 : vector<1x16xf32> to vector<16xf32>
        %add3A_298 = arith.addf %get3A_293, %get3A_297 : vector<16xf32>
        %get3A_299 = arith.index_cast %scan3A_202 : i32 to index
        %get3A_300 = arith.constant 64 : index
        %get3A_301 = tpu.vector_load %arg11[%get3A_299, %get3A_300] {strides = array<i32>} : memref<80x128xf32, #tpu.memory_space<vmem>>, vector<1x16xf32>,
        %get3A_302 = vector.shape_cast %get3A_301 : vector<1x16xf32> to vector<16xf32>
        %add3A_303 = arith.addf %add3A_298, %get3A_302 : vector<16xf32>
        %max3A_304 = arith.constant 0.000000e+00 : f32
        %max3A_305 = vector.broadcast %max3A_304 : f32 to vector<16xf32>
        %max3A_306 = arith.maximumf %add3A_303, %max3A_305 : vector<16xf32>
        %swap3A_307 = arith.index_cast %scan3A_202 : i32 to index
        %swap3A_308 = arith.constant 64 : index
        %swap3A_309 = tpu.vector_load %arg11[%swap3A_307, %swap3A_308] {strides = array<i32>} : memref<80x128xf32, #tpu.memory_space<vmem>>, vector<1x16xf32>,
        %swap3A_310 = vector.shape_cast %swap3A_309 : vector<1x16xf32> to vector<16xf32>
        %swap3A_311 = vector.shape_cast %max3A_306 : vector<16xf32> to vector<1x16xf32>
        tpu.vector_store %arg11[%swap3A_307, %swap3A_308], %swap3A_311 {strides = array<i32>} : memref<80x128xf32, #tpu.memory_space<vmem>>, vector<1x16xf32>,
        %get3A_312 = arith.index_cast %scan3A_202 : i32 to index
        %get3A_313 = arith.constant 80 : index
        %get3A_314 = tpu.vector_load %arg9[%get3A_312, %get3A_313] {strides = array<i32>} : memref<80x128xf32, #tpu.memory_space<vmem>>, vector<1x16xf32>,
        %get3A_315 = vector.shape_cast %get3A_314 : vector<1x16xf32> to vector<16xf32>
        %get3A_316 = arith.index_cast %scan3A_202 : i32 to index
        %get3A_317 = arith.constant 80 : index
        %get3A_318 = tpu.vector_load %arg10[%get3A_316, %get3A_317] {strides = array<i32>} : memref<80x128xf32, #tpu.memory_space<vmem>>, vector<1x16xf32>,
        %get3A_319 = vector.shape_cast %get3A_318 : vector<1x16xf32> to vector<16xf32>
        %add3A_320 = arith.addf %get3A_315, %get3A_319 : vector<16xf32>
        %get3A_321 = arith.index_cast %scan3A_202 : i32 to index
        %get3A_322 = arith.constant 80 : index
        %get3A_323 = tpu.vector_load %arg11[%get3A_321, %get3A_322] {strides = array<i32>} : memref<80x128xf32, #tpu.memory_space<vmem>>, vector<1x16xf32>,
        %get3A_324 = vector.shape_cast %get3A_323 : vector<1x16xf32> to vector<16xf32>
        %add3A_325 = arith.addf %add3A_320, %get3A_324 : vector<16xf32>
        %max3A_326 = arith.constant 0.000000e+00 : f32
        %max3A_327 = vector.broadcast %max3A_326 : f32 to vector<16xf32>
        %max3A_328 = arith.maximumf %add3A_325, %max3A_327 : vector<16xf32>
        %swap3A_329 = arith.index_cast %scan3A_202 : i32 to index
        %swap3A_330 = arith.constant 80 : index
        %swap3A_331 = tpu.vector_load %arg11[%swap3A_329, %swap3A_330] {strides = array<i32>} : memref<80x128xf32, #tpu.memory_space<vmem>>, vector<1x16xf32>,
        %swap3A_332 = vector.shape_cast %swap3A_331 : vector<1x16xf32> to vector<16xf32>
        %swap3A_333 = vector.shape_cast %max3A_328 : vector<16xf32> to vector<1x16xf32>
        tpu.vector_store %arg11[%swap3A_329, %swap3A_330], %swap3A_333 {strides = array<i32>} : memref<80x128xf32, #tpu.memory_space<vmem>>, vector<1x16xf32>,
        %get3A_334 = arith.index_cast %scan3A_202 : i32 to index
        %get3A_335 = arith.constant 96 : index
        %get3A_336 = tpu.vector_load %arg9[%get3A_334, %get3A_335] {strides = array<i32>} : memref<80x128xf32, #tpu.memory_space<vmem>>, vector<1x16xf32>,
        %get3A_337 = vector.shape_cast %get3A_336 : vector<1x16xf32> to vector<16xf32>
        %get3A_338 = arith.index_cast %scan3A_202 : i32 to index
        %get3A_339 = arith.constant 96 : index
        %get3A_340 = tpu.vector_load %arg10[%get3A_338, %get3A_339] {strides = array<i32>} : memref<80x128xf32, #tpu.memory_space<vmem>>, vector<1x16xf32>,
        %get3A_341 = vector.shape_cast %get3A_340 : vector<1x16xf32> to vector<16xf32>
        %add3A_342 = arith.addf %get3A_337, %get3A_341 : vector<16xf32>
        %get3A_343 = arith.index_cast %scan3A_202 : i32 to index
        %get3A_344 = arith.constant 96 : index
        %get3A_345 = tpu.vector_load %arg11[%get3A_343, %get3A_344] {strides = array<i32>} : memref<80x128xf32, #tpu.memory_space<vmem>>, vector<1x16xf32>,
        %get3A_346 = vector.shape_cast %get3A_345 : vector<1x16xf32> to vector<16xf32>
        %add3A_347 = arith.addf %add3A_342, %get3A_346 : vector<16xf32>
        %max3A_348 = arith.constant 0.000000e+00 : f32
        %max3A_349 = vector.broadcast %max3A_348 : f32 to vector<16xf32>
        %max3A_350 = arith.maximumf %add3A_347, %max3A_349 : vector<16xf32>
        %swap3A_351 = arith.index_cast %scan3A_202 : i32 to index
        %swap3A_352 = arith.constant 96 : index
        %swap3A_353 = tpu.vector_load %arg11[%swap3A_351, %swap3A_352] {strides = array<i32>} : memref<80x128xf32, #tpu.memory_space<vmem>>, vector<1x16xf32>,
        %swap3A_354 = vector.shape_cast %swap3A_353 : vector<1x16xf32> to vector<16xf32>
        %swap3A_355 = vector.shape_cast %max3A_350 : vector<16xf32> to vector<1x16xf32>
        tpu.vector_store %arg11[%swap3A_351, %swap3A_352], %swap3A_355 {strides = array<i32>} : memref<80x128xf32, #tpu.memory_space<vmem>>, vector<1x16xf32>,
        %get3A_356 = arith.index_cast %scan3A_202 : i32 to index
        %get3A_357 = arith.constant 112 : index
        %get3A_358 = tpu.vector_load %arg9[%get3A_356, %get3A_357] {strides = array<i32>} : memref<80x128xf32, #tpu.memory_space<vmem>>, vector<1x16xf32>,
        %get3A_359 = vector.shape_cast %get3A_358 : vector<1x16xf32> to vector<16xf32>
        %get3A_360 = arith.index_cast %scan3A_202 : i32 to index
        %get3A_361 = arith.constant 112 : index
        %get3A_362 = tpu.vector_load %arg10[%get3A_360, %get3A_361] {strides = array<i32>} : memref<80x128xf32, #tpu.memory_space<vmem>>, vector<1x16xf32>,
        %get3A_363 = vector.shape_cast %get3A_362 : vector<1x16xf32> to vector<16xf32>
        %add3A_364 = arith.addf %get3A_359, %get3A_363 : vector<16xf32>
        %get3A_365 = arith.index_cast %scan3A_202 : i32 to index
        %get3A_366 = arith.constant 112 : index
        %get3A_367 = tpu.vector_load %arg11[%get3A_365, %get3A_366] {strides = array<i32>} : memref<80x128xf32, #tpu.memory_space<vmem>>, vector<1x16xf32>,
        %get3A_368 = vector.shape_cast %get3A_367 : vector<1x16xf32> to vector<16xf32>
        %add3A_369 = arith.addf %add3A_364, %get3A_368 : vector<16xf32>
        %max3A_370 = arith.constant 0.000000e+00 : f32
        %max3A_371 = vector.broadcast %max3A_370 : f32 to vector<16xf32>
        %max3A_372 = arith.maximumf %add3A_369, %max3A_371 : vector<16xf32>
        %swap3A_373 = arith.index_cast %scan3A_202 : i32 to index
        %swap3A_374 = arith.constant 112 : index
        %swap3A_375 = tpu.vector_load %arg11[%swap3A_373, %swap3A_374] {strides = array<i32>} : memref<80x128xf32, #tpu.memory_space<vmem>>, vector<1x16xf32>,
        %swap3A_376 = vector.shape_cast %swap3A_375 : vector<1x16xf32> to vector<16xf32>
        %swap3A_377 = vector.shape_cast %max3A_372 : vector<16xf32> to vector<1x16xf32>
        tpu.vector_store %arg11[%swap3A_373, %swap3A_374], %swap3A_377 {strides = array<i32>} : memref<80x128xf32, #tpu.memory_space<vmem>>, vector<1x16xf32>,
      }
      %scan3A_201 = arith.constant 80 : i32
      %run_scoped3A = arith.constant 1 : i32
      "tpu.region"() ({
        %run_scoped3A_202 = tpu.sem_alloc : memref<!tpu.dma_semaphore, #tpu.memory_space<semaphore_mem>>
        %dma_start3A_203 = arith.constant 0 : i32
        %dma_start3A_204 = tpu.memref_slice %arg6[%run_scoped3A, %dma_start3A_203] : memref<2x80xi32, #tpu.memory_space<vmem>> -> memref<1x80xi32, #tpu.memory_space<vmem>>
        %dma_start3A_205 = tpu.memref_squeeze %dma_start3A_204 : memref<1x80xi32, #tpu.memory_space<vmem>> -> memref<80xi32, #tpu.memory_space<vmem>>
        %dma_start3A_206 = arith.constant 0 : i32
        %dma_start3A_207 = arith.constant 0 : i32
        %dma_start3A_208 = tpu.memref_slice %arg12[%dma_start3A_206, %dma_start3A_207] : memref<10240x128xf32, #tpu.memory_space<vmem_shared>> -> memref<10240x128xf32, #tpu.memory_space<vmem_shared>>
        tpu.enqueue_indirect_dma source(%arg11 : memref<80x128xf32, #tpu.memory_space<vmem>>) target(%dma_start3A_208 : memref<10240x128xf32, #tpu.memory_space<vmem_shared>>) offsets(%dma_start3A_205 : memref<80xi32, #tpu.memory_space<vmem>>) semaphore(%run_scoped3A_202 : memref<!tpu.dma_semaphore, #tpu.memory_space<semaphore_mem>>) {add = true}
        %dma_wait3A_209 = arith.constant 0 : i32
        %dma_wait3A_210 = tpu.memref_slice %arg6[%run_scoped3A, %dma_wait3A_209] : memref<2x80xi32, #tpu.memory_space<vmem>> -> memref<1x80xi32, #tpu.memory_space<vmem>>
        %dma_wait3A_211 = tpu.memref_squeeze %dma_wait3A_210 : memref<1x80xi32, #tpu.memory_space<vmem>> -> memref<80xi32, #tpu.memory_space<vmem>>
        %dma_wait3A_212 = arith.constant 0 : i32
        %dma_wait3A_213 = arith.constant 0 : i32
        %dma_wait3A_214 = tpu.memref_slice %arg12[%dma_wait3A_212, %dma_wait3A_213] : memref<10240x128xf32, #tpu.memory_space<vmem_shared>> -> memref<10240x128xf32, #tpu.memory_space<vmem_shared>>
        tpu.wait_indirect_dma semaphore(%run_scoped3A_202 : memref<!tpu.dma_semaphore, #tpu.memory_space<semaphore_mem>>) src(%arg11 : memref<80x128xf32, #tpu.memory_space<vmem>>) dst(%dma_wait3A_214 : memref<10240x128xf32, #tpu.memory_space<vmem_shared>>)
        tpu.yield
      }) : () -> ()
    }
    %scan3A_46 = arith.constant 250 : i32
    %barrier3A_47 = arith.constant 0 : index
    tpu.barrier barrier_id(%barrier3A_47)
    %mul3A_48 = arith.constant 640 : i32
    %mul3A_49 = arith.muli %arg1, %mul3A_48 : i32
    %mul3A_50 = arith.constant 10240 : i32
    %mul3A_51 = arith.muli %arg0, %mul3A_50 : i32
    %mul3A_52 = arith.constant 640 : i32
    %mul3A_53 = arith.muli %arg1, %mul3A_52 : i32
    %add3A_54 = arith.addi %mul3A_51, %mul3A_53 : i32
    "tpu.region"() ({
      %run_scoped3A = tpu.sem_alloc : memref<!tpu.dma_semaphore, #tpu.memory_space<semaphore_mem>>
      %dma_start3A = arith.constant 0 : i32
      %dma_start3A_55 = tpu.memref_slice %arg5[%add3A_54, %dma_start3A] : memref<20480x128xf32, #tpu.memory_space<hbm>> -> memref<640x128xf32, #tpu.memory_space<hbm>>
      %dma_start3A_56 = arith.constant 0 : i32
      %dma_start3A_57 = tpu.memref_slice %arg12[%mul3A_49, %dma_start3A_56] : memref<10240x128xf32, #tpu.memory_space<vmem_shared>> -> memref<640x128xf32, #tpu.memory_space<vmem_shared>>
      tpu.enqueue_dma source(%dma_start3A_57 : memref<640x128xf32, #tpu.memory_space<vmem_shared>>) target(%dma_start3A_55 : memref<640x128xf32, #tpu.memory_space<hbm>>) target_semaphore(%run_scoped3A : memref<!tpu.dma_semaphore, #tpu.memory_space<semaphore_mem>>)
      %dma_wait3A = arith.constant 0 : i32
      %dma_wait3A_58 = tpu.memref_slice %arg5[%add3A_54, %dma_wait3A] : memref<20480x128xf32, #tpu.memory_space<hbm>> -> memref<640x128xf32, #tpu.memory_space<hbm>>
      %dma_wait3A_59 = arith.constant 0 : i32
      %dma_wait3A_60 = tpu.memref_slice %arg12[%mul3A_49, %dma_wait3A_59] : memref<10240x128xf32, #tpu.memory_space<vmem_shared>> -> memref<640x128xf32, #tpu.memory_space<vmem_shared>>
      tpu.wait_dma2 semaphore(%run_scoped3A : memref<!tpu.dma_semaphore, #tpu.memory_space<semaphore_mem>>) src(%dma_wait3A_60 : memref<640x128xf32, #tpu.memory_space<vmem_shared>>) dst(%dma_wait3A_58 : memref<640x128xf32, #tpu.memory_space<hbm>>)
      tpu.yield
    }) : () -> ()
    return
  }
}

#map = affine_map<(d0, d1) -> (0, 0, 0)>
#map1 = affine_map<(d0, d1) -> (0, 0)>
#map2 = affine_map<(d0, d1) -> (0, 0, 0, 0)>
module attributes {stable_mosaic.version = 14 : i64} {
  func.func @_sc_edge_body(%arg0: i32, %arg1: i32, %arg2: memref<4000x2x80xi32, #tpu.memory_space<hbm>>, %arg3: memref<40000x128xf32, #tpu.memory_space<hbm>>, %arg4: memref<3x2x320000x128xf32, #tpu.memory_space<hbm>>, %arg5: memref<20480x128xf32, #tpu.memory_space<hbm>>, %arg6: memref<2x80xi32, #tpu.memory_space<vmem>>, %arg7: memref<80xi32, #tpu.memory_space<vmem>>, %arg8: memref<80xi32, #tpu.memory_space<vmem>>, %arg9: memref<80x128xf32, #tpu.memory_space<vmem>>, %arg10: memref<80x128xf32, #tpu.memory_space<vmem>>, %arg11: memref<80x128xf32, #tpu.memory_space<vmem>>, %arg12: memref<10240x128xf32, #tpu.memory_space<vmem_shared>>, %arg13: memref<!tpu.dma_semaphore, #tpu.memory_space<semaphore_mem>>, %arg14: memref<!tpu.dma_semaphore, #tpu.memory_space<semaphore_mem>>, %arg15: memref<!tpu.dma_semaphore, #tpu.memory_space<semaphore_mem>>, %arg16: memref<!tpu.dma_semaphore, #tpu.memory_space<semaphore_mem>>) attributes {dimension_semantics = [#tpu.dimension_semantics<core_parallel>, #tpu.dimension_semantics<subcore_parallel>], iteration_bounds = array<i64: 2, 16>, scalar_prefetch = 0 : i64, scratch_operands = 11 : i64, tpu.core_type = #tpu.core_type<sc_vector_subcore>, window_params = [{transform_indices = #map}, {transform_indices = #map1}, {transform_indices = #map2}, {transform_indices = #map1}]} {
    %scan3A = arith.constant 0 : i32
    %scan3A_0 = arith.constant 0 : i32
    %scan3A_1 = arith.constant 80 : i32
    %scan3A_2 = arith.addi %scan3A_0, %scan3A_1 : i32
    %scan3A_3 = arith.constant 1 : i32
    scf.for %scan3A_55 = %scan3A_0 to %scan3A_2 step %scan3A_3  : i32 {
      %broadcast_in_dim3A = arith.constant 0.000000e+00 : f32
      %broadcast_in_dim3A_56 = vector.broadcast %broadcast_in_dim3A : f32 to vector<16xf32>
      %swap3A = arith.index_cast %scan3A_55 : i32 to index
      %swap3A_57 = arith.constant 0 : index
      %swap3A_58 = tpu.vector_load %arg11[%swap3A, %swap3A_57] {strides = array<i32>} : memref<80x128xf32, #tpu.memory_space<vmem>>, vector<1x16xf32>,
      %swap3A_59 = vector.shape_cast %swap3A_58 : vector<1x16xf32> to vector<16xf32>
      %swap3A_60 = vector.shape_cast %broadcast_in_dim3A_56 : vector<16xf32> to vector<1x16xf32>
      tpu.vector_store %arg11[%swap3A, %swap3A_57], %swap3A_60 {strides = array<i32>} : memref<80x128xf32, #tpu.memory_space<vmem>>, vector<1x16xf32>,
      %broadcast_in_dim3A_61 = arith.constant 0.000000e+00 : f32
      %broadcast_in_dim3A_62 = vector.broadcast %broadcast_in_dim3A_61 : f32 to vector<16xf32>
      %swap3A_63 = arith.index_cast %scan3A_55 : i32 to index
      %swap3A_64 = arith.constant 16 : index
      %swap3A_65 = tpu.vector_load %arg11[%swap3A_63, %swap3A_64] {strides = array<i32>} : memref<80x128xf32, #tpu.memory_space<vmem>>, vector<1x16xf32>,
      %swap3A_66 = vector.shape_cast %swap3A_65 : vector<1x16xf32> to vector<16xf32>
      %swap3A_67 = vector.shape_cast %broadcast_in_dim3A_62 : vector<16xf32> to vector<1x16xf32>
      tpu.vector_store %arg11[%swap3A_63, %swap3A_64], %swap3A_67 {strides = array<i32>} : memref<80x128xf32, #tpu.memory_space<vmem>>, vector<1x16xf32>,
      %broadcast_in_dim3A_68 = arith.constant 0.000000e+00 : f32
      %broadcast_in_dim3A_69 = vector.broadcast %broadcast_in_dim3A_68 : f32 to vector<16xf32>
      %swap3A_70 = arith.index_cast %scan3A_55 : i32 to index
      %swap3A_71 = arith.constant 32 : index
      %swap3A_72 = tpu.vector_load %arg11[%swap3A_70, %swap3A_71] {strides = array<i32>} : memref<80x128xf32, #tpu.memory_space<vmem>>, vector<1x16xf32>,
      %swap3A_73 = vector.shape_cast %swap3A_72 : vector<1x16xf32> to vector<16xf32>
      %swap3A_74 = vector.shape_cast %broadcast_in_dim3A_69 : vector<16xf32> to vector<1x16xf32>
      tpu.vector_store %arg11[%swap3A_70, %swap3A_71], %swap3A_74 {strides = array<i32>} : memref<80x128xf32, #tpu.memory_space<vmem>>, vector<1x16xf32>,
      %broadcast_in_dim3A_75 = arith.constant 0.000000e+00 : f32
      %broadcast_in_dim3A_76 = vector.broadcast %broadcast_in_dim3A_75 : f32 to vector<16xf32>
      %swap3A_77 = arith.index_cast %scan3A_55 : i32 to index
      %swap3A_78 = arith.constant 48 : index
      %swap3A_79 = tpu.vector_load %arg11[%swap3A_77, %swap3A_78] {strides = array<i32>} : memref<80x128xf32, #tpu.memory_space<vmem>>, vector<1x16xf32>,
      %swap3A_80 = vector.shape_cast %swap3A_79 : vector<1x16xf32> to vector<16xf32>
      %swap3A_81 = vector.shape_cast %broadcast_in_dim3A_76 : vector<16xf32> to vector<1x16xf32>
      tpu.vector_store %arg11[%swap3A_77, %swap3A_78], %swap3A_81 {strides = array<i32>} : memref<80x128xf32, #tpu.memory_space<vmem>>, vector<1x16xf32>,
      %broadcast_in_dim3A_82 = arith.constant 0.000000e+00 : f32
      %broadcast_in_dim3A_83 = vector.broadcast %broadcast_in_dim3A_82 : f32 to vector<16xf32>
      %swap3A_84 = arith.index_cast %scan3A_55 : i32 to index
      %swap3A_85 = arith.constant 64 : index
      %swap3A_86 = tpu.vector_load %arg11[%swap3A_84, %swap3A_85] {strides = array<i32>} : memref<80x128xf32, #tpu.memory_space<vmem>>, vector<1x16xf32>,
      %swap3A_87 = vector.shape_cast %swap3A_86 : vector<1x16xf32> to vector<16xf32>
      %swap3A_88 = vector.shape_cast %broadcast_in_dim3A_83 : vector<16xf32> to vector<1x16xf32>
      tpu.vector_store %arg11[%swap3A_84, %swap3A_85], %swap3A_88 {strides = array<i32>} : memref<80x128xf32, #tpu.memory_space<vmem>>, vector<1x16xf32>,
      %broadcast_in_dim3A_89 = arith.constant 0.000000e+00 : f32
      %broadcast_in_dim3A_90 = vector.broadcast %broadcast_in_dim3A_89 : f32 to vector<16xf32>
      %swap3A_91 = arith.index_cast %scan3A_55 : i32 to index
      %swap3A_92 = arith.constant 80 : index
      %swap3A_93 = tpu.vector_load %arg11[%swap3A_91, %swap3A_92] {strides = array<i32>} : memref<80x128xf32, #tpu.memory_space<vmem>>, vector<1x16xf32>,
      %swap3A_94 = vector.shape_cast %swap3A_93 : vector<1x16xf32> to vector<16xf32>
      %swap3A_95 = vector.shape_cast %broadcast_in_dim3A_90 : vector<16xf32> to vector<1x16xf32>
      tpu.vector_store %arg11[%swap3A_91, %swap3A_92], %swap3A_95 {strides = array<i32>} : memref<80x128xf32, #tpu.memory_space<vmem>>, vector<1x16xf32>,
      %broadcast_in_dim3A_96 = arith.constant 0.000000e+00 : f32
      %broadcast_in_dim3A_97 = vector.broadcast %broadcast_in_dim3A_96 : f32 to vector<16xf32>
      %swap3A_98 = arith.index_cast %scan3A_55 : i32 to index
      %swap3A_99 = arith.constant 96 : index
      %swap3A_100 = tpu.vector_load %arg11[%swap3A_98, %swap3A_99] {strides = array<i32>} : memref<80x128xf32, #tpu.memory_space<vmem>>, vector<1x16xf32>,
      %swap3A_101 = vector.shape_cast %swap3A_100 : vector<1x16xf32> to vector<16xf32>
      %swap3A_102 = vector.shape_cast %broadcast_in_dim3A_97 : vector<16xf32> to vector<1x16xf32>
      tpu.vector_store %arg11[%swap3A_98, %swap3A_99], %swap3A_102 {strides = array<i32>} : memref<80x128xf32, #tpu.memory_space<vmem>>, vector<1x16xf32>,
      %broadcast_in_dim3A_103 = arith.constant 0.000000e+00 : f32
      %broadcast_in_dim3A_104 = vector.broadcast %broadcast_in_dim3A_103 : f32 to vector<16xf32>
      %swap3A_105 = arith.index_cast %scan3A_55 : i32 to index
      %swap3A_106 = arith.constant 112 : index
      %swap3A_107 = tpu.vector_load %arg11[%swap3A_105, %swap3A_106] {strides = array<i32>} : memref<80x128xf32, #tpu.memory_space<vmem>>, vector<1x16xf32>,
      %swap3A_108 = vector.shape_cast %swap3A_107 : vector<1x16xf32> to vector<16xf32>
      %swap3A_109 = vector.shape_cast %broadcast_in_dim3A_104 : vector<16xf32> to vector<1x16xf32>
      tpu.vector_store %arg11[%swap3A_105, %swap3A_106], %swap3A_109 {strides = array<i32>} : memref<80x128xf32, #tpu.memory_space<vmem>>, vector<1x16xf32>,
    }
    %scan3A_4 = arith.constant 80 : i32
    %mul3A = arith.constant 640 : i32
    %mul3A_5 = arith.muli %arg1, %mul3A : i32
    %add3A = arith.constant 0 : i32
    %add3A_6 = arith.addi %mul3A_5, %add3A : i32
    "tpu.region"() ({
      %run_scoped3A = tpu.sem_alloc : memref<!tpu.dma_semaphore, #tpu.memory_space<semaphore_mem>>
      %dma_start3A = arith.constant 0 : i32
      %dma_start3A_55 = tpu.memref_slice %arg12[%add3A_6, %dma_start3A] : memref<10240x128xf32, #tpu.memory_space<vmem_shared>> -> memref<80x128xf32, #tpu.memory_space<vmem_shared>>
      %dma_start3A_56 = arith.constant 0 : i32
      %dma_start3A_57 = tpu.memref_slice %arg12[%add3A_6, %dma_start3A_56] : memref<10240x128xf32, #tpu.memory_space<vmem_shared>> -> memref<80x128xf32, #tpu.memory_space<vmem_shared>>
      tpu.enqueue_dma source(%arg11 : memref<80x128xf32, #tpu.memory_space<vmem>>) target(%dma_start3A_57 : memref<80x128xf32, #tpu.memory_space<vmem_shared>>) target_semaphore(%run_scoped3A : memref<!tpu.dma_semaphore, #tpu.memory_space<semaphore_mem>>)
      %dma_wait3A = arith.constant 0 : i32
      %dma_wait3A_58 = tpu.memref_slice %arg12[%add3A_6, %dma_wait3A] : memref<10240x128xf32, #tpu.memory_space<vmem_shared>> -> memref<80x128xf32, #tpu.memory_space<vmem_shared>>
      %dma_wait3A_59 = arith.constant 0 : i32
      %dma_wait3A_60 = tpu.memref_slice %arg12[%add3A_6, %dma_wait3A_59] : memref<10240x128xf32, #tpu.memory_space<vmem_shared>> -> memref<80x128xf32, #tpu.memory_space<vmem_shared>>
      tpu.wait_dma2 semaphore(%run_scoped3A : memref<!tpu.dma_semaphore, #tpu.memory_space<semaphore_mem>>) src(%arg11 : memref<80x128xf32, #tpu.memory_space<vmem>>) dst(%dma_wait3A_60 : memref<80x128xf32, #tpu.memory_space<vmem_shared>>)
      tpu.yield
    }) : () -> ()
    %mul3A_7 = arith.constant 640 : i32
    %mul3A_8 = arith.muli %arg1, %mul3A_7 : i32
    %add3A_9 = arith.constant 80 : i32
    %add3A_10 = arith.addi %mul3A_8, %add3A_9 : i32
    "tpu.region"() ({
      %run_scoped3A = tpu.sem_alloc : memref<!tpu.dma_semaphore, #tpu.memory_space<semaphore_mem>>
      %dma_start3A = arith.constant 0 : i32
      %dma_start3A_55 = tpu.memref_slice %arg12[%add3A_10, %dma_start3A] : memref<10240x128xf32, #tpu.memory_space<vmem_shared>> -> memref<80x128xf32, #tpu.memory_space<vmem_shared>>
      %dma_start3A_56 = arith.constant 0 : i32
      %dma_start3A_57 = tpu.memref_slice %arg12[%add3A_10, %dma_start3A_56] : memref<10240x128xf32, #tpu.memory_space<vmem_shared>> -> memref<80x128xf32, #tpu.memory_space<vmem_shared>>
      tpu.enqueue_dma source(%arg11 : memref<80x128xf32, #tpu.memory_space<vmem>>) target(%dma_start3A_57 : memref<80x128xf32, #tpu.memory_space<vmem_shared>>) target_semaphore(%run_scoped3A : memref<!tpu.dma_semaphore, #tpu.memory_space<semaphore_mem>>)
      %dma_wait3A = arith.constant 0 : i32
      %dma_wait3A_58 = tpu.memref_slice %arg12[%add3A_10, %dma_wait3A] : memref<10240x128xf32, #tpu.memory_space<vmem_shared>> -> memref<80x128xf32, #tpu.memory_space<vmem_shared>>
      %dma_wait3A_59 = arith.constant 0 : i32
      %dma_wait3A_60 = tpu.memref_slice %arg12[%add3A_10, %dma_wait3A_59] : memref<10240x128xf32, #tpu.memory_space<vmem_shared>> -> memref<80x128xf32, #tpu.memory_space<vmem_shared>>
      tpu.wait_dma2 semaphore(%run_scoped3A : memref<!tpu.dma_semaphore, #tpu.memory_space<semaphore_mem>>) src(%arg11 : memref<80x128xf32, #tpu.memory_space<vmem>>) dst(%dma_wait3A_60 : memref<80x128xf32, #tpu.memory_space<vmem_shared>>)
      tpu.yield
    }) : () -> ()
    %mul3A_11 = arith.constant 640 : i32
    %mul3A_12 = arith.muli %arg1, %mul3A_11 : i32
    %add3A_13 = arith.constant 160 : i32
    %add3A_14 = arith.addi %mul3A_12, %add3A_13 : i32
    "tpu.region"() ({
      %run_scoped3A = tpu.sem_alloc : memref<!tpu.dma_semaphore, #tpu.memory_space<semaphore_mem>>
      %dma_start3A = arith.constant 0 : i32
      %dma_start3A_55 = tpu.memref_slice %arg12[%add3A_14, %dma_start3A] : memref<10240x128xf32, #tpu.memory_space<vmem_shared>> -> memref<80x128xf32, #tpu.memory_space<vmem_shared>>
      %dma_start3A_56 = arith.constant 0 : i32
      %dma_start3A_57 = tpu.memref_slice %arg12[%add3A_14, %dma_start3A_56] : memref<10240x128xf32, #tpu.memory_space<vmem_shared>> -> memref<80x128xf32, #tpu.memory_space<vmem_shared>>
      tpu.enqueue_dma source(%arg11 : memref<80x128xf32, #tpu.memory_space<vmem>>) target(%dma_start3A_57 : memref<80x128xf32, #tpu.memory_space<vmem_shared>>) target_semaphore(%run_scoped3A : memref<!tpu.dma_semaphore, #tpu.memory_space<semaphore_mem>>)
      %dma_wait3A = arith.constant 0 : i32
      %dma_wait3A_58 = tpu.memref_slice %arg12[%add3A_14, %dma_wait3A] : memref<10240x128xf32, #tpu.memory_space<vmem_shared>> -> memref<80x128xf32, #tpu.memory_space<vmem_shared>>
      %dma_wait3A_59 = arith.constant 0 : i32
      %dma_wait3A_60 = tpu.memref_slice %arg12[%add3A_14, %dma_wait3A_59] : memref<10240x128xf32, #tpu.memory_space<vmem_shared>> -> memref<80x128xf32, #tpu.memory_space<vmem_shared>>
      tpu.wait_dma2 semaphore(%run_scoped3A : memref<!tpu.dma_semaphore, #tpu.memory_space<semaphore_mem>>) src(%arg11 : memref<80x128xf32, #tpu.memory_space<vmem>>) dst(%dma_wait3A_60 : memref<80x128xf32, #tpu.memory_space<vmem_shared>>)
      tpu.yield
    }) : () -> ()
    %mul3A_15 = arith.constant 640 : i32
    %mul3A_16 = arith.muli %arg1, %mul3A_15 : i32
    %add3A_17 = arith.constant 240 : i32
    %add3A_18 = arith.addi %mul3A_16, %add3A_17 : i32
    "tpu.region"() ({
      %run_scoped3A = tpu.sem_alloc : memref<!tpu.dma_semaphore, #tpu.memory_space<semaphore_mem>>
      %dma_start3A = arith.constant 0 : i32
      %dma_start3A_55 = tpu.memref_slice %arg12[%add3A_18, %dma_start3A] : memref<10240x128xf32, #tpu.memory_space<vmem_shared>> -> memref<80x128xf32, #tpu.memory_space<vmem_shared>>
      %dma_start3A_56 = arith.constant 0 : i32
      %dma_start3A_57 = tpu.memref_slice %arg12[%add3A_18, %dma_start3A_56] : memref<10240x128xf32, #tpu.memory_space<vmem_shared>> -> memref<80x128xf32, #tpu.memory_space<vmem_shared>>
      tpu.enqueue_dma source(%arg11 : memref<80x128xf32, #tpu.memory_space<vmem>>) target(%dma_start3A_57 : memref<80x128xf32, #tpu.memory_space<vmem_shared>>) target_semaphore(%run_scoped3A : memref<!tpu.dma_semaphore, #tpu.memory_space<semaphore_mem>>)
      %dma_wait3A = arith.constant 0 : i32
      %dma_wait3A_58 = tpu.memref_slice %arg12[%add3A_18, %dma_wait3A] : memref<10240x128xf32, #tpu.memory_space<vmem_shared>> -> memref<80x128xf32, #tpu.memory_space<vmem_shared>>
      %dma_wait3A_59 = arith.constant 0 : i32
      %dma_wait3A_60 = tpu.memref_slice %arg12[%add3A_18, %dma_wait3A_59] : memref<10240x128xf32, #tpu.memory_space<vmem_shared>> -> memref<80x128xf32, #tpu.memory_space<vmem_shared>>
      tpu.wait_dma2 semaphore(%run_scoped3A : memref<!tpu.dma_semaphore, #tpu.memory_space<semaphore_mem>>) src(%arg11 : memref<80x128xf32, #tpu.memory_space<vmem>>) dst(%dma_wait3A_60 : memref<80x128xf32, #tpu.memory_space<vmem_shared>>)
      tpu.yield
    }) : () -> ()
    %mul3A_19 = arith.constant 640 : i32
    %mul3A_20 = arith.muli %arg1, %mul3A_19 : i32
    %add3A_21 = arith.constant 320 : i32
    %add3A_22 = arith.addi %mul3A_20, %add3A_21 : i32
    "tpu.region"() ({
      %run_scoped3A = tpu.sem_alloc : memref<!tpu.dma_semaphore, #tpu.memory_space<semaphore_mem>>
      %dma_start3A = arith.constant 0 : i32
      %dma_start3A_55 = tpu.memref_slice %arg12[%add3A_22, %dma_start3A] : memref<10240x128xf32, #tpu.memory_space<vmem_shared>> -> memref<80x128xf32, #tpu.memory_space<vmem_shared>>
      %dma_start3A_56 = arith.constant 0 : i32
      %dma_start3A_57 = tpu.memref_slice %arg12[%add3A_22, %dma_start3A_56] : memref<10240x128xf32, #tpu.memory_space<vmem_shared>> -> memref<80x128xf32, #tpu.memory_space<vmem_shared>>
      tpu.enqueue_dma source(%arg11 : memref<80x128xf32, #tpu.memory_space<vmem>>) target(%dma_start3A_57 : memref<80x128xf32, #tpu.memory_space<vmem_shared>>) target_semaphore(%run_scoped3A : memref<!tpu.dma_semaphore, #tpu.memory_space<semaphore_mem>>)
      %dma_wait3A = arith.constant 0 : i32
      %dma_wait3A_58 = tpu.memref_slice %arg12[%add3A_22, %dma_wait3A] : memref<10240x128xf32, #tpu.memory_space<vmem_shared>> -> memref<80x128xf32, #tpu.memory_space<vmem_shared>>
      %dma_wait3A_59 = arith.constant 0 : i32
      %dma_wait3A_60 = tpu.memref_slice %arg12[%add3A_22, %dma_wait3A_59] : memref<10240x128xf32, #tpu.memory_space<vmem_shared>> -> memref<80x128xf32, #tpu.memory_space<vmem_shared>>
      tpu.wait_dma2 semaphore(%run_scoped3A : memref<!tpu.dma_semaphore, #tpu.memory_space<semaphore_mem>>) src(%arg11 : memref<80x128xf32, #tpu.memory_space<vmem>>) dst(%dma_wait3A_60 : memref<80x128xf32, #tpu.memory_space<vmem_shared>>)
      tpu.yield
    }) : () -> ()
    %mul3A_23 = arith.constant 640 : i32
    %mul3A_24 = arith.muli %arg1, %mul3A_23 : i32
    %add3A_25 = arith.constant 400 : i32
    %add3A_26 = arith.addi %mul3A_24, %add3A_25 : i32
    "tpu.region"() ({
      %run_scoped3A = tpu.sem_alloc : memref<!tpu.dma_semaphore, #tpu.memory_space<semaphore_mem>>
      %dma_start3A = arith.constant 0 : i32
      %dma_start3A_55 = tpu.memref_slice %arg12[%add3A_26, %dma_start3A] : memref<10240x128xf32, #tpu.memory_space<vmem_shared>> -> memref<80x128xf32, #tpu.memory_space<vmem_shared>>
      %dma_start3A_56 = arith.constant 0 : i32
      %dma_start3A_57 = tpu.memref_slice %arg12[%add3A_26, %dma_start3A_56] : memref<10240x128xf32, #tpu.memory_space<vmem_shared>> -> memref<80x128xf32, #tpu.memory_space<vmem_shared>>
      tpu.enqueue_dma source(%arg11 : memref<80x128xf32, #tpu.memory_space<vmem>>) target(%dma_start3A_57 : memref<80x128xf32, #tpu.memory_space<vmem_shared>>) target_semaphore(%run_scoped3A : memref<!tpu.dma_semaphore, #tpu.memory_space<semaphore_mem>>)
      %dma_wait3A = arith.constant 0 : i32
      %dma_wait3A_58 = tpu.memref_slice %arg12[%add3A_26, %dma_wait3A] : memref<10240x128xf32, #tpu.memory_space<vmem_shared>> -> memref<80x128xf32, #tpu.memory_space<vmem_shared>>
      %dma_wait3A_59 = arith.constant 0 : i32
      %dma_wait3A_60 = tpu.memref_slice %arg12[%add3A_26, %dma_wait3A_59] : memref<10240x128xf32, #tpu.memory_space<vmem_shared>> -> memref<80x128xf32, #tpu.memory_space<vmem_shared>>
      tpu.wait_dma2 semaphore(%run_scoped3A : memref<!tpu.dma_semaphore, #tpu.memory_space<semaphore_mem>>) src(%arg11 : memref<80x128xf32, #tpu.memory_space<vmem>>) dst(%dma_wait3A_60 : memref<80x128xf32, #tpu.memory_space<vmem_shared>>)
      tpu.yield
    }) : () -> ()
    %mul3A_27 = arith.constant 640 : i32
    %mul3A_28 = arith.muli %arg1, %mul3A_27 : i32
    %add3A_29 = arith.constant 480 : i32
    %add3A_30 = arith.addi %mul3A_28, %add3A_29 : i32
    "tpu.region"() ({
      %run_scoped3A = tpu.sem_alloc : memref<!tpu.dma_semaphore, #tpu.memory_space<semaphore_mem>>
      %dma_start3A = arith.constant 0 : i32
      %dma_start3A_55 = tpu.memref_slice %arg12[%add3A_30, %dma_start3A] : memref<10240x128xf32, #tpu.memory_space<vmem_shared>> -> memref<80x128xf32, #tpu.memory_space<vmem_shared>>
      %dma_start3A_56 = arith.constant 0 : i32
      %dma_start3A_57 = tpu.memref_slice %arg12[%add3A_30, %dma_start3A_56] : memref<10240x128xf32, #tpu.memory_space<vmem_shared>> -> memref<80x128xf32, #tpu.memory_space<vmem_shared>>
      tpu.enqueue_dma source(%arg11 : memref<80x128xf32, #tpu.memory_space<vmem>>) target(%dma_start3A_57 : memref<80x128xf32, #tpu.memory_space<vmem_shared>>) target_semaphore(%run_scoped3A : memref<!tpu.dma_semaphore, #tpu.memory_space<semaphore_mem>>)
      %dma_wait3A = arith.constant 0 : i32
      %dma_wait3A_58 = tpu.memref_slice %arg12[%add3A_30, %dma_wait3A] : memref<10240x128xf32, #tpu.memory_space<vmem_shared>> -> memref<80x128xf32, #tpu.memory_space<vmem_shared>>
      %dma_wait3A_59 = arith.constant 0 : i32
      %dma_wait3A_60 = tpu.memref_slice %arg12[%add3A_30, %dma_wait3A_59] : memref<10240x128xf32, #tpu.memory_space<vmem_shared>> -> memref<80x128xf32, #tpu.memory_space<vmem_shared>>
      tpu.wait_dma2 semaphore(%run_scoped3A : memref<!tpu.dma_semaphore, #tpu.memory_space<semaphore_mem>>) src(%arg11 : memref<80x128xf32, #tpu.memory_space<vmem>>) dst(%dma_wait3A_60 : memref<80x128xf32, #tpu.memory_space<vmem_shared>>)
      tpu.yield
    }) : () -> ()
    %mul3A_31 = arith.constant 640 : i32
    %mul3A_32 = arith.muli %arg1, %mul3A_31 : i32
    %add3A_33 = arith.constant 560 : i32
    %add3A_34 = arith.addi %mul3A_32, %add3A_33 : i32
    "tpu.region"() ({
      %run_scoped3A = tpu.sem_alloc : memref<!tpu.dma_semaphore, #tpu.memory_space<semaphore_mem>>
      %dma_start3A = arith.constant 0 : i32
      %dma_start3A_55 = tpu.memref_slice %arg12[%add3A_34, %dma_start3A] : memref<10240x128xf32, #tpu.memory_space<vmem_shared>> -> memref<80x128xf32, #tpu.memory_space<vmem_shared>>
      %dma_start3A_56 = arith.constant 0 : i32
      %dma_start3A_57 = tpu.memref_slice %arg12[%add3A_34, %dma_start3A_56] : memref<10240x128xf32, #tpu.memory_space<vmem_shared>> -> memref<80x128xf32, #tpu.memory_space<vmem_shared>>
      tpu.enqueue_dma source(%arg11 : memref<80x128xf32, #tpu.memory_space<vmem>>) target(%dma_start3A_57 : memref<80x128xf32, #tpu.memory_space<vmem_shared>>) target_semaphore(%run_scoped3A : memref<!tpu.dma_semaphore, #tpu.memory_space<semaphore_mem>>)
      %dma_wait3A = arith.constant 0 : i32
      %dma_wait3A_58 = tpu.memref_slice %arg12[%add3A_34, %dma_wait3A] : memref<10240x128xf32, #tpu.memory_space<vmem_shared>> -> memref<80x128xf32, #tpu.memory_space<vmem_shared>>
      %dma_wait3A_59 = arith.constant 0 : i32
      %dma_wait3A_60 = tpu.memref_slice %arg12[%add3A_34, %dma_wait3A_59] : memref<10240x128xf32, #tpu.memory_space<vmem_shared>> -> memref<80x128xf32, #tpu.memory_space<vmem_shared>>
      tpu.wait_dma2 semaphore(%run_scoped3A : memref<!tpu.dma_semaphore, #tpu.memory_space<semaphore_mem>>) src(%arg11 : memref<80x128xf32, #tpu.memory_space<vmem>>) dst(%dma_wait3A_60 : memref<80x128xf32, #tpu.memory_space<vmem_shared>>)
      tpu.yield
    }) : () -> ()
    %barrier3A = arith.constant 0 : index
    tpu.barrier barrier_id(%barrier3A)
    %mul3A_35 = arith.constant 10000 : i32
    %mul3A_36 = arith.muli %arg0, %mul3A_35 : i32
    %add3A_37 = arith.constant 2 : i32
    %add3A_38 = arith.addi %add3A_37, %arg0 : i32
    %mul3A_39 = arith.constant 10000 : i32
    %mul3A_40 = arith.muli %add3A_38, %mul3A_39 : i32
    %scan3A_41 = arith.constant 0 : i32
    %scan3A_42 = arith.constant 0 : i32
    %scan3A_43 = arith.constant 250 : i32
    %scan3A_44 = arith.addi %scan3A_42, %scan3A_43 : i32
    %scan3A_45 = arith.constant 1 : i32
    scf.for %scan3A_55 = %scan3A_42 to %scan3A_44 step %scan3A_45  : i32 {
      %mul3A_56 = arith.constant 20000 : i32
      %mul3A_57 = arith.muli %arg1, %mul3A_56 : i32
      %mul3A_58 = arith.constant 80 : i32
      %mul3A_59 = arith.muli %scan3A_55, %mul3A_58 : i32
      %add3A_60 = arith.addi %mul3A_57, %mul3A_59 : i32
      %mul3A_61 = arith.constant 250 : i32
      %mul3A_62 = arith.muli %arg1, %mul3A_61 : i32
      %add3A_63 = arith.addi %mul3A_62, %scan3A_55 : i32
      "tpu.region"() ({
        %run_scoped3A_202 = tpu.sem_alloc : memref<!tpu.dma_semaphore, #tpu.memory_space<semaphore_mem>>
        %dma_start3A_203 = arith.constant 0 : i32
        %dma_start3A_204 = arith.constant 0 : i32
        %dma_start3A_205 = tpu.memref_slice %arg2[%add3A_63, %dma_start3A_203, %dma_start3A_204] : memref<4000x2x80xi32, #tpu.memory_space<hbm>> -> memref<1x2x80xi32, #tpu.memory_space<hbm>>
        %dma_start3A_206 = tpu.memref_squeeze %dma_start3A_205 : memref<1x2x80xi32, #tpu.memory_space<hbm>> -> memref<2x80xi32, #tpu.memory_space<hbm>>
        %dma_start3A_207 = arith.constant 0 : i32
        %dma_start3A_208 = arith.constant 0 : i32
        %dma_start3A_209 = tpu.memref_slice %arg2[%add3A_63, %dma_start3A_207, %dma_start3A_208] : memref<4000x2x80xi32, #tpu.memory_space<hbm>> -> memref<1x2x80xi32, #tpu.memory_space<hbm>>
        %dma_start3A_210 = tpu.memref_squeeze %dma_start3A_209 : memref<1x2x80xi32, #tpu.memory_space<hbm>> -> memref<2x80xi32, #tpu.memory_space<hbm>>
        tpu.enqueue_dma source(%dma_start3A_210 : memref<2x80xi32, #tpu.memory_space<hbm>>) target(%arg6 : memref<2x80xi32, #tpu.memory_space<vmem>>) target_semaphore(%run_scoped3A_202 : memref<!tpu.dma_semaphore, #tpu.memory_space<semaphore_mem>>)
        %dma_wait3A_211 = arith.constant 0 : i32
        %dma_wait3A_212 = arith.constant 0 : i32
        %dma_wait3A_213 = tpu.memref_slice %arg2[%add3A_63, %dma_wait3A_211, %dma_wait3A_212] : memref<4000x2x80xi32, #tpu.memory_space<hbm>> -> memref<1x2x80xi32, #tpu.memory_space<hbm>>
        %dma_wait3A_214 = tpu.memref_squeeze %dma_wait3A_213 : memref<1x2x80xi32, #tpu.memory_space<hbm>> -> memref<2x80xi32, #tpu.memory_space<hbm>>
        %dma_wait3A_215 = arith.constant 0 : i32
        %dma_wait3A_216 = arith.constant 0 : i32
        %dma_wait3A_217 = tpu.memref_slice %arg2[%add3A_63, %dma_wait3A_215, %dma_wait3A_216] : memref<4000x2x80xi32, #tpu.memory_space<hbm>> -> memref<1x2x80xi32, #tpu.memory_space<hbm>>
        %dma_wait3A_218 = tpu.memref_squeeze %dma_wait3A_217 : memref<1x2x80xi32, #tpu.memory_space<hbm>> -> memref<2x80xi32, #tpu.memory_space<hbm>>
        tpu.wait_dma2 semaphore(%run_scoped3A_202 : memref<!tpu.dma_semaphore, #tpu.memory_space<semaphore_mem>>) src(%dma_wait3A_218 : memref<2x80xi32, #tpu.memory_space<hbm>>) dst(%arg6 : memref<2x80xi32, #tpu.memory_space<vmem>>)
        tpu.yield
      }) : () -> ()
      %get3A = arith.constant 0 : i32
      %get3A_64 = arith.index_cast %get3A : i32 to index
      %get3A_65 = arith.constant 0 : index
      %get3A_66 = tpu.vector_load %arg6[%get3A_64, %get3A_65] {strides = array<i32>} : memref<2x80xi32, #tpu.memory_space<vmem>>, vector<1x16xi32>,
      %get3A_67 = vector.shape_cast %get3A_66 : vector<1x16xi32> to vector<16xi32>
      %add3A_68 = vector.broadcast %mul3A_36 : i32 to vector<16xi32>
      %add3A_69 = arith.addi %get3A_67, %add3A_68 : vector<16xi32>
      %swap3A = arith.constant 0 : index
      %swap3A_70 = tpu.vector_load %arg7[%swap3A] {strides = array<i32>} : memref<80xi32, #tpu.memory_space<vmem>>, vector<16xi32>,
      %swap3A_71 = vector.shape_cast %swap3A_70 : vector<16xi32> to vector<16xi32>
      %swap3A_72 = vector.shape_cast %add3A_69 : vector<16xi32> to vector<16xi32>
      tpu.vector_store %arg7[%swap3A], %swap3A_72 {strides = array<i32>} : memref<80xi32, #tpu.memory_space<vmem>>, vector<16xi32>,
      %get3A_73 = arith.constant 1 : i32
      %get3A_74 = arith.index_cast %get3A_73 : i32 to index
      %get3A_75 = arith.constant 0 : index
      %get3A_76 = tpu.vector_load %arg6[%get3A_74, %get3A_75] {strides = array<i32>} : memref<2x80xi32, #tpu.memory_space<vmem>>, vector<1x16xi32>,
      %get3A_77 = vector.shape_cast %get3A_76 : vector<1x16xi32> to vector<16xi32>
      %add3A_78 = vector.broadcast %mul3A_40 : i32 to vector<16xi32>
      %add3A_79 = arith.addi %get3A_77, %add3A_78 : vector<16xi32>
      %swap3A_80 = arith.constant 0 : index
      %swap3A_81 = tpu.vector_load %arg8[%swap3A_80] {strides = array<i32>} : memref<80xi32, #tpu.memory_space<vmem>>, vector<16xi32>,
      %swap3A_82 = vector.shape_cast %swap3A_81 : vector<16xi32> to vector<16xi32>
      %swap3A_83 = vector.shape_cast %add3A_79 : vector<16xi32> to vector<16xi32>
      tpu.vector_store %arg8[%swap3A_80], %swap3A_83 {strides = array<i32>} : memref<80xi32, #tpu.memory_space<vmem>>, vector<16xi32>,
      %get3A_84 = arith.constant 0 : i32
      %get3A_85 = arith.index_cast %get3A_84 : i32 to index
      %get3A_86 = arith.constant 16 : index
      %get3A_87 = tpu.vector_load %arg6[%get3A_85, %get3A_86] {strides = array<i32>} : memref<2x80xi32, #tpu.memory_space<vmem>>, vector<1x16xi32>,
      %get3A_88 = vector.shape_cast %get3A_87 : vector<1x16xi32> to vector<16xi32>
      %add3A_89 = vector.broadcast %mul3A_36 : i32 to vector<16xi32>
      %add3A_90 = arith.addi %get3A_88, %add3A_89 : vector<16xi32>
      %swap3A_91 = arith.constant 16 : index
      %swap3A_92 = tpu.vector_load %arg7[%swap3A_91] {strides = array<i32>} : memref<80xi32, #tpu.memory_space<vmem>>, vector<16xi32>,
      %swap3A_93 = vector.shape_cast %swap3A_92 : vector<16xi32> to vector<16xi32>
      %swap3A_94 = vector.shape_cast %add3A_90 : vector<16xi32> to vector<16xi32>
      tpu.vector_store %arg7[%swap3A_91], %swap3A_94 {strides = array<i32>} : memref<80xi32, #tpu.memory_space<vmem>>, vector<16xi32>,
      %get3A_95 = arith.constant 1 : i32
      %get3A_96 = arith.index_cast %get3A_95 : i32 to index
      %get3A_97 = arith.constant 16 : index
      %get3A_98 = tpu.vector_load %arg6[%get3A_96, %get3A_97] {strides = array<i32>} : memref<2x80xi32, #tpu.memory_space<vmem>>, vector<1x16xi32>,
      %get3A_99 = vector.shape_cast %get3A_98 : vector<1x16xi32> to vector<16xi32>
      %add3A_100 = vector.broadcast %mul3A_40 : i32 to vector<16xi32>
      %add3A_101 = arith.addi %get3A_99, %add3A_100 : vector<16xi32>
      %swap3A_102 = arith.constant 16 : index
      %swap3A_103 = tpu.vector_load %arg8[%swap3A_102] {strides = array<i32>} : memref<80xi32, #tpu.memory_space<vmem>>, vector<16xi32>,
      %swap3A_104 = vector.shape_cast %swap3A_103 : vector<16xi32> to vector<16xi32>
      %swap3A_105 = vector.shape_cast %add3A_101 : vector<16xi32> to vector<16xi32>
      tpu.vector_store %arg8[%swap3A_102], %swap3A_105 {strides = array<i32>} : memref<80xi32, #tpu.memory_space<vmem>>, vector<16xi32>,
      %get3A_106 = arith.constant 0 : i32
      %get3A_107 = arith.index_cast %get3A_106 : i32 to index
      %get3A_108 = arith.constant 32 : index
      %get3A_109 = tpu.vector_load %arg6[%get3A_107, %get3A_108] {strides = array<i32>} : memref<2x80xi32, #tpu.memory_space<vmem>>, vector<1x16xi32>,
      %get3A_110 = vector.shape_cast %get3A_109 : vector<1x16xi32> to vector<16xi32>
      %add3A_111 = vector.broadcast %mul3A_36 : i32 to vector<16xi32>
      %add3A_112 = arith.addi %get3A_110, %add3A_111 : vector<16xi32>
      %swap3A_113 = arith.constant 32 : index
      %swap3A_114 = tpu.vector_load %arg7[%swap3A_113] {strides = array<i32>} : memref<80xi32, #tpu.memory_space<vmem>>, vector<16xi32>,
      %swap3A_115 = vector.shape_cast %swap3A_114 : vector<16xi32> to vector<16xi32>
      %swap3A_116 = vector.shape_cast %add3A_112 : vector<16xi32> to vector<16xi32>
      tpu.vector_store %arg7[%swap3A_113], %swap3A_116 {strides = array<i32>} : memref<80xi32, #tpu.memory_space<vmem>>, vector<16xi32>,
      %get3A_117 = arith.constant 1 : i32
      %get3A_118 = arith.index_cast %get3A_117 : i32 to index
      %get3A_119 = arith.constant 32 : index
      %get3A_120 = tpu.vector_load %arg6[%get3A_118, %get3A_119] {strides = array<i32>} : memref<2x80xi32, #tpu.memory_space<vmem>>, vector<1x16xi32>,
      %get3A_121 = vector.shape_cast %get3A_120 : vector<1x16xi32> to vector<16xi32>
      %add3A_122 = vector.broadcast %mul3A_40 : i32 to vector<16xi32>
      %add3A_123 = arith.addi %get3A_121, %add3A_122 : vector<16xi32>
      %swap3A_124 = arith.constant 32 : index
      %swap3A_125 = tpu.vector_load %arg8[%swap3A_124] {strides = array<i32>} : memref<80xi32, #tpu.memory_space<vmem>>, vector<16xi32>,
      %swap3A_126 = vector.shape_cast %swap3A_125 : vector<16xi32> to vector<16xi32>
      %swap3A_127 = vector.shape_cast %add3A_123 : vector<16xi32> to vector<16xi32>
      tpu.vector_store %arg8[%swap3A_124], %swap3A_127 {strides = array<i32>} : memref<80xi32, #tpu.memory_space<vmem>>, vector<16xi32>,
      %get3A_128 = arith.constant 0 : i32
      %get3A_129 = arith.index_cast %get3A_128 : i32 to index
      %get3A_130 = arith.constant 48 : index
      %get3A_131 = tpu.vector_load %arg6[%get3A_129, %get3A_130] {strides = array<i32>} : memref<2x80xi32, #tpu.memory_space<vmem>>, vector<1x16xi32>,
      %get3A_132 = vector.shape_cast %get3A_131 : vector<1x16xi32> to vector<16xi32>
      %add3A_133 = vector.broadcast %mul3A_36 : i32 to vector<16xi32>
      %add3A_134 = arith.addi %get3A_132, %add3A_133 : vector<16xi32>
      %swap3A_135 = arith.constant 48 : index
      %swap3A_136 = tpu.vector_load %arg7[%swap3A_135] {strides = array<i32>} : memref<80xi32, #tpu.memory_space<vmem>>, vector<16xi32>,
      %swap3A_137 = vector.shape_cast %swap3A_136 : vector<16xi32> to vector<16xi32>
      %swap3A_138 = vector.shape_cast %add3A_134 : vector<16xi32> to vector<16xi32>
      tpu.vector_store %arg7[%swap3A_135], %swap3A_138 {strides = array<i32>} : memref<80xi32, #tpu.memory_space<vmem>>, vector<16xi32>,
      %get3A_139 = arith.constant 1 : i32
      %get3A_140 = arith.index_cast %get3A_139 : i32 to index
      %get3A_141 = arith.constant 48 : index
      %get3A_142 = tpu.vector_load %arg6[%get3A_140, %get3A_141] {strides = array<i32>} : memref<2x80xi32, #tpu.memory_space<vmem>>, vector<1x16xi32>,
      %get3A_143 = vector.shape_cast %get3A_142 : vector<1x16xi32> to vector<16xi32>
      %add3A_144 = vector.broadcast %mul3A_40 : i32 to vector<16xi32>
      %add3A_145 = arith.addi %get3A_143, %add3A_144 : vector<16xi32>
      %swap3A_146 = arith.constant 48 : index
      %swap3A_147 = tpu.vector_load %arg8[%swap3A_146] {strides = array<i32>} : memref<80xi32, #tpu.memory_space<vmem>>, vector<16xi32>,
      %swap3A_148 = vector.shape_cast %swap3A_147 : vector<16xi32> to vector<16xi32>
      %swap3A_149 = vector.shape_cast %add3A_145 : vector<16xi32> to vector<16xi32>
      tpu.vector_store %arg8[%swap3A_146], %swap3A_149 {strides = array<i32>} : memref<80xi32, #tpu.memory_space<vmem>>, vector<16xi32>,
      %get3A_150 = arith.constant 0 : i32
      %get3A_151 = arith.index_cast %get3A_150 : i32 to index
      %get3A_152 = arith.constant 64 : index
      %get3A_153 = tpu.vector_load %arg6[%get3A_151, %get3A_152] {strides = array<i32>} : memref<2x80xi32, #tpu.memory_space<vmem>>, vector<1x16xi32>,
      %get3A_154 = vector.shape_cast %get3A_153 : vector<1x16xi32> to vector<16xi32>
      %add3A_155 = vector.broadcast %mul3A_36 : i32 to vector<16xi32>
      %add3A_156 = arith.addi %get3A_154, %add3A_155 : vector<16xi32>
      %swap3A_157 = arith.constant 64 : index
      %swap3A_158 = tpu.vector_load %arg7[%swap3A_157] {strides = array<i32>} : memref<80xi32, #tpu.memory_space<vmem>>, vector<16xi32>,
      %swap3A_159 = vector.shape_cast %swap3A_158 : vector<16xi32> to vector<16xi32>
      %swap3A_160 = vector.shape_cast %add3A_156 : vector<16xi32> to vector<16xi32>
      tpu.vector_store %arg7[%swap3A_157], %swap3A_160 {strides = array<i32>} : memref<80xi32, #tpu.memory_space<vmem>>, vector<16xi32>,
      %get3A_161 = arith.constant 1 : i32
      %get3A_162 = arith.index_cast %get3A_161 : i32 to index
      %get3A_163 = arith.constant 64 : index
      %get3A_164 = tpu.vector_load %arg6[%get3A_162, %get3A_163] {strides = array<i32>} : memref<2x80xi32, #tpu.memory_space<vmem>>, vector<1x16xi32>,
      %get3A_165 = vector.shape_cast %get3A_164 : vector<1x16xi32> to vector<16xi32>
      %add3A_166 = vector.broadcast %mul3A_40 : i32 to vector<16xi32>
      %add3A_167 = arith.addi %get3A_165, %add3A_166 : vector<16xi32>
      %swap3A_168 = arith.constant 64 : index
      %swap3A_169 = tpu.vector_load %arg8[%swap3A_168] {strides = array<i32>} : memref<80xi32, #tpu.memory_space<vmem>>, vector<16xi32>,
      %swap3A_170 = vector.shape_cast %swap3A_169 : vector<16xi32> to vector<16xi32>
      %swap3A_171 = vector.shape_cast %add3A_167 : vector<16xi32> to vector<16xi32>
      tpu.vector_store %arg8[%swap3A_168], %swap3A_171 {strides = array<i32>} : memref<80xi32, #tpu.memory_space<vmem>>, vector<16xi32>,
      %dma_start3A = arith.constant 0 : i32
      %dma_start3A_172 = arith.constant 0 : i32
      %dma_start3A_173 = tpu.memref_slice %arg3[%dma_start3A, %dma_start3A_172] : memref<40000x128xf32, #tpu.memory_space<hbm>> -> memref<40000x128xf32, #tpu.memory_space<hbm>>
      tpu.enqueue_indirect_dma source(%dma_start3A_173 : memref<40000x128xf32, #tpu.memory_space<hbm>>) target(%arg9 : memref<80x128xf32, #tpu.memory_space<vmem>>) offsets(%arg7 : memref<80xi32, #tpu.memory_space<vmem>>) semaphore(%arg14 : memref<!tpu.dma_semaphore, #tpu.memory_space<semaphore_mem>>)
      %dma_start3A_174 = arith.constant 0 : i32
      %dma_start3A_175 = arith.constant 0 : i32
      %dma_start3A_176 = tpu.memref_slice %arg3[%dma_start3A_174, %dma_start3A_175] : memref<40000x128xf32, #tpu.memory_space<hbm>> -> memref<40000x128xf32, #tpu.memory_space<hbm>>
      tpu.enqueue_indirect_dma source(%dma_start3A_176 : memref<40000x128xf32, #tpu.memory_space<hbm>>) target(%arg10 : memref<80x128xf32, #tpu.memory_space<vmem>>) offsets(%arg8 : memref<80xi32, #tpu.memory_space<vmem>>) semaphore(%arg15 : memref<!tpu.dma_semaphore, #tpu.memory_space<semaphore_mem>>)
      %dma_start3A_177 = arith.constant 2 : i32
      %dma_start3A_178 = arith.constant 0 : i32
      %dma_start3A_179 = tpu.memref_slice %arg4[%dma_start3A_177, %arg0, %add3A_60, %dma_start3A_178] : memref<3x2x320000x128xf32, #tpu.memory_space<hbm>> -> memref<1x1x80x128xf32, #tpu.memory_space<hbm>>
      %dma_start3A_180 = tpu.memref_squeeze %dma_start3A_179 : memref<1x1x80x128xf32, #tpu.memory_space<hbm>> -> memref<80x128xf32, #tpu.memory_space<hbm>>
      %dma_start3A_181 = arith.constant 0 : i32
      %dma_start3A_182 = tpu.memref_slice %arg4[%dma_start3A_177, %arg0, %add3A_60, %dma_start3A_181] : memref<3x2x320000x128xf32, #tpu.memory_space<hbm>> -> memref<1x1x80x128xf32, #tpu.memory_space<hbm>>
      %dma_start3A_183 = tpu.memref_squeeze %dma_start3A_182 : memref<1x1x80x128xf32, #tpu.memory_space<hbm>> -> memref<80x128xf32, #tpu.memory_space<hbm>>
      tpu.enqueue_dma source(%dma_start3A_183 : memref<80x128xf32, #tpu.memory_space<hbm>>) target(%arg11 : memref<80x128xf32, #tpu.memory_space<vmem>>) target_semaphore(%arg16 : memref<!tpu.dma_semaphore, #tpu.memory_space<semaphore_mem>>)
      %dma_wait3A = arith.constant 0 : i32
      %dma_wait3A_184 = arith.constant 0 : i32
      %dma_wait3A_185 = tpu.memref_slice %arg3[%dma_wait3A, %dma_wait3A_184] : memref<40000x128xf32, #tpu.memory_space<hbm>> -> memref<40000x128xf32, #tpu.memory_space<hbm>>
      tpu.wait_indirect_dma semaphore(%arg14 : memref<!tpu.dma_semaphore, #tpu.memory_space<semaphore_mem>>) src(%dma_wait3A_185 : memref<40000x128xf32, #tpu.memory_space<hbm>>) dst(%arg9 : memref<80x128xf32, #tpu.memory_space<vmem>>)
      %dma_wait3A_186 = arith.constant 0 : i32
      %dma_wait3A_187 = arith.constant 0 : i32
      %dma_wait3A_188 = tpu.memref_slice %arg3[%dma_wait3A_186, %dma_wait3A_187] : memref<40000x128xf32, #tpu.memory_space<hbm>> -> memref<40000x128xf32, #tpu.memory_space<hbm>>
      tpu.wait_indirect_dma semaphore(%arg15 : memref<!tpu.dma_semaphore, #tpu.memory_space<semaphore_mem>>) src(%dma_wait3A_188 : memref<40000x128xf32, #tpu.memory_space<hbm>>) dst(%arg10 : memref<80x128xf32, #tpu.memory_space<vmem>>)
      %dma_wait3A_189 = arith.constant 2 : i32
      %dma_wait3A_190 = arith.constant 0 : i32
      %dma_wait3A_191 = tpu.memref_slice %arg4[%dma_wait3A_189, %arg0, %add3A_60, %dma_wait3A_190] : memref<3x2x320000x128xf32, #tpu.memory_space<hbm>> -> memref<1x1x80x128xf32, #tpu.memory_space<hbm>>
      %dma_wait3A_192 = tpu.memref_squeeze %dma_wait3A_191 : memref<1x1x80x128xf32, #tpu.memory_space<hbm>> -> memref<80x128xf32, #tpu.memory_space<hbm>>
      %dma_wait3A_193 = arith.constant 0 : i32
      %dma_wait3A_194 = tpu.memref_slice %arg4[%dma_wait3A_189, %arg0, %add3A_60, %dma_wait3A_193] : memref<3x2x320000x128xf32, #tpu.memory_space<hbm>> -> memref<1x1x80x128xf32, #tpu.memory_space<hbm>>
      %dma_wait3A_195 = tpu.memref_squeeze %dma_wait3A_194 : memref<1x1x80x128xf32, #tpu.memory_space<hbm>> -> memref<80x128xf32, #tpu.memory_space<hbm>>
      tpu.wait_dma2 semaphore(%arg16 : memref<!tpu.dma_semaphore, #tpu.memory_space<semaphore_mem>>) src(%dma_wait3A_195 : memref<80x128xf32, #tpu.memory_space<hbm>>) dst(%arg11 : memref<80x128xf32, #tpu.memory_space<vmem>>)
      %scan3A_196 = arith.constant 0 : i32
      %scan3A_197 = arith.constant 0 : i32
      %scan3A_198 = arith.constant 80 : i32
      %scan3A_199 = arith.addi %scan3A_197, %scan3A_198 : i32
      %scan3A_200 = arith.constant 1 : i32
      scf.for %scan3A_202 = %scan3A_197 to %scan3A_199 step %scan3A_200  : i32 {
        %get3A_203 = arith.index_cast %scan3A_202 : i32 to index
        %get3A_204 = arith.constant 0 : index
        %get3A_205 = tpu.vector_load %arg9[%get3A_203, %get3A_204] {strides = array<i32>} : memref<80x128xf32, #tpu.memory_space<vmem>>, vector<1x16xf32>,
        %get3A_206 = vector.shape_cast %get3A_205 : vector<1x16xf32> to vector<16xf32>
        %get3A_207 = arith.index_cast %scan3A_202 : i32 to index
        %get3A_208 = arith.constant 0 : index
        %get3A_209 = tpu.vector_load %arg10[%get3A_207, %get3A_208] {strides = array<i32>} : memref<80x128xf32, #tpu.memory_space<vmem>>, vector<1x16xf32>,
        %get3A_210 = vector.shape_cast %get3A_209 : vector<1x16xf32> to vector<16xf32>
        %add3A_211 = arith.addf %get3A_206, %get3A_210 : vector<16xf32>
        %get3A_212 = arith.index_cast %scan3A_202 : i32 to index
        %get3A_213 = arith.constant 0 : index
        %get3A_214 = tpu.vector_load %arg11[%get3A_212, %get3A_213] {strides = array<i32>} : memref<80x128xf32, #tpu.memory_space<vmem>>, vector<1x16xf32>,
        %get3A_215 = vector.shape_cast %get3A_214 : vector<1x16xf32> to vector<16xf32>
        %add3A_216 = arith.addf %add3A_211, %get3A_215 : vector<16xf32>
        %max3A = arith.constant 0.000000e+00 : f32
        %max3A_217 = vector.broadcast %max3A : f32 to vector<16xf32>
        %max3A_218 = arith.maximumf %add3A_216, %max3A_217 : vector<16xf32>
        %swap3A_219 = arith.index_cast %scan3A_202 : i32 to index
        %swap3A_220 = arith.constant 0 : index
        %swap3A_221 = tpu.vector_load %arg11[%swap3A_219, %swap3A_220] {strides = array<i32>} : memref<80x128xf32, #tpu.memory_space<vmem>>, vector<1x16xf32>,
        %swap3A_222 = vector.shape_cast %swap3A_221 : vector<1x16xf32> to vector<16xf32>
        %swap3A_223 = vector.shape_cast %max3A_218 : vector<16xf32> to vector<1x16xf32>
        tpu.vector_store %arg11[%swap3A_219, %swap3A_220], %swap3A_223 {strides = array<i32>} : memref<80x128xf32, #tpu.memory_space<vmem>>, vector<1x16xf32>,
        %get3A_224 = arith.index_cast %scan3A_202 : i32 to index
        %get3A_225 = arith.constant 16 : index
        %get3A_226 = tpu.vector_load %arg9[%get3A_224, %get3A_225] {strides = array<i32>} : memref<80x128xf32, #tpu.memory_space<vmem>>, vector<1x16xf32>,
        %get3A_227 = vector.shape_cast %get3A_226 : vector<1x16xf32> to vector<16xf32>
        %get3A_228 = arith.index_cast %scan3A_202 : i32 to index
        %get3A_229 = arith.constant 16 : index
        %get3A_230 = tpu.vector_load %arg10[%get3A_228, %get3A_229] {strides = array<i32>} : memref<80x128xf32, #tpu.memory_space<vmem>>, vector<1x16xf32>,
        %get3A_231 = vector.shape_cast %get3A_230 : vector<1x16xf32> to vector<16xf32>
        %add3A_232 = arith.addf %get3A_227, %get3A_231 : vector<16xf32>
        %get3A_233 = arith.index_cast %scan3A_202 : i32 to index
        %get3A_234 = arith.constant 16 : index
        %get3A_235 = tpu.vector_load %arg11[%get3A_233, %get3A_234] {strides = array<i32>} : memref<80x128xf32, #tpu.memory_space<vmem>>, vector<1x16xf32>,
        %get3A_236 = vector.shape_cast %get3A_235 : vector<1x16xf32> to vector<16xf32>
        %add3A_237 = arith.addf %add3A_232, %get3A_236 : vector<16xf32>
        %max3A_238 = arith.constant 0.000000e+00 : f32
        %max3A_239 = vector.broadcast %max3A_238 : f32 to vector<16xf32>
        %max3A_240 = arith.maximumf %add3A_237, %max3A_239 : vector<16xf32>
        %swap3A_241 = arith.index_cast %scan3A_202 : i32 to index
        %swap3A_242 = arith.constant 16 : index
        %swap3A_243 = tpu.vector_load %arg11[%swap3A_241, %swap3A_242] {strides = array<i32>} : memref<80x128xf32, #tpu.memory_space<vmem>>, vector<1x16xf32>,
        %swap3A_244 = vector.shape_cast %swap3A_243 : vector<1x16xf32> to vector<16xf32>
        %swap3A_245 = vector.shape_cast %max3A_240 : vector<16xf32> to vector<1x16xf32>
        tpu.vector_store %arg11[%swap3A_241, %swap3A_242], %swap3A_245 {strides = array<i32>} : memref<80x128xf32, #tpu.memory_space<vmem>>, vector<1x16xf32>,
        %get3A_246 = arith.index_cast %scan3A_202 : i32 to index
        %get3A_247 = arith.constant 32 : index
        %get3A_248 = tpu.vector_load %arg9[%get3A_246, %get3A_247] {strides = array<i32>} : memref<80x128xf32, #tpu.memory_space<vmem>>, vector<1x16xf32>,
        %get3A_249 = vector.shape_cast %get3A_248 : vector<1x16xf32> to vector<16xf32>
        %get3A_250 = arith.index_cast %scan3A_202 : i32 to index
        %get3A_251 = arith.constant 32 : index
        %get3A_252 = tpu.vector_load %arg10[%get3A_250, %get3A_251] {strides = array<i32>} : memref<80x128xf32, #tpu.memory_space<vmem>>, vector<1x16xf32>,
        %get3A_253 = vector.shape_cast %get3A_252 : vector<1x16xf32> to vector<16xf32>
        %add3A_254 = arith.addf %get3A_249, %get3A_253 : vector<16xf32>
        %get3A_255 = arith.index_cast %scan3A_202 : i32 to index
        %get3A_256 = arith.constant 32 : index
        %get3A_257 = tpu.vector_load %arg11[%get3A_255, %get3A_256] {strides = array<i32>} : memref<80x128xf32, #tpu.memory_space<vmem>>, vector<1x16xf32>,
        %get3A_258 = vector.shape_cast %get3A_257 : vector<1x16xf32> to vector<16xf32>
        %add3A_259 = arith.addf %add3A_254, %get3A_258 : vector<16xf32>
        %max3A_260 = arith.constant 0.000000e+00 : f32
        %max3A_261 = vector.broadcast %max3A_260 : f32 to vector<16xf32>
        %max3A_262 = arith.maximumf %add3A_259, %max3A_261 : vector<16xf32>
        %swap3A_263 = arith.index_cast %scan3A_202 : i32 to index
        %swap3A_264 = arith.constant 32 : index
        %swap3A_265 = tpu.vector_load %arg11[%swap3A_263, %swap3A_264] {strides = array<i32>} : memref<80x128xf32, #tpu.memory_space<vmem>>, vector<1x16xf32>,
        %swap3A_266 = vector.shape_cast %swap3A_265 : vector<1x16xf32> to vector<16xf32>
        %swap3A_267 = vector.shape_cast %max3A_262 : vector<16xf32> to vector<1x16xf32>
        tpu.vector_store %arg11[%swap3A_263, %swap3A_264], %swap3A_267 {strides = array<i32>} : memref<80x128xf32, #tpu.memory_space<vmem>>, vector<1x16xf32>,
        %get3A_268 = arith.index_cast %scan3A_202 : i32 to index
        %get3A_269 = arith.constant 48 : index
        %get3A_270 = tpu.vector_load %arg9[%get3A_268, %get3A_269] {strides = array<i32>} : memref<80x128xf32, #tpu.memory_space<vmem>>, vector<1x16xf32>,
        %get3A_271 = vector.shape_cast %get3A_270 : vector<1x16xf32> to vector<16xf32>
        %get3A_272 = arith.index_cast %scan3A_202 : i32 to index
        %get3A_273 = arith.constant 48 : index
        %get3A_274 = tpu.vector_load %arg10[%get3A_272, %get3A_273] {strides = array<i32>} : memref<80x128xf32, #tpu.memory_space<vmem>>, vector<1x16xf32>,
        %get3A_275 = vector.shape_cast %get3A_274 : vector<1x16xf32> to vector<16xf32>
        %add3A_276 = arith.addf %get3A_271, %get3A_275 : vector<16xf32>
        %get3A_277 = arith.index_cast %scan3A_202 : i32 to index
        %get3A_278 = arith.constant 48 : index
        %get3A_279 = tpu.vector_load %arg11[%get3A_277, %get3A_278] {strides = array<i32>} : memref<80x128xf32, #tpu.memory_space<vmem>>, vector<1x16xf32>,
        %get3A_280 = vector.shape_cast %get3A_279 : vector<1x16xf32> to vector<16xf32>
        %add3A_281 = arith.addf %add3A_276, %get3A_280 : vector<16xf32>
        %max3A_282 = arith.constant 0.000000e+00 : f32
        %max3A_283 = vector.broadcast %max3A_282 : f32 to vector<16xf32>
        %max3A_284 = arith.maximumf %add3A_281, %max3A_283 : vector<16xf32>
        %swap3A_285 = arith.index_cast %scan3A_202 : i32 to index
        %swap3A_286 = arith.constant 48 : index
        %swap3A_287 = tpu.vector_load %arg11[%swap3A_285, %swap3A_286] {strides = array<i32>} : memref<80x128xf32, #tpu.memory_space<vmem>>, vector<1x16xf32>,
        %swap3A_288 = vector.shape_cast %swap3A_287 : vector<1x16xf32> to vector<16xf32>
        %swap3A_289 = vector.shape_cast %max3A_284 : vector<16xf32> to vector<1x16xf32>
        tpu.vector_store %arg11[%swap3A_285, %swap3A_286], %swap3A_289 {strides = array<i32>} : memref<80x128xf32, #tpu.memory_space<vmem>>, vector<1x16xf32>,
        %get3A_290 = arith.index_cast %scan3A_202 : i32 to index
        %get3A_291 = arith.constant 64 : index
        %get3A_292 = tpu.vector_load %arg9[%get3A_290, %get3A_291] {strides = array<i32>} : memref<80x128xf32, #tpu.memory_space<vmem>>, vector<1x16xf32>,
        %get3A_293 = vector.shape_cast %get3A_292 : vector<1x16xf32> to vector<16xf32>
        %get3A_294 = arith.index_cast %scan3A_202 : i32 to index
        %get3A_295 = arith.constant 64 : index
        %get3A_296 = tpu.vector_load %arg10[%get3A_294, %get3A_295] {strides = array<i32>} : memref<80x128xf32, #tpu.memory_space<vmem>>, vector<1x16xf32>,
        %get3A_297 = vector.shape_cast %get3A_296 : vector<1x16xf32> to vector<16xf32>
        %add3A_298 = arith.addf %get3A_293, %get3A_297 : vector<16xf32>
        %get3A_299 = arith.index_cast %scan3A_202 : i32 to index
        %get3A_300 = arith.constant 64 : index
        %get3A_301 = tpu.vector_load %arg11[%get3A_299, %get3A_300] {strides = array<i32>} : memref<80x128xf32, #tpu.memory_space<vmem>>, vector<1x16xf32>,
        %get3A_302 = vector.shape_cast %get3A_301 : vector<1x16xf32> to vector<16xf32>
        %add3A_303 = arith.addf %add3A_298, %get3A_302 : vector<16xf32>
        %max3A_304 = arith.constant 0.000000e+00 : f32
        %max3A_305 = vector.broadcast %max3A_304 : f32 to vector<16xf32>
        %max3A_306 = arith.maximumf %add3A_303, %max3A_305 : vector<16xf32>
        %swap3A_307 = arith.index_cast %scan3A_202 : i32 to index
        %swap3A_308 = arith.constant 64 : index
        %swap3A_309 = tpu.vector_load %arg11[%swap3A_307, %swap3A_308] {strides = array<i32>} : memref<80x128xf32, #tpu.memory_space<vmem>>, vector<1x16xf32>,
        %swap3A_310 = vector.shape_cast %swap3A_309 : vector<1x16xf32> to vector<16xf32>
        %swap3A_311 = vector.shape_cast %max3A_306 : vector<16xf32> to vector<1x16xf32>
        tpu.vector_store %arg11[%swap3A_307, %swap3A_308], %swap3A_311 {strides = array<i32>} : memref<80x128xf32, #tpu.memory_space<vmem>>, vector<1x16xf32>,
        %get3A_312 = arith.index_cast %scan3A_202 : i32 to index
        %get3A_313 = arith.constant 80 : index
        %get3A_314 = tpu.vector_load %arg9[%get3A_312, %get3A_313] {strides = array<i32>} : memref<80x128xf32, #tpu.memory_space<vmem>>, vector<1x16xf32>,
        %get3A_315 = vector.shape_cast %get3A_314 : vector<1x16xf32> to vector<16xf32>
        %get3A_316 = arith.index_cast %scan3A_202 : i32 to index
        %get3A_317 = arith.constant 80 : index
        %get3A_318 = tpu.vector_load %arg10[%get3A_316, %get3A_317] {strides = array<i32>} : memref<80x128xf32, #tpu.memory_space<vmem>>, vector<1x16xf32>,
        %get3A_319 = vector.shape_cast %get3A_318 : vector<1x16xf32> to vector<16xf32>
        %add3A_320 = arith.addf %get3A_315, %get3A_319 : vector<16xf32>
        %get3A_321 = arith.index_cast %scan3A_202 : i32 to index
        %get3A_322 = arith.constant 80 : index
        %get3A_323 = tpu.vector_load %arg11[%get3A_321, %get3A_322] {strides = array<i32>} : memref<80x128xf32, #tpu.memory_space<vmem>>, vector<1x16xf32>,
        %get3A_324 = vector.shape_cast %get3A_323 : vector<1x16xf32> to vector<16xf32>
        %add3A_325 = arith.addf %add3A_320, %get3A_324 : vector<16xf32>
        %max3A_326 = arith.constant 0.000000e+00 : f32
        %max3A_327 = vector.broadcast %max3A_326 : f32 to vector<16xf32>
        %max3A_328 = arith.maximumf %add3A_325, %max3A_327 : vector<16xf32>
        %swap3A_329 = arith.index_cast %scan3A_202 : i32 to index
        %swap3A_330 = arith.constant 80 : index
        %swap3A_331 = tpu.vector_load %arg11[%swap3A_329, %swap3A_330] {strides = array<i32>} : memref<80x128xf32, #tpu.memory_space<vmem>>, vector<1x16xf32>,
        %swap3A_332 = vector.shape_cast %swap3A_331 : vector<1x16xf32> to vector<16xf32>
        %swap3A_333 = vector.shape_cast %max3A_328 : vector<16xf32> to vector<1x16xf32>
        tpu.vector_store %arg11[%swap3A_329, %swap3A_330], %swap3A_333 {strides = array<i32>} : memref<80x128xf32, #tpu.memory_space<vmem>>, vector<1x16xf32>,
        %get3A_334 = arith.index_cast %scan3A_202 : i32 to index
        %get3A_335 = arith.constant 96 : index
        %get3A_336 = tpu.vector_load %arg9[%get3A_334, %get3A_335] {strides = array<i32>} : memref<80x128xf32, #tpu.memory_space<vmem>>, vector<1x16xf32>,
        %get3A_337 = vector.shape_cast %get3A_336 : vector<1x16xf32> to vector<16xf32>
        %get3A_338 = arith.index_cast %scan3A_202 : i32 to index
        %get3A_339 = arith.constant 96 : index
        %get3A_340 = tpu.vector_load %arg10[%get3A_338, %get3A_339] {strides = array<i32>} : memref<80x128xf32, #tpu.memory_space<vmem>>, vector<1x16xf32>,
        %get3A_341 = vector.shape_cast %get3A_340 : vector<1x16xf32> to vector<16xf32>
        %add3A_342 = arith.addf %get3A_337, %get3A_341 : vector<16xf32>
        %get3A_343 = arith.index_cast %scan3A_202 : i32 to index
        %get3A_344 = arith.constant 96 : index
        %get3A_345 = tpu.vector_load %arg11[%get3A_343, %get3A_344] {strides = array<i32>} : memref<80x128xf32, #tpu.memory_space<vmem>>, vector<1x16xf32>,
        %get3A_346 = vector.shape_cast %get3A_345 : vector<1x16xf32> to vector<16xf32>
        %add3A_347 = arith.addf %add3A_342, %get3A_346 : vector<16xf32>
        %max3A_348 = arith.constant 0.000000e+00 : f32
        %max3A_349 = vector.broadcast %max3A_348 : f32 to vector<16xf32>
        %max3A_350 = arith.maximumf %add3A_347, %max3A_349 : vector<16xf32>
        %swap3A_351 = arith.index_cast %scan3A_202 : i32 to index
        %swap3A_352 = arith.constant 96 : index
        %swap3A_353 = tpu.vector_load %arg11[%swap3A_351, %swap3A_352] {strides = array<i32>} : memref<80x128xf32, #tpu.memory_space<vmem>>, vector<1x16xf32>,
        %swap3A_354 = vector.shape_cast %swap3A_353 : vector<1x16xf32> to vector<16xf32>
        %swap3A_355 = vector.shape_cast %max3A_350 : vector<16xf32> to vector<1x16xf32>
        tpu.vector_store %arg11[%swap3A_351, %swap3A_352], %swap3A_355 {strides = array<i32>} : memref<80x128xf32, #tpu.memory_space<vmem>>, vector<1x16xf32>,
        %get3A_356 = arith.index_cast %scan3A_202 : i32 to index
        %get3A_357 = arith.constant 112 : index
        %get3A_358 = tpu.vector_load %arg9[%get3A_356, %get3A_357] {strides = array<i32>} : memref<80x128xf32, #tpu.memory_space<vmem>>, vector<1x16xf32>,
        %get3A_359 = vector.shape_cast %get3A_358 : vector<1x16xf32> to vector<16xf32>
        %get3A_360 = arith.index_cast %scan3A_202 : i32 to index
        %get3A_361 = arith.constant 112 : index
        %get3A_362 = tpu.vector_load %arg10[%get3A_360, %get3A_361] {strides = array<i32>} : memref<80x128xf32, #tpu.memory_space<vmem>>, vector<1x16xf32>,
        %get3A_363 = vector.shape_cast %get3A_362 : vector<1x16xf32> to vector<16xf32>
        %add3A_364 = arith.addf %get3A_359, %get3A_363 : vector<16xf32>
        %get3A_365 = arith.index_cast %scan3A_202 : i32 to index
        %get3A_366 = arith.constant 112 : index
        %get3A_367 = tpu.vector_load %arg11[%get3A_365, %get3A_366] {strides = array<i32>} : memref<80x128xf32, #tpu.memory_space<vmem>>, vector<1x16xf32>,
        %get3A_368 = vector.shape_cast %get3A_367 : vector<1x16xf32> to vector<16xf32>
        %add3A_369 = arith.addf %add3A_364, %get3A_368 : vector<16xf32>
        %max3A_370 = arith.constant 0.000000e+00 : f32
        %max3A_371 = vector.broadcast %max3A_370 : f32 to vector<16xf32>
        %max3A_372 = arith.maximumf %add3A_369, %max3A_371 : vector<16xf32>
        %swap3A_373 = arith.index_cast %scan3A_202 : i32 to index
        %swap3A_374 = arith.constant 112 : index
        %swap3A_375 = tpu.vector_load %arg11[%swap3A_373, %swap3A_374] {strides = array<i32>} : memref<80x128xf32, #tpu.memory_space<vmem>>, vector<1x16xf32>,
        %swap3A_376 = vector.shape_cast %swap3A_375 : vector<1x16xf32> to vector<16xf32>
        %swap3A_377 = vector.shape_cast %max3A_372 : vector<16xf32> to vector<1x16xf32>
        tpu.vector_store %arg11[%swap3A_373, %swap3A_374], %swap3A_377 {strides = array<i32>} : memref<80x128xf32, #tpu.memory_space<vmem>>, vector<1x16xf32>,
      }
      %scan3A_201 = arith.constant 80 : i32
      %run_scoped3A = arith.constant 1 : i32
      "tpu.region"() ({
        %run_scoped3A_202 = tpu.sem_alloc : memref<!tpu.dma_semaphore, #tpu.memory_space<semaphore_mem>>
        %dma_start3A_203 = arith.constant 0 : i32
        %dma_start3A_204 = tpu.memref_slice %arg6[%run_scoped3A, %dma_start3A_203] : memref<2x80xi32, #tpu.memory_space<vmem>> -> memref<1x80xi32, #tpu.memory_space<vmem>>
        %dma_start3A_205 = tpu.memref_squeeze %dma_start3A_204 : memref<1x80xi32, #tpu.memory_space<vmem>> -> memref<80xi32, #tpu.memory_space<vmem>>
        %dma_start3A_206 = arith.constant 0 : i32
        %dma_start3A_207 = arith.constant 0 : i32
        %dma_start3A_208 = tpu.memref_slice %arg12[%dma_start3A_206, %dma_start3A_207] : memref<10240x128xf32, #tpu.memory_space<vmem_shared>> -> memref<10240x128xf32, #tpu.memory_space<vmem_shared>>
        tpu.enqueue_indirect_dma source(%arg11 : memref<80x128xf32, #tpu.memory_space<vmem>>) target(%dma_start3A_208 : memref<10240x128xf32, #tpu.memory_space<vmem_shared>>) offsets(%dma_start3A_205 : memref<80xi32, #tpu.memory_space<vmem>>) semaphore(%run_scoped3A_202 : memref<!tpu.dma_semaphore, #tpu.memory_space<semaphore_mem>>) {add = true}
        %dma_wait3A_209 = arith.constant 0 : i32
        %dma_wait3A_210 = tpu.memref_slice %arg6[%run_scoped3A, %dma_wait3A_209] : memref<2x80xi32, #tpu.memory_space<vmem>> -> memref<1x80xi32, #tpu.memory_space<vmem>>
        %dma_wait3A_211 = tpu.memref_squeeze %dma_wait3A_210 : memref<1x80xi32, #tpu.memory_space<vmem>> -> memref<80xi32, #tpu.memory_space<vmem>>
        %dma_wait3A_212 = arith.constant 0 : i32
        %dma_wait3A_213 = arith.constant 0 : i32
        %dma_wait3A_214 = tpu.memref_slice %arg12[%dma_wait3A_212, %dma_wait3A_213] : memref<10240x128xf32, #tpu.memory_space<vmem_shared>> -> memref<10240x128xf32, #tpu.memory_space<vmem_shared>>
        tpu.wait_indirect_dma semaphore(%run_scoped3A_202 : memref<!tpu.dma_semaphore, #tpu.memory_space<semaphore_mem>>) src(%arg11 : memref<80x128xf32, #tpu.memory_space<vmem>>) dst(%dma_wait3A_214 : memref<10240x128xf32, #tpu.memory_space<vmem_shared>>)
        tpu.yield
      }) : () -> ()
    }
    %scan3A_46 = arith.constant 250 : i32
    %barrier3A_47 = arith.constant 0 : index
    tpu.barrier barrier_id(%barrier3A_47)
    %mul3A_48 = arith.constant 640 : i32
    %mul3A_49 = arith.muli %arg1, %mul3A_48 : i32
    %mul3A_50 = arith.constant 10240 : i32
    %mul3A_51 = arith.muli %arg0, %mul3A_50 : i32
    %mul3A_52 = arith.constant 640 : i32
    %mul3A_53 = arith.muli %arg1, %mul3A_52 : i32
    %add3A_54 = arith.addi %mul3A_51, %mul3A_53 : i32
    "tpu.region"() ({
      %run_scoped3A = tpu.sem_alloc : memref<!tpu.dma_semaphore, #tpu.memory_space<semaphore_mem>>
      %dma_start3A = arith.constant 0 : i32
      %dma_start3A_55 = tpu.memref_slice %arg5[%add3A_54, %dma_start3A] : memref<20480x128xf32, #tpu.memory_space<hbm>> -> memref<640x128xf32, #tpu.memory_space<hbm>>
      %dma_start3A_56 = arith.constant 0 : i32
      %dma_start3A_57 = tpu.memref_slice %arg12[%mul3A_49, %dma_start3A_56] : memref<10240x128xf32, #tpu.memory_space<vmem_shared>> -> memref<640x128xf32, #tpu.memory_space<vmem_shared>>
      tpu.enqueue_dma source(%dma_start3A_57 : memref<640x128xf32, #tpu.memory_space<vmem_shared>>) target(%dma_start3A_55 : memref<640x128xf32, #tpu.memory_space<hbm>>) target_semaphore(%run_scoped3A : memref<!tpu.dma_semaphore, #tpu.memory_space<semaphore_mem>>)
      %dma_wait3A = arith.constant 0 : i32
      %dma_wait3A_58 = tpu.memref_slice %arg5[%add3A_54, %dma_wait3A] : memref<20480x128xf32, #tpu.memory_space<hbm>> -> memref<640x128xf32, #tpu.memory_space<hbm>>
      %dma_wait3A_59 = arith.constant 0 : i32
      %dma_wait3A_60 = tpu.memref_slice %arg12[%mul3A_49, %dma_wait3A_59] : memref<10240x128xf32, #tpu.memory_space<vmem_shared>> -> memref<640x128xf32, #tpu.memory_space<vmem_shared>>
      tpu.wait_dma2 semaphore(%run_scoped3A : memref<!tpu.dma_semaphore, #tpu.memory_space<semaphore_mem>>) src(%dma_wait3A_60 : memref<640x128xf32, #tpu.memory_space<vmem_shared>>) dst(%dma_wait3A_58 : memref<640x128xf32, #tpu.memory_space<hbm>>)
      tpu.yield
    }) : () -> ()
    return
  }
}

module attributes {stable_mosaic.version = 14 : i64} {
  func.func @_k1_body(%arg0: i32, %arg1: memref<2000x128xf32, #tpu.memory_space<vmem>>, %arg2: memref<128x256xf32, #tpu.memory_space<vmem>>, %arg3: memref<1x256xf32, #tpu.memory_space<vmem>>, %arg4: memref<256x256xf32, #tpu.memory_space<vmem>>, %arg5: memref<256x256xf32, #tpu.memory_space<vmem>>, %arg6: memref<2000x256xf32, #tpu.memory_space<vmem>>, %arg7: memref<4x2000x128xf32, #tpu.memory_space<vmem>>) attributes {dimension_semantics = [#tpu.dimension_semantics<arbitrary>], iteration_bounds = array<i64: 5>, scalar_prefetch = 0 : i64, scratch_operands = 0 : i64, tpu.core_type = #tpu.core_type<tc>, window_params = [{transform_indices = @transform_0, window_bounds = array<i64: 2000, 128>}, {pipeline_mode = #tpu.pipeline_mode<synchronous>, transform_indices = @transform_1, window_bounds = array<i64: 128, 256>}, {pipeline_mode = #tpu.pipeline_mode<synchronous>, transform_indices = @transform_2, window_bounds = array<i64: 1, 256>}, {pipeline_mode = #tpu.pipeline_mode<synchronous>, transform_indices = @transform_3, window_bounds = array<i64: 256, 256>}, {pipeline_mode = #tpu.pipeline_mode<synchronous>, transform_indices = @transform_4, window_bounds = array<i64: 256, 256>}, {transform_indices = @transform_5, window_bounds = array<i64: 2000, 256>}, {transform_indices = @transform_6, window_bounds = array<i64: 4, 2000, 128>}]} {
    %get3A = arith.constant 0 : index
    %get3A_0 = arith.constant 0 : index
    %get3A_1 = vector.load %arg1[%get3A, %get3A_0] : memref<2000x128xf32, #tpu.memory_space<vmem>>, vector<2000x128xf32>
    %get3A_2 = arith.constant 0 : index
    %get3A_3 = arith.constant 0 : index
    %get3A_4 = vector.load %arg2[%get3A_2, %get3A_3] : memref<128x256xf32, #tpu.memory_space<vmem>>, vector<128x256xf32>
    %dot_general3A = arith.constant dense<0.000000e+00> : vector<2000x256xf32>
    %dot_general3A_5 = tpu.matmul %get3A_1, %get3A_4, %dot_general3A {dimension_numbers = #tpu.dot_dimension_numbers<[1], [0], [0], [1], [0, 0, 1, 1], [], []>, transpose_lhs_hint = false} : vector<2000x128xf32>, vector<128x256xf32>, vector<2000x256xf32> -> vector<2000x256xf32>
    %get3A_6 = arith.constant 0 : index
    %get3A_7 = arith.constant 0 : index
    %get3A_8 = vector.load %arg3[%get3A_6, %get3A_7] : memref<1x256xf32, #tpu.memory_space<vmem>>, vector<1x256xf32>
    %add3A = vector.broadcast %get3A_8 : vector<1x256xf32> to vector<2000x256xf32>
    %add3A_9 = arith.addf %dot_general3A_5, %add3A : vector<2000x256xf32>
    %max3A = arith.constant 0.000000e+00 : f32
    %max3A_10 = vector.broadcast %max3A : f32 to vector<2000x256xf32>
    %max3A_11 = arith.maximumf %add3A_9, %max3A_10 : vector<2000x256xf32>
    %swap3A = arith.constant 0 : index
    %swap3A_12 = arith.constant 0 : index
    %swap3A_13 = vector.load %arg6[%swap3A, %swap3A_12] : memref<2000x256xf32, #tpu.memory_space<vmem>>, vector<2000x256xf32>
    tpu.vector_store %arg6[%swap3A, %swap3A_12], %max3A_11 {strides = array<i32>} : memref<2000x256xf32, #tpu.memory_space<vmem>>, vector<2000x256xf32>,
    %get3A_14 = arith.constant 0 : index
    %get3A_15 = arith.constant 0 : index
    %get3A_16 = vector.load %arg4[%get3A_14, %get3A_15] : memref<256x256xf32, #tpu.memory_space<vmem>>, vector<256x256xf32>
    %dot_general3A_17 = arith.constant dense<0.000000e+00> : vector<2000x256xf32>
    %dot_general3A_18 = tpu.matmul %max3A_11, %get3A_16, %dot_general3A_17 {dimension_numbers = #tpu.dot_dimension_numbers<[1], [0], [0], [1], [0, 0, 1, 1], [], []>, transpose_lhs_hint = false} : vector<2000x256xf32>, vector<256x256xf32>, vector<2000x256xf32> -> vector<2000x256xf32>
    %get3A_19 = arith.constant 0 : index
    %get3A_20 = arith.constant 0 : index
    %get3A_21 = vector.load %arg5[%get3A_19, %get3A_20] : memref<256x256xf32, #tpu.memory_space<vmem>>, vector<256x256xf32>
    %dot_general3A_22 = arith.constant dense<0.000000e+00> : vector<2000x256xf32>
    %dot_general3A_23 = tpu.matmul %max3A_11, %get3A_21, %dot_general3A_22 {dimension_numbers = #tpu.dot_dimension_numbers<[1], [0], [0], [1], [0, 0, 1, 1], [], []>, transpose_lhs_hint = false} : vector<2000x256xf32>, vector<256x256xf32>, vector<2000x256xf32> -> vector<2000x256xf32>
    %slice3A = vector.extract_strided_slice %dot_general3A_18 {offsets = [0, 0], sizes = [2000, 128], strides = [1, 1]} : vector<2000x256xf32> to vector<2000x128xf32>
    %swap3A_24 = arith.constant 0 : index
    %swap3A_25 = arith.constant 0 : index
    %swap3A_26 = arith.constant 0 : index
    %swap3A_27 = vector.load %arg7[%swap3A_24, %swap3A_25, %swap3A_26] : memref<4x2000x128xf32, #tpu.memory_space<vmem>>, vector<1x2000x128xf32>
    %swap3A_28 = vector.shape_cast %swap3A_27 : vector<1x2000x128xf32> to vector<2000x128xf32>
    %swap3A_29 = vector.shape_cast %slice3A : vector<2000x128xf32> to vector<1x2000x128xf32>
    tpu.vector_store %arg7[%swap3A_24, %swap3A_25, %swap3A_26], %swap3A_29 {strides = array<i32>} : memref<4x2000x128xf32, #tpu.memory_space<vmem>>, vector<1x2000x128xf32>,
    %slice3A_30 = vector.extract_strided_slice %dot_general3A_18 {offsets = [0, 128], sizes = [2000, 128], strides = [1, 1]} : vector<2000x256xf32> to vector<2000x128xf32>
    %swap3A_31 = arith.constant 1 : index
    %swap3A_32 = arith.constant 0 : index
    %swap3A_33 = arith.constant 0 : index
    %swap3A_34 = vector.load %arg7[%swap3A_31, %swap3A_32, %swap3A_33] : memref<4x2000x128xf32, #tpu.memory_space<vmem>>, vector<1x2000x128xf32>
    %swap3A_35 = vector.shape_cast %swap3A_34 : vector<1x2000x128xf32> to vector<2000x128xf32>
    %swap3A_36 = vector.shape_cast %slice3A_30 : vector<2000x128xf32> to vector<1x2000x128xf32>
    tpu.vector_store %arg7[%swap3A_31, %swap3A_32, %swap3A_33], %swap3A_36 {strides = array<i32>} : memref<4x2000x128xf32, #tpu.memory_space<vmem>>, vector<1x2000x128xf32>,
    %slice3A_37 = vector.extract_strided_slice %dot_general3A_23 {offsets = [0, 0], sizes = [2000, 128], strides = [1, 1]} : vector<2000x256xf32> to vector<2000x128xf32>
    %swap3A_38 = arith.constant 2 : index
    %swap3A_39 = arith.constant 0 : index
    %swap3A_40 = arith.constant 0 : index
    %swap3A_41 = vector.load %arg7[%swap3A_38, %swap3A_39, %swap3A_40] : memref<4x2000x128xf32, #tpu.memory_space<vmem>>, vector<1x2000x128xf32>
    %swap3A_42 = vector.shape_cast %swap3A_41 : vector<1x2000x128xf32> to vector<2000x128xf32>
    %swap3A_43 = vector.shape_cast %slice3A_37 : vector<2000x128xf32> to vector<1x2000x128xf32>
    tpu.vector_store %arg7[%swap3A_38, %swap3A_39, %swap3A_40], %swap3A_43 {strides = array<i32>} : memref<4x2000x128xf32, #tpu.memory_space<vmem>>, vector<1x2000x128xf32>,
    %slice3A_44 = vector.extract_strided_slice %dot_general3A_23 {offsets = [0, 128], sizes = [2000, 128], strides = [1, 1]} : vector<2000x256xf32> to vector<2000x128xf32>
    %swap3A_45 = arith.constant 3 : index
    %swap3A_46 = arith.constant 0 : index
    %swap3A_47 = arith.constant 0 : index
    %swap3A_48 = vector.load %arg7[%swap3A_45, %swap3A_46, %swap3A_47] : memref<4x2000x128xf32, #tpu.memory_space<vmem>>, vector<1x2000x128xf32>
    %swap3A_49 = vector.shape_cast %swap3A_48 : vector<1x2000x128xf32> to vector<2000x128xf32>
    %swap3A_50 = vector.shape_cast %slice3A_44 : vector<2000x128xf32> to vector<1x2000x128xf32>
    tpu.vector_store %arg7[%swap3A_45, %swap3A_46, %swap3A_47], %swap3A_50 {strides = array<i32>} : memref<4x2000x128xf32, #tpu.memory_space<vmem>>, vector<1x2000x128xf32>,
    return
  }
  func.func @transform_0(%arg0: i32) -> (i32, i32) {
    %c0_i32 = arith.constant 0 : i32
    %c0_i32_0 = arith.constant 0 : i32
    return %arg0, %c0_i32 : i32, i32
  }
  func.func @transform_1(%arg0: i32) -> (i32, i32) {
    %c0_i32 = arith.constant 0 : i32
    %c0_i32_0 = arith.constant 0 : i32
    %c0_i32_1 = arith.constant 0 : i32
    return %c0_i32, %c0_i32_0 : i32, i32
  }
  func.func @transform_2(%arg0: i32) -> (i32, i32) {
    %c0_i32 = arith.constant 0 : i32
    %c0_i32_0 = arith.constant 0 : i32
    %c0_i32_1 = arith.constant 0 : i32
    return %c0_i32, %c0_i32_0 : i32, i32
  }
  func.func @transform_3(%arg0: i32) -> (i32, i32) {
    %c0_i32 = arith.constant 0 : i32
    %c0_i32_0 = arith.constant 0 : i32
    %c0_i32_1 = arith.constant 0 : i32
    return %c0_i32, %c0_i32_0 : i32, i32
  }
  func.func @transform_4(%arg0: i32) -> (i32, i32) {
    %c0_i32 = arith.constant 0 : i32
    %c0_i32_0 = arith.constant 0 : i32
    %c0_i32_1 = arith.constant 0 : i32
    return %c0_i32, %c0_i32_0 : i32, i32
  }
  func.func @transform_5(%arg0: i32) -> (i32, i32) {
    %c0_i32 = arith.constant 0 : i32
    %c0_i32_0 = arith.constant 0 : i32
    return %arg0, %c0_i32 : i32, i32
  }
  func.func @transform_6(%arg0: i32) -> (i32, i32, i32) {
    %c0_i32 = arith.constant 0 : i32
    %c0_i32_0 = arith.constant 0 : i32
    %c0_i32_1 = arith.constant 0 : i32
    return %c0_i32, %arg0, %c0_i32_0 : i32, i32, i32
  }
}

module attributes {stable_mosaic.version = 14 : i64} {
  func.func @_k2_body(%arg0: i32, %arg1: memref<2000x16xf32, #tpu.memory_space<vmem>>, %arg2: memref<16x512xf32, #tpu.memory_space<vmem>>, %arg3: memref<1x512xf32, #tpu.memory_space<vmem>>, %arg4: memref<512x512xf32, #tpu.memory_space<vmem>>, %arg5: memref<1x512xf32, #tpu.memory_space<vmem>>, %arg6: memref<512x512xf32, #tpu.memory_space<vmem>>, %arg7: memref<1x512xf32, #tpu.memory_space<vmem>>, %arg8: memref<512x256xf32, #tpu.memory_space<vmem>>, %arg9: memref<1x256xf32, #tpu.memory_space<vmem>>, %arg10: memref<3x256x256xf32, #tpu.memory_space<vmem>>, %arg11: memref<3x256xf32, #tpu.memory_space<vmem>>, %arg12: memref<3x2x2000x128xf32, #tpu.memory_space<vmem>>) attributes {dimension_semantics = [#tpu.dimension_semantics<arbitrary>], iteration_bounds = array<i64: 160>, scalar_prefetch = 0 : i64, scratch_operands = 0 : i64, tpu.core_type = #tpu.core_type<tc>, window_params = [{transform_indices = @transform_0, window_bounds = array<i64: 2000, 16>}, {pipeline_mode = #tpu.pipeline_mode<synchronous>, transform_indices = @transform_1, window_bounds = array<i64: 16, 512>}, {pipeline_mode = #tpu.pipeline_mode<synchronous>, transform_indices = @transform_2, window_bounds = array<i64: 1, 512>}, {pipeline_mode = #tpu.pipeline_mode<synchronous>, transform_indices = @transform_3, window_bounds = array<i64: 512, 512>}, {pipeline_mode = #tpu.pipeline_mode<synchronous>, transform_indices = @transform_4, window_bounds = array<i64: 1, 512>}, {pipeline_mode = #tpu.pipeline_mode<synchronous>, transform_indices = @transform_5, window_bounds = array<i64: 512, 512>}, {pipeline_mode = #tpu.pipeline_mode<synchronous>, transform_indices = @transform_6, window_bounds = array<i64: 1, 512>}, {pipeline_mode = #tpu.pipeline_mode<synchronous>, transform_indices = @transform_7, window_bounds = array<i64: 512, 256>}, {pipeline_mode = #tpu.pipeline_mode<synchronous>, transform_indices = @transform_8, window_bounds = array<i64: 1, 256>}, {pipeline_mode = #tpu.pipeline_mode<synchronous>, transform_indices = @transform_9, window_bounds = array<i64: 3, 256, 256>}, {pipeline_mode = #tpu.pipeline_mode<synchronous>, transform_indices = @transform_10, window_bounds = array<i64: 3, 256>}, {transform_indices = @transform_11, window_bounds = array<i64: 3, 2, 2000, 128>}]} {
    %get3A = arith.constant 0 : index
    %get3A_0 = arith.constant 0 : index
    %get3A_1 = vector.load %arg1[%get3A, %get3A_0] : memref<2000x16xf32, #tpu.memory_space<vmem>>, vector<2000x16xf32>
    %get3A_2 = arith.constant 0 : index
    %get3A_3 = arith.constant 0 : index
    %get3A_4 = vector.load %arg2[%get3A_2, %get3A_3] : memref<16x512xf32, #tpu.memory_space<vmem>>, vector<16x512xf32>
    %dot_general3A = arith.constant dense<0.000000e+00> : vector<2000x512xf32>
    %dot_general3A_5 = tpu.matmul %get3A_1, %get3A_4, %dot_general3A {dimension_numbers = #tpu.dot_dimension_numbers<[1], [0], [0], [1], [0, 0, 1, 1], [], []>, transpose_lhs_hint = false} : vector<2000x16xf32>, vector<16x512xf32>, vector<2000x512xf32> -> vector<2000x512xf32>
    %get3A_6 = arith.constant 0 : index
    %get3A_7 = arith.constant 0 : index
    %get3A_8 = vector.load %arg3[%get3A_6, %get3A_7] : memref<1x512xf32, #tpu.memory_space<vmem>>, vector<1x512xf32>
    %add3A = vector.broadcast %get3A_8 : vector<1x512xf32> to vector<2000x512xf32>
    %add3A_9 = arith.addf %dot_general3A_5, %add3A : vector<2000x512xf32>
    %max3A = arith.constant 0.000000e+00 : f32
    %max3A_10 = vector.broadcast %max3A : f32 to vector<2000x512xf32>
    %max3A_11 = arith.maximumf %add3A_9, %max3A_10 : vector<2000x512xf32>
    %get3A_12 = arith.constant 0 : index
    %get3A_13 = arith.constant 0 : index
    %get3A_14 = vector.load %arg4[%get3A_12, %get3A_13] : memref<512x512xf32, #tpu.memory_space<vmem>>, vector<512x512xf32>
    %dot_general3A_15 = arith.constant dense<0.000000e+00> : vector<2000x512xf32>
    %dot_general3A_16 = tpu.matmul %max3A_11, %get3A_14, %dot_general3A_15 {dimension_numbers = #tpu.dot_dimension_numbers<[1], [0], [0], [1], [0, 0, 1, 1], [], []>, transpose_lhs_hint = false} : vector<2000x512xf32>, vector<512x512xf32>, vector<2000x512xf32> -> vector<2000x512xf32>
    %get3A_17 = arith.constant 0 : index
    %get3A_18 = arith.constant 0 : index
    %get3A_19 = vector.load %arg5[%get3A_17, %get3A_18] : memref<1x512xf32, #tpu.memory_space<vmem>>, vector<1x512xf32>
    %add3A_20 = vector.broadcast %get3A_19 : vector<1x512xf32> to vector<2000x512xf32>
    %add3A_21 = arith.addf %dot_general3A_16, %add3A_20 : vector<2000x512xf32>
    %max3A_22 = arith.constant 0.000000e+00 : f32
    %max3A_23 = vector.broadcast %max3A_22 : f32 to vector<2000x512xf32>
    %max3A_24 = arith.maximumf %add3A_21, %max3A_23 : vector<2000x512xf32>
    %get3A_25 = arith.constant 0 : index
    %get3A_26 = arith.constant 0 : index
    %get3A_27 = vector.load %arg6[%get3A_25, %get3A_26] : memref<512x512xf32, #tpu.memory_space<vmem>>, vector<512x512xf32>
    %dot_general3A_28 = arith.constant dense<0.000000e+00> : vector<2000x512xf32>
    %dot_general3A_29 = tpu.matmul %max3A_24, %get3A_27, %dot_general3A_28 {dimension_numbers = #tpu.dot_dimension_numbers<[1], [0], [0], [1], [0, 0, 1, 1], [], []>, transpose_lhs_hint = false} : vector<2000x512xf32>, vector<512x512xf32>, vector<2000x512xf32> -> vector<2000x512xf32>
    %get3A_30 = arith.constant 0 : index
    %get3A_31 = arith.constant 0 : index
    %get3A_32 = vector.load %arg7[%get3A_30, %get3A_31] : memref<1x512xf32, #tpu.memory_space<vmem>>, vector<1x512xf32>
    %add3A_33 = vector.broadcast %get3A_32 : vector<1x512xf32> to vector<2000x512xf32>
    %add3A_34 = arith.addf %dot_general3A_29, %add3A_33 : vector<2000x512xf32>
    %max3A_35 = arith.constant 0.000000e+00 : f32
    %max3A_36 = vector.broadcast %max3A_35 : f32 to vector<2000x512xf32>
    %max3A_37 = arith.maximumf %add3A_34, %max3A_36 : vector<2000x512xf32>
    %get3A_38 = arith.constant 0 : index
    %get3A_39 = arith.constant 0 : index
    %get3A_40 = vector.load %arg8[%get3A_38, %get3A_39] : memref<512x256xf32, #tpu.memory_space<vmem>>, vector<512x256xf32>
    %dot_general3A_41 = arith.constant dense<0.000000e+00> : vector<2000x256xf32>
    %dot_general3A_42 = tpu.matmul %max3A_37, %get3A_40, %dot_general3A_41 {dimension_numbers = #tpu.dot_dimension_numbers<[1], [0], [0], [1], [0, 0, 1, 1], [], []>, transpose_lhs_hint = false} : vector<2000x512xf32>, vector<512x256xf32>, vector<2000x256xf32> -> vector<2000x256xf32>
    %get3A_43 = arith.constant 0 : index
    %get3A_44 = arith.constant 0 : index
    %get3A_45 = vector.load %arg9[%get3A_43, %get3A_44] : memref<1x256xf32, #tpu.memory_space<vmem>>, vector<1x256xf32>
    %add3A_46 = vector.broadcast %get3A_45 : vector<1x256xf32> to vector<2000x256xf32>
    %add3A_47 = arith.addf %dot_general3A_42, %add3A_46 : vector<2000x256xf32>
    %get3A_48 = arith.constant 0 : index
    %get3A_49 = arith.constant 0 : index
    %get3A_50 = arith.constant 0 : index
    %get3A_51 = vector.load %arg10[%get3A_48, %get3A_49, %get3A_50] : memref<3x256x256xf32, #tpu.memory_space<vmem>>, vector<1x256x256xf32>
    %get3A_52 = vector.shape_cast %get3A_51 : vector<1x256x256xf32> to vector<256x256xf32>
    %dot_general3A_53 = arith.constant dense<0.000000e+00> : vector<2000x256xf32>
    %dot_general3A_54 = tpu.matmul %add3A_47, %get3A_52, %dot_general3A_53 {dimension_numbers = #tpu.dot_dimension_numbers<[1], [0], [0], [1], [0, 0, 1, 1], [], []>, transpose_lhs_hint = false} : vector<2000x256xf32>, vector<256x256xf32>, vector<2000x256xf32> -> vector<2000x256xf32>
    %get3A_55 = arith.constant 0 : index
    %get3A_56 = arith.constant 0 : index
    %get3A_57 = vector.load %arg11[%get3A_55, %get3A_56] : memref<3x256xf32, #tpu.memory_space<vmem>>, vector<1x256xf32>
    %add3A_58 = vector.broadcast %get3A_57 : vector<1x256xf32> to vector<2000x256xf32>
    %add3A_59 = arith.addf %dot_general3A_54, %add3A_58 : vector<2000x256xf32>
    %slice3A = vector.extract_strided_slice %add3A_59 {offsets = [0, 0], sizes = [2000, 128], strides = [1, 1]} : vector<2000x256xf32> to vector<2000x128xf32>
    %swap3A = arith.constant 0 : index
    %swap3A_60 = arith.constant 0 : index
    %swap3A_61 = arith.constant 0 : index
    %swap3A_62 = arith.constant 0 : index
    %swap3A_63 = vector.load %arg12[%swap3A, %swap3A_60, %swap3A_61, %swap3A_62] : memref<3x2x2000x128xf32, #tpu.memory_space<vmem>>, vector<1x1x2000x128xf32>
    %swap3A_64 = vector.shape_cast %swap3A_63 : vector<1x1x2000x128xf32> to vector<2000x128xf32>
    %swap3A_65 = vector.shape_cast %slice3A : vector<2000x128xf32> to vector<1x1x2000x128xf32>
    tpu.vector_store %arg12[%swap3A, %swap3A_60, %swap3A_61, %swap3A_62], %swap3A_65 {strides = array<i32>} : memref<3x2x2000x128xf32, #tpu.memory_space<vmem>>, vector<1x1x2000x128xf32>,
    %slice3A_66 = vector.extract_strided_slice %add3A_59 {offsets = [0, 128], sizes = [2000, 128], strides = [1, 1]} : vector<2000x256xf32> to vector<2000x128xf32>
    %swap3A_67 = arith.constant 0 : index
    %swap3A_68 = arith.constant 1 : index
    %swap3A_69 = arith.constant 0 : index
    %swap3A_70 = arith.constant 0 : index
    %swap3A_71 = vector.load %arg12[%swap3A_67, %swap3A_68, %swap3A_69, %swap3A_70] : memref<3x2x2000x128xf32, #tpu.memory_space<vmem>>, vector<1x1x2000x128xf32>
    %swap3A_72 = vector.shape_cast %swap3A_71 : vector<1x1x2000x128xf32> to vector<2000x128xf32>
    %swap3A_73 = vector.shape_cast %slice3A_66 : vector<2000x128xf32> to vector<1x1x2000x128xf32>
    tpu.vector_store %arg12[%swap3A_67, %swap3A_68, %swap3A_69, %swap3A_70], %swap3A_73 {strides = array<i32>} : memref<3x2x2000x128xf32, #tpu.memory_space<vmem>>, vector<1x1x2000x128xf32>,
    %get3A_74 = arith.constant 1 : index
    %get3A_75 = arith.constant 0 : index
    %get3A_76 = arith.constant 0 : index
    %get3A_77 = vector.load %arg10[%get3A_74, %get3A_75, %get3A_76] : memref<3x256x256xf32, #tpu.memory_space<vmem>>, vector<1x256x256xf32>
    %get3A_78 = vector.shape_cast %get3A_77 : vector<1x256x256xf32> to vector<256x256xf32>
    %dot_general3A_79 = arith.constant dense<0.000000e+00> : vector<2000x256xf32>
    %dot_general3A_80 = tpu.matmul %add3A_47, %get3A_78, %dot_general3A_79 {dimension_numbers = #tpu.dot_dimension_numbers<[1], [0], [0], [1], [0, 0, 1, 1], [], []>, transpose_lhs_hint = false} : vector<2000x256xf32>, vector<256x256xf32>, vector<2000x256xf32> -> vector<2000x256xf32>
    %get3A_81 = arith.constant 1 : index
    %get3A_82 = arith.constant 0 : index
    %get3A_83 = vector.load %arg11[%get3A_81, %get3A_82] : memref<3x256xf32, #tpu.memory_space<vmem>>, vector<1x256xf32>
    %add3A_84 = vector.broadcast %get3A_83 : vector<1x256xf32> to vector<2000x256xf32>
    %add3A_85 = arith.addf %dot_general3A_80, %add3A_84 : vector<2000x256xf32>
    %slice3A_86 = vector.extract_strided_slice %add3A_85 {offsets = [0, 0], sizes = [2000, 128], strides = [1, 1]} : vector<2000x256xf32> to vector<2000x128xf32>
    %swap3A_87 = arith.constant 1 : index
    %swap3A_88 = arith.constant 0 : index
    %swap3A_89 = arith.constant 0 : index
    %swap3A_90 = arith.constant 0 : index
    %swap3A_91 = vector.load %arg12[%swap3A_87, %swap3A_88, %swap3A_89, %swap3A_90] : memref<3x2x2000x128xf32, #tpu.memory_space<vmem>>, vector<1x1x2000x128xf32>
    %swap3A_92 = vector.shape_cast %swap3A_91 : vector<1x1x2000x128xf32> to vector<2000x128xf32>
    %swap3A_93 = vector.shape_cast %slice3A_86 : vector<2000x128xf32> to vector<1x1x2000x128xf32>
    tpu.vector_store %arg12[%swap3A_87, %swap3A_88, %swap3A_89, %swap3A_90], %swap3A_93 {strides = array<i32>} : memref<3x2x2000x128xf32, #tpu.memory_space<vmem>>, vector<1x1x2000x128xf32>,
    %slice3A_94 = vector.extract_strided_slice %add3A_85 {offsets = [0, 128], sizes = [2000, 128], strides = [1, 1]} : vector<2000x256xf32> to vector<2000x128xf32>
    %swap3A_95 = arith.constant 1 : index
    %swap3A_96 = arith.constant 1 : index
    %swap3A_97 = arith.constant 0 : index
    %swap3A_98 = arith.constant 0 : index
    %swap3A_99 = vector.load %arg12[%swap3A_95, %swap3A_96, %swap3A_97, %swap3A_98] : memref<3x2x2000x128xf32, #tpu.memory_space<vmem>>, vector<1x1x2000x128xf32>
    %swap3A_100 = vector.shape_cast %swap3A_99 : vector<1x1x2000x128xf32> to vector<2000x128xf32>
    %swap3A_101 = vector.shape_cast %slice3A_94 : vector<2000x128xf32> to vector<1x1x2000x128xf32>
    tpu.vector_store %arg12[%swap3A_95, %swap3A_96, %swap3A_97, %swap3A_98], %swap3A_101 {strides = array<i32>} : memref<3x2x2000x128xf32, #tpu.memory_space<vmem>>, vector<1x1x2000x128xf32>,
    %get3A_102 = arith.constant 2 : index
    %get3A_103 = arith.constant 0 : index
    %get3A_104 = arith.constant 0 : index
    %get3A_105 = vector.load %arg10[%get3A_102, %get3A_103, %get3A_104] : memref<3x256x256xf32, #tpu.memory_space<vmem>>, vector<1x256x256xf32>
    %get3A_106 = vector.shape_cast %get3A_105 : vector<1x256x256xf32> to vector<256x256xf32>
    %dot_general3A_107 = arith.constant dense<0.000000e+00> : vector<2000x256xf32>
    %dot_general3A_108 = tpu.matmul %add3A_47, %get3A_106, %dot_general3A_107 {dimension_numbers = #tpu.dot_dimension_numbers<[1], [0], [0], [1], [0, 0, 1, 1], [], []>, transpose_lhs_hint = false} : vector<2000x256xf32>, vector<256x256xf32>, vector<2000x256xf32> -> vector<2000x256xf32>
    %get3A_109 = arith.constant 2 : index
    %get3A_110 = arith.constant 0 : index
    %get3A_111 = vector.load %arg11[%get3A_109, %get3A_110] : memref<3x256xf32, #tpu.memory_space<vmem>>, vector<1x256xf32>
    %add3A_112 = vector.broadcast %get3A_111 : vector<1x256xf32> to vector<2000x256xf32>
    %add3A_113 = arith.addf %dot_general3A_108, %add3A_112 : vector<2000x256xf32>
    %slice3A_114 = vector.extract_strided_slice %add3A_113 {offsets = [0, 0], sizes = [2000, 128], strides = [1, 1]} : vector<2000x256xf32> to vector<2000x128xf32>
    %swap3A_115 = arith.constant 2 : index
    %swap3A_116 = arith.constant 0 : index
    %swap3A_117 = arith.constant 0 : index
    %swap3A_118 = arith.constant 0 : index
    %swap3A_119 = vector.load %arg12[%swap3A_115, %swap3A_116, %swap3A_117, %swap3A_118] : memref<3x2x2000x128xf32, #tpu.memory_space<vmem>>, vector<1x1x2000x128xf32>
    %swap3A_120 = vector.shape_cast %swap3A_119 : vector<1x1x2000x128xf32> to vector<2000x128xf32>
    %swap3A_121 = vector.shape_cast %slice3A_114 : vector<2000x128xf32> to vector<1x1x2000x128xf32>
    tpu.vector_store %arg12[%swap3A_115, %swap3A_116, %swap3A_117, %swap3A_118], %swap3A_121 {strides = array<i32>} : memref<3x2x2000x128xf32, #tpu.memory_space<vmem>>, vector<1x1x2000x128xf32>,
    %slice3A_122 = vector.extract_strided_slice %add3A_113 {offsets = [0, 128], sizes = [2000, 128], strides = [1, 1]} : vector<2000x256xf32> to vector<2000x128xf32>
    %swap3A_123 = arith.constant 2 : index
    %swap3A_124 = arith.constant 1 : index
    %swap3A_125 = arith.constant 0 : index
    %swap3A_126 = arith.constant 0 : index
    %swap3A_127 = vector.load %arg12[%swap3A_123, %swap3A_124, %swap3A_125, %swap3A_126] : memref<3x2x2000x128xf32, #tpu.memory_space<vmem>>, vector<1x1x2000x128xf32>
    %swap3A_128 = vector.shape_cast %swap3A_127 : vector<1x1x2000x128xf32> to vector<2000x128xf32>
    %swap3A_129 = vector.shape_cast %slice3A_122 : vector<2000x128xf32> to vector<1x1x2000x128xf32>
    tpu.vector_store %arg12[%swap3A_123, %swap3A_124, %swap3A_125, %swap3A_126], %swap3A_129 {strides = array<i32>} : memref<3x2x2000x128xf32, #tpu.memory_space<vmem>>, vector<1x1x2000x128xf32>,
    return
  }
  func.func @transform_0(%arg0: i32) -> (i32, i32) {
    %c0_i32 = arith.constant 0 : i32
    %c0_i32_0 = arith.constant 0 : i32
    return %arg0, %c0_i32 : i32, i32
  }
  func.func @transform_1(%arg0: i32) -> (i32, i32) {
    %c0_i32 = arith.constant 0 : i32
    %c0_i32_0 = arith.constant 0 : i32
    %c0_i32_1 = arith.constant 0 : i32
    return %c0_i32, %c0_i32_0 : i32, i32
  }
  func.func @transform_2(%arg0: i32) -> (i32, i32) {
    %c0_i32 = arith.constant 0 : i32
    %c0_i32_0 = arith.constant 0 : i32
    %c0_i32_1 = arith.constant 0 : i32
    return %c0_i32, %c0_i32_0 : i32, i32
  }
  func.func @transform_3(%arg0: i32) -> (i32, i32) {
    %c0_i32 = arith.constant 0 : i32
    %c0_i32_0 = arith.constant 0 : i32
    %c0_i32_1 = arith.constant 0 : i32
    return %c0_i32, %c0_i32_0 : i32, i32
  }
  func.func @transform_4(%arg0: i32) -> (i32, i32) {
    %c0_i32 = arith.constant 0 : i32
    %c0_i32_0 = arith.constant 0 : i32
    %c0_i32_1 = arith.constant 0 : i32
    return %c0_i32, %c0_i32_0 : i32, i32
  }
  func.func @transform_5(%arg0: i32) -> (i32, i32) {
    %c0_i32 = arith.constant 0 : i32
    %c0_i32_0 = arith.constant 0 : i32
    %c0_i32_1 = arith.constant 0 : i32
    return %c0_i32, %c0_i32_0 : i32, i32
  }
  func.func @transform_6(%arg0: i32) -> (i32, i32) {
    %c0_i32 = arith.constant 0 : i32
    %c0_i32_0 = arith.constant 0 : i32
    %c0_i32_1 = arith.constant 0 : i32
    return %c0_i32, %c0_i32_0 : i32, i32
  }
  func.func @transform_7(%arg0: i32) -> (i32, i32) {
    %c0_i32 = arith.constant 0 : i32
    %c0_i32_0 = arith.constant 0 : i32
    %c0_i32_1 = arith.constant 0 : i32
    return %c0_i32, %c0_i32_0 : i32, i32
  }
  func.func @transform_8(%arg0: i32) -> (i32, i32) {
    %c0_i32 = arith.constant 0 : i32
    %c0_i32_0 = arith.constant 0 : i32
    %c0_i32_1 = arith.constant 0 : i32
    return %c0_i32, %c0_i32_0 : i32, i32
  }
  func.func @transform_9(%arg0: i32) -> (i32, i32, i32) {
    %c0_i32 = arith.constant 0 : i32
    %c0_i32_0 = arith.constant 0 : i32
    %c0_i32_1 = arith.constant 0 : i32
    %c0_i32_2 = arith.constant 0 : i32
    return %c0_i32, %c0_i32_0, %c0_i32_1 : i32, i32, i32
  }
  func.func @transform_10(%arg0: i32) -> (i32, i32) {
    %c0_i32 = arith.constant 0 : i32
    %c0_i32_0 = arith.constant 0 : i32
    %c0_i32_1 = arith.constant 0 : i32
    return %c0_i32, %c0_i32_0 : i32, i32
  }
  func.func @transform_11(%arg0: i32) -> (i32, i32, i32, i32) {
    %c0_i32 = arith.constant 0 : i32
    %c0_i32_0 = arith.constant 0 : i32
    %c0_i32_1 = arith.constant 0 : i32
    %c0_i32_2 = arith.constant 0 : i32
    return %c0_i32, %c0_i32_0, %arg0, %c0_i32_1 : i32, i32, i32, i32
  }
}

module attributes {stable_mosaic.version = 14 : i64} {
  func.func @_ku_body(%arg0: i32, %arg1: memref<2000x256xf32, #tpu.memory_space<vmem>>, %arg2: memref<2000x128xf32, #tpu.memory_space<vmem>>, %arg3: memref<2000x128xf32, #tpu.memory_space<vmem>>, %arg4: memref<256x256xf32, #tpu.memory_space<vmem>>, %arg5: memref<128x256xf32, #tpu.memory_space<vmem>>, %arg6: memref<128x256xf32, #tpu.memory_space<vmem>>, %arg7: memref<1x256xf32, #tpu.memory_space<vmem>>, %arg8: memref<256x256xf32, #tpu.memory_space<vmem>>, %arg9: memref<256x256xf32, #tpu.memory_space<vmem>>, %arg10: memref<2000x256xf32, #tpu.memory_space<vmem>>, %arg11: memref<4x2000x128xf32, #tpu.memory_space<vmem>>) attributes {dimension_semantics = [#tpu.dimension_semantics<arbitrary>], iteration_bounds = array<i64: 5>, scalar_prefetch = 0 : i64, scratch_operands = 0 : i64, tpu.core_type = #tpu.core_type<tc>, window_params = [{transform_indices = @transform_0, window_bounds = array<i64: 2000, 256>}, {transform_indices = @transform_1, window_bounds = array<i64: 2000, 128>}, {transform_indices = @transform_2, window_bounds = array<i64: 2000, 128>}, {pipeline_mode = #tpu.pipeline_mode<synchronous>, transform_indices = @transform_3, window_bounds = array<i64: 256, 256>}, {pipeline_mode = #tpu.pipeline_mode<synchronous>, transform_indices = @transform_4, window_bounds = array<i64: 128, 256>}, {pipeline_mode = #tpu.pipeline_mode<synchronous>, transform_indices = @transform_5, window_bounds = array<i64: 128, 256>}, {pipeline_mode = #tpu.pipeline_mode<synchronous>, transform_indices = @transform_6, window_bounds = array<i64: 1, 256>}, {pipeline_mode = #tpu.pipeline_mode<synchronous>, transform_indices = @transform_7, window_bounds = array<i64: 256, 256>}, {pipeline_mode = #tpu.pipeline_mode<synchronous>, transform_indices = @transform_8, window_bounds = array<i64: 256, 256>}, {transform_indices = @transform_9, window_bounds = array<i64: 2000, 256>}, {transform_indices = @transform_10, window_bounds = array<i64: 4, 2000, 128>}]} {
    %get3A = arith.constant 0 : index
    %get3A_0 = arith.constant 0 : index
    %get3A_1 = vector.load %arg1[%get3A, %get3A_0] : memref<2000x256xf32, #tpu.memory_space<vmem>>, vector<2000x256xf32>
    %get3A_2 = arith.constant 0 : index
    %get3A_3 = arith.constant 0 : index
    %get3A_4 = vector.load %arg4[%get3A_2, %get3A_3] : memref<256x256xf32, #tpu.memory_space<vmem>>, vector<256x256xf32>
    %dot_general3A = arith.constant dense<0.000000e+00> : vector<2000x256xf32>
    %dot_general3A_5 = tpu.matmul %get3A_1, %get3A_4, %dot_general3A {dimension_numbers = #tpu.dot_dimension_numbers<[1], [0], [0], [1], [0, 0, 1, 1], [], []>, transpose_lhs_hint = false} : vector<2000x256xf32>, vector<256x256xf32>, vector<2000x256xf32> -> vector<2000x256xf32>
    %get3A_6 = arith.constant 0 : index
    %get3A_7 = arith.constant 0 : index
    %get3A_8 = vector.load %arg2[%get3A_6, %get3A_7] : memref<2000x128xf32, #tpu.memory_space<vmem>>, vector<2000x128xf32>
    %get3A_9 = arith.constant 0 : index
    %get3A_10 = arith.constant 0 : index
    %get3A_11 = vector.load %arg5[%get3A_9, %get3A_10] : memref<128x256xf32, #tpu.memory_space<vmem>>, vector<128x256xf32>
    %dot_general3A_12 = arith.constant dense<0.000000e+00> : vector<2000x256xf32>
    %dot_general3A_13 = tpu.matmul %get3A_8, %get3A_11, %dot_general3A_12 {dimension_numbers = #tpu.dot_dimension_numbers<[1], [0], [0], [1], [0, 0, 1, 1], [], []>, transpose_lhs_hint = false} : vector<2000x128xf32>, vector<128x256xf32>, vector<2000x256xf32> -> vector<2000x256xf32>
    %add3A = arith.addf %dot_general3A_5, %dot_general3A_13 : vector<2000x256xf32>
    %get3A_14 = arith.constant 0 : index
    %get3A_15 = arith.constant 0 : index
    %get3A_16 = vector.load %arg3[%get3A_14, %get3A_15] : memref<2000x128xf32, #tpu.memory_space<vmem>>, vector<2000x128xf32>
    %get3A_17 = arith.constant 0 : index
    %get3A_18 = arith.constant 0 : index
    %get3A_19 = vector.load %arg6[%get3A_17, %get3A_18] : memref<128x256xf32, #tpu.memory_space<vmem>>, vector<128x256xf32>
    %dot_general3A_20 = arith.constant dense<0.000000e+00> : vector<2000x256xf32>
    %dot_general3A_21 = tpu.matmul %get3A_16, %get3A_19, %dot_general3A_20 {dimension_numbers = #tpu.dot_dimension_numbers<[1], [0], [0], [1], [0, 0, 1, 1], [], []>, transpose_lhs_hint = false} : vector<2000x128xf32>, vector<128x256xf32>, vector<2000x256xf32> -> vector<2000x256xf32>
    %add3A_22 = arith.addf %add3A, %dot_general3A_21 : vector<2000x256xf32>
    %get3A_23 = arith.constant 0 : index
    %get3A_24 = arith.constant 0 : index
    %get3A_25 = vector.load %arg7[%get3A_23, %get3A_24] : memref<1x256xf32, #tpu.memory_space<vmem>>, vector<1x256xf32>
    %add3A_26 = vector.broadcast %get3A_25 : vector<1x256xf32> to vector<2000x256xf32>
    %add3A_27 = arith.addf %add3A_22, %add3A_26 : vector<2000x256xf32>
    %max3A = arith.constant 0.000000e+00 : f32
    %max3A_28 = vector.broadcast %max3A : f32 to vector<2000x256xf32>
    %max3A_29 = arith.maximumf %add3A_27, %max3A_28 : vector<2000x256xf32>
    %swap3A = arith.constant 0 : index
    %swap3A_30 = arith.constant 0 : index
    %swap3A_31 = vector.load %arg10[%swap3A, %swap3A_30] : memref<2000x256xf32, #tpu.memory_space<vmem>>, vector<2000x256xf32>
    tpu.vector_store %arg10[%swap3A, %swap3A_30], %max3A_29 {strides = array<i32>} : memref<2000x256xf32, #tpu.memory_space<vmem>>, vector<2000x256xf32>,
    %get3A_32 = arith.constant 0 : index
    %get3A_33 = arith.constant 0 : index
    %get3A_34 = vector.load %arg8[%get3A_32, %get3A_33] : memref<256x256xf32, #tpu.memory_space<vmem>>, vector<256x256xf32>
    %dot_general3A_35 = arith.constant dense<0.000000e+00> : vector<2000x256xf32>
    %dot_general3A_36 = tpu.matmul %max3A_29, %get3A_34, %dot_general3A_35 {dimension_numbers = #tpu.dot_dimension_numbers<[1], [0], [0], [1], [0, 0, 1, 1], [], []>, transpose_lhs_hint = false} : vector<2000x256xf32>, vector<256x256xf32>, vector<2000x256xf32> -> vector<2000x256xf32>
    %get3A_37 = arith.constant 0 : index
    %get3A_38 = arith.constant 0 : index
    %get3A_39 = vector.load %arg9[%get3A_37, %get3A_38] : memref<256x256xf32, #tpu.memory_space<vmem>>, vector<256x256xf32>
    %dot_general3A_40 = arith.constant dense<0.000000e+00> : vector<2000x256xf32>
    %dot_general3A_41 = tpu.matmul %max3A_29, %get3A_39, %dot_general3A_40 {dimension_numbers = #tpu.dot_dimension_numbers<[1], [0], [0], [1], [0, 0, 1, 1], [], []>, transpose_lhs_hint = false} : vector<2000x256xf32>, vector<256x256xf32>, vector<2000x256xf32> -> vector<2000x256xf32>
    %slice3A = vector.extract_strided_slice %dot_general3A_36 {offsets = [0, 0], sizes = [2000, 128], strides = [1, 1]} : vector<2000x256xf32> to vector<2000x128xf32>
    %swap3A_42 = arith.constant 0 : index
    %swap3A_43 = arith.constant 0 : index
    %swap3A_44 = arith.constant 0 : index
    %swap3A_45 = vector.load %arg11[%swap3A_42, %swap3A_43, %swap3A_44] : memref<4x2000x128xf32, #tpu.memory_space<vmem>>, vector<1x2000x128xf32>
    %swap3A_46 = vector.shape_cast %swap3A_45 : vector<1x2000x128xf32> to vector<2000x128xf32>
    %swap3A_47 = vector.shape_cast %slice3A : vector<2000x128xf32> to vector<1x2000x128xf32>
    tpu.vector_store %arg11[%swap3A_42, %swap3A_43, %swap3A_44], %swap3A_47 {strides = array<i32>} : memref<4x2000x128xf32, #tpu.memory_space<vmem>>, vector<1x2000x128xf32>,
    %slice3A_48 = vector.extract_strided_slice %dot_general3A_36 {offsets = [0, 128], sizes = [2000, 128], strides = [1, 1]} : vector<2000x256xf32> to vector<2000x128xf32>
    %swap3A_49 = arith.constant 1 : index
    %swap3A_50 = arith.constant 0 : index
    %swap3A_51 = arith.constant 0 : index
    %swap3A_52 = vector.load %arg11[%swap3A_49, %swap3A_50, %swap3A_51] : memref<4x2000x128xf32, #tpu.memory_space<vmem>>, vector<1x2000x128xf32>
    %swap3A_53 = vector.shape_cast %swap3A_52 : vector<1x2000x128xf32> to vector<2000x128xf32>
    %swap3A_54 = vector.shape_cast %slice3A_48 : vector<2000x128xf32> to vector<1x2000x128xf32>
    tpu.vector_store %arg11[%swap3A_49, %swap3A_50, %swap3A_51], %swap3A_54 {strides = array<i32>} : memref<4x2000x128xf32, #tpu.memory_space<vmem>>, vector<1x2000x128xf32>,
    %slice3A_55 = vector.extract_strided_slice %dot_general3A_41 {offsets = [0, 0], sizes = [2000, 128], strides = [1, 1]} : vector<2000x256xf32> to vector<2000x128xf32>
    %swap3A_56 = arith.constant 2 : index
    %swap3A_57 = arith.constant 0 : index
    %swap3A_58 = arith.constant 0 : index
    %swap3A_59 = vector.load %arg11[%swap3A_56, %swap3A_57, %swap3A_58] : memref<4x2000x128xf32, #tpu.memory_space<vmem>>, vector<1x2000x128xf32>
    %swap3A_60 = vector.shape_cast %swap3A_59 : vector<1x2000x128xf32> to vector<2000x128xf32>
    %swap3A_61 = vector.shape_cast %slice3A_55 : vector<2000x128xf32> to vector<1x2000x128xf32>
    tpu.vector_store %arg11[%swap3A_56, %swap3A_57, %swap3A_58], %swap3A_61 {strides = array<i32>} : memref<4x2000x128xf32, #tpu.memory_space<vmem>>, vector<1x2000x128xf32>,
    %slice3A_62 = vector.extract_strided_slice %dot_general3A_41 {offsets = [0, 128], sizes = [2000, 128], strides = [1, 1]} : vector<2000x256xf32> to vector<2000x128xf32>
    %swap3A_63 = arith.constant 3 : index
    %swap3A_64 = arith.constant 0 : index
    %swap3A_65 = arith.constant 0 : index
    %swap3A_66 = vector.load %arg11[%swap3A_63, %swap3A_64, %swap3A_65] : memref<4x2000x128xf32, #tpu.memory_space<vmem>>, vector<1x2000x128xf32>
    %swap3A_67 = vector.shape_cast %swap3A_66 : vector<1x2000x128xf32> to vector<2000x128xf32>
    %swap3A_68 = vector.shape_cast %slice3A_62 : vector<2000x128xf32> to vector<1x2000x128xf32>
    tpu.vector_store %arg11[%swap3A_63, %swap3A_64, %swap3A_65], %swap3A_68 {strides = array<i32>} : memref<4x2000x128xf32, #tpu.memory_space<vmem>>, vector<1x2000x128xf32>,
    return
  }
  func.func @transform_0(%arg0: i32) -> (i32, i32) {
    %c0_i32 = arith.constant 0 : i32
    %c0_i32_0 = arith.constant 0 : i32
    return %arg0, %c0_i32 : i32, i32
  }
  func.func @transform_1(%arg0: i32) -> (i32, i32) {
    %c0_i32 = arith.constant 0 : i32
    %c0_i32_0 = arith.constant 0 : i32
    return %arg0, %c0_i32 : i32, i32
  }
  func.func @transform_2(%arg0: i32) -> (i32, i32) {
    %c0_i32 = arith.constant 0 : i32
    %c0_i32_0 = arith.constant 0 : i32
    return %arg0, %c0_i32 : i32, i32
  }
  func.func @transform_3(%arg0: i32) -> (i32, i32) {
    %c0_i32 = arith.constant 0 : i32
    %c0_i32_0 = arith.constant 0 : i32
    %c0_i32_1 = arith.constant 0 : i32
    return %c0_i32, %c0_i32_0 : i32, i32
  }
  func.func @transform_4(%arg0: i32) -> (i32, i32) {
    %c0_i32 = arith.constant 0 : i32
    %c0_i32_0 = arith.constant 0 : i32
    %c0_i32_1 = arith.constant 0 : i32
    return %c0_i32, %c0_i32_0 : i32, i32
  }
  func.func @transform_5(%arg0: i32) -> (i32, i32) {
    %c0_i32 = arith.constant 0 : i32
    %c0_i32_0 = arith.constant 0 : i32
    %c0_i32_1 = arith.constant 0 : i32
    return %c0_i32, %c0_i32_0 : i32, i32
  }
  func.func @transform_6(%arg0: i32) -> (i32, i32) {
    %c0_i32 = arith.constant 0 : i32
    %c0_i32_0 = arith.constant 0 : i32
    %c0_i32_1 = arith.constant 0 : i32
    return %c0_i32, %c0_i32_0 : i32, i32
  }
  func.func @transform_7(%arg0: i32) -> (i32, i32) {
    %c0_i32 = arith.constant 0 : i32
    %c0_i32_0 = arith.constant 0 : i32
    %c0_i32_1 = arith.constant 0 : i32
    return %c0_i32, %c0_i32_0 : i32, i32
  }
  func.func @transform_8(%arg0: i32) -> (i32, i32) {
    %c0_i32 = arith.constant 0 : i32
    %c0_i32_0 = arith.constant 0 : i32
    %c0_i32_1 = arith.constant 0 : i32
    return %c0_i32, %c0_i32_0 : i32, i32
  }
  func.func @transform_9(%arg0: i32) -> (i32, i32) {
    %c0_i32 = arith.constant 0 : i32
    %c0_i32_0 = arith.constant 0 : i32
    return %arg0, %c0_i32 : i32, i32
  }
  func.func @transform_10(%arg0: i32) -> (i32, i32, i32) {
    %c0_i32 = arith.constant 0 : i32
    %c0_i32_0 = arith.constant 0 : i32
    %c0_i32_1 = arith.constant 0 : i32
    return %c0_i32, %arg0, %c0_i32_0 : i32, i32, i32
  }
}

module attributes {stable_mosaic.version = 14 : i64} {
  func.func @_lambda_(%arg0: i32, %arg1: memref<2000x256xf32, #tpu.memory_space<vmem>>, %arg2: memref<2000x128xf32, #tpu.memory_space<vmem>>, %arg3: memref<2000x128xf32, #tpu.memory_space<vmem>>, %arg4: memref<256x256xf32, #tpu.memory_space<vmem>>, %arg5: memref<128x256xf32, #tpu.memory_space<vmem>>, %arg6: memref<128x256xf32, #tpu.memory_space<vmem>>, %arg7: memref<1x256xf32, #tpu.memory_space<vmem>>, %arg8: memref<2000x256xf32, #tpu.memory_space<vmem>>) attributes {dimension_semantics = [#tpu.dimension_semantics<arbitrary>], iteration_bounds = array<i64: 5>, scalar_prefetch = 0 : i64, scratch_operands = 0 : i64, tpu.core_type = #tpu.core_type<tc>, window_params = [{transform_indices = @transform_0, window_bounds = array<i64: 2000, 256>}, {transform_indices = @transform_1, window_bounds = array<i64: 2000, 128>}, {transform_indices = @transform_2, window_bounds = array<i64: 2000, 128>}, {pipeline_mode = #tpu.pipeline_mode<synchronous>, transform_indices = @transform_3, window_bounds = array<i64: 256, 256>}, {pipeline_mode = #tpu.pipeline_mode<synchronous>, transform_indices = @transform_4, window_bounds = array<i64: 128, 256>}, {pipeline_mode = #tpu.pipeline_mode<synchronous>, transform_indices = @transform_5, window_bounds = array<i64: 128, 256>}, {pipeline_mode = #tpu.pipeline_mode<synchronous>, transform_indices = @transform_6, window_bounds = array<i64: 1, 256>}, {transform_indices = @transform_7, window_bounds = array<i64: 2000, 256>}]} {
    %get3A = arith.constant 0 : index
    %get3A_0 = arith.constant 0 : index
    %get3A_1 = vector.load %arg1[%get3A, %get3A_0] : memref<2000x256xf32, #tpu.memory_space<vmem>>, vector<2000x256xf32>
    %get3A_2 = arith.constant 0 : index
    %get3A_3 = arith.constant 0 : index
    %get3A_4 = vector.load %arg4[%get3A_2, %get3A_3] : memref<256x256xf32, #tpu.memory_space<vmem>>, vector<256x256xf32>
    %dot_general3A = arith.constant dense<0.000000e+00> : vector<2000x256xf32>
    %dot_general3A_5 = tpu.matmul %get3A_1, %get3A_4, %dot_general3A {dimension_numbers = #tpu.dot_dimension_numbers<[1], [0], [0], [1], [0, 0, 1, 1], [], []>, transpose_lhs_hint = false} : vector<2000x256xf32>, vector<256x256xf32>, vector<2000x256xf32> -> vector<2000x256xf32>
    %get3A_6 = arith.constant 0 : index
    %get3A_7 = arith.constant 0 : index
    %get3A_8 = vector.load %arg2[%get3A_6, %get3A_7] : memref<2000x128xf32, #tpu.memory_space<vmem>>, vector<2000x128xf32>
    %get3A_9 = arith.constant 0 : index
    %get3A_10 = arith.constant 0 : index
    %get3A_11 = vector.load %arg5[%get3A_9, %get3A_10] : memref<128x256xf32, #tpu.memory_space<vmem>>, vector<128x256xf32>
    %dot_general3A_12 = arith.constant dense<0.000000e+00> : vector<2000x256xf32>
    %dot_general3A_13 = tpu.matmul %get3A_8, %get3A_11, %dot_general3A_12 {dimension_numbers = #tpu.dot_dimension_numbers<[1], [0], [0], [1], [0, 0, 1, 1], [], []>, transpose_lhs_hint = false} : vector<2000x128xf32>, vector<128x256xf32>, vector<2000x256xf32> -> vector<2000x256xf32>
    %add3A = arith.addf %dot_general3A_5, %dot_general3A_13 : vector<2000x256xf32>
    %get3A_14 = arith.constant 0 : index
    %get3A_15 = arith.constant 0 : index
    %get3A_16 = vector.load %arg3[%get3A_14, %get3A_15] : memref<2000x128xf32, #tpu.memory_space<vmem>>, vector<2000x128xf32>
    %get3A_17 = arith.constant 0 : index
    %get3A_18 = arith.constant 0 : index
    %get3A_19 = vector.load %arg6[%get3A_17, %get3A_18] : memref<128x256xf32, #tpu.memory_space<vmem>>, vector<128x256xf32>
    %dot_general3A_20 = arith.constant dense<0.000000e+00> : vector<2000x256xf32>
    %dot_general3A_21 = tpu.matmul %get3A_16, %get3A_19, %dot_general3A_20 {dimension_numbers = #tpu.dot_dimension_numbers<[1], [0], [0], [1], [0, 0, 1, 1], [], []>, transpose_lhs_hint = false} : vector<2000x128xf32>, vector<128x256xf32>, vector<2000x256xf32> -> vector<2000x256xf32>
    %add3A_22 = arith.addf %add3A, %dot_general3A_21 : vector<2000x256xf32>
    %get3A_23 = arith.constant 0 : index
    %get3A_24 = arith.constant 0 : index
    %get3A_25 = vector.load %arg7[%get3A_23, %get3A_24] : memref<1x256xf32, #tpu.memory_space<vmem>>, vector<1x256xf32>
    %add3A_26 = vector.broadcast %get3A_25 : vector<1x256xf32> to vector<2000x256xf32>
    %add3A_27 = arith.addf %add3A_22, %add3A_26 : vector<2000x256xf32>
    %max3A = arith.constant 0.000000e+00 : f32
    %max3A_28 = vector.broadcast %max3A : f32 to vector<2000x256xf32>
    %max3A_29 = arith.maximumf %add3A_27, %max3A_28 : vector<2000x256xf32>
    %swap3A = arith.constant 0 : index
    %swap3A_30 = arith.constant 0 : index
    %swap3A_31 = vector.load %arg8[%swap3A, %swap3A_30] : memref<2000x256xf32, #tpu.memory_space<vmem>>, vector<2000x256xf32>
    tpu.vector_store %arg8[%swap3A, %swap3A_30], %max3A_29 {strides = array<i32>} : memref<2000x256xf32, #tpu.memory_space<vmem>>, vector<2000x256xf32>,
    return
  }
  func.func @transform_0(%arg0: i32) -> (i32, i32) {
    %c0_i32 = arith.constant 0 : i32
    %c0_i32_0 = arith.constant 0 : i32
    return %arg0, %c0_i32 : i32, i32
  }
  func.func @transform_1(%arg0: i32) -> (i32, i32) {
    %c0_i32 = arith.constant 0 : i32
    %c0_i32_0 = arith.constant 0 : i32
    return %arg0, %c0_i32 : i32, i32
  }
  func.func @transform_2(%arg0: i32) -> (i32, i32) {
    %c0_i32 = arith.constant 0 : i32
    %c0_i32_0 = arith.constant 0 : i32
    return %arg0, %c0_i32 : i32, i32
  }
  func.func @transform_3(%arg0: i32) -> (i32, i32) {
    %c0_i32 = arith.constant 0 : i32
    %c0_i32_0 = arith.constant 0 : i32
    %c0_i32_1 = arith.constant 0 : i32
    return %c0_i32, %c0_i32_0 : i32, i32
  }
  func.func @transform_4(%arg0: i32) -> (i32, i32) {
    %c0_i32 = arith.constant 0 : i32
    %c0_i32_0 = arith.constant 0 : i32
    %c0_i32_1 = arith.constant 0 : i32
    return %c0_i32, %c0_i32_0 : i32, i32
  }
  func.func @transform_5(%arg0: i32) -> (i32, i32) {
    %c0_i32 = arith.constant 0 : i32
    %c0_i32_0 = arith.constant 0 : i32
    %c0_i32_1 = arith.constant 0 : i32
    return %c0_i32, %c0_i32_0 : i32, i32
  }
  func.func @transform_6(%arg0: i32) -> (i32, i32) {
    %c0_i32 = arith.constant 0 : i32
    %c0_i32_0 = arith.constant 0 : i32
    %c0_i32_1 = arith.constant 0 : i32
    return %c0_i32, %c0_i32_0 : i32, i32
  }
  func.func @transform_7(%arg0: i32) -> (i32, i32) {
    %c0_i32 = arith.constant 0 : i32
    %c0_i32_0 = arith.constant 0 : i32
    return %arg0, %c0_i32 : i32, i32
  }
}

module attributes {stable_mosaic.version = 14 : i64} {
  func.func @_k3_body(%arg0: i32, %arg1: memref<2000x256xf32, #tpu.memory_space<vmem>>, %arg2: memref<1x1x2000xi32, #tpu.memory_space<vmem>>, %arg3: memref<256x512xf32, #tpu.memory_space<vmem>>, %arg4: memref<1x512xf32, #tpu.memory_space<vmem>>, %arg5: memref<512x1xf32, #tpu.memory_space<vmem>>, %arg6: memref<1x1xf32, #tpu.memory_space<vmem>>, %arg7: memref<64x1xf32, #tpu.memory_space<vmem>>, %arg8: memref<64x256xf32, #tpu.memory_space<vmem>>, %arg9: memref<64x1xf32, #tpu.memory_space<vmem>>) attributes {dimension_semantics = [#tpu.dimension_semantics<arbitrary>], iteration_bounds = array<i64: 5>, scalar_prefetch = 0 : i64, scratch_operands = 2 : i64, tpu.core_type = #tpu.core_type<tc>, window_params = [{transform_indices = @transform_0, window_bounds = array<i64: 2000, 256>}, {transform_indices = @transform_1, window_bounds = array<i64: 1, 1, 2000>}, {pipeline_mode = #tpu.pipeline_mode<synchronous>, transform_indices = @transform_2, window_bounds = array<i64: 256, 512>}, {pipeline_mode = #tpu.pipeline_mode<synchronous>, transform_indices = @transform_3, window_bounds = array<i64: 1, 512>}, {pipeline_mode = #tpu.pipeline_mode<synchronous>, transform_indices = @transform_4, window_bounds = array<i64: 512, 1>}, {pipeline_mode = #tpu.pipeline_mode<synchronous>, transform_indices = @transform_5, window_bounds = array<i64: 1, 1>}, {pipeline_mode = #tpu.pipeline_mode<synchronous>, transform_indices = @transform_6, window_bounds = array<i64: 64, 1>}]} {
    %eq3A = arith.constant 0 : i32
    %eq3A_0 = arith.cmpi eq, %arg0, %eq3A : i32
    %convert_element_type3A = arith.extui %eq3A_0 : i1 to i32
    %cond3A = arith.constant 0 : i32
    %cond3A_1 = arith.cmpi ne, %convert_element_type3A, %cond3A : i32
    scf.if %cond3A_1 {
      %broadcast_in_dim3A_33 = arith.constant 0.000000e+00 : f32
      %broadcast_in_dim3A_34 = vector.broadcast %broadcast_in_dim3A_33 : f32 to vector<64x256xf32>
      %swap3A_35 = arith.constant 0 : index
      %swap3A_36 = arith.constant 0 : index
      %swap3A_37 = vector.load %arg8[%swap3A_35, %swap3A_36] : memref<64x256xf32, #tpu.memory_space<vmem>>, vector<64x256xf32>
      tpu.vector_store %arg8[%swap3A_35, %swap3A_36], %broadcast_in_dim3A_34 {strides = array<i32>} : memref<64x256xf32, #tpu.memory_space<vmem>>, vector<64x256xf32>,
      %broadcast_in_dim3A_38 = arith.constant 0.000000e+00 : f32
      %broadcast_in_dim3A_39 = vector.broadcast %broadcast_in_dim3A_38 : f32 to vector<64x1xf32>
      %swap3A_40 = arith.constant 0 : index
      %swap3A_41 = arith.constant 0 : index
      %swap3A_42 = vector.load %arg9[%swap3A_40, %swap3A_41] : memref<64x1xf32, #tpu.memory_space<vmem>>, vector<64x1xf32>
      tpu.vector_store %arg9[%swap3A_40, %swap3A_41], %broadcast_in_dim3A_39 {strides = array<i32>} : memref<64x1xf32, #tpu.memory_space<vmem>>, vector<64x1xf32>,
    } else {
    }
    %get3A = arith.constant 0 : index
    %get3A_2 = arith.constant 0 : index
    %get3A_3 = arith.constant 0 : index
    %get3A_4 = vector.load %arg2[%get3A, %get3A_2, %get3A_3] : memref<1x1x2000xi32, #tpu.memory_space<vmem>>, vector<1x1x2000xi32>
    %get3A_5 = vector.shape_cast %get3A_4 : vector<1x1x2000xi32> to vector<1x2000xi32>
    %iota3A = tpu.iota {dimensions = array<i32: 0>} : vector<64x2000xi32>
    %eq3A_6 = vector.broadcast %get3A_5 : vector<1x2000xi32> to vector<64x2000xi32>
    %eq3A_7 = arith.cmpi eq, %iota3A, %eq3A_6 : vector<64x2000xi32>
    %jit3A = arith.constant 1.000000e+00 : f32
    %jit3A_8 = arith.constant 0.000000e+00 : f32
    %broadcast_in_dim3A = vector.broadcast %jit3A : f32 to vector<64x2000xf32>
    %broadcast_in_dim3A_9 = vector.broadcast %jit3A_8 : f32 to vector<64x2000xf32>
    %select_n3A = arith.select %eq3A_7, %broadcast_in_dim3A, %broadcast_in_dim3A_9 : vector<64x2000xi1>, vector<64x2000xf32>
    %get3A_10 = arith.constant 0 : index
    %get3A_11 = arith.constant 0 : index
    %get3A_12 = vector.load %arg8[%get3A_10, %get3A_11] : memref<64x256xf32, #tpu.memory_space<vmem>>, vector<64x256xf32>
    %get3A_13 = arith.constant 0 : index
    %get3A_14 = arith.constant 0 : index
    %get3A_15 = vector.load %arg1[%get3A_13, %get3A_14] : memref<2000x256xf32, #tpu.memory_space<vmem>>, vector<2000x256xf32>
    %dot_general3A = arith.constant dense<0.000000e+00> : vector<64x256xf32>
    %dot_general3A_16 = tpu.matmul %select_n3A, %get3A_15, %dot_general3A {dimension_numbers = #tpu.dot_dimension_numbers<[1], [0], [0], [1], [0, 0, 1, 1], [], []>, transpose_lhs_hint = false} : vector<64x2000xf32>, vector<2000x256xf32>, vector<64x256xf32> -> vector<64x256xf32>
    %add3A = arith.addf %get3A_12, %dot_general3A_16 : vector<64x256xf32>
    %swap3A = arith.constant 0 : index
    %swap3A_17 = arith.constant 0 : index
    %swap3A_18 = vector.load %arg8[%swap3A, %swap3A_17] : memref<64x256xf32, #tpu.memory_space<vmem>>, vector<64x256xf32>
    tpu.vector_store %arg8[%swap3A, %swap3A_17], %add3A {strides = array<i32>} : memref<64x256xf32, #tpu.memory_space<vmem>>, vector<64x256xf32>,
    %get3A_19 = arith.constant 0 : index
    %get3A_20 = arith.constant 0 : index
    %get3A_21 = vector.load %arg9[%get3A_19, %get3A_20] : memref<64x1xf32, #tpu.memory_space<vmem>>, vector<64x1xf32>
    %reduce_sum3A = arith.constant dense<0.000000e+00> : vector<64xf32>
    %reduce_sum3A_22 = vector.multi_reduction <add>, %select_n3A, %reduce_sum3A [1] : vector<64x2000xf32> to vector<64xf32>
    %broadcast_in_dim3A_23 = vector.shape_cast %reduce_sum3A_22 : vector<64xf32> to vector<64x1xf32>
    %add3A_24 = arith.addf %get3A_21, %broadcast_in_dim3A_23 : vector<64x1xf32>
    %swap3A_25 = arith.constant 0 : index
    %swap3A_26 = arith.constant 0 : index
    %swap3A_27 = vector.load %arg9[%swap3A_25, %swap3A_26] : memref<64x1xf32, #tpu.memory_space<vmem>>, vector<64x1xf32>
    tpu.vector_store %arg9[%swap3A_25, %swap3A_26], %add3A_24 {strides = array<i32>} : memref<64x1xf32, #tpu.memory_space<vmem>>, vector<64x1xf32>,
    %eq3A_28 = arith.constant 4 : i32
    %eq3A_29 = arith.cmpi eq, %arg0, %eq3A_28 : i32
    %convert_element_type3A_30 = arith.extui %eq3A_29 : i1 to i32
    %cond3A_31 = arith.constant 0 : i32
    %cond3A_32 = arith.cmpi ne, %convert_element_type3A_30, %cond3A_31 : i32
    scf.if %cond3A_32 {
      %get3A_33 = arith.constant 0 : index
      %get3A_34 = arith.constant 0 : index
      %get3A_35 = vector.load %arg8[%get3A_33, %get3A_34] : memref<64x256xf32, #tpu.memory_space<vmem>>, vector<64x256xf32>
      %get3A_36 = arith.constant 0 : index
      %get3A_37 = arith.constant 0 : index
      %get3A_38 = vector.load %arg9[%get3A_36, %get3A_37] : memref<64x1xf32, #tpu.memory_space<vmem>>, vector<64x1xf32>
      %max3A = arith.constant 1.000000e+00 : f32
      %max3A_39 = vector.broadcast %max3A : f32 to vector<64x1xf32>
      %max3A_40 = arith.maximumf %get3A_38, %max3A_39 : vector<64x1xf32>
      %div3A = vector.broadcast %max3A_40 : vector<64x1xf32> to vector<64x256xf32>
      %div3A_41 = arith.divf %get3A_35, %div3A : vector<64x256xf32>
      %get3A_42 = arith.constant 0 : index
      %get3A_43 = arith.constant 0 : index
      %get3A_44 = vector.load %arg3[%get3A_42, %get3A_43] : memref<256x512xf32, #tpu.memory_space<vmem>>, vector<256x512xf32>
      %dot_general3A_45 = arith.constant dense<0.000000e+00> : vector<64x512xf32>
      %dot_general3A_46 = tpu.matmul %div3A_41, %get3A_44, %dot_general3A_45 {dimension_numbers = #tpu.dot_dimension_numbers<[1], [0], [0], [1], [0, 0, 1, 1], [], []>, transpose_lhs_hint = false} : vector<64x256xf32>, vector<256x512xf32>, vector<64x512xf32> -> vector<64x512xf32>
      %get3A_47 = arith.constant 0 : index
      %get3A_48 = arith.constant 0 : index
      %get3A_49 = vector.load %arg4[%get3A_47, %get3A_48] : memref<1x512xf32, #tpu.memory_space<vmem>>, vector<1x512xf32>
      %add3A_50 = vector.broadcast %get3A_49 : vector<1x512xf32> to vector<64x512xf32>
      %add3A_51 = arith.addf %dot_general3A_46, %add3A_50 : vector<64x512xf32>
      %max3A_52 = arith.constant 0.000000e+00 : f32
      %max3A_53 = vector.broadcast %max3A_52 : f32 to vector<64x512xf32>
      %max3A_54 = arith.maximumf %add3A_51, %max3A_53 : vector<64x512xf32>
      %get3A_55 = arith.constant 0 : index
      %get3A_56 = arith.constant 0 : index
      %get3A_57 = vector.load %arg5[%get3A_55, %get3A_56] : memref<512x1xf32, #tpu.memory_space<vmem>>, vector<512x1xf32>
      %dot_general3A_58 = arith.constant dense<0.000000e+00> : vector<64x1xf32>
      %dot_general3A_59 = tpu.matmul %max3A_54, %get3A_57, %dot_general3A_58 {dimension_numbers = #tpu.dot_dimension_numbers<[1], [0], [0], [1], [0, 0, 1, 1], [], []>, transpose_lhs_hint = false} : vector<64x512xf32>, vector<512x1xf32>, vector<64x1xf32> -> vector<64x1xf32>
      %get3A_60 = arith.constant 0 : index
      %get3A_61 = arith.constant 0 : index
      %get3A_62 = vector.load %arg6[%get3A_60, %get3A_61] : memref<1x1xf32, #tpu.memory_space<vmem>>, vector<1x1xf32>
      %add3A_63 = vector.broadcast %get3A_62 : vector<1x1xf32> to vector<64x1xf32>
      %add3A_64 = arith.addf %dot_general3A_59, %add3A_63 : vector<64x1xf32>
      %swap3A_65 = arith.constant 0 : index
      %swap3A_66 = arith.constant 0 : index
      %swap3A_67 = vector.load %arg7[%swap3A_65, %swap3A_66] : memref<64x1xf32, #tpu.memory_space<vmem>>, vector<64x1xf32>
      tpu.vector_store %arg7[%swap3A_65, %swap3A_66], %add3A_64 {strides = array<i32>} : memref<64x1xf32, #tpu.memory_space<vmem>>, vector<64x1xf32>,
    } else {
    }
    return
  }
  func.func @transform_0(%arg0: i32) -> (i32, i32) {
    %c0_i32 = arith.constant 0 : i32
    %c0_i32_0 = arith.constant 0 : i32
    return %arg0, %c0_i32 : i32, i32
  }
  func.func @transform_1(%arg0: i32) -> (i32, i32, i32) {
    %c0_i32 = arith.constant 0 : i32
    %c0_i32_0 = arith.constant 0 : i32
    %c0_i32_1 = arith.constant 0 : i32
    return %arg0, %c0_i32, %c0_i32_0 : i32, i32, i32
  }
  func.func @transform_2(%arg0: i32) -> (i32, i32) {
    %c0_i32 = arith.constant 0 : i32
    %c0_i32_0 = arith.constant 0 : i32
    %c0_i32_1 = arith.constant 0 : i32
    return %c0_i32, %c0_i32_0 : i32, i32
  }
  func.func @transform_3(%arg0: i32) -> (i32, i32) {
    %c0_i32 = arith.constant 0 : i32
    %c0_i32_0 = arith.constant 0 : i32
    %c0_i32_1 = arith.constant 0 : i32
    return %c0_i32, %c0_i32_0 : i32, i32
  }
  func.func @transform_4(%arg0: i32) -> (i32, i32) {
    %c0_i32 = arith.constant 0 : i32
    %c0_i32_0 = arith.constant 0 : i32
    %c0_i32_1 = arith.constant 0 : i32
    return %c0_i32, %c0_i32_0 : i32, i32
  }
  func.func @transform_5(%arg0: i32) -> (i32, i32) {
    %c0_i32 = arith.constant 0 : i32
    %c0_i32_0 = arith.constant 0 : i32
    %c0_i32_1 = arith.constant 0 : i32
    return %c0_i32, %c0_i32_0 : i32, i32
  }
  func.func @transform_6(%arg0: i32) -> (i32, i32) {
    %c0_i32 = arith.constant 0 : i32
    %c0_i32_0 = arith.constant 0 : i32
    %c0_i32_1 = arith.constant 0 : i32
    return %c0_i32, %c0_i32_0 : i32, i32
  }
}

</mosaic_0001>

<sc_bundles>
// kernel: kernel.11.cloned.1.call-start
scs
__scs_entry_jumppad:
0x0: {  	(pc) =	sbr.rel $0x88, $3  }
0x1: {  	(tag) =	ssettag $0x0;
	lr =	simm.s32 $0x1  }
0x2: {  	[smem:$0x3F7D] =	sst lr;
	_ =	strace $0xD0000000  }
0x3: {  	_ = 	snop  }
0x4: {  	_ = 	snop  }
0x5: {  	_ = 	snop  }
0x6: {  	_ = 	snop  }
0x7: {  	_ = 	snop  }
__scs_overlays_trampoline_lowered:
0x8: {  	[smem:$0x3F8C] =	sst s0  }
0x9: {  	[smem:$0x3F8D] =	sst s1  }
0xa: {  	[smem:$0x3F8E] =	sst s2  }
0xb: {  	[smem:$0x3F8F] =	sst s3  }
0xc: {  	[smem:$0x3F90] =	sst s4  }
0xd: {  	[smem:$0x3F91] =	sst s5  }
0xe: {  	[smem:$0x3F92] =	sst s6  }
0xf: {  	[smem:$0x3F93] =	sst s7  }
0x10: {  	[smem:$0x3F94] =	sst s8  }
0x11: {  	[smem:$0x3F95] =	sst s9;
	s0 =	simm.s32 @!p0 $0x0  }
0x12: {  	s1 =	sld [smem:$0x3F7B];
	s0 =	simm.s32 @p0 $0x1  }
0x13: {  	[smem:$0x3F96] =	sst s0;
	s0 =	simm.s32 @!p1 $0x0  }
0x14: {  	s2 =	sld [smem:$0x3F7A];
	s0 =	simm.s32 @p1 $0x1  }
0x15: {  	[smem:$0x3F97] =	sst s0;
	s0 =	simm.s32 @!p2 $0x0  }
0x16: {  	s3 =	sld [smem:$0x3FDB];
	s0 =	simm.s32 @p2 $0x1  }
0x17: {  	s4 =	simm.s32 $0x1BF5;
	[smem:$0x3F99] =	sst s0  }
0x18: {  	s0 =	sld [smem:$0x3F7C];
	_ =	swait.ge [sflag:s4], $0x0  }
0x19: {  	s7 =	sld [smem:$0x3F7D]  }
0x1a: {  	s8 =	sadd.s32 $0xFFFFE003, lr  }
0x1b: {  	s9 =	sadd.s32 $0xFFFFFEF7, lr;
	s5 =	simm.s32 $0xFFFFFFFF;
	p2 =	slt.u32 s8, $0xFFFFF086  }
0x1c: {  	p1 =	slt.u32 s9, $0xF7A;
	s5 =	simm.s32 @!p2 $0x0  }
0x1d: {  	s5 =	simm.s32 @p1 $0x1;
	p0 =	seq.s32 s7, s2  }
0x1e: {  	s7 =	smul.u32 @!p0 $0xF7A, s2;
	p2 =	seq.s32 @!p0 s5, $0x0  }
0x1f: {  	s9 =	smul.u32 $0xF7A, s1;
	s8 =	simm.s32 @!p0 $0x1BF5;
	p2 =	por !p2, p0  }
0x20: {  	[sflag:s8] =	ssyncset.s32 @!p0 $0xFFFFF086;
	s6 =	sadd.s32 @!p0 s3, s7;
	s7 =	simm.s32 @!p0 $0x108  }
0x21: {  	s3 =	sadd.s32 s3, s9;
	s6 =	sadd.s32 @!p0 $0x88, s6;
	s7 =	simm.s32 @p2 $0x1082  }
0x22: {  	[simem:s7], [sflag:s8] =	dma.local @!p0 [hbm:s6], $0xF7A  }
0x23: {  	s9 =	sor.u32 $0xD0000000, s2;
	s6 =	simm.s32 $0x108;
	_ =	swait.ge @!p0 [sflag:s8], $0x0  }
0x24: {  	s3 =	sadd.s32 $0x88, s3;
	s6 =	simm.s32 @!p1 $0x1082;
	[sflag:s4] =	ssyncset.s32 $0xFFFFF086  }
0x25: {  	[simem:s6], [sflag:s4] =	dma.local [hbm:s3], $0xF7A  }
0x26: {  	[smem:$0x3F7D] =	sst s1;
	(tag) =	ssettag s2;
	_ =	strace s9  }
0x27: {  	s1 =	sld [smem:$0x3F8D]  }
0x28: {  	s2 =	sld [smem:$0x3F8E]  }
0x29: {  	s4 =	sld [smem:$0x3F90]  }
0x2a: {  	p0 =	seq.s32 s5, $0x0;
	s5 =	sld [smem:$0x3F91]  }
0x2b: {  	s6 =	sld [smem:$0x3F92]  }
0x2c: {  	s7 =	sld [smem:$0x3F93]  }
0x2d: {  	s3 =	simm.s32 $0x108;
	s8 =	sld [smem:$0x3F94]  }
0x2e: {  	s3 =	simm.s32 @!p0 $0x1082;
	s9 =	sld [smem:$0x3F95]  }
0x2f: {  	lr =	sadd.s32 s0, s3;
	s0 =	sld [smem:$0x3F8C]  }
0x30: {  	s3 =	sld [smem:$0x3F8F]  }
0x31: {  	[smem:$0x3F98] =	sst s10  }
0x32: {  	s10 =	sld [smem:$0x3F96];
	_ =	sdelay $0x3  }
0x33: {  	p0 =	seq.s32 s10, $0x1;
	s10 =	sld [smem:$0x3F98];
	_ =	sdelay $0x3  }
0x34: {  	[smem:$0x3F98] =	sst s10  }
0x35: {  	s10 =	sld [smem:$0x3F97];
	_ =	sdelay $0x3  }
0x36: {  	p1 =	seq.s32 s10, $0x1;
	s10 =	sld [smem:$0x3F98];
	_ =	sdelay $0x3  }
0x37: {  	[smem:$0x3F98] =	sst s10  }
0x38: {  	s10 =	sld [smem:$0x3F99]  }
0x39: {  	_ = 	snop;
	(pc) =	sbr.ind lr, $3  }
0x3a: {  	_ = 	snop  }
0x3b: {  	_ = 	snop  }
0x3c: {  	p2 =	seq.s32 s10, $0x1;
	s10 =	sld [smem:$0x3F98]  }
0x3d: {  	_ =	shalt  }
0x3e: {  	_ =	shalt  }
0x3f: {  	_ =	shalt  }
0x40: {  	_ =	shalt  }
0x41: {  	_ =	shalt  }
0x42: {  	_ =	shalt  }
0x43: {  	_ =	shalt  }
0x44: {  	_ =	shalt  }
0x45: {  	_ =	shalt  }
0x46: {  	_ =	shalt  }
0x47: {  	_ =	shalt  }
0x48: {  	_ =	shalt  }
0x49: {  	_ =	shalt  }
0x4a: {  	_ =	shalt  }
0x4b: {  	_ =	shalt  }
0x4c: {  	_ =	shalt  }
0x4d: {  	_ =	shalt  }
0x4e: {  	_ =	shalt  }
0x4f: {  	_ =	shalt  }
0x50: {  	_ =	shalt  }
0x51: {  	_ =	shalt  }
0x52: {  	_ =	shalt  }
0x53: {  	_ =	shalt  }
0x54: {  	_ =	shalt  }
0x55: {  	_ =	shalt  }
0x56: {  	_ =	shalt  }
0x57: {  	_ =	shalt  }
0x58: {  	_ =	shalt  }
0x59: {  	_ =	shalt  }
0x5a: {  	_ =	shalt  }
0x5b: {  	_ =	shalt  }
0x5c: {  	_ =	shalt  }
0x5d: {  	_ =	shalt  }
0x5e: {  	_ =	shalt  }
0x5f: {  	_ =	shalt  }
0x60: {  	_ =	shalt  }
0x61: {  	_ =	shalt  }
0x62: {  	_ =	shalt  }
0x63: {  	_ =	shalt  }
0x64: {  	_ =	shalt  }
0x65: {  	_ =	shalt  }
0x66: {  	_ =	shalt  }
0x67: {  	_ =	shalt  }
0x68: {  	_ =	shalt  }
0x69: {  	_ =	shalt  }
0x6a: {  	_ =	shalt  }
0x6b: {  	_ =	shalt  }
0x6c: {  	_ =	shalt  }
0x6d: {  	_ =	shalt  }
0x6e: {  	_ =	shalt  }
0x6f: {  	_ =	shalt  }
0x70: {  	_ =	shalt  }
0x71: {  	_ =	shalt  }
0x72: {  	_ =	shalt  }
0x73: {  	_ =	shalt  }
0x74: {  	_ =	shalt  }
0x75: {  	_ =	shalt  }
0x76: {  	_ =	shalt  }
0x77: {  	_ =	shalt  }
0x78: {  	_ =	shalt  }
0x79: {  	_ =	shalt  }
0x7a: {  	_ =	shalt  }
0x7b: {  	_ =	shalt  }
0x7c: {  	_ =	shalt  }
0x7d: {  	_ =	shalt  }
0x7e: {  	_ =	shalt  }
0x7f: {  	_ =	shalt  }
0x80: {  	_ =	shalt  }
0x81: {  	_ =	shalt  }
0x82: {  	_ =	shalt  }
0x83: {  	_ =	shalt  }
0x84: {  	_ =	shalt  }
0x85: {  	_ =	shalt  }
0x86: {  	_ =	shalt  }
0x87: {  	_ =	shalt  }
.Lfunc_end0:
.L_simem_size_0:
called_computation_lowered:
.L_overlay_start_0:
0x88: {  	s2 =	sld [smem:$0x3FD9]  }
0x89: {  	s3 =	sld [smem:$0x3FFE];
	_ =	sdelay $0x1  }
0x8a: {  	s1 =	srdreg.scid  }
0x8b: {  	s0 =	sand.u32 $0x1, s1  }
0x8c: {  	s16 =	sshll.u32 s0, $0xA;
	s2 =	sadd.s32 s3, s2  }
0x8d: {  	s2 =	sadd.s32 s2, s16  }
0x8e: {  	[smem:$0x3FA4] =	sst s2  }
0x8f: {  	_ = 	snop  }
0x90: {  	(tm) =	ssettm $0x1  }
0x91: {  	s17 =	sld [smem:$0x3FFB];
	_ =	sdelay $0x3  }
0x92: {  	_ =	strace s17  }
0x93: {  	s2 =	sld [smem:$0x3FFC];
	_ =	sdelay $0x3  }
0x94: {  	_ =	strace s2  }
0x95: {  	s2 =	sld [smem:$0x3FFD];
	_ =	sdelay $0x3  }
0x96: {  	_ =	strace s2  }
0x97: {  	_ =	strace $0x8FFFFFFF  }
0x98: {  	s18 =	sld [smem:$0x3FDB];
	_ =	sdelay $0x1  }
0x99: {  	s19 =	simm.s32 $_scs_section_size  }
0x9a: {  	s4 =	simm.s32 $_size__tile_overlayer_lowered;
	s5 =	simm.s32 $_tile_overlayer_lowered  }
0x9b: {  	s22 =	simm.s32 $0x1BFF;
	s21 =	sshll.u32 s5, $0x1;
	s2 =	sadd.s32 s19, s18  }
0x9c: {  	s6 =	simm.s32 $0x0;
	s20 =	sshll.u32 s4, $0x1;
	s4 =	sadd.s32 s21, s2  }
0x9d: {  	[timem:s6], [sflag:s22] =	dma.local [hbm:s4], s20  }
0x9e: {  	_ =	swait.ge [sflag:s22], s20  }
0x9f: {  	s3 =	ssub.s32 $0x0, s20;
	[sflag:s22] =	ssyncset.done $0x0  }
0xa0: {  	[sflag:s22] =	ssyncadd.s32 s3;
	_ =	sdelay $0x1  }
0xa1: {  	s23 =	simm.s32 $0x1B8B  }
0xa2: {  	_ =	swait.ge [sflag:s23], $0x1  }
0xa3: {  	[sflag:s23] =	ssyncset.done $0x0  }
0xa4: {  	s25 =	simm.s32 $0x1B8E;
	s24 =	sld [smem:$0x3FFE];
	[sflag:s23] =	ssyncadd.s32 $0xFFFFFFFF  }
0xa5: {  	s26 =	simm.s32 $execute0_lowered;
	[smem:$0x3FD2] =	sst s25  }
0xa6: {  	s4 =	sshll.u32 s26, $0x1;
	_ =	strace $0x80000046;
	[dreg:$0x1] =	wrdreg $0xFFFFFFFF  }
0xa7: {  	s28 =	simm.s32 $_size_execute0_lowered;
	s2 =	sadd.s32 s2, s4;
	[dreg:$0x0] =	wrdreg $0x0  }
0xa8: {  	s4 =	sshll.u32 s28, $0x1;
	[dreg:$0x2] =	wrdreg s2  }
0xa9: {  	[dreg:$0x3] =	wrdreg s4  }
0xaa: {  	[dreg:$0x4] =	wrdreg $0xC0  }
0xab: {  	_ =	task [dreg:s6], $0x5FFFF  }
0xac: {  	[dreg:$0x1] =	wrdreg $0xFFFFFFFF  }
0xad: {  	[dreg:$0x0] =	wrdreg $0x60  }
0xae: {  	[dreg:$0x2] =	wrdreg s24  }
0xaf: {  	[dreg:$0x3] =	wrdreg $0x7A000  }
0xb0: {  	[dreg:$0x4] =	wrdreg $0x9  }
0xb1: {  	_ =	task.clear_ibuf [dreg:s6], $0x5FFFF;
	_ =	strace $0x90000046  }
0xb2: {  	s29 =	simm.s32 $0x9;
	_ =	strace $0x80000048  }
0xb3: {  	_ =	swait.ge [sflag:s29], $0x1  }
0xb4: {  	[sflag:s29] =	ssyncadd.s32 $0xFFFFFFFF  }
0xb5: {  	_ =	strace $0x90000048  }
0xb6: {  	_ =	sfence  }
0xb7: {  	s30 =	sld [smem:$0x0];
	_ =	sdelay $0x2  }
0xb8: {  	s31 =	sshll.u32 s1, $0xD;
	s1 =	sshrl.u32 s1, $0x2  }
0xb9: {  	s3 =	sand.u32 $0x4000, s31;
	s1 =	sadd.s32 s1, s30  }
0xba: {  	s0 =	sor.u32 s3, s0;
	s1 =	sshll.u32 s1, $0x11  }
0xbb: {  	s0 =	sor.u32 s1, s0  }
0xbc: {  	s0 =	sadd.s32 $0x8F2B, s0  }
0xbd: {  	[sflag:s0] =	ssyncadd.remote.s32 $0x1  }
0xbe: {  	_ =	sfence.sel $0xFFFF  }
0xbf: {  	[dreg:$0x0] =	wrdreg $0xFFFFFFFF;
	(pc) =	sbr.abs _section_cstart, $3  }
0xc0: {  	[dreg:$0x1] =	wrdreg $0xFFFFFFFF  }
0xc1: {  	_ =	task.clear_ibuf [dreg:s6], $0x2FFFF;
	_ =	strace $0x9FFFFFFF  }
0xc2: {  	(tm) =	ssettm $0x7FFFFFFF  }
0xc3: {  	_ =	shalt  }
tec
execute0_lowered:
.L_overlay_start_1:
0x0: {  	(tag) =	ssettag $0x1  }
0x1: {  	s0 =	rddreg [dreg:$0x0]  }
0x2: {  	s2 =	rddreg [dreg:$0x1]  }
0x3: {  	s3 =	simm.s32 $0x0;
	s1 =	srdreg.scid;
	s15 =	stileid.u32  }
0x4: {  	s19 =	simm.s32 $0x5200;
	s20 =	simm.s32 $0x4;
	s21 =	simm.s32 $0x50  }
0x5: {  	s22 =	simm.s32 $0x100;
	s23 =	simm.s32 $0x200;
	s7 =	smul.u32 $0x2800, s15  }
0x6: {  	s24 =	simm.s32 $0x180;
	s30 =	simm.s32 $0x80;
	s9 =	smul.u32 $0x50000, s15  }
0x7: {  	s31 =	simm.s32 $0x0;
	s4 =	sadd.s32 $0x4ED800, s0;
	s16 =	smul.u32 $0x271000, s15  }
0x8: {  	s1 =	sand.u32 $0x1, s1;
	s5 =	sadd.s32 $0x510C00, s0;
	s15 =	smul.u32 $0xFA, s15  }
0x9: {  	[smem:$0x7FF] =	sst s3;
	s6 =	sadd.s32 $0x5FB200, s0;
	s8 =	smul.u32 $0x28000, s1  }
0xa: {  	_ =	strace $0x80000047;
	s25 =	ssub.s32 $0x2, s1;
	s28 =	smul.u32 $0x2710, s1  }
0xb: {  	s1 =	smul.u32 $0x2710000, s1;
	s9 =	sshrl.u32 s9, $0x2;
	s10 =	sshrl.u32 s25, $0x1  }
0xc: {  	s7 =	sadd.s32 s7, s8;
	s8 =	ssub.s32 s25, s10;
	s29 =	sadd.s32 $0x4E20, s28  }
0xd: {  	s16 =	sadd.s32 s1, s16;
	s25 =	simm.s32 $0x2A00;
	v0 =	vmov s28;
	s28 =	simm.s32 $0x2  }
0xe: {  	s0 =	sadd.s32 s7, s0;
	s7 =	sadd.s32 s9, s2;
	s18 =	smax.u32 s8, $0x1  }
0xf: {  	v1 =	vmov s29;
	s29 =	simm.s32 $0x3;
	s9 =	sadd.s32 $0x2800, s7;
	s26 =	sadd.s32 $0x5000, s7  }
0x10: {  	s10 =	sadd.s32 $0x7800, s7;
	s11 =	sadd.s32 $0xA000, s7;
	s12 =	sadd.s32 $0xC800, s7  }
0x11: {  	s13 =	sadd.s32 $0xF000, s7;
	s14 =	sadd.s32 $0x11800, s7;
	[dreg:$0x3] =	wrdreg s9  }
0x12: {  	v2 =	vimm.f32 $0.0e+00;
	s17 =	sadd.s32 $0xB800, s0;
	[dreg:$0x4] =	wrdreg s26;
	s26 =	simm.s32 $0x1  }
.LBB2_1:
0x13: {  	s0 =	simm.s32 $0x0;
	s1 =	simm.s32 $0x200  }
.LBB2_2:
0x14: {  	p0 =	sne.s32 s1, $0x9E00;
	[tilespmem:s0+$0x5270] =	vst v2  }
0x15: {  	[tilespmem:s0+$0x5200] =	vst v2  }
0x16: {  	[tilespmem:s0+$0x5210] =	vst v2  }
.Ltmp0:
0x17: {  	[tilespmem:s0+$0x5220] =	vst v2;
	(pc) =	sbr.rel @p0 .LBB2_2-.Ltmp0, $4  }
0x18: {  	[tilespmem:s0+$0x5230] =	vst v2  }
0x19: {  	[tilespmem:s0+$0x5240] =	vst v2  }
0x1a: {  	[tilespmem:s0+$0x5250] =	vst v2  }
0x1b: {  	[tilespmem:s0+$0x5260] =	vst v2;
	s0 =	sshra.s32 s1, $0x2;
	s1 =	sadd.s32 $0x200, s1  }
0x1c: {  	[tilespmem:s0+$0x5270] =	vst v2  }
0x1d: {  	[tilespmem:s0+$0x5200] =	vst v2  }
0x1e: {  	[tilespmem:s0+$0x5210] =	vst v2  }
0x1f: {  	[tilespmem:s0+$0x5220] =	vst v2  }
0x20: {  	[tilespmem:s0+$0x5230] =	vst v2  }
0x21: {  	[tilespmem:s0+$0x5240] =	vst v2  }
0x22: {  	[tilespmem:s0+$0x5250] =	vst v2  }
0x23: {  	[tilespmem:s0+$0x5260] =	vst v2  }
0x24: {  	[spmem:s7] =	stream.linear.scatter [tilespmem:s19], [sflag:$0x4], $0x2800, $0x38;
	[tilespmem:$0x1BA00] =	vst v63  }
0x25: {  	_ =	swait.ge [sflag:s20], $0x2800  }
0x26: {  	[sflag:s20] =	ssyncset.done $0x0  }
0x27: {  	s8 =	rddreg [dreg:$0x3];
	[sflag:s20] =	ssyncadd.s32 $0xFFFFD800  }
0x28: {  	[spmem:s8] =	stream.linear.scatter [tilespmem:s19], [sflag:$0x4], $0x2800, $0x38;
	[tilespmem:$0x1BA00] =	vst v63  }
0x29: {  	_ =	swait.ge [sflag:s20], $0x2800  }
0x2a: {  	[sflag:s20] =	ssyncset.done $0x0  }
0x2b: {  	s9 =	rddreg [dreg:$0x4];
	[sflag:s20] =	ssyncadd.s32 $0xFFFFD800  }
0x2c: {  	[spmem:s9] =	stream.linear.scatter [tilespmem:s19], [sflag:$0x4], $0x2800, $0x38;
	[tilespmem:$0x1BA00] =	vst v63  }
0x2d: {  	_ =	swait.ge [sflag:s20], $0x2800  }
0x2e: {  	[sflag:s20] =	ssyncset.done $0x0  }
0x2f: {  	[sflag:s20] =	ssyncadd.s32 $0xFFFFD800  }
0x30: {  	[spmem:s10] =	stream.linear.scatter [tilespmem:s19], [sflag:$0x4], $0x2800, $0x38;
	[tilespmem:$0x1BA00] =	vst v63  }
0x31: {  	_ =	swait.ge [sflag:s20], $0x2800  }
0x32: {  	[sflag:s20] =	ssyncset.done $0x0  }
0x33: {  	[sflag:s20] =	ssyncadd.s32 $0xFFFFD800  }
0x34: {  	[spmem:s11] =	stream.linear.scatter [tilespmem:s19], [sflag:$0x4], $0x2800, $0x38;
	[tilespmem:$0x1BA00] =	vst v63  }
0x35: {  	_ =	swait.ge [sflag:s20], $0x2800  }
0x36: {  	[sflag:s20] =	ssyncset.done $0x0  }
0x37: {  	[sflag:s20] =	ssyncadd.s32 $0xFFFFD800  }
0x38: {  	[spmem:s12] =	stream.linear.scatter [tilespmem:s19], [sflag:$0x4], $0x2800, $0x38;
	[tilespmem:$0x1BA00] =	vst v63  }
0x39: {  	_ =	swait.ge [sflag:s20], $0x2800  }
0x3a: {  	[sflag:s20] =	ssyncset.done $0x0  }
0x3b: {  	[sflag:s20] =	ssyncadd.s32 $0xFFFFD800  }
0x3c: {  	[spmem:s13] =	stream.linear.scatter [tilespmem:s19], [sflag:$0x4], $0x2800, $0x38;
	[tilespmem:$0x1BA00] =	vst v63  }
0x3d: {  	_ =	swait.ge [sflag:s20], $0x2800  }
0x3e: {  	[sflag:s20] =	ssyncset.done $0x0  }
0x3f: {  	[sflag:s20] =	ssyncadd.s32 $0xFFFFD800  }
0x40: {  	[spmem:s14] =	stream.linear.scatter [tilespmem:s19], [sflag:$0x4], $0x2800, $0x38;
	[tilespmem:$0x1BA00] =	vst v63  }
0x41: {  	_ =	swait.ge [sflag:s20], $0x2800  }
0x42: {  	[sflag:s20] =	ssyncset.done $0x0  }
0x43: {  	[sflag:s20] =	ssyncadd.s32 $0xFFFFD800  }
0x44: {  	s0 =	simm.s32 $0x0;
	[bflag:$0x0] =	sbarrier.arrive $0xFFFF  }
.LBB2_4:
0x45: {  	s1 =	sadd.s32 s15, s0  }
0x46: {  	s1 =	sshll.u32 s1, $0x5  }
0x47: {  	s1 =	sadd.s32 s4, s1  }
0x48: {  	[tilespmem:s31], [sflag:$0x4] =	stream.linear.gather [hbm4b:s1+s31], $0x100, $0x38;
	[tilespmem:$0x1BA00] =	vst v63  }
0x49: {  	_ =	swait.ge [sflag:s20], $0x100  }
0x4a: {  	[sflag:s20] =	ssyncset.done $0x0  }
0x4b: {  	[sflag:s20] =	ssyncadd.s32 $0xFFFFFF00  }
0x4c: {  	v3 =	vld [tilespmem:$0x0]  }
0x4d: {  	v4 =	vld [tilespmem:$0x80]  }
0x4e: {  	v5 =	vld [tilespmem:$0x10]  }
0x4f: {  	v6 =	vld [tilespmem:$0x90]  }
0x50: {  	v7 =	vld [tilespmem:$0x20]  }
0x51: {  	v8 =	vld [tilespmem:$0xA0];
	v3 =	vadd.s32 v0, v3  }
0x52: {  	[tilespmem:$0x100] =	vst v3;
	v3 =	vadd.s32 v1, v4;
	v4 =	vld [tilespmem:$0x30]  }
0x53: {  	[tilespmem:$0x180] =	vst v3;
	v3 =	vadd.s32 v0, v5;
	v5 =	vld [tilespmem:$0xB0]  }
0x54: {  	[tilespmem:$0x110] =	vst v3;
	v3 =	vadd.s32 v1, v6;
	v6 =	vld [tilespmem:$0x40]  }
0x55: {  	[tilespmem:$0x190] =	vst v3;
	v3 =	vadd.s32 v0, v7;
	v7 =	vld [tilespmem:$0xC0]  }
0x56: {  	[tilespmem:$0x120] =	vst v3;
	v3 =	vadd.s32 v1, v8  }
0x57: {  	[tilespmem:$0x1A0] =	vst v3;
	v3 =	vadd.s32 v0, v4  }
0x58: {  	[tilespmem:$0x130] =	vst v3;
	v3 =	vadd.s32 v1, v5  }
0x59: {  	s9 =	smul.u32 $0x2800, s0;
	[tilespmem:$0x1B0] =	vst v3;
	v3 =	vadd.s32 v0, v6  }
0x5a: {  	[tilespmem:$0x140] =	vst v3;
	v3 =	vadd.s32 v1, v7  }
0x5b: {  	s1 =	sadd.s32 s16, s9;
	[tilespmem:$0x1C0] =	vst v3  }
0x5c: {  	[tilespmem:s23], [sflag:$0x1] =	stream.indirect.gather [hbm4b:s5+s21], $0x80, s22, s21, $0xb8;
	[tilespmem:$0x1BA00] =	vst v63  }
0x5d: {  	s1 =	sshrl.u32 s1, $0x3  }
0x5e: {  	[tilespmem:s25], [sflag:$0x2] =	stream.indirect.gather [hbm4b:s5+s21], $0x80, s24, s21, $0xb8;
	[tilespmem:$0x1BA00] =	vst v63  }
0x5f: {  	s1 =	sadd.s32 s6, s1  }
0x60: {  	[tilespmem:s19], [sflag:$0x3] =	stream.linear.gather [hbm4b:s1+s31], $0x2800, $0x38;
	[tilespmem:$0x1BA00] =	vst v63  }
0x61: {  	_ =	swait.ge [sflag:s26], $0x2800  }
0x62: {  	[sflag:s26] =	ssyncset.done $0x0  }
0x63: {  	[sflag:s26] =	ssyncadd.s32 $0xFFFFD800  }
0x64: {  	_ =	swait.ge [sflag:s28], $0x2800  }
0x65: {  	[sflag:s28] =	ssyncset.done $0x0  }
0x66: {  	[sflag:s28] =	ssyncadd.s32 $0xFFFFD800  }
0x67: {  	_ =	swait.ge [sflag:s29], $0x2800  }
0x68: {  	[sflag:s29] =	ssyncset.done $0x0  }
0x69: {  	s1 =	simm.s32 $0x0;
	[sflag:s29] =	ssyncadd.s32 $0xFFFFD800  }
0x6a: {  	v15 =	vld [tilespmem:s1+$0x200]  }
0x6b: {  	v20 =	vld [tilespmem:s1+$0x2A00]  }
0x6c: {  	v22 =	vld [tilespmem:s1+$0x210]  }
0x6d: {  	v23 =	vld [tilespmem:s1+$0x2A10]  }
0x6e: {  	v8 =	vld [tilespmem:s1+$0x220]  }
0x6f: {  	v12 =	vld [tilespmem:s1+$0x2A20]  }
0x70: {  	v10 =	vld [tilespmem:s1+$0x230]  }
0x71: {  	v14 =	vld [tilespmem:s1+$0x2A30]  }
0x72: {  	v11 =	vld [tilespmem:s1+$0x240]  }
0x73: {  	v13 =	vld [tilespmem:s1+$0x2A40]  }
0x74: {  	v7 =	vld [tilespmem:s1+$0x250]  }
0x75: {  	v9 =	vld [tilespmem:s1+$0x2A50]  }
0x76: {  	v5 =	vld [tilespmem:s1+$0x260]  }
0x77: {  	v6 =	vld [tilespmem:s1+$0x2A60]  }
0x78: {  	v3 =	vld [tilespmem:s1+$0x270]  }
0x79: {  	v4 =	vld [tilespmem:s1+$0x2A70]  }
0x7a: {  	v19 =	vld [tilespmem:s1+$0x5200]  }
0x7b: {  	v18 =	vld [tilespmem:s1+$0x5210]  }
0x7c: {  	v17 =	vld [tilespmem:s1+$0x5220]  }
0x7d: {  	v16 =	vld [tilespmem:s1+$0x5230];
	v21 =	vadd.f32 v20, v15  }
0x7e: {  	s8 =	simm.s32 $0x200;
	v20 =	vadd.f32 v23, v22;
	v15 =	vld [tilespmem:s1+$0x5240]  }
.LBB2_5:
0x7f: {  	p0 =	sne.s32 s8, $0x9E00;
	v19 =	vadd.f32 v19, v21;
	v8 =	vadd.f32 v12, v8;
	v12 =	vld [tilespmem:s1+$0x5250]  }
0x80: {  	v10 =	vadd.f32 v14, v10;
	v18 =	vadd.f32 v18, v20;
	v14 =	vld [tilespmem:s1+$0x5260]  }
0x81: {  	s9 =	sshra.s32 s8, $0x2;
	v11 =	vadd.f32 v13, v11;
	v19 =	vmax.f32 v19, $0.0e+00;
	v8 =	vadd.f32 v17, v8;
	v13 =	vld [tilespmem:s1+$0x5270]  }
0x82: {  	v7 =	vadd.f32 v9, v7;
	v20 =	vld [tilespmem:s9+$0x200];
	[tilespmem:s1+$0x5200] =	vst v19;
	v17 =	vmax.f32 v18, $0.0e+00;
	v10 =	vadd.f32 v16, v10  }
0x83: {  	v5 =	vadd.f32 v6, v5;
	v16 =	vld [tilespmem:s9+$0x2A00];
	[tilespmem:s1+$0x5210] =	vst v17;
	v8 =	vmax.f32 v8, $0.0e+00;
	v9 =	vadd.f32 v15, v11  }
0x84: {  	v3 =	vadd.f32 v4, v3;
	v15 =	vld [tilespmem:s9+$0x210];
	[tilespmem:s1+$0x5220] =	vst v8;
	v6 =	vmax.f32 v10, $0.0e+00;
	v7 =	vadd.f32 v12, v7  }
0x85: {  	v22 =	vld [tilespmem:s9+$0x2A10];
	[tilespmem:s1+$0x5230] =	vst v6;
	v4 =	vmax.f32 v9, $0.0e+00;
	v5 =	vadd.f32 v14, v5  }
0x86: {  	v8 =	vld [tilespmem:s9+$0x220];
	[tilespmem:s1+$0x5240] =	vst v4;
	v4 =	vmax.f32 v7, $0.0e+00;
	v3 =	vadd.f32 v13, v3  }
0x87: {  	v12 =	vld [tilespmem:s9+$0x2A20];
	[tilespmem:s1+$0x5250] =	vst v4;
	v4 =	vmax.f32 v5, $0.0e+00  }
0x88: {  	v10 =	vld [tilespmem:s9+$0x230];
	[tilespmem:s1+$0x5260] =	vst v4;
	v3 =	vmax.f32 v3, $0.0e+00  }
0x89: {  	v14 =	vld [tilespmem:s9+$0x2A30];
	[tilespmem:s1+$0x5270] =	vst v3;
	s1 =	smov.u32 s9  }
0x8a: {  	v11 =	vld [tilespmem:s1+$0x240]  }
0x8b: {  	v13 =	vld [tilespmem:s1+$0x2A40]  }
0x8c: {  	v7 =	vld [tilespmem:s1+$0x250]  }
0x8d: {  	v9 =	vld [tilespmem:s1+$0x2A50]  }
0x8e: {  	v5 =	vld [tilespmem:s1+$0x260]  }
0x8f: {  	v6 =	vld [tilespmem:s1+$0x2A60]  }
0x90: {  	v3 =	vld [tilespmem:s1+$0x270]  }
0x91: {  	v4 =	vld [tilespmem:s1+$0x2A70]  }
.Ltmp1:
0x92: {  	v19 =	vld [tilespmem:s1+$0x5200];
	(pc) =	sbr.rel @p0 .LBB2_5-.Ltmp1, $4  }
0x93: {  	v18 =	vld [tilespmem:s1+$0x5210]  }
0x94: {  	v17 =	vld [tilespmem:s1+$0x5220]  }
0x95: {  	v21 =	vadd.f32 v16, v20;
	v16 =	vld [tilespmem:s1+$0x5230]  }
0x96: {  	s8 =	sadd.s32 $0x200, s8;
	v20 =	vadd.f32 v22, v15;
	v15 =	vld [tilespmem:s1+$0x5240]  }
0x97: {  	v19 =	vadd.f32 v19, v21;
	v8 =	vadd.f32 v12, v8;
	v55 =	vld [tilespmem:s1+$0x5250]  }
0x98: {  	v10 =	vadd.f32 v14, v10;
	v56 =	vld [tilespmem:s1+$0x5260];
	v18 =	vadd.f32 v18, v20  }
0x99: {  	v11 =	vadd.f32 v13, v11;
	v57 =	vld [tilespmem:s1+$0x5270];
	v19 =	vmax.f32 v19, $0.0e+00;
	v8 =	vadd.f32 v17, v8  }
0x9a: {  	v7 =	vadd.f32 v9, v7;
	[tilespmem:s1+$0x5200] =	vst v19;
	v58 =	vmax.f32 v18, $0.0e+00;
	v10 =	vadd.f32 v16, v10  }
0x9b: {  	v5 =	vadd.f32 v6, v5;
	[tilespmem:s1+$0x5210] =	vst v58;
	v8 =	vmax.f32 v8, $0.0e+00;
	v59 =	vadd.f32 v15, v11  }
0x9c: {  	v3 =	vadd.f32 v4, v3;
	[tilespmem:s1+$0x5220] =	vst v8;
	v60 =	vmax.f32 v10, $0.0e+00;
	v7 =	vadd.f32 v55, v7  }
0x9d: {  	v5 =	vadd.f32 v56, v5;
	[tilespmem:s1+$0x5230] =	vst v60;
	v61 =	vmax.f32 v59, $0.0e+00  }
0x9e: {  	v3 =	vadd.f32 v57, v3;
	[tilespmem:s1+$0x5240] =	vst v61;
	v62 =	vmax.f32 v7, $0.0e+00  }
0x9f: {  	s0 =	sadd.s32 $0x1, s0;
	v63 =	vmax.f32 v5, $0.0e+00;
	[tilespmem:s1+$0x5250] =	vst v62  }
0xa0: {  	p0 =	sne.s32 s0, $0xFA;
	v3 =	vmax.f32 v3, $0.0e+00;
	[tilespmem:s1+$0x5260] =	vst v63  }
.Ltmp2:
0xa1: {  	[tilespmem:s1+$0x5270] =	vst v3;
	(pc) =	sbr.rel @p0 .LBB2_4-.Ltmp2, $4  }
0xa2: {  	[spmem:s2] =	stream.indirect.scatter.add.f32 [tilespmem:s19], [sflag:$0x4], $0x80, s30, s21, $0xb8;
	[tilespmem:$0x1BA00] =	vst v63  }
0xa3: {  	_ =	swait.ge [sflag:s20], $0x2800  }
0xa4: {  	[sflag:s20] =	ssyncset.done $0x0  }
0xa5: {  	[sflag:s20] =	ssyncadd.s32 $0xFFFFD800  }
0xa6: {  	s0 =	stileid.u32;
	s3 =	sadd.s32 $0x1, s3  }
0xa7: {  	[bflag:$0x0] =	sbarrier.arrive $0xFFFF;
	s0 =	sshll.u32 s0, $0x6;
	p0 =	sne.s32 s3, s18  }
.Ltmp3:
0xa8: {  	s1 =	sshrl.u32 s7, $0x3;
	s0 =	sor.u32 $0x1C04, s0;
	(pc) =	sbr.rel @p0 .LBB2_1-.Ltmp3, $4  }
0xa9: {  	[hbm:s17], [sflag:s0] =	dma.local [spmem:s1], $0x2800  }
0xaa: {  	_ =	swait.ge [sflag:s20], $0x2800  }
0xab: {  	[sflag:s20] =	ssyncset.done $0x0  }
0xac: {  	[sflag:s20] =	ssyncadd.s32 $0xFFFFD800  }
0xad: {  	_ =	sfence.sel $0x180000  }
0xae: {  	[bflag:$0x0] =	sbarrier.arrive $0xFFFF  }
0xaf: {  	_ =	strace $0x90000047  }
0xb0: {  	s0 =	stileid.u32;
	[bflag:$0x2] =	sbarrier.arrive $0xFFFF  }
0xb1: {  	p0 =	sne.s32 s0, $0x0;
	s0 =	rddreg [dreg:$0x2]  }
0xb2: {  	s0 =	sadd.s32 @!p0 $0x100000, s0  }
0xb3: {  	[sflag:s0] =	ssyncadd.tile.s32 @!p0 $0x1;
	_ =	shalt  }
.Lfunc_end2:
_tile_overlayer_lowered:
.L_overlay_start_2:
0xb4: {  	(tag) =	ssettag $0x2  }
0xb5: {  	s0 =	rddreg [dreg:$0x0];
	s2 =	stileid.u32  }
0xb6: {  	s1 =	rddreg [dreg:$0x1];
	p0 =	sne.s32 s2, $0x0  }
0xb7: {  	s3 =	rddreg [dreg:$0x2];
	[bflag:$0x3] =	sbarrier.arrive $0xFFFF;
	s2 =	simm.s32 @!p0 $0x1C04  }
0xb8: {  	[timem:s3], [sflag:s2] =	dma.local @!p0 [hbm:s0], s1  }
0xb9: {  	s0 =	simm.s32 @!p0 $0x4  }
0xba: {  	_ =	swait.ge @!p0 [sflag:s0], s1  }
0xbb: {  	s1 =	ssub.s32 @!p0 $0x0, s1;
	[sflag:s0] =	ssyncset.done @!p0 $0x0  }
0xbc: {  	[sflag:s0] =	ssyncadd.s32 @!p0 s1  }
0xbd: {  	[bflag:$0x3] =	sbarrier.arrive $0xFFFF  }
0xbe: {  	_ =	shalt  }

// kernel: kernel.14.cloned.1.call-start
scs
__scs_entry_jumppad:
0x0: {  	(pc) =	sbr.rel $0x88, $3  }
0x1: {  	(tag) =	ssettag $0x0;
	lr =	simm.s32 $0x1  }
0x2: {  	[smem:$0x3F7D] =	sst lr;
	_ =	strace $0xD0000000  }
0x3: {  	_ = 	snop  }
0x4: {  	_ = 	snop  }
0x5: {  	_ = 	snop  }
0x6: {  	_ = 	snop  }
0x7: {  	_ = 	snop  }
__scs_overlays_trampoline_lowered:
0x8: {  	[smem:$0x3F8C] =	sst s0  }
0x9: {  	[smem:$0x3F8D] =	sst s1  }
0xa: {  	[smem:$0x3F8E] =	sst s2  }
0xb: {  	[smem:$0x3F8F] =	sst s3  }
0xc: {  	[smem:$0x3F90] =	sst s4  }
0xd: {  	[smem:$0x3F91] =	sst s5  }
0xe: {  	[smem:$0x3F92] =	sst s6  }
0xf: {  	[smem:$0x3F93] =	sst s7  }
0x10: {  	[smem:$0x3F94] =	sst s8  }
0x11: {  	[smem:$0x3F95] =	sst s9;
	s0 =	simm.s32 @!p0 $0x0  }
0x12: {  	s1 =	sld [smem:$0x3F7B];
	s0 =	simm.s32 @p0 $0x1  }
0x13: {  	[smem:$0x3F96] =	sst s0;
	s0 =	simm.s32 @!p1 $0x0  }
0x14: {  	s2 =	sld [smem:$0x3F7A];
	s0 =	simm.s32 @p1 $0x1  }
0x15: {  	[smem:$0x3F97] =	sst s0;
	s0 =	simm.s32 @!p2 $0x0  }
0x16: {  	s3 =	sld [smem:$0x3FDB];
	s0 =	simm.s32 @p2 $0x1  }
0x17: {  	s4 =	simm.s32 $0x1BF5;
	[smem:$0x3F99] =	sst s0  }
0x18: {  	s0 =	sld [smem:$0x3F7C];
	_ =	swait.ge [sflag:s4], $0x0  }
0x19: {  	s7 =	sld [smem:$0x3F7D]  }
0x1a: {  	s8 =	sadd.s32 $0xFFFFE003, lr  }
0x1b: {  	s9 =	sadd.s32 $0xFFFFFEF7, lr;
	s5 =	simm.s32 $0xFFFFFFFF;
	p2 =	slt.u32 s8, $0xFFFFF086  }
0x1c: {  	p1 =	slt.u32 s9, $0xF7A;
	s5 =	simm.s32 @!p2 $0x0  }
0x1d: {  	s5 =	simm.s32 @p1 $0x1;
	p0 =	seq.s32 s7, s2  }
0x1e: {  	s7 =	smul.u32 @!p0 $0xF7A, s2;
	p2 =	seq.s32 @!p0 s5, $0x0  }
0x1f: {  	s9 =	smul.u32 $0xF7A, s1;
	s8 =	simm.s32 @!p0 $0x1BF5;
	p2 =	por !p2, p0  }
0x20: {  	[sflag:s8] =	ssyncset.s32 @!p0 $0xFFFFF086;
	s6 =	sadd.s32 @!p0 s3, s7;
	s7 =	simm.s32 @!p0 $0x108  }
0x21: {  	s3 =	sadd.s32 s3, s9;
	s6 =	sadd.s32 @!p0 $0x88, s6;
	s7 =	simm.s32 @p2 $0x1082  }
0x22: {  	[simem:s7], [sflag:s8] =	dma.local @!p0 [hbm:s6], $0xF7A  }
0x23: {  	s9 =	sor.u32 $0xD0000000, s2;
	s6 =	simm.s32 $0x108;
	_ =	swait.ge @!p0 [sflag:s8], $0x0  }
0x24: {  	s3 =	sadd.s32 $0x88, s3;
	s6 =	simm.s32 @!p1 $0x1082;
	[sflag:s4] =	ssyncset.s32 $0xFFFFF086  }
0x25: {  	[simem:s6], [sflag:s4] =	dma.local [hbm:s3], $0xF7A  }
0x26: {  	[smem:$0x3F7D] =	sst s1;
	(tag) =	ssettag s2;
	_ =	strace s9  }
0x27: {  	s1 =	sld [smem:$0x3F8D]  }
0x28: {  	s2 =	sld [smem:$0x3F8E]  }
0x29: {  	s4 =	sld [smem:$0x3F90]  }
0x2a: {  	p0 =	seq.s32 s5, $0x0;
	s5 =	sld [smem:$0x3F91]  }
0x2b: {  	s6 =	sld [smem:$0x3F92]  }
0x2c: {  	s7 =	sld [smem:$0x3F93]  }
0x2d: {  	s3 =	simm.s32 $0x108;
	s8 =	sld [smem:$0x3F94]  }
0x2e: {  	s3 =	simm.s32 @!p0 $0x1082;
	s9 =	sld [smem:$0x3F95]  }
0x2f: {  	lr =	sadd.s32 s0, s3;
	s0 =	sld [smem:$0x3F8C]  }
0x30: {  	s3 =	sld [smem:$0x3F8F]  }
0x31: {  	[smem:$0x3F98] =	sst s10  }
0x32: {  	s10 =	sld [smem:$0x3F96];
	_ =	sdelay $0x3  }
0x33: {  	p0 =	seq.s32 s10, $0x1;
	s10 =	sld [smem:$0x3F98];
	_ =	sdelay $0x3  }
0x34: {  	[smem:$0x3F98] =	sst s10  }
0x35: {  	s10 =	sld [smem:$0x3F97];
	_ =	sdelay $0x3  }
0x36: {  	p1 =	seq.s32 s10, $0x1;
	s10 =	sld [smem:$0x3F98];
	_ =	sdelay $0x3  }
0x37: {  	[smem:$0x3F98] =	sst s10  }
0x38: {  	s10 =	sld [smem:$0x3F99]  }
0x39: {  	_ = 	snop;
	(pc) =	sbr.ind lr, $3  }
0x3a: {  	_ = 	snop  }
0x3b: {  	_ = 	snop  }
0x3c: {  	p2 =	seq.s32 s10, $0x1;
	s10 =	sld [smem:$0x3F98]  }
0x3d: {  	_ =	shalt  }
0x3e: {  	_ =	shalt  }
0x3f: {  	_ =	shalt  }
0x40: {  	_ =	shalt  }
0x41: {  	_ =	shalt  }
0x42: {  	_ =	shalt  }
0x43: {  	_ =	shalt  }
0x44: {  	_ =	shalt  }
0x45: {  	_ =	shalt  }
0x46: {  	_ =	shalt  }
0x47: {  	_ =	shalt  }
0x48: {  	_ =	shalt  }
0x49: {  	_ =	shalt  }
0x4a: {  	_ =	shalt  }
0x4b: {  	_ =	shalt  }
0x4c: {  	_ =	shalt  }
0x4d: {  	_ =	shalt  }
0x4e: {  	_ =	shalt  }
0x4f: {  	_ =	shalt  }
0x50: {  	_ =	shalt  }
0x51: {  	_ =	shalt  }
0x52: {  	_ =	shalt  }
0x53: {  	_ =	shalt  }
0x54: {  	_ =	shalt  }
0x55: {  	_ =	shalt  }
0x56: {  	_ =	shalt  }
0x57: {  	_ =	shalt  }
0x58: {  	_ =	shalt  }
0x59: {  	_ =	shalt  }
0x5a: {  	_ =	shalt  }
0x5b: {  	_ =	shalt  }
0x5c: {  	_ =	shalt  }
0x5d: {  	_ =	shalt  }
0x5e: {  	_ =	shalt  }
0x5f: {  	_ =	shalt  }
0x60: {  	_ =	shalt  }
0x61: {  	_ =	shalt  }
0x62: {  	_ =	shalt  }
0x63: {  	_ =	shalt  }
0x64: {  	_ =	shalt  }
0x65: {  	_ =	shalt  }
0x66: {  	_ =	shalt  }
0x67: {  	_ =	shalt  }
0x68: {  	_ =	shalt  }
0x69: {  	_ =	shalt  }
0x6a: {  	_ =	shalt  }
0x6b: {  	_ =	shalt  }
0x6c: {  	_ =	shalt  }
0x6d: {  	_ =	shalt  }
0x6e: {  	_ =	shalt  }
0x6f: {  	_ =	shalt  }
0x70: {  	_ =	shalt  }
0x71: {  	_ =	shalt  }
0x72: {  	_ =	shalt  }
0x73: {  	_ =	shalt  }
0x74: {  	_ =	shalt  }
0x75: {  	_ =	shalt  }
0x76: {  	_ =	shalt  }
0x77: {  	_ =	shalt  }
0x78: {  	_ =	shalt  }
0x79: {  	_ =	shalt  }
0x7a: {  	_ =	shalt  }
0x7b: {  	_ =	shalt  }
0x7c: {  	_ =	shalt  }
0x7d: {  	_ =	shalt  }
0x7e: {  	_ =	shalt  }
0x7f: {  	_ =	shalt  }
0x80: {  	_ =	shalt  }
0x81: {  	_ =	shalt  }
0x82: {  	_ =	shalt  }
0x83: {  	_ =	shalt  }
0x84: {  	_ =	shalt  }
0x85: {  	_ =	shalt  }
0x86: {  	_ =	shalt  }
0x87: {  	_ =	shalt  }
.Lfunc_end0:
.L_simem_size_0:
called_computation.1_lowered:
.L_overlay_start_0:
0x88: {  	s2 =	sld [smem:$0x3FD9]  }
0x89: {  	s3 =	sld [smem:$0x3FFE];
	_ =	sdelay $0x1  }
0x8a: {  	s1 =	srdreg.scid  }
0x8b: {  	s0 =	sand.u32 $0x1, s1  }
0x8c: {  	s16 =	sshll.u32 s0, $0xA;
	s2 =	sadd.s32 s3, s2  }
0x8d: {  	s2 =	sadd.s32 s2, s16  }
0x8e: {  	[smem:$0x3FA4] =	sst s2  }
0x8f: {  	_ = 	snop  }
0x90: {  	(tm) =	ssettm $0x1  }
0x91: {  	s17 =	sld [smem:$0x3FFB];
	_ =	sdelay $0x3  }
0x92: {  	_ =	strace s17  }
0x93: {  	s2 =	sld [smem:$0x3FFC];
	_ =	sdelay $0x3  }
0x94: {  	_ =	strace s2  }
0x95: {  	s2 =	sld [smem:$0x3FFD];
	_ =	sdelay $0x3  }
0x96: {  	_ =	strace s2  }
0x97: {  	_ =	strace $0x8FFFFFFF  }
0x98: {  	s18 =	sld [smem:$0x3FDB];
	_ =	sdelay $0x1  }
0x99: {  	s19 =	simm.s32 $_scs_section_size  }
0x9a: {  	s4 =	simm.s32 $_size__tile_overlayer_lowered;
	s5 =	simm.s32 $_tile_overlayer_lowered  }
0x9b: {  	s22 =	simm.s32 $0x1BFF;
	s21 =	sshll.u32 s5, $0x1;
	s2 =	sadd.s32 s19, s18  }
0x9c: {  	s6 =	simm.s32 $0x0;
	s20 =	sshll.u32 s4, $0x1;
	s4 =	sadd.s32 s21, s2  }
0x9d: {  	[timem:s6], [sflag:s22] =	dma.local [hbm:s4], s20  }
0x9e: {  	_ =	swait.ge [sflag:s22], s20  }
0x9f: {  	s3 =	ssub.s32 $0x0, s20;
	[sflag:s22] =	ssyncset.done $0x0  }
0xa0: {  	[sflag:s22] =	ssyncadd.s32 s3;
	_ =	sdelay $0x1  }
0xa1: {  	s23 =	simm.s32 $0x1B8B  }
0xa2: {  	_ =	swait.ge [sflag:s23], $0x1  }
0xa3: {  	[sflag:s23] =	ssyncset.done $0x0  }
0xa4: {  	s25 =	simm.s32 $0x1B8E;
	s24 =	sld [smem:$0x3FFE];
	[sflag:s23] =	ssyncadd.s32 $0xFFFFFFFF  }
0xa5: {  	s26 =	simm.s32 $execute0_lowered;
	[smem:$0x3FD2] =	sst s25  }
0xa6: {  	s4 =	sshll.u32 s26, $0x1;
	_ =	strace $0x80000049;
	[dreg:$0x1] =	wrdreg $0xFFFFFFFF  }
0xa7: {  	s28 =	simm.s32 $_size_execute0_lowered;
	s2 =	sadd.s32 s2, s4;
	[dreg:$0x0] =	wrdreg $0x0  }
0xa8: {  	s4 =	sshll.u32 s28, $0x1;
	[dreg:$0x2] =	wrdreg s2  }
0xa9: {  	[dreg:$0x3] =	wrdreg s4  }
0xaa: {  	[dreg:$0x4] =	wrdreg $0xC0  }
0xab: {  	_ =	task [dreg:s6], $0x5FFFF  }
0xac: {  	[dreg:$0x1] =	wrdreg $0xFFFFFFFF  }
0xad: {  	[dreg:$0x0] =	wrdreg $0x60  }
0xae: {  	[dreg:$0x2] =	wrdreg s24  }
0xaf: {  	[dreg:$0x3] =	wrdreg $0x7A000  }
0xb0: {  	[dreg:$0x4] =	wrdreg $0x9  }
0xb1: {  	_ =	task.clear_ibuf [dreg:s6], $0x5FFFF;
	_ =	strace $0x90000049  }
0xb2: {  	s29 =	simm.s32 $0x9;
	_ =	strace $0x8000004B  }
0xb3: {  	_ =	swait.ge [sflag:s29], $0x1  }
0xb4: {  	[sflag:s29] =	ssyncadd.s32 $0xFFFFFFFF  }
0xb5: {  	_ =	strace $0x9000004B  }
0xb6: {  	_ =	sfence  }
0xb7: {  	s30 =	sld [smem:$0x0];
	_ =	sdelay $0x2  }
0xb8: {  	s31 =	sshll.u32 s1, $0xD;
	s1 =	sshrl.u32 s1, $0x2  }
0xb9: {  	s3 =	sand.u32 $0x4000, s31;
	s1 =	sadd.s32 s1, s30  }
0xba: {  	s0 =	sor.u32 s3, s0;
	s1 =	sshll.u32 s1, $0x11  }
0xbb: {  	s0 =	sor.u32 s1, s0  }
0xbc: {  	s0 =	sadd.s32 $0x8F2B, s0  }
0xbd: {  	[sflag:s0] =	ssyncadd.remote.s32 $0x1  }
0xbe: {  	_ =	sfence.sel $0xFFFF  }
0xbf: {  	[dreg:$0x0] =	wrdreg $0xFFFFFFFF;
	(pc) =	sbr.abs _section_cstart, $3  }
0xc0: {  	[dreg:$0x1] =	wrdreg $0xFFFFFFFF  }
0xc1: {  	_ =	task.clear_ibuf [dreg:s6], $0x2FFFF;
	_ =	strace $0x9FFFFFFF  }
0xc2: {  	(tm) =	ssettm $0x7FFFFFFF  }
0xc3: {  	_ =	shalt  }
tec
execute0_lowered:
.L_overlay_start_1:
0x0: {  	(tag) =	ssettag $0x1  }
0x1: {  	s0 =	rddreg [dreg:$0x0]  }
0x2: {  	s2 =	rddreg [dreg:$0x1];
	s3 =	simm.s32 $0x0  }
0x3: {  	s1 =	srdreg.scid;
	s16 =	stileid.u32;
	s19 =	simm.s32 $0x5200  }
0x4: {  	s20 =	simm.s32 $0x4;
	s21 =	simm.s32 $0x50;
	s7 =	smul.u32 $0x2800, s16  }
0x5: {  	s30 =	simm.s32 $0x80;
	s31 =	simm.s32 $0x0;
	s9 =	smul.u32 $0x50000, s16  }
0x6: {  	s1 =	sand.u32 $0x1, s1;
	s4 =	sadd.s32 $0x4ED800, s0;
	s15 =	smul.u32 $0x271000, s16  }
0x7: {  	[smem:$0x7FF] =	sst s3;
	s5 =	sadd.s32 $0x510C00, s0;
	s8 =	smul.u32 $0x28000, s1  }
0x8: {  	s6 =	sadd.s32 $0x5FB200, s0;
	s22 =	ssub.s32 $0x2, s1;
	s28 =	smul.u32 $0x2710, s1  }
0x9: {  	_ =	strace $0x8000004A;
	s1 =	smul.u32 $0x2710000, s1;
	s24 =	sshrl.u32 s22, $0x1  }
0xa: {  	s23 =	sshrl.u32 s9, $0x2;
	s7 =	sadd.s32 s7, s8;
	s8 =	ssub.s32 s22, s24  }
0xb: {  	s29 =	sadd.s32 $0x4E20, s28;
	s1 =	sadd.s32 s15, s1;
	s15 =	smul.u32 $0xFA, s16  }
0xc: {  	s22 =	simm.s32 $0x100;
	s24 =	simm.s32 $0x180;
	v0 =	vmov s28;
	s28 =	simm.s32 $0x2  }
0xd: {  	s0 =	sadd.s32 s7, s0;
	s7 =	sadd.s32 s23, s2;
	s16 =	sadd.s32 $0x4E20000, s1  }
0xe: {  	s18 =	smax.u32 s8, $0x1;
	s23 =	simm.s32 $0x200;
	v1 =	vmov s29;
	s29 =	simm.s32 $0x3  }
0xf: {  	s25 =	sadd.s32 $0x2800, s7;
	s26 =	sadd.s32 $0x5000, s7;
	s10 =	sadd.s32 $0x7800, s7  }
0x10: {  	s11 =	sadd.s32 $0xA000, s7;
	s12 =	sadd.s32 $0xC800, s7;
	s13 =	sadd.s32 $0xF000, s7  }
0x11: {  	s14 =	sadd.s32 $0x11800, s7;
	s17 =	sadd.s32 $0x7800, s0;
	[dreg:$0x3] =	wrdreg s25  }
0x12: {  	v2 =	vimm.f32 $0.0e+00;
	[dreg:$0x4] =	wrdreg s26;
	s25 =	simm.s32 $0x2A00;
	s26 =	simm.s32 $0x1  }
.LBB2_1:
0x13: {  	s0 =	simm.s32 $0x0;
	s1 =	simm.s32 $0x200  }
.LBB2_2:
0x14: {  	p0 =	sne.s32 s1, $0x9E00;
	[tilespmem:s0+$0x5270] =	vst v2  }
0x15: {  	[tilespmem:s0+$0x5200] =	vst v2  }
0x16: {  	[tilespmem:s0+$0x5210] =	vst v2  }
.Ltmp0:
0x17: {  	[tilespmem:s0+$0x5220] =	vst v2;
	(pc) =	sbr.rel @p0 .LBB2_2-.Ltmp0, $4  }
0x18: {  	[tilespmem:s0+$0x5230] =	vst v2  }
0x19: {  	[tilespmem:s0+$0x5240] =	vst v2  }
0x1a: {  	[tilespmem:s0+$0x5250] =	vst v2  }
0x1b: {  	[tilespmem:s0+$0x5260] =	vst v2;
	s0 =	sshra.s32 s1, $0x2;
	s1 =	sadd.s32 $0x200, s1  }
0x1c: {  	[tilespmem:s0+$0x5270] =	vst v2  }
0x1d: {  	[tilespmem:s0+$0x5200] =	vst v2  }
0x1e: {  	[tilespmem:s0+$0x5210] =	vst v2  }
0x1f: {  	[tilespmem:s0+$0x5220] =	vst v2  }
0x20: {  	[tilespmem:s0+$0x5230] =	vst v2  }
0x21: {  	[tilespmem:s0+$0x5240] =	vst v2  }
0x22: {  	[tilespmem:s0+$0x5250] =	vst v2  }
0x23: {  	[tilespmem:s0+$0x5260] =	vst v2  }
0x24: {  	[spmem:s7] =	stream.linear.scatter [tilespmem:s19], [sflag:$0x4], $0x2800, $0x38;
	[tilespmem:$0x1BA00] =	vst v63  }
0x25: {  	_ =	swait.ge [sflag:s20], $0x2800  }
0x26: {  	[sflag:s20] =	ssyncset.done $0x0  }
0x27: {  	s8 =	rddreg [dreg:$0x3];
	[sflag:s20] =	ssyncadd.s32 $0xFFFFD800  }
0x28: {  	[spmem:s8] =	stream.linear.scatter [tilespmem:s19], [sflag:$0x4], $0x2800, $0x38;
	[tilespmem:$0x1BA00] =	vst v63  }
0x29: {  	_ =	swait.ge [sflag:s20], $0x2800  }
0x2a: {  	[sflag:s20] =	ssyncset.done $0x0  }
0x2b: {  	s9 =	rddreg [dreg:$0x4];
	[sflag:s20] =	ssyncadd.s32 $0xFFFFD800  }
0x2c: {  	[spmem:s9] =	stream.linear.scatter [tilespmem:s19], [sflag:$0x4], $0x2800, $0x38;
	[tilespmem:$0x1BA00] =	vst v63  }
0x2d: {  	_ =	swait.ge [sflag:s20], $0x2800  }
0x2e: {  	[sflag:s20] =	ssyncset.done $0x0  }
0x2f: {  	[sflag:s20] =	ssyncadd.s32 $0xFFFFD800  }
0x30: {  	[spmem:s10] =	stream.linear.scatter [tilespmem:s19], [sflag:$0x4], $0x2800, $0x38;
	[tilespmem:$0x1BA00] =	vst v63  }
0x31: {  	_ =	swait.ge [sflag:s20], $0x2800  }
0x32: {  	[sflag:s20] =	ssyncset.done $0x0  }
0x33: {  	[sflag:s20] =	ssyncadd.s32 $0xFFFFD800  }
0x34: {  	[spmem:s11] =	stream.linear.scatter [tilespmem:s19], [sflag:$0x4], $0x2800, $0x38;
	[tilespmem:$0x1BA00] =	vst v63  }
0x35: {  	_ =	swait.ge [sflag:s20], $0x2800  }
0x36: {  	[sflag:s20] =	ssyncset.done $0x0  }
0x37: {  	[sflag:s20] =	ssyncadd.s32 $0xFFFFD800  }
0x38: {  	[spmem:s12] =	stream.linear.scatter [tilespmem:s19], [sflag:$0x4], $0x2800, $0x38;
	[tilespmem:$0x1BA00] =	vst v63  }
0x39: {  	_ =	swait.ge [sflag:s20], $0x2800  }
0x3a: {  	[sflag:s20] =	ssyncset.done $0x0  }
0x3b: {  	[sflag:s20] =	ssyncadd.s32 $0xFFFFD800  }
0x3c: {  	[spmem:s13] =	stream.linear.scatter [tilespmem:s19], [sflag:$0x4], $0x2800, $0x38;
	[tilespmem:$0x1BA00] =	vst v63  }
0x3d: {  	_ =	swait.ge [sflag:s20], $0x2800  }
0x3e: {  	[sflag:s20] =	ssyncset.done $0x0  }
0x3f: {  	[sflag:s20] =	ssyncadd.s32 $0xFFFFD800  }
0x40: {  	[spmem:s14] =	stream.linear.scatter [tilespmem:s19], [sflag:$0x4], $0x2800, $0x38;
	[tilespmem:$0x1BA00] =	vst v63  }
0x41: {  	_ =	swait.ge [sflag:s20], $0x2800  }
0x42: {  	[sflag:s20] =	ssyncset.done $0x0  }
0x43: {  	[sflag:s20] =	ssyncadd.s32 $0xFFFFD800  }
0x44: {  	s0 =	simm.s32 $0x0;
	[bflag:$0x0] =	sbarrier.arrive $0xFFFF  }
.LBB2_4:
0x45: {  	s1 =	sadd.s32 s15, s0  }
0x46: {  	s1 =	sshll.u32 s1, $0x5  }
0x47: {  	s1 =	sadd.s32 s4, s1  }
0x48: {  	[tilespmem:s31], [sflag:$0x4] =	stream.linear.gather [hbm4b:s1+s31], $0x100, $0x38;
	[tilespmem:$0x1BA00] =	vst v63  }
0x49: {  	_ =	swait.ge [sflag:s20], $0x100  }
0x4a: {  	[sflag:s20] =	ssyncset.done $0x0  }
0x4b: {  	[sflag:s20] =	ssyncadd.s32 $0xFFFFFF00  }
0x4c: {  	v3 =	vld [tilespmem:$0x0]  }
0x4d: {  	v4 =	vld [tilespmem:$0x80]  }
0x4e: {  	v5 =	vld [tilespmem:$0x10]  }
0x4f: {  	v6 =	vld [tilespmem:$0x90]  }
0x50: {  	v7 =	vld [tilespmem:$0x20]  }
0x51: {  	v8 =	vld [tilespmem:$0xA0];
	v3 =	vadd.s32 v0, v3  }
0x52: {  	[tilespmem:$0x100] =	vst v3;
	v3 =	vadd.s32 v1, v4;
	v4 =	vld [tilespmem:$0x30]  }
0x53: {  	[tilespmem:$0x180] =	vst v3;
	v3 =	vadd.s32 v0, v5;
	v5 =	vld [tilespmem:$0xB0]  }
0x54: {  	[tilespmem:$0x110] =	vst v3;
	v3 =	vadd.s32 v1, v6;
	v6 =	vld [tilespmem:$0x40]  }
0x55: {  	[tilespmem:$0x190] =	vst v3;
	v3 =	vadd.s32 v0, v7;
	v7 =	vld [tilespmem:$0xC0]  }
0x56: {  	[tilespmem:$0x120] =	vst v3;
	v3 =	vadd.s32 v1, v8  }
0x57: {  	[tilespmem:$0x1A0] =	vst v3;
	v3 =	vadd.s32 v0, v4  }
0x58: {  	[tilespmem:$0x130] =	vst v3;
	v3 =	vadd.s32 v1, v5  }
0x59: {  	s9 =	smul.u32 $0x2800, s0;
	[tilespmem:$0x1B0] =	vst v3;
	v3 =	vadd.s32 v0, v6  }
0x5a: {  	[tilespmem:$0x140] =	vst v3;
	v3 =	vadd.s32 v1, v7  }
0x5b: {  	s1 =	sadd.s32 s16, s9;
	[tilespmem:$0x1C0] =	vst v3  }
0x5c: {  	[tilespmem:s23], [sflag:$0x1] =	stream.indirect.gather [hbm4b:s5+s21], $0x80, s22, s21, $0xb8;
	[tilespmem:$0x1BA00] =	vst v63  }
0x5d: {  	s1 =	sshrl.u32 s1, $0x3  }
0x5e: {  	[tilespmem:s25], [sflag:$0x2] =	stream.indirect.gather [hbm4b:s5+s21], $0x80, s24, s21, $0xb8;
	[tilespmem:$0x1BA00] =	vst v63  }
0x5f: {  	s1 =	sadd.s32 s6, s1  }
0x60: {  	[tilespmem:s19], [sflag:$0x3] =	stream.linear.gather [hbm4b:s1+s31], $0x2800, $0x38;
	[tilespmem:$0x1BA00] =	vst v63  }
0x61: {  	_ =	swait.ge [sflag:s26], $0x2800  }
0x62: {  	[sflag:s26] =	ssyncset.done $0x0  }
0x63: {  	[sflag:s26] =	ssyncadd.s32 $0xFFFFD800  }
0x64: {  	_ =	swait.ge [sflag:s28], $0x2800  }
0x65: {  	[sflag:s28] =	ssyncset.done $0x0  }
0x66: {  	[sflag:s28] =	ssyncadd.s32 $0xFFFFD800  }
0x67: {  	_ =	swait.ge [sflag:s29], $0x2800  }
0x68: {  	[sflag:s29] =	ssyncset.done $0x0  }
0x69: {  	s1 =	simm.s32 $0x0;
	[sflag:s29] =	ssyncadd.s32 $0xFFFFD800  }
0x6a: {  	v15 =	vld [tilespmem:s1+$0x200]  }
0x6b: {  	v20 =	vld [tilespmem:s1+$0x2A00]  }
0x6c: {  	v22 =	vld [tilespmem:s1+$0x210]  }
0x6d: {  	v23 =	vld [tilespmem:s1+$0x2A10]  }
0x6e: {  	v8 =	vld [tilespmem:s1+$0x220]  }
0x6f: {  	v12 =	vld [tilespmem:s1+$0x2A20]  }
0x70: {  	v10 =	vld [tilespmem:s1+$0x230]  }
0x71: {  	v14 =	vld [tilespmem:s1+$0x2A30]  }
0x72: {  	v11 =	vld [tilespmem:s1+$0x240]  }
0x73: {  	v13 =	vld [tilespmem:s1+$0x2A40]  }
0x74: {  	v7 =	vld [tilespmem:s1+$0x250]  }
0x75: {  	v9 =	vld [tilespmem:s1+$0x2A50]  }
0x76: {  	v5 =	vld [tilespmem:s1+$0x260]  }
0x77: {  	v6 =	vld [tilespmem:s1+$0x2A60]  }
0x78: {  	v3 =	vld [tilespmem:s1+$0x270]  }
0x79: {  	v4 =	vld [tilespmem:s1+$0x2A70]  }
0x7a: {  	v19 =	vld [tilespmem:s1+$0x5200]  }
0x7b: {  	v18 =	vld [tilespmem:s1+$0x5210]  }
0x7c: {  	v17 =	vld [tilespmem:s1+$0x5220]  }
0x7d: {  	v16 =	vld [tilespmem:s1+$0x5230];
	v21 =	vadd.f32 v20, v15  }
0x7e: {  	s8 =	simm.s32 $0x200;
	v20 =	vadd.f32 v23, v22;
	v15 =	vld [tilespmem:s1+$0x5240]  }
.LBB2_5:
0x7f: {  	p0 =	sne.s32 s8, $0x9E00;
	v19 =	vadd.f32 v19, v21;
	v8 =	vadd.f32 v12, v8;
	v12 =	vld [tilespmem:s1+$0x5250]  }
0x80: {  	v10 =	vadd.f32 v14, v10;
	v18 =	vadd.f32 v18, v20;
	v14 =	vld [tilespmem:s1+$0x5260]  }
0x81: {  	s9 =	sshra.s32 s8, $0x2;
	v11 =	vadd.f32 v13, v11;
	v19 =	vmax.f32 v19, $0.0e+00;
	v8 =	vadd.f32 v17, v8;
	v13 =	vld [tilespmem:s1+$0x5270]  }
0x82: {  	v7 =	vadd.f32 v9, v7;
	v20 =	vld [tilespmem:s9+$0x200];
	[tilespmem:s1+$0x5200] =	vst v19;
	v17 =	vmax.f32 v18, $0.0e+00;
	v10 =	vadd.f32 v16, v10  }
0x83: {  	v5 =	vadd.f32 v6, v5;
	v16 =	vld [tilespmem:s9+$0x2A00];
	[tilespmem:s1+$0x5210] =	vst v17;
	v8 =	vmax.f32 v8, $0.0e+00;
	v9 =	vadd.f32 v15, v11  }
0x84: {  	v3 =	vadd.f32 v4, v3;
	v15 =	vld [tilespmem:s9+$0x210];
	[tilespmem:s1+$0x5220] =	vst v8;
	v6 =	vmax.f32 v10, $0.0e+00;
	v7 =	vadd.f32 v12, v7  }
0x85: {  	v22 =	vld [tilespmem:s9+$0x2A10];
	[tilespmem:s1+$0x5230] =	vst v6;
	v4 =	vmax.f32 v9, $0.0e+00;
	v5 =	vadd.f32 v14, v5  }
0x86: {  	v8 =	vld [tilespmem:s9+$0x220];
	[tilespmem:s1+$0x5240] =	vst v4;
	v4 =	vmax.f32 v7, $0.0e+00;
	v3 =	vadd.f32 v13, v3  }
0x87: {  	v12 =	vld [tilespmem:s9+$0x2A20];
	[tilespmem:s1+$0x5250] =	vst v4;
	v4 =	vmax.f32 v5, $0.0e+00  }
0x88: {  	v10 =	vld [tilespmem:s9+$0x230];
	[tilespmem:s1+$0x5260] =	vst v4;
	v3 =	vmax.f32 v3, $0.0e+00  }
0x89: {  	v14 =	vld [tilespmem:s9+$0x2A30];
	[tilespmem:s1+$0x5270] =	vst v3;
	s1 =	smov.u32 s9  }
0x8a: {  	v11 =	vld [tilespmem:s1+$0x240]  }
0x8b: {  	v13 =	vld [tilespmem:s1+$0x2A40]  }
0x8c: {  	v7 =	vld [tilespmem:s1+$0x250]  }
0x8d: {  	v9 =	vld [tilespmem:s1+$0x2A50]  }
0x8e: {  	v5 =	vld [tilespmem:s1+$0x260]  }
0x8f: {  	v6 =	vld [tilespmem:s1+$0x2A60]  }
0x90: {  	v3 =	vld [tilespmem:s1+$0x270]  }
0x91: {  	v4 =	vld [tilespmem:s1+$0x2A70]  }
.Ltmp1:
0x92: {  	v19 =	vld [tilespmem:s1+$0x5200];
	(pc) =	sbr.rel @p0 .LBB2_5-.Ltmp1, $4  }
0x93: {  	v18 =	vld [tilespmem:s1+$0x5210]  }
0x94: {  	v17 =	vld [tilespmem:s1+$0x5220]  }
0x95: {  	v21 =	vadd.f32 v16, v20;
	v16 =	vld [tilespmem:s1+$0x5230]  }
0x96: {  	s8 =	sadd.s32 $0x200, s8;
	v20 =	vadd.f32 v22, v15;
	v15 =	vld [tilespmem:s1+$0x5240]  }
0x97: {  	v19 =	vadd.f32 v19, v21;
	v8 =	vadd.f32 v12, v8;
	v55 =	vld [tilespmem:s1+$0x5250]  }
0x98: {  	v10 =	vadd.f32 v14, v10;
	v56 =	vld [tilespmem:s1+$0x5260];
	v18 =	vadd.f32 v18, v20  }
0x99: {  	v11 =	vadd.f32 v13, v11;
	v57 =	vld [tilespmem:s1+$0x5270];
	v19 =	vmax.f32 v19, $0.0e+00;
	v8 =	vadd.f32 v17, v8  }
0x9a: {  	v7 =	vadd.f32 v9, v7;
	[tilespmem:s1+$0x5200] =	vst v19;
	v58 =	vmax.f32 v18, $0.0e+00;
	v10 =	vadd.f32 v16, v10  }
0x9b: {  	v5 =	vadd.f32 v6, v5;
	[tilespmem:s1+$0x5210] =	vst v58;
	v8 =	vmax.f32 v8, $0.0e+00;
	v59 =	vadd.f32 v15, v11  }
0x9c: {  	v3 =	vadd.f32 v4, v3;
	[tilespmem:s1+$0x5220] =	vst v8;
	v60 =	vmax.f32 v10, $0.0e+00;
	v7 =	vadd.f32 v55, v7  }
0x9d: {  	v5 =	vadd.f32 v56, v5;
	[tilespmem:s1+$0x5230] =	vst v60;
	v61 =	vmax.f32 v59, $0.0e+00  }
0x9e: {  	v3 =	vadd.f32 v57, v3;
	[tilespmem:s1+$0x5240] =	vst v61;
	v62 =	vmax.f32 v7, $0.0e+00  }
0x9f: {  	s0 =	sadd.s32 $0x1, s0;
	v63 =	vmax.f32 v5, $0.0e+00;
	[tilespmem:s1+$0x5250] =	vst v62  }
0xa0: {  	p0 =	sne.s32 s0, $0xFA;
	v3 =	vmax.f32 v3, $0.0e+00;
	[tilespmem:s1+$0x5260] =	vst v63  }
.Ltmp2:
0xa1: {  	[tilespmem:s1+$0x5270] =	vst v3;
	(pc) =	sbr.rel @p0 .LBB2_4-.Ltmp2, $4  }
0xa2: {  	[spmem:s2] =	stream.indirect.scatter.add.f32 [tilespmem:s19], [sflag:$0x4], $0x80, s30, s21, $0xb8;
	[tilespmem:$0x1BA00] =	vst v63  }
0xa3: {  	_ =	swait.ge [sflag:s20], $0x2800  }
0xa4: {  	[sflag:s20] =	ssyncset.done $0x0  }
0xa5: {  	[sflag:s20] =	ssyncadd.s32 $0xFFFFD800  }
0xa6: {  	s0 =	stileid.u32;
	s3 =	sadd.s32 $0x1, s3  }
0xa7: {  	[bflag:$0x0] =	sbarrier.arrive $0xFFFF;
	s0 =	sshll.u32 s0, $0x6;
	p0 =	sne.s32 s3, s18  }
.Ltmp3:
0xa8: {  	s1 =	sshrl.u32 s7, $0x3;
	s0 =	sor.u32 $0x1C04, s0;
	(pc) =	sbr.rel @p0 .LBB2_1-.Ltmp3, $4  }
0xa9: {  	[hbm:s17], [sflag:s0] =	dma.local [spmem:s1], $0x2800  }
0xaa: {  	_ =	swait.ge [sflag:s20], $0x2800  }
0xab: {  	[sflag:s20] =	ssyncset.done $0x0  }
0xac: {  	[sflag:s20] =	ssyncadd.s32 $0xFFFFD800  }
0xad: {  	_ =	sfence.sel $0x180000  }
0xae: {  	[bflag:$0x0] =	sbarrier.arrive $0xFFFF  }
0xaf: {  	_ =	strace $0x9000004A  }
0xb0: {  	s0 =	stileid.u32;
	[bflag:$0x2] =	sbarrier.arrive $0xFFFF  }
0xb1: {  	p0 =	sne.s32 s0, $0x0;
	s0 =	rddreg [dreg:$0x2]  }
0xb2: {  	s0 =	sadd.s32 @!p0 $0x100000, s0  }
0xb3: {  	[sflag:s0] =	ssyncadd.tile.s32 @!p0 $0x1;
	_ =	shalt  }
.Lfunc_end2:
_tile_overlayer_lowered:
.L_overlay_start_2:
0xb4: {  	(tag) =	ssettag $0x2  }
0xb5: {  	s0 =	rddreg [dreg:$0x0];
	s2 =	stileid.u32  }
0xb6: {  	s1 =	rddreg [dreg:$0x1];
	p0 =	sne.s32 s2, $0x0  }
0xb7: {  	s3 =	rddreg [dreg:$0x2];
	[bflag:$0x3] =	sbarrier.arrive $0xFFFF;
	s2 =	simm.s32 @!p0 $0x1C04  }
0xb8: {  	[timem:s3], [sflag:s2] =	dma.local @!p0 [hbm:s0], s1  }
0xb9: {  	s0 =	simm.s32 @!p0 $0x4  }
0xba: {  	_ =	swait.ge @!p0 [sflag:s0], s1  }
0xbb: {  	s1 =	ssub.s32 @!p0 $0x0, s1;
	[sflag:s0] =	ssyncset.done @!p0 $0x0  }
0xbc: {  	[sflag:s0] =	ssyncadd.s32 @!p0 s1  }
0xbd: {  	[bflag:$0x3] =	sbarrier.arrive $0xFFFF  }
0xbe: {  	_ =	shalt  }

// kernel: kernel.17.cloned.1.call-start
scs
__scs_entry_jumppad:
0x0: {  	(pc) =	sbr.rel $0x88, $3  }
0x1: {  	(tag) =	ssettag $0x0;
	lr =	simm.s32 $0x1  }
0x2: {  	[smem:$0x3F7D] =	sst lr;
	_ =	strace $0xD0000000  }
0x3: {  	_ = 	snop  }
0x4: {  	_ = 	snop  }
0x5: {  	_ = 	snop  }
0x6: {  	_ = 	snop  }
0x7: {  	_ = 	snop  }
__scs_overlays_trampoline_lowered:
0x8: {  	[smem:$0x3F8C] =	sst s0  }
0x9: {  	[smem:$0x3F8D] =	sst s1  }
0xa: {  	[smem:$0x3F8E] =	sst s2  }
0xb: {  	[smem:$0x3F8F] =	sst s3  }
0xc: {  	[smem:$0x3F90] =	sst s4  }
0xd: {  	[smem:$0x3F91] =	sst s5  }
0xe: {  	[smem:$0x3F92] =	sst s6  }
0xf: {  	[smem:$0x3F93] =	sst s7  }
0x10: {  	[smem:$0x3F94] =	sst s8  }
0x11: {  	[smem:$0x3F95] =	sst s9;
	s0 =	simm.s32 @!p0 $0x0  }
0x12: {  	s1 =	sld [smem:$0x3F7B];
	s0 =	simm.s32 @p0 $0x1  }
0x13: {  	[smem:$0x3F96] =	sst s0;
	s0 =	simm.s32 @!p1 $0x0  }
0x14: {  	s2 =	sld [smem:$0x3F7A];
	s0 =	simm.s32 @p1 $0x1  }
0x15: {  	[smem:$0x3F97] =	sst s0;
	s0 =	simm.s32 @!p2 $0x0  }
0x16: {  	s3 =	sld [smem:$0x3FDB];
	s0 =	simm.s32 @p2 $0x1  }
0x17: {  	s4 =	simm.s32 $0x1BF5;
	[smem:$0x3F99] =	sst s0  }
0x18: {  	s0 =	sld [smem:$0x3F7C];
	_ =	swait.ge [sflag:s4], $0x0  }
0x19: {  	s7 =	sld [smem:$0x3F7D]  }
0x1a: {  	s8 =	sadd.s32 $0xFFFFE003, lr  }
0x1b: {  	s9 =	sadd.s32 $0xFFFFFEF7, lr;
	s5 =	simm.s32 $0xFFFFFFFF;
	p2 =	slt.u32 s8, $0xFFFFF086  }
0x1c: {  	p1 =	slt.u32 s9, $0xF7A;
	s5 =	simm.s32 @!p2 $0x0  }
0x1d: {  	s5 =	simm.s32 @p1 $0x1;
	p0 =	seq.s32 s7, s2  }
0x1e: {  	s7 =	smul.u32 @!p0 $0xF7A, s2;
	p2 =	seq.s32 @!p0 s5, $0x0  }
0x1f: {  	s9 =	smul.u32 $0xF7A, s1;
	s8 =	simm.s32 @!p0 $0x1BF5;
	p2 =	por !p2, p0  }
0x20: {  	[sflag:s8] =	ssyncset.s32 @!p0 $0xFFFFF086;
	s6 =	sadd.s32 @!p0 s3, s7;
	s7 =	simm.s32 @!p0 $0x108  }
0x21: {  	s3 =	sadd.s32 s3, s9;
	s6 =	sadd.s32 @!p0 $0x88, s6;
	s7 =	simm.s32 @p2 $0x1082  }
0x22: {  	[simem:s7], [sflag:s8] =	dma.local @!p0 [hbm:s6], $0xF7A  }
0x23: {  	s9 =	sor.u32 $0xD0000000, s2;
	s6 =	simm.s32 $0x108;
	_ =	swait.ge @!p0 [sflag:s8], $0x0  }
0x24: {  	s3 =	sadd.s32 $0x88, s3;
	s6 =	simm.s32 @!p1 $0x1082;
	[sflag:s4] =	ssyncset.s32 $0xFFFFF086  }
0x25: {  	[simem:s6], [sflag:s4] =	dma.local [hbm:s3], $0xF7A  }
0x26: {  	[smem:$0x3F7D] =	sst s1;
	(tag) =	ssettag s2;
	_ =	strace s9  }
0x27: {  	s1 =	sld [smem:$0x3F8D]  }
0x28: {  	s2 =	sld [smem:$0x3F8E]  }
0x29: {  	s4 =	sld [smem:$0x3F90]  }
0x2a: {  	p0 =	seq.s32 s5, $0x0;
	s5 =	sld [smem:$0x3F91]  }
0x2b: {  	s6 =	sld [smem:$0x3F92]  }
0x2c: {  	s7 =	sld [smem:$0x3F93]  }
0x2d: {  	s3 =	simm.s32 $0x108;
	s8 =	sld [smem:$0x3F94]  }
0x2e: {  	s3 =	simm.s32 @!p0 $0x1082;
	s9 =	sld [smem:$0x3F95]  }
0x2f: {  	lr =	sadd.s32 s0, s3;
	s0 =	sld [smem:$0x3F8C]  }
0x30: {  	s3 =	sld [smem:$0x3F8F]  }
0x31: {  	[smem:$0x3F98] =	sst s10  }
0x32: {  	s10 =	sld [smem:$0x3F96];
	_ =	sdelay $0x3  }
0x33: {  	p0 =	seq.s32 s10, $0x1;
	s10 =	sld [smem:$0x3F98];
	_ =	sdelay $0x3  }
0x34: {  	[smem:$0x3F98] =	sst s10  }
0x35: {  	s10 =	sld [smem:$0x3F97];
	_ =	sdelay $0x3  }
0x36: {  	p1 =	seq.s32 s10, $0x1;
	s10 =	sld [smem:$0x3F98];
	_ =	sdelay $0x3  }
0x37: {  	[smem:$0x3F98] =	sst s10  }
0x38: {  	s10 =	sld [smem:$0x3F99]  }
0x39: {  	_ = 	snop;
	(pc) =	sbr.ind lr, $3  }
0x3a: {  	_ = 	snop  }
0x3b: {  	_ = 	snop  }
0x3c: {  	p2 =	seq.s32 s10, $0x1;
	s10 =	sld [smem:$0x3F98]  }
0x3d: {  	_ =	shalt  }
0x3e: {  	_ =	shalt  }
0x3f: {  	_ =	shalt  }
0x40: {  	_ =	shalt  }
0x41: {  	_ =	shalt  }
0x42: {  	_ =	shalt  }
0x43: {  	_ =	shalt  }
0x44: {  	_ =	shalt  }
0x45: {  	_ =	shalt  }
0x46: {  	_ =	shalt  }
0x47: {  	_ =	shalt  }
0x48: {  	_ =	shalt  }
0x49: {  	_ =	shalt  }
0x4a: {  	_ =	shalt  }
0x4b: {  	_ =	shalt  }
0x4c: {  	_ =	shalt  }
0x4d: {  	_ =	shalt  }
0x4e: {  	_ =	shalt  }
0x4f: {  	_ =	shalt  }
0x50: {  	_ =	shalt  }
0x51: {  	_ =	shalt  }
0x52: {  	_ =	shalt  }
0x53: {  	_ =	shalt  }
0x54: {  	_ =	shalt  }
0x55: {  	_ =	shalt  }
0x56: {  	_ =	shalt  }
0x57: {  	_ =	shalt  }
0x58: {  	_ =	shalt  }
0x59: {  	_ =	shalt  }
0x5a: {  	_ =	shalt  }
0x5b: {  	_ =	shalt  }
0x5c: {  	_ =	shalt  }
0x5d: {  	_ =	shalt  }
0x5e: {  	_ =	shalt  }
0x5f: {  	_ =	shalt  }
0x60: {  	_ =	shalt  }
0x61: {  	_ =	shalt  }
0x62: {  	_ =	shalt  }
0x63: {  	_ =	shalt  }
0x64: {  	_ =	shalt  }
0x65: {  	_ =	shalt  }
0x66: {  	_ =	shalt  }
0x67: {  	_ =	shalt  }
0x68: {  	_ =	shalt  }
0x69: {  	_ =	shalt  }
0x6a: {  	_ =	shalt  }
0x6b: {  	_ =	shalt  }
0x6c: {  	_ =	shalt  }
0x6d: {  	_ =	shalt  }
0x6e: {  	_ =	shalt  }
0x6f: {  	_ =	shalt  }
0x70: {  	_ =	shalt  }
0x71: {  	_ =	shalt  }
0x72: {  	_ =	shalt  }
0x73: {  	_ =	shalt  }
0x74: {  	_ =	shalt  }
0x75: {  	_ =	shalt  }
0x76: {  	_ =	shalt  }
0x77: {  	_ =	shalt  }
0x78: {  	_ =	shalt  }
0x79: {  	_ =	shalt  }
0x7a: {  	_ =	shalt  }
0x7b: {  	_ =	shalt  }
0x7c: {  	_ =	shalt  }
0x7d: {  	_ =	shalt  }
0x7e: {  	_ =	shalt  }
0x7f: {  	_ =	shalt  }
0x80: {  	_ =	shalt  }
0x81: {  	_ =	shalt  }
0x82: {  	_ =	shalt  }
0x83: {  	_ =	shalt  }
0x84: {  	_ =	shalt  }
0x85: {  	_ =	shalt  }
0x86: {  	_ =	shalt  }
0x87: {  	_ =	shalt  }
.Lfunc_end0:
.L_simem_size_0:
called_computation.2_lowered:
.L_overlay_start_0:
0x88: {  	s2 =	sld [smem:$0x3FD9]  }
0x89: {  	s3 =	sld [smem:$0x3FFE];
	_ =	sdelay $0x1  }
0x8a: {  	s1 =	srdreg.scid  }
0x8b: {  	s0 =	sand.u32 $0x1, s1  }
0x8c: {  	s16 =	sshll.u32 s0, $0xA;
	s2 =	sadd.s32 s3, s2  }
0x8d: {  	s2 =	sadd.s32 s2, s16  }
0x8e: {  	[smem:$0x3FA4] =	sst s2  }
0x8f: {  	_ = 	snop  }
0x90: {  	(tm) =	ssettm $0x1  }
0x91: {  	s17 =	sld [smem:$0x3FFB];
	_ =	sdelay $0x3  }
0x92: {  	_ =	strace s17  }
0x93: {  	s2 =	sld [smem:$0x3FFC];
	_ =	sdelay $0x3  }
0x94: {  	_ =	strace s2  }
0x95: {  	s2 =	sld [smem:$0x3FFD];
	_ =	sdelay $0x3  }
0x96: {  	_ =	strace s2  }
0x97: {  	_ =	strace $0x8FFFFFFF  }
0x98: {  	s18 =	sld [smem:$0x3FDB];
	_ =	sdelay $0x1  }
0x99: {  	s19 =	simm.s32 $_scs_section_size  }
0x9a: {  	s4 =	simm.s32 $_size__tile_overlayer_lowered;
	s5 =	simm.s32 $_tile_overlayer_lowered  }
0x9b: {  	s22 =	simm.s32 $0x1BFF;
	s21 =	sshll.u32 s5, $0x1;
	s2 =	sadd.s32 s19, s18  }
0x9c: {  	s6 =	simm.s32 $0x0;
	s20 =	sshll.u32 s4, $0x1;
	s4 =	sadd.s32 s21, s2  }
0x9d: {  	[timem:s6], [sflag:s22] =	dma.local [hbm:s4], s20  }
0x9e: {  	_ =	swait.ge [sflag:s22], s20  }
0x9f: {  	s3 =	ssub.s32 $0x0, s20;
	[sflag:s22] =	ssyncset.done $0x0  }
0xa0: {  	[sflag:s22] =	ssyncadd.s32 s3;
	_ =	sdelay $0x1  }
0xa1: {  	s23 =	simm.s32 $0x1B8B  }
0xa2: {  	_ =	swait.ge [sflag:s23], $0x1  }
0xa3: {  	[sflag:s23] =	ssyncset.done $0x0  }
0xa4: {  	s25 =	simm.s32 $0x1B8E;
	s24 =	sld [smem:$0x3FFE];
	[sflag:s23] =	ssyncadd.s32 $0xFFFFFFFF  }
0xa5: {  	s26 =	simm.s32 $execute0_lowered;
	[smem:$0x3FD2] =	sst s25  }
0xa6: {  	s4 =	sshll.u32 s26, $0x1;
	_ =	strace $0x8000004C;
	[dreg:$0x1] =	wrdreg $0xFFFFFFFF  }
0xa7: {  	s28 =	simm.s32 $_size_execute0_lowered;
	s2 =	sadd.s32 s2, s4;
	[dreg:$0x0] =	wrdreg $0x0  }
0xa8: {  	s4 =	sshll.u32 s28, $0x1;
	[dreg:$0x2] =	wrdreg s2  }
0xa9: {  	[dreg:$0x3] =	wrdreg s4  }
0xaa: {  	[dreg:$0x4] =	wrdreg $0xC0  }
0xab: {  	_ =	task [dreg:s6], $0x5FFFF  }
0xac: {  	[dreg:$0x1] =	wrdreg $0xFFFFFFFF  }
0xad: {  	[dreg:$0x0] =	wrdreg $0x60  }
0xae: {  	[dreg:$0x2] =	wrdreg s24  }
0xaf: {  	[dreg:$0x3] =	wrdreg $0x7A000  }
0xb0: {  	[dreg:$0x4] =	wrdreg $0x9  }
0xb1: {  	_ =	task.clear_ibuf [dreg:s6], $0x5FFFF;
	_ =	strace $0x9000004C  }
0xb2: {  	s29 =	simm.s32 $0x9;
	_ =	strace $0x8000004E  }
0xb3: {  	_ =	swait.ge [sflag:s29], $0x1  }
0xb4: {  	[sflag:s29] =	ssyncadd.s32 $0xFFFFFFFF  }
0xb5: {  	_ =	strace $0x9000004E  }
0xb6: {  	_ =	sfence  }
0xb7: {  	s30 =	sld [smem:$0x0];
	_ =	sdelay $0x2  }
0xb8: {  	s31 =	sshll.u32 s1, $0xD;
	s1 =	sshrl.u32 s1, $0x2  }
0xb9: {  	s3 =	sand.u32 $0x4000, s31;
	s1 =	sadd.s32 s1, s30  }
0xba: {  	s0 =	sor.u32 s3, s0;
	s1 =	sshll.u32 s1, $0x11  }
0xbb: {  	s0 =	sor.u32 s1, s0  }
0xbc: {  	s0 =	sadd.s32 $0x8F2B, s0  }
0xbd: {  	[sflag:s0] =	ssyncadd.remote.s32 $0x1  }
0xbe: {  	_ =	sfence.sel $0xFFFF  }
0xbf: {  	[dreg:$0x0] =	wrdreg $0xFFFFFFFF;
	(pc) =	sbr.abs _section_cstart, $3  }
0xc0: {  	[dreg:$0x1] =	wrdreg $0xFFFFFFFF  }
0xc1: {  	_ =	task.clear_ibuf [dreg:s6], $0x2FFFF;
	_ =	strace $0x9FFFFFFF  }
0xc2: {  	(tm) =	ssettm $0x7FFFFFFF  }
0xc3: {  	_ =	shalt  }
tec
execute0_lowered:
.L_overlay_start_1:
0x0: {  	(tag) =	ssettag $0x1  }
0x1: {  	s0 =	rddreg [dreg:$0x0]  }
0x2: {  	s2 =	rddreg [dreg:$0x1];
	s3 =	simm.s32 $0x0  }
0x3: {  	s1 =	srdreg.scid;
	s16 =	stileid.u32;
	s19 =	simm.s32 $0x5200  }
0x4: {  	s20 =	simm.s32 $0x4;
	s21 =	simm.s32 $0x50;
	s7 =	smul.u32 $0x2800, s16  }
0x5: {  	s30 =	simm.s32 $0x80;
	s31 =	simm.s32 $0x0;
	s9 =	smul.u32 $0x50000, s16  }
0x6: {  	s1 =	sand.u32 $0x1, s1;
	s4 =	sadd.s32 $0x4ED800, s0;
	s15 =	smul.u32 $0x271000, s16  }
0x7: {  	[smem:$0x7FF] =	sst s3;
	s5 =	sadd.s32 $0x50CC00, s0;
	s8 =	smul.u32 $0x28000, s1  }
0x8: {  	s6 =	sadd.s32 $0x5FB200, s0;
	s22 =	ssub.s32 $0x2, s1;
	s28 =	smul.u32 $0x2710, s1  }
0x9: {  	_ =	strace $0x8000004D;
	s1 =	smul.u32 $0x2710000, s1;
	s24 =	sshrl.u32 s22, $0x1  }
0xa: {  	s23 =	sshrl.u32 s9, $0x2;
	s7 =	sadd.s32 s7, s8;
	s8 =	ssub.s32 s22, s24  }
0xb: {  	s29 =	sadd.s32 $0x4E20, s28;
	s1 =	sadd.s32 s15, s1;
	s15 =	smul.u32 $0xFA, s16  }
0xc: {  	s22 =	simm.s32 $0x100;
	s24 =	simm.s32 $0x180;
	v0 =	vmov s28;
	s28 =	simm.s32 $0x2  }
0xd: {  	s0 =	sadd.s32 s7, s0;
	s7 =	sadd.s32 s23, s2;
	s16 =	sadd.s32 $0x9C40000, s1  }
0xe: {  	s18 =	smax.u32 s8, $0x1;
	s23 =	simm.s32 $0x200;
	v1 =	vmov s29;
	s29 =	simm.s32 $0x3  }
0xf: {  	s25 =	sadd.s32 $0x2800, s7;
	s26 =	sadd.s32 $0x5000, s7;
	s10 =	sadd.s32 $0x7800, s7  }
0x10: {  	s11 =	sadd.s32 $0xA000, s7;
	s12 =	sadd.s32 $0xC800, s7;
	s13 =	sadd.s32 $0xF000, s7  }
0x11: {  	s14 =	sadd.s32 $0x11800, s7;
	s17 =	sadd.s32 $0x7800, s0;
	[dreg:$0x3] =	wrdreg s25  }
0x12: {  	v2 =	vimm.f32 $0.0e+00;
	[dreg:$0x4] =	wrdreg s26;
	s25 =	simm.s32 $0x2A00;
	s26 =	simm.s32 $0x1  }
.LBB2_1:
0x13: {  	s0 =	simm.s32 $0x0;
	s1 =	simm.s32 $0x200  }
.LBB2_2:
0x14: {  	p0 =	sne.s32 s1, $0x9E00;
	[tilespmem:s0+$0x5270] =	vst v2  }
0x15: {  	[tilespmem:s0+$0x5200] =	vst v2  }
0x16: {  	[tilespmem:s0+$0x5210] =	vst v2  }
.Ltmp0:
0x17: {  	[tilespmem:s0+$0x5220] =	vst v2;
	(pc) =	sbr.rel @p0 .LBB2_2-.Ltmp0, $4  }
0x18: {  	[tilespmem:s0+$0x5230] =	vst v2  }
0x19: {  	[tilespmem:s0+$0x5240] =	vst v2  }
0x1a: {  	[tilespmem:s0+$0x5250] =	vst v2  }
0x1b: {  	[tilespmem:s0+$0x5260] =	vst v2;
	s0 =	sshra.s32 s1, $0x2;
	s1 =	sadd.s32 $0x200, s1  }
0x1c: {  	[tilespmem:s0+$0x5270] =	vst v2  }
0x1d: {  	[tilespmem:s0+$0x5200] =	vst v2  }
0x1e: {  	[tilespmem:s0+$0x5210] =	vst v2  }
0x1f: {  	[tilespmem:s0+$0x5220] =	vst v2  }
0x20: {  	[tilespmem:s0+$0x5230] =	vst v2  }
0x21: {  	[tilespmem:s0+$0x5240] =	vst v2  }
0x22: {  	[tilespmem:s0+$0x5250] =	vst v2  }
0x23: {  	[tilespmem:s0+$0x5260] =	vst v2  }
0x24: {  	[spmem:s7] =	stream.linear.scatter [tilespmem:s19], [sflag:$0x4], $0x2800, $0x38;
	[tilespmem:$0x1BA00] =	vst v63  }
0x25: {  	_ =	swait.ge [sflag:s20], $0x2800  }
0x26: {  	[sflag:s20] =	ssyncset.done $0x0  }
0x27: {  	s8 =	rddreg [dreg:$0x3];
	[sflag:s20] =	ssyncadd.s32 $0xFFFFD800  }
0x28: {  	[spmem:s8] =	stream.linear.scatter [tilespmem:s19], [sflag:$0x4], $0x2800, $0x38;
	[tilespmem:$0x1BA00] =	vst v63  }
0x29: {  	_ =	swait.ge [sflag:s20], $0x2800  }
0x2a: {  	[sflag:s20] =	ssyncset.done $0x0  }
0x2b: {  	s9 =	rddreg [dreg:$0x4];
	[sflag:s20] =	ssyncadd.s32 $0xFFFFD800  }
0x2c: {  	[spmem:s9] =	stream.linear.scatter [tilespmem:s19], [sflag:$0x4], $0x2800, $0x38;
	[tilespmem:$0x1BA00] =	vst v63  }
0x2d: {  	_ =	swait.ge [sflag:s20], $0x2800  }
0x2e: {  	[sflag:s20] =	ssyncset.done $0x0  }
0x2f: {  	[sflag:s20] =	ssyncadd.s32 $0xFFFFD800  }
0x30: {  	[spmem:s10] =	stream.linear.scatter [tilespmem:s19], [sflag:$0x4], $0x2800, $0x38;
	[tilespmem:$0x1BA00] =	vst v63  }
0x31: {  	_ =	swait.ge [sflag:s20], $0x2800  }
0x32: {  	[sflag:s20] =	ssyncset.done $0x0  }
0x33: {  	[sflag:s20] =	ssyncadd.s32 $0xFFFFD800  }
0x34: {  	[spmem:s11] =	stream.linear.scatter [tilespmem:s19], [sflag:$0x4], $0x2800, $0x38;
	[tilespmem:$0x1BA00] =	vst v63  }
0x35: {  	_ =	swait.ge [sflag:s20], $0x2800  }
0x36: {  	[sflag:s20] =	ssyncset.done $0x0  }
0x37: {  	[sflag:s20] =	ssyncadd.s32 $0xFFFFD800  }
0x38: {  	[spmem:s12] =	stream.linear.scatter [tilespmem:s19], [sflag:$0x4], $0x2800, $0x38;
	[tilespmem:$0x1BA00] =	vst v63  }
0x39: {  	_ =	swait.ge [sflag:s20], $0x2800  }
0x3a: {  	[sflag:s20] =	ssyncset.done $0x0  }
0x3b: {  	[sflag:s20] =	ssyncadd.s32 $0xFFFFD800  }
0x3c: {  	[spmem:s13] =	stream.linear.scatter [tilespmem:s19], [sflag:$0x4], $0x2800, $0x38;
	[tilespmem:$0x1BA00] =	vst v63  }
0x3d: {  	_ =	swait.ge [sflag:s20], $0x2800  }
0x3e: {  	[sflag:s20] =	ssyncset.done $0x0  }
0x3f: {  	[sflag:s20] =	ssyncadd.s32 $0xFFFFD800  }
0x40: {  	[spmem:s14] =	stream.linear.scatter [tilespmem:s19], [sflag:$0x4], $0x2800, $0x38;
	[tilespmem:$0x1BA00] =	vst v63  }
0x41: {  	_ =	swait.ge [sflag:s20], $0x2800  }
0x42: {  	[sflag:s20] =	ssyncset.done $0x0  }
0x43: {  	[sflag:s20] =	ssyncadd.s32 $0xFFFFD800  }
0x44: {  	s0 =	simm.s32 $0x0;
	[bflag:$0x0] =	sbarrier.arrive $0xFFFF  }
.LBB2_4:
0x45: {  	s1 =	sadd.s32 s15, s0  }
0x46: {  	s1 =	sshll.u32 s1, $0x5  }
0x47: {  	s1 =	sadd.s32 s4, s1  }
0x48: {  	[tilespmem:s31], [sflag:$0x4] =	stream.linear.gather [hbm4b:s1+s31], $0x100, $0x38;
	[tilespmem:$0x1BA00] =	vst v63  }
0x49: {  	_ =	swait.ge [sflag:s20], $0x100  }
0x4a: {  	[sflag:s20] =	ssyncset.done $0x0  }
0x4b: {  	[sflag:s20] =	ssyncadd.s32 $0xFFFFFF00  }
0x4c: {  	v3 =	vld [tilespmem:$0x0]  }
0x4d: {  	v4 =	vld [tilespmem:$0x80]  }
0x4e: {  	v5 =	vld [tilespmem:$0x10]  }
0x4f: {  	v6 =	vld [tilespmem:$0x90]  }
0x50: {  	v7 =	vld [tilespmem:$0x20]  }
0x51: {  	v8 =	vld [tilespmem:$0xA0];
	v3 =	vadd.s32 v0, v3  }
0x52: {  	[tilespmem:$0x100] =	vst v3;
	v3 =	vadd.s32 v1, v4;
	v4 =	vld [tilespmem:$0x30]  }
0x53: {  	[tilespmem:$0x180] =	vst v3;
	v3 =	vadd.s32 v0, v5;
	v5 =	vld [tilespmem:$0xB0]  }
0x54: {  	[tilespmem:$0x110] =	vst v3;
	v3 =	vadd.s32 v1, v6;
	v6 =	vld [tilespmem:$0x40]  }
0x55: {  	[tilespmem:$0x190] =	vst v3;
	v3 =	vadd.s32 v0, v7;
	v7 =	vld [tilespmem:$0xC0]  }
0x56: {  	[tilespmem:$0x120] =	vst v3;
	v3 =	vadd.s32 v1, v8  }
0x57: {  	[tilespmem:$0x1A0] =	vst v3;
	v3 =	vadd.s32 v0, v4  }
0x58: {  	[tilespmem:$0x130] =	vst v3;
	v3 =	vadd.s32 v1, v5  }
0x59: {  	s9 =	smul.u32 $0x2800, s0;
	[tilespmem:$0x1B0] =	vst v3;
	v3 =	vadd.s32 v0, v6  }
0x5a: {  	[tilespmem:$0x140] =	vst v3;
	v3 =	vadd.s32 v1, v7  }
0x5b: {  	s1 =	sadd.s32 s16, s9;
	[tilespmem:$0x1C0] =	vst v3  }
0x5c: {  	[tilespmem:s23], [sflag:$0x1] =	stream.indirect.gather [hbm4b:s5+s21], $0x80, s22, s21, $0xb8;
	[tilespmem:$0x1BA00] =	vst v63  }
0x5d: {  	s1 =	sshrl.u32 s1, $0x3  }
0x5e: {  	[tilespmem:s25], [sflag:$0x2] =	stream.indirect.gather [hbm4b:s5+s21], $0x80, s24, s21, $0xb8;
	[tilespmem:$0x1BA00] =	vst v63  }
0x5f: {  	s1 =	sadd.s32 s6, s1  }
0x60: {  	[tilespmem:s19], [sflag:$0x3] =	stream.linear.gather [hbm4b:s1+s31], $0x2800, $0x38;
	[tilespmem:$0x1BA00] =	vst v63  }
0x61: {  	_ =	swait.ge [sflag:s26], $0x2800  }
0x62: {  	[sflag:s26] =	ssyncset.done $0x0  }
0x63: {  	[sflag:s26] =	ssyncadd.s32 $0xFFFFD800  }
0x64: {  	_ =	swait.ge [sflag:s28], $0x2800  }
0x65: {  	[sflag:s28] =	ssyncset.done $0x0  }
0x66: {  	[sflag:s28] =	ssyncadd.s32 $0xFFFFD800  }
0x67: {  	_ =	swait.ge [sflag:s29], $0x2800  }
0x68: {  	[sflag:s29] =	ssyncset.done $0x0  }
0x69: {  	s1 =	simm.s32 $0x0;
	[sflag:s29] =	ssyncadd.s32 $0xFFFFD800  }
0x6a: {  	v15 =	vld [tilespmem:s1+$0x200]  }
0x6b: {  	v20 =	vld [tilespmem:s1+$0x2A00]  }
0x6c: {  	v22 =	vld [tilespmem:s1+$0x210]  }
0x6d: {  	v23 =	vld [tilespmem:s1+$0x2A10]  }
0x6e: {  	v8 =	vld [tilespmem:s1+$0x220]  }
0x6f: {  	v12 =	vld [tilespmem:s1+$0x2A20]  }
0x70: {  	v10 =	vld [tilespmem:s1+$0x230]  }
0x71: {  	v14 =	vld [tilespmem:s1+$0x2A30]  }
0x72: {  	v11 =	vld [tilespmem:s1+$0x240]  }
0x73: {  	v13 =	vld [tilespmem:s1+$0x2A40]  }
0x74: {  	v7 =	vld [tilespmem:s1+$0x250]  }
0x75: {  	v9 =	vld [tilespmem:s1+$0x2A50]  }
0x76: {  	v5 =	vld [tilespmem:s1+$0x260]  }
0x77: {  	v6 =	vld [tilespmem:s1+$0x2A60]  }
0x78: {  	v3 =	vld [tilespmem:s1+$0x270]  }
0x79: {  	v4 =	vld [tilespmem:s1+$0x2A70]  }
0x7a: {  	v19 =	vld [tilespmem:s1+$0x5200]  }
0x7b: {  	v18 =	vld [tilespmem:s1+$0x5210]  }
0x7c: {  	v17 =	vld [tilespmem:s1+$0x5220]  }
0x7d: {  	v16 =	vld [tilespmem:s1+$0x5230];
	v21 =	vadd.f32 v20, v15  }
0x7e: {  	s8 =	simm.s32 $0x200;
	v20 =	vadd.f32 v23, v22;
	v15 =	vld [tilespmem:s1+$0x5240]  }
.LBB2_5:
0x7f: {  	p0 =	sne.s32 s8, $0x9E00;
	v19 =	vadd.f32 v19, v21;
	v8 =	vadd.f32 v12, v8;
	v12 =	vld [tilespmem:s1+$0x5250]  }
0x80: {  	v10 =	vadd.f32 v14, v10;
	v18 =	vadd.f32 v18, v20;
	v14 =	vld [tilespmem:s1+$0x5260]  }
0x81: {  	s9 =	sshra.s32 s8, $0x2;
	v11 =	vadd.f32 v13, v11;
	v19 =	vmax.f32 v19, $0.0e+00;
	v8 =	vadd.f32 v17, v8;
	v13 =	vld [tilespmem:s1+$0x5270]  }
0x82: {  	v7 =	vadd.f32 v9, v7;
	v20 =	vld [tilespmem:s9+$0x200];
	[tilespmem:s1+$0x5200] =	vst v19;
	v17 =	vmax.f32 v18, $0.0e+00;
	v10 =	vadd.f32 v16, v10  }
0x83: {  	v5 =	vadd.f32 v6, v5;
	v16 =	vld [tilespmem:s9+$0x2A00];
	[tilespmem:s1+$0x5210] =	vst v17;
	v8 =	vmax.f32 v8, $0.0e+00;
	v9 =	vadd.f32 v15, v11  }
0x84: {  	v3 =	vadd.f32 v4, v3;
	v15 =	vld [tilespmem:s9+$0x210];
	[tilespmem:s1+$0x5220] =	vst v8;
	v6 =	vmax.f32 v10, $0.0e+00;
	v7 =	vadd.f32 v12, v7  }
0x85: {  	v22 =	vld [tilespmem:s9+$0x2A10];
	[tilespmem:s1+$0x5230] =	vst v6;
	v4 =	vmax.f32 v9, $0.0e+00;
	v5 =	vadd.f32 v14, v5  }
0x86: {  	v8 =	vld [tilespmem:s9+$0x220];
	[tilespmem:s1+$0x5240] =	vst v4;
	v4 =	vmax.f32 v7, $0.0e+00;
	v3 =	vadd.f32 v13, v3  }
0x87: {  	v12 =	vld [tilespmem:s9+$0x2A20];
	[tilespmem:s1+$0x5250] =	vst v4;
	v4 =	vmax.f32 v5, $0.0e+00  }
0x88: {  	v10 =	vld [tilespmem:s9+$0x230];
	[tilespmem:s1+$0x5260] =	vst v4;
	v3 =	vmax.f32 v3, $0.0e+00  }
0x89: {  	v14 =	vld [tilespmem:s9+$0x2A30];
	[tilespmem:s1+$0x5270] =	vst v3;
	s1 =	smov.u32 s9  }
0x8a: {  	v11 =	vld [tilespmem:s1+$0x240]  }
0x8b: {  	v13 =	vld [tilespmem:s1+$0x2A40]  }
0x8c: {  	v7 =	vld [tilespmem:s1+$0x250]  }
0x8d: {  	v9 =	vld [tilespmem:s1+$0x2A50]  }
0x8e: {  	v5 =	vld [tilespmem:s1+$0x260]  }
0x8f: {  	v6 =	vld [tilespmem:s1+$0x2A60]  }
0x90: {  	v3 =	vld [tilespmem:s1+$0x270]  }
0x91: {  	v4 =	vld [tilespmem:s1+$0x2A70]  }
.Ltmp1:
0x92: {  	v19 =	vld [tilespmem:s1+$0x5200];
	(pc) =	sbr.rel @p0 .LBB2_5-.Ltmp1, $4  }
0x93: {  	v18 =	vld [tilespmem:s1+$0x5210]  }
0x94: {  	v17 =	vld [tilespmem:s1+$0x5220]  }
0x95: {  	v21 =	vadd.f32 v16, v20;
	v16 =	vld [tilespmem:s1+$0x5230]  }
0x96: {  	s8 =	sadd.s32 $0x200, s8;
	v20 =	vadd.f32 v22, v15;
	v15 =	vld [tilespmem:s1+$0x5240]  }
0x97: {  	v19 =	vadd.f32 v19, v21;
	v8 =	vadd.f32 v12, v8;
	v55 =	vld [tilespmem:s1+$0x5250]  }
0x98: {  	v10 =	vadd.f32 v14, v10;
	v56 =	vld [tilespmem:s1+$0x5260];
	v18 =	vadd.f32 v18, v20  }
0x99: {  	v11 =	vadd.f32 v13, v11;
	v57 =	vld [tilespmem:s1+$0x5270];
	v19 =	vmax.f32 v19, $0.0e+00;
	v8 =	vadd.f32 v17, v8  }
0x9a: {  	v7 =	vadd.f32 v9, v7;
	[tilespmem:s1+$0x5200] =	vst v19;
	v58 =	vmax.f32 v18, $0.0e+00;
	v10 =	vadd.f32 v16, v10  }
0x9b: {  	v5 =	vadd.f32 v6, v5;
	[tilespmem:s1+$0x5210] =	vst v58;
	v8 =	vmax.f32 v8, $0.0e+00;
	v59 =	vadd.f32 v15, v11  }
0x9c: {  	v3 =	vadd.f32 v4, v3;
	[tilespmem:s1+$0x5220] =	vst v8;
	v60 =	vmax.f32 v10, $0.0e+00;
	v7 =	vadd.f32 v55, v7  }
0x9d: {  	v5 =	vadd.f32 v56, v5;
	[tilespmem:s1+$0x5230] =	vst v60;
	v61 =	vmax.f32 v59, $0.0e+00  }
0x9e: {  	v3 =	vadd.f32 v57, v3;
	[tilespmem:s1+$0x5240] =	vst v61;
	v62 =	vmax.f32 v7, $0.0e+00  }
0x9f: {  	s0 =	sadd.s32 $0x1, s0;
	v63 =	vmax.f32 v5, $0.0e+00;
	[tilespmem:s1+$0x5250] =	vst v62  }
0xa0: {  	p0 =	sne.s32 s0, $0xFA;
	v3 =	vmax.f32 v3, $0.0e+00;
	[tilespmem:s1+$0x5260] =	vst v63  }
.Ltmp2:
0xa1: {  	[tilespmem:s1+$0x5270] =	vst v3;
	(pc) =	sbr.rel @p0 .LBB2_4-.Ltmp2, $4  }
0xa2: {  	[spmem:s2] =	stream.indirect.scatter.add.f32 [tilespmem:s19], [sflag:$0x4], $0x80, s30, s21, $0xb8;
	[tilespmem:$0x1BA00] =	vst v63  }
0xa3: {  	_ =	swait.ge [sflag:s20], $0x2800  }
0xa4: {  	[sflag:s20] =	ssyncset.done $0x0  }
0xa5: {  	[sflag:s20] =	ssyncadd.s32 $0xFFFFD800  }
0xa6: {  	s0 =	stileid.u32;
	s3 =	sadd.s32 $0x1, s3  }
0xa7: {  	[bflag:$0x0] =	sbarrier.arrive $0xFFFF;
	s0 =	sshll.u32 s0, $0x6;
	p0 =	sne.s32 s3, s18  }
.Ltmp3:
0xa8: {  	s1 =	sshrl.u32 s7, $0x3;
	s0 =	sor.u32 $0x1C04, s0;
	(pc) =	sbr.rel @p0 .LBB2_1-.Ltmp3, $4  }
0xa9: {  	[hbm:s17], [sflag:s0] =	dma.local [spmem:s1], $0x2800  }
0xaa: {  	_ =	swait.ge [sflag:s20], $0x2800  }
0xab: {  	[sflag:s20] =	ssyncset.done $0x0  }
0xac: {  	[sflag:s20] =	ssyncadd.s32 $0xFFFFD800  }
0xad: {  	_ =	sfence.sel $0x180000  }
0xae: {  	[bflag:$0x0] =	sbarrier.arrive $0xFFFF  }
0xaf: {  	_ =	strace $0x9000004D  }
0xb0: {  	s0 =	stileid.u32;
	[bflag:$0x2] =	sbarrier.arrive $0xFFFF  }
0xb1: {  	p0 =	sne.s32 s0, $0x0;
	s0 =	rddreg [dreg:$0x2]  }
0xb2: {  	s0 =	sadd.s32 @!p0 $0x100000, s0  }
0xb3: {  	[sflag:s0] =	ssyncadd.tile.s32 @!p0 $0x1;
	_ =	shalt  }
.Lfunc_end2:
_tile_overlayer_lowered:
.L_overlay_start_2:
0xb4: {  	(tag) =	ssettag $0x2  }
0xb5: {  	s0 =	rddreg [dreg:$0x0];
	s2 =	stileid.u32  }
0xb6: {  	s1 =	rddreg [dreg:$0x1];
	p0 =	sne.s32 s2, $0x0  }
0xb7: {  	s3 =	rddreg [dreg:$0x2];
	[bflag:$0x3] =	sbarrier.arrive $0xFFFF;
	s2 =	simm.s32 @!p0 $0x1C04  }
0xb8: {  	[timem:s3], [sflag:s2] =	dma.local @!p0 [hbm:s0], s1  }
0xb9: {  	s0 =	simm.s32 @!p0 $0x4  }
0xba: {  	_ =	swait.ge @!p0 [sflag:s0], s1  }
0xbb: {  	s1 =	ssub.s32 @!p0 $0x0, s1;
	[sflag:s0] =	ssyncset.done @!p0 $0x0  }
0xbc: {  	[sflag:s0] =	ssyncadd.s32 @!p0 s1  }
0xbd: {  	[bflag:$0x3] =	sbarrier.arrive $0xFFFF  }
0xbe: {  	_ =	shalt  }

</sc_bundles>
